<compile_context>
chip_gen: v7x
topology: tpu7x:2x2x1
jax: 0.10.2.dev20260603
libtpu: 0.0.44.dev20260713+nightly
codegen_flags: <defaults>
</compile_context>

<pallas_src>
import functools

import jax
import jax.numpy as jnp
from jax import lax
from jax.experimental import pallas as pl
from jax.experimental.pallas import tpu as pltpu
from jax.experimental.pallas import tpu_sc as plsc

B = 16384
D = 64

_info = plsc.get_sparse_core_info()
_NC = _info.num_cores
_NS = _info.num_subcores
_L = _info.num_lanes
_NW = _NC * _NS
_BPW = B // _NW
_NSLOT = 8
_NG = _BPW // _L

_mesh = plsc.VectorSubcoreMesh(core_axis_name="c", subcore_axis_name="s")

_SHUF_DNUMS = lax.GatherDimensionNumbers(
    offset_dims=(), collapsed_slice_dims=(0,), start_index_map=(0,))


def _lane_shuffle(x, idx):
    return lax.gather(x, idx[:, None], _SHUF_DNUMS, slice_sizes=(1,),
                      mode=lax.GatherScatterMode.PROMISE_IN_BOUNDS)


@functools.partial(
    pl.kernel,
    mesh=_mesh,
    compiler_params=pltpu.CompilerParams(
        needs_layout_passes=False, skip_device_barrier=True),
    out_type=jax.ShapeDtypeStruct((B,), jnp.float32),
    scratch_types=[
        pltpu.VMEM((_BPW,), jnp.int32),
        pltpu.VMEM((_BPW,), jnp.int32),
        pltpu.VMEM((_NSLOT, 1, D), jnp.float32),
        pltpu.VMEM((_NSLOT, 1, D), jnp.float32),
        pltpu.VMEM((_BPW,), jnp.float32),
        [pltpu.SemaphoreType.DMA] * _NSLOT,
        [pltpu.SemaphoreType.DMA] * _NSLOT,
    ],
)
def _mf_kernel(u_hbm, i_hbm, U_hbm, V_hbm, out_hbm,
               uidx, vidx, ublk, vblk, outv, usem, vsem):
    wid = lax.axis_index("s") * _NC + lax.axis_index("c")
    base = wid * _BPW

    pltpu.sync_copy(u_hbm.at[pl.ds(base, _BPW)], uidx)
    pltpu.sync_copy(i_hbm.at[pl.ds(base, _BPW)], vidx)

    lanes = lax.iota(jnp.int32, _L)

    def _extract(vec, t):
        return jnp.sum(jnp.where(lanes == t, vec, 0))

    def issue(g, t, slot):
        ru = _extract(uidx[pl.ds(g * _L, _L)], t)
        rv = _extract(vidx[pl.ds(g * _L, _L)], t)
        pltpu.async_copy(U_hbm.at[ru >> 3, pl.ds(ru & 7, 1)],
                         ublk.at[slot], usem[slot])
        pltpu.async_copy(V_hbm.at[rv >> 3, pl.ds(rv & 7, 1)],
                         vblk.at[slot], vsem[slot])

    for t in range(_NSLOT):
        issue(0, t, t)

    def body_g(g, carry):
        acc = jnp.zeros((_L,), jnp.float32)
        for t in range(_L):
            slot = t % _NSLOT
            pltpu.make_async_copy(
                U_hbm.at[0, pl.ds(0, 1)], ublk.at[slot], usem[slot]).wait()
            pltpu.make_async_copy(
                V_hbm.at[0, pl.ds(0, 1)], vblk.at[slot], vsem[slot]).wait()
            p = ublk[slot, 0, pl.ds(0, _L)] * vblk[slot, 0, pl.ds(0, _L)]
            for c in range(1, D // _L):
                p += (ublk[slot, 0, pl.ds(c * _L, _L)]
                      * vblk[slot, 0, pl.ds(c * _L, _L)])
            for h in (8, 4, 2, 1):
                p = p + _lane_shuffle(p, lanes ^ h)
            acc = jnp.where(lanes == t, p, acc)

            if t < _NSLOT:
                issue(g, t + _NSLOT, slot)
            else:
                @pl.when(g < _NG - 1)
                def _():
                    issue(g + 1, t - _NSLOT, slot)

        outv[pl.ds(g * _L, _L)] = acc
        return carry

    lax.fori_loop(0, _NG, body_g, 0)
    pltpu.sync_copy(outv, out_hbm.at[pl.ds(base, _BPW)])


def kernel(u, i, U_emb, V_emb):
    U3 = U_emb.reshape(125000, 8, D)
    V3 = V_emb.reshape(125000, 8, D)
    return _mf_kernel(u.astype(jnp.int32), i.astype(jnp.int32), U3, V3)

# --- scband reference (transcript-rebuilt; emitter-appended) ---
"""Pipeline reference for scband-mf-11261404250195 (READ-ONLY COPY).

The authoritative reference and input builder live on the scoring server;
editing this copy changes nothing except your own understanding.
"""

import jax, jax.numpy as jnp
import numpy as np

N_USERS = 1000000
N_ITEMS = 1000000
DIM = 64
BATCH = 16384

def setup_inputs(seed: int = 0) -> dict:
    key = jax.random.key(seed)
    k_u, k_i, k_ue, k_ve = jax.random.split(key, 4)
    u = jax.random.randint(k_u, (BATCH,), 0, N_USERS, dtype=jnp.int64 if jax.config.jax_enable_x64 else jnp.int32)
    i = jax.random.randint(k_i, (BATCH,), 0, N_ITEMS, dtype=jnp.int64 if jax.config.jax_enable_x64 else jnp.int32)
    # Learned parameters: embedding tables (nn.Embedding default init ~ N(0,1))
    U_emb = jax.random.normal(k_ue, (N_USERS, DIM), dtype=jnp.float32)
    V_emb = jax.random.normal(k_ve, (N_ITEMS, DIM), dtype=jnp.float32)
    return {"u": u, "i": i, "U_emb": U_emb, "V_emb": V_emb}

def reference(u, i, U_emb, V_emb):
    # forward: user/item embedding gather + elementwise product + row-sum
    user = jnp.take(U_emb, u, axis=0)   # [B, dim] gather
    item = jnp.take(V_emb, i, axis=0)   # [B, dim] gather
    score = jnp.sum(user * item, axis=1)  # [B]
    return score

if __name__ == "__main__":
    import jax
    _d = setup_inputs()
    print(jax.jit(kernel)(*tuple(_d.values())))

</pallas_src>

<mosaic_0001>
#map = affine_map<(d0, d1) -> (0)>
#map1 = affine_map<(d0, d1) -> (0, 0, 0)>
module attributes {stable_mosaic.version = 14 : i64} {
  func.func @_mf_kernel(%arg0: i32, %arg1: i32, %arg2: memref<16384xi32, #tpu.memory_space<hbm>>, %arg3: memref<16384xi32, #tpu.memory_space<hbm>>, %arg4: memref<125000x8x64xf32, #tpu.memory_space<hbm>>, %arg5: memref<125000x8x64xf32, #tpu.memory_space<hbm>>, %arg6: memref<16384xf32, #tpu.memory_space<hbm>>, %arg7: memref<512xi32, #tpu.memory_space<vmem>>, %arg8: memref<512xi32, #tpu.memory_space<vmem>>, %arg9: memref<8x1x64xf32, #tpu.memory_space<vmem>>, %arg10: memref<8x1x64xf32, #tpu.memory_space<vmem>>, %arg11: memref<512xf32, #tpu.memory_space<vmem>>, %arg12: memref<!tpu.dma_semaphore, #tpu.memory_space<semaphore_mem>>, %arg13: memref<!tpu.dma_semaphore, #tpu.memory_space<semaphore_mem>>, %arg14: memref<!tpu.dma_semaphore, #tpu.memory_space<semaphore_mem>>, %arg15: memref<!tpu.dma_semaphore, #tpu.memory_space<semaphore_mem>>, %arg16: memref<!tpu.dma_semaphore, #tpu.memory_space<semaphore_mem>>, %arg17: memref<!tpu.dma_semaphore, #tpu.memory_space<semaphore_mem>>, %arg18: memref<!tpu.dma_semaphore, #tpu.memory_space<semaphore_mem>>, %arg19: memref<!tpu.dma_semaphore, #tpu.memory_space<semaphore_mem>>, %arg20: memref<!tpu.dma_semaphore, #tpu.memory_space<semaphore_mem>>, %arg21: memref<!tpu.dma_semaphore, #tpu.memory_space<semaphore_mem>>, %arg22: memref<!tpu.dma_semaphore, #tpu.memory_space<semaphore_mem>>, %arg23: memref<!tpu.dma_semaphore, #tpu.memory_space<semaphore_mem>>, %arg24: memref<!tpu.dma_semaphore, #tpu.memory_space<semaphore_mem>>, %arg25: memref<!tpu.dma_semaphore, #tpu.memory_space<semaphore_mem>>, %arg26: memref<!tpu.dma_semaphore, #tpu.memory_space<semaphore_mem>>, %arg27: memref<!tpu.dma_semaphore, #tpu.memory_space<semaphore_mem>>) attributes {dimension_semantics = [#tpu.dimension_semantics<core_parallel>, #tpu.dimension_semantics<subcore_parallel>], iteration_bounds = array<i64: 2, 16>, scalar_prefetch = 0 : i64, scratch_operands = 21 : i64, tpu.core_type = #tpu.core_type<sc_vector_subcore>, window_params = [{transform_indices = #map}, {transform_indices = #map}, {transform_indices = #map1}, {transform_indices = #map1}, {transform_indices = #map}]} {
    %mul3A = arith.constant 2 : i32
    %mul3A_0 = arith.muli %arg1, %mul3A : i32
    %add3A = arith.addi %mul3A_0, %arg0 : i32
    %mul3A_1 = arith.constant 512 : i32
    %mul3A_2 = arith.muli %add3A, %mul3A_1 : i32
    "tpu.region"() ({
      %run_scoped3A = tpu.sem_alloc : memref<!tpu.dma_semaphore, #tpu.memory_space<semaphore_mem>>
      %dma_start3A_495 = tpu.memref_slice %arg2[%mul3A_2] : memref<16384xi32, #tpu.memory_space<hbm>> -> memref<512xi32, #tpu.memory_space<hbm>>
      %dma_start3A_496 = tpu.memref_slice %arg2[%mul3A_2] : memref<16384xi32, #tpu.memory_space<hbm>> -> memref<512xi32, #tpu.memory_space<hbm>>
      tpu.enqueue_dma source(%dma_start3A_496 : memref<512xi32, #tpu.memory_space<hbm>>) target(%arg7 : memref<512xi32, #tpu.memory_space<vmem>>) target_semaphore(%run_scoped3A : memref<!tpu.dma_semaphore, #tpu.memory_space<semaphore_mem>>)
      %dma_wait3A = tpu.memref_slice %arg2[%mul3A_2] : memref<16384xi32, #tpu.memory_space<hbm>> -> memref<512xi32, #tpu.memory_space<hbm>>
      %dma_wait3A_497 = tpu.memref_slice %arg2[%mul3A_2] : memref<16384xi32, #tpu.memory_space<hbm>> -> memref<512xi32, #tpu.memory_space<hbm>>
      tpu.wait_dma2 semaphore(%run_scoped3A : memref<!tpu.dma_semaphore, #tpu.memory_space<semaphore_mem>>) src(%dma_wait3A_497 : memref<512xi32, #tpu.memory_space<hbm>>) dst(%arg7 : memref<512xi32, #tpu.memory_space<vmem>>)
      tpu.yield
    }) : () -> ()
    "tpu.region"() ({
      %run_scoped3A = tpu.sem_alloc : memref<!tpu.dma_semaphore, #tpu.memory_space<semaphore_mem>>
      %dma_start3A_495 = tpu.memref_slice %arg3[%mul3A_2] : memref<16384xi32, #tpu.memory_space<hbm>> -> memref<512xi32, #tpu.memory_space<hbm>>
      %dma_start3A_496 = tpu.memref_slice %arg3[%mul3A_2] : memref<16384xi32, #tpu.memory_space<hbm>> -> memref<512xi32, #tpu.memory_space<hbm>>
      tpu.enqueue_dma source(%dma_start3A_496 : memref<512xi32, #tpu.memory_space<hbm>>) target(%arg8 : memref<512xi32, #tpu.memory_space<vmem>>) target_semaphore(%run_scoped3A : memref<!tpu.dma_semaphore, #tpu.memory_space<semaphore_mem>>)
      %dma_wait3A = tpu.memref_slice %arg3[%mul3A_2] : memref<16384xi32, #tpu.memory_space<hbm>> -> memref<512xi32, #tpu.memory_space<hbm>>
      %dma_wait3A_497 = tpu.memref_slice %arg3[%mul3A_2] : memref<16384xi32, #tpu.memory_space<hbm>> -> memref<512xi32, #tpu.memory_space<hbm>>
      tpu.wait_dma2 semaphore(%run_scoped3A : memref<!tpu.dma_semaphore, #tpu.memory_space<semaphore_mem>>) src(%dma_wait3A_497 : memref<512xi32, #tpu.memory_space<hbm>>) dst(%arg8 : memref<512xi32, #tpu.memory_space<vmem>>)
      tpu.yield
    }) : () -> ()
    %iota3A = tpu.iota {dimensions = array<i32: 0>} : vector<16xi32>
    %get3A = arith.constant 0 : index
    %get3A_3 = tpu.vector_load %arg7[%get3A] {strides = array<i32>} : memref<512xi32, #tpu.memory_space<vmem>>, vector<16xi32>,
    %eq3A = arith.constant 0 : i32
    %eq3A_4 = vector.broadcast %eq3A : i32 to vector<16xi32>
    %eq3A_5 = arith.cmpi eq, %iota3A, %eq3A_4 : vector<16xi32>
    %jit3A = arith.constant 0 : i32
    %broadcast_in_dim3A = vector.broadcast %jit3A : i32 to vector<16xi32>
    %select_n3A = arith.select %eq3A_5, %get3A_3, %broadcast_in_dim3A : vector<16xi1>, vector<16xi32>
    %reduce_sum3A = arith.constant true
    %reduce_sum3A_6 = vector.broadcast %reduce_sum3A : i1 to vector<16xi1>
    %reduce_sum3A_7 = tpu.scan <sum>, %select_n3A masked %reduce_sum3A_6 : vector<16xi32>, vector<16xi1> -> vector<16xi32>
    %reduce_sum3A_8 = vector.extract %reduce_sum3A_7[15] : i32 from vector<16xi32>
    %get3A_9 = arith.constant 0 : index
    %get3A_10 = tpu.vector_load %arg8[%get3A_9] {strides = array<i32>} : memref<512xi32, #tpu.memory_space<vmem>>, vector<16xi32>,
    %eq3A_11 = arith.constant 0 : i32
    %eq3A_12 = vector.broadcast %eq3A_11 : i32 to vector<16xi32>
    %eq3A_13 = arith.cmpi eq, %iota3A, %eq3A_12 : vector<16xi32>
    %jit3A_14 = arith.constant 0 : i32
    %broadcast_in_dim3A_15 = vector.broadcast %jit3A_14 : i32 to vector<16xi32>
    %select_n3A_16 = arith.select %eq3A_13, %get3A_10, %broadcast_in_dim3A_15 : vector<16xi1>, vector<16xi32>
    %reduce_sum3A_17 = arith.constant true
    %reduce_sum3A_18 = vector.broadcast %reduce_sum3A_17 : i1 to vector<16xi1>
    %reduce_sum3A_19 = tpu.scan <sum>, %select_n3A_16 masked %reduce_sum3A_18 : vector<16xi32>, vector<16xi1> -> vector<16xi32>
    %reduce_sum3A_20 = vector.extract %reduce_sum3A_19[15] : i32 from vector<16xi32>
    %shift_right_arithmetic3A = arith.constant 3 : i32
    %shift_right_arithmetic3A_21 = arith.shrsi %reduce_sum3A_8, %shift_right_arithmetic3A : i32
    %and3A = arith.constant 7 : i32
    %and3A_22 = arith.andi %reduce_sum3A_8, %and3A : i32
    %dma_start3A = arith.constant 0 : i32
    %dma_start3A_23 = arith.constant 0 : i32
    %dma_start3A_24 = arith.constant 0 : i32
    %dma_start3A_25 = tpu.memref_slice %arg9[%dma_start3A, %dma_start3A_23, %dma_start3A_24] : memref<8x1x64xf32, #tpu.memory_space<vmem>> -> memref<1x1x64xf32, #tpu.memory_space<vmem>>
    %dma_start3A_26 = tpu.memref_squeeze %dma_start3A_25 : memref<1x1x64xf32, #tpu.memory_space<vmem>> -> memref<1x64xf32, #tpu.memory_space<vmem>>
    %dma_start3A_27 = arith.constant 0 : i32
    %dma_start3A_28 = tpu.memref_slice %arg4[%shift_right_arithmetic3A_21, %and3A_22, %dma_start3A_27] : memref<125000x8x64xf32, #tpu.memory_space<hbm>> -> memref<1x1x64xf32, #tpu.memory_space<hbm>>
    %dma_start3A_29 = tpu.memref_squeeze %dma_start3A_28 : memref<1x1x64xf32, #tpu.memory_space<hbm>> -> memref<1x64xf32, #tpu.memory_space<hbm>>
    %dma_start3A_30 = arith.constant 0 : i32
    %dma_start3A_31 = arith.constant 0 : i32
    %dma_start3A_32 = tpu.memref_slice %arg9[%dma_start3A, %dma_start3A_30, %dma_start3A_31] : memref<8x1x64xf32, #tpu.memory_space<vmem>> -> memref<1x1x64xf32, #tpu.memory_space<vmem>>
    %dma_start3A_33 = tpu.memref_squeeze %dma_start3A_32 : memref<1x1x64xf32, #tpu.memory_space<vmem>> -> memref<1x64xf32, #tpu.memory_space<vmem>>
    %dma_start3A_34 = arith.constant 0 : i32
    %dma_start3A_35 = tpu.memref_slice %arg4[%shift_right_arithmetic3A_21, %and3A_22, %dma_start3A_34] : memref<125000x8x64xf32, #tpu.memory_space<hbm>> -> memref<1x1x64xf32, #tpu.memory_space<hbm>>
    %dma_start3A_36 = tpu.memref_squeeze %dma_start3A_35 : memref<1x1x64xf32, #tpu.memory_space<hbm>> -> memref<1x64xf32, #tpu.memory_space<hbm>>
    tpu.enqueue_dma source(%dma_start3A_36 : memref<1x64xf32, #tpu.memory_space<hbm>>) target(%dma_start3A_33 : memref<1x64xf32, #tpu.memory_space<vmem>>) target_semaphore(%arg12 : memref<!tpu.dma_semaphore, #tpu.memory_space<semaphore_mem>>)
    %shift_right_arithmetic3A_37 = arith.constant 3 : i32
    %shift_right_arithmetic3A_38 = arith.shrsi %reduce_sum3A_20, %shift_right_arithmetic3A_37 : i32
    %and3A_39 = arith.constant 7 : i32
    %and3A_40 = arith.andi %reduce_sum3A_20, %and3A_39 : i32
    %dma_start3A_41 = arith.constant 0 : i32
    %dma_start3A_42 = arith.constant 0 : i32
    %dma_start3A_43 = arith.constant 0 : i32
    %dma_start3A_44 = tpu.memref_slice %arg10[%dma_start3A_41, %dma_start3A_42, %dma_start3A_43] : memref<8x1x64xf32, #tpu.memory_space<vmem>> -> memref<1x1x64xf32, #tpu.memory_space<vmem>>
    %dma_start3A_45 = tpu.memref_squeeze %dma_start3A_44 : memref<1x1x64xf32, #tpu.memory_space<vmem>> -> memref<1x64xf32, #tpu.memory_space<vmem>>
    %dma_start3A_46 = arith.constant 0 : i32
    %dma_start3A_47 = tpu.memref_slice %arg5[%shift_right_arithmetic3A_38, %and3A_40, %dma_start3A_46] : memref<125000x8x64xf32, #tpu.memory_space<hbm>> -> memref<1x1x64xf32, #tpu.memory_space<hbm>>
    %dma_start3A_48 = tpu.memref_squeeze %dma_start3A_47 : memref<1x1x64xf32, #tpu.memory_space<hbm>> -> memref<1x64xf32, #tpu.memory_space<hbm>>
    %dma_start3A_49 = arith.constant 0 : i32
    %dma_start3A_50 = arith.constant 0 : i32
    %dma_start3A_51 = tpu.memref_slice %arg10[%dma_start3A_41, %dma_start3A_49, %dma_start3A_50] : memref<8x1x64xf32, #tpu.memory_space<vmem>> -> memref<1x1x64xf32, #tpu.memory_space<vmem>>
    %dma_start3A_52 = tpu.memref_squeeze %dma_start3A_51 : memref<1x1x64xf32, #tpu.memory_space<vmem>> -> memref<1x64xf32, #tpu.memory_space<vmem>>
    %dma_start3A_53 = arith.constant 0 : i32
    %dma_start3A_54 = tpu.memref_slice %arg5[%shift_right_arithmetic3A_38, %and3A_40, %dma_start3A_53] : memref<125000x8x64xf32, #tpu.memory_space<hbm>> -> memref<1x1x64xf32, #tpu.memory_space<hbm>>
    %dma_start3A_55 = tpu.memref_squeeze %dma_start3A_54 : memref<1x1x64xf32, #tpu.memory_space<hbm>> -> memref<1x64xf32, #tpu.memory_space<hbm>>
    tpu.enqueue_dma source(%dma_start3A_55 : memref<1x64xf32, #tpu.memory_space<hbm>>) target(%dma_start3A_52 : memref<1x64xf32, #tpu.memory_space<vmem>>) target_semaphore(%arg20 : memref<!tpu.dma_semaphore, #tpu.memory_space<semaphore_mem>>)
    %get3A_56 = arith.constant 0 : index
    %get3A_57 = tpu.vector_load %arg7[%get3A_56] {strides = array<i32>} : memref<512xi32, #tpu.memory_space<vmem>>, vector<16xi32>,
    %eq3A_58 = arith.constant 1 : i32
    %eq3A_59 = vector.broadcast %eq3A_58 : i32 to vector<16xi32>
    %eq3A_60 = arith.cmpi eq, %iota3A, %eq3A_59 : vector<16xi32>
    %jit3A_61 = arith.constant 0 : i32
    %broadcast_in_dim3A_62 = vector.broadcast %jit3A_61 : i32 to vector<16xi32>
    %select_n3A_63 = arith.select %eq3A_60, %get3A_57, %broadcast_in_dim3A_62 : vector<16xi1>, vector<16xi32>
    %reduce_sum3A_64 = arith.constant true
    %reduce_sum3A_65 = vector.broadcast %reduce_sum3A_64 : i1 to vector<16xi1>
    %reduce_sum3A_66 = tpu.scan <sum>, %select_n3A_63 masked %reduce_sum3A_65 : vector<16xi32>, vector<16xi1> -> vector<16xi32>
    %reduce_sum3A_67 = vector.extract %reduce_sum3A_66[15] : i32 from vector<16xi32>
    %get3A_68 = arith.constant 0 : index
    %get3A_69 = tpu.vector_load %arg8[%get3A_68] {strides = array<i32>} : memref<512xi32, #tpu.memory_space<vmem>>, vector<16xi32>,
    %eq3A_70 = arith.constant 1 : i32
    %eq3A_71 = vector.broadcast %eq3A_70 : i32 to vector<16xi32>
    %eq3A_72 = arith.cmpi eq, %iota3A, %eq3A_71 : vector<16xi32>
    %jit3A_73 = arith.constant 0 : i32
    %broadcast_in_dim3A_74 = vector.broadcast %jit3A_73 : i32 to vector<16xi32>
    %select_n3A_75 = arith.select %eq3A_72, %get3A_69, %broadcast_in_dim3A_74 : vector<16xi1>, vector<16xi32>
    %reduce_sum3A_76 = arith.constant true
    %reduce_sum3A_77 = vector.broadcast %reduce_sum3A_76 : i1 to vector<16xi1>
    %reduce_sum3A_78 = tpu.scan <sum>, %select_n3A_75 masked %reduce_sum3A_77 : vector<16xi32>, vector<16xi1> -> vector<16xi32>
    %reduce_sum3A_79 = vector.extract %reduce_sum3A_78[15] : i32 from vector<16xi32>
    %shift_right_arithmetic3A_80 = arith.constant 3 : i32
    %shift_right_arithmetic3A_81 = arith.shrsi %reduce_sum3A_67, %shift_right_arithmetic3A_80 : i32
    %and3A_82 = arith.constant 7 : i32
    %and3A_83 = arith.andi %reduce_sum3A_67, %and3A_82 : i32
    %dma_start3A_84 = arith.constant 1 : i32
    %dma_start3A_85 = arith.constant 0 : i32
    %dma_start3A_86 = arith.constant 0 : i32
    %dma_start3A_87 = tpu.memref_slice %arg9[%dma_start3A_84, %dma_start3A_85, %dma_start3A_86] : memref<8x1x64xf32, #tpu.memory_space<vmem>> -> memref<1x1x64xf32, #tpu.memory_space<vmem>>
    %dma_start3A_88 = tpu.memref_squeeze %dma_start3A_87 : memref<1x1x64xf32, #tpu.memory_space<vmem>> -> memref<1x64xf32, #tpu.memory_space<vmem>>
    %dma_start3A_89 = arith.constant 0 : i32
    %dma_start3A_90 = tpu.memref_slice %arg4[%shift_right_arithmetic3A_81, %and3A_83, %dma_start3A_89] : memref<125000x8x64xf32, #tpu.memory_space<hbm>> -> memref<1x1x64xf32, #tpu.memory_space<hbm>>
    %dma_start3A_91 = tpu.memref_squeeze %dma_start3A_90 : memref<1x1x64xf32, #tpu.memory_space<hbm>> -> memref<1x64xf32, #tpu.memory_space<hbm>>
    %dma_start3A_92 = arith.constant 0 : i32
    %dma_start3A_93 = arith.constant 0 : i32
    %dma_start3A_94 = tpu.memref_slice %arg9[%dma_start3A_84, %dma_start3A_92, %dma_start3A_93] : memref<8x1x64xf32, #tpu.memory_space<vmem>> -> memref<1x1x64xf32, #tpu.memory_space<vmem>>
    %dma_start3A_95 = tpu.memref_squeeze %dma_start3A_94 : memref<1x1x64xf32, #tpu.memory_space<vmem>> -> memref<1x64xf32, #tpu.memory_space<vmem>>
    %dma_start3A_96 = arith.constant 0 : i32
    %dma_start3A_97 = tpu.memref_slice %arg4[%shift_right_arithmetic3A_81, %and3A_83, %dma_start3A_96] : memref<125000x8x64xf32, #tpu.memory_space<hbm>> -> memref<1x1x64xf32, #tpu.memory_space<hbm>>
    %dma_start3A_98 = tpu.memref_squeeze %dma_start3A_97 : memref<1x1x64xf32, #tpu.memory_space<hbm>> -> memref<1x64xf32, #tpu.memory_space<hbm>>
    tpu.enqueue_dma source(%dma_start3A_98 : memref<1x64xf32, #tpu.memory_space<hbm>>) target(%dma_start3A_95 : memref<1x64xf32, #tpu.memory_space<vmem>>) target_semaphore(%arg13 : memref<!tpu.dma_semaphore, #tpu.memory_space<semaphore_mem>>)
    %shift_right_arithmetic3A_99 = arith.constant 3 : i32
    %shift_right_arithmetic3A_100 = arith.shrsi %reduce_sum3A_79, %shift_right_arithmetic3A_99 : i32
    %and3A_101 = arith.constant 7 : i32
    %and3A_102 = arith.andi %reduce_sum3A_79, %and3A_101 : i32
    %dma_start3A_103 = arith.constant 1 : i32
    %dma_start3A_104 = arith.constant 0 : i32
    %dma_start3A_105 = arith.constant 0 : i32
    %dma_start3A_106 = tpu.memref_slice %arg10[%dma_start3A_103, %dma_start3A_104, %dma_start3A_105] : memref<8x1x64xf32, #tpu.memory_space<vmem>> -> memref<1x1x64xf32, #tpu.memory_space<vmem>>
    %dma_start3A_107 = tpu.memref_squeeze %dma_start3A_106 : memref<1x1x64xf32, #tpu.memory_space<vmem>> -> memref<1x64xf32, #tpu.memory_space<vmem>>
    %dma_start3A_108 = arith.constant 0 : i32
    %dma_start3A_109 = tpu.memref_slice %arg5[%shift_right_arithmetic3A_100, %and3A_102, %dma_start3A_108] : memref<125000x8x64xf32, #tpu.memory_space<hbm>> -> memref<1x1x64xf32, #tpu.memory_space<hbm>>
    %dma_start3A_110 = tpu.memref_squeeze %dma_start3A_109 : memref<1x1x64xf32, #tpu.memory_space<hbm>> -> memref<1x64xf32, #tpu.memory_space<hbm>>
    %dma_start3A_111 = arith.constant 0 : i32
    %dma_start3A_112 = arith.constant 0 : i32
    %dma_start3A_113 = tpu.memref_slice %arg10[%dma_start3A_103, %dma_start3A_111, %dma_start3A_112] : memref<8x1x64xf32, #tpu.memory_space<vmem>> -> memref<1x1x64xf32, #tpu.memory_space<vmem>>
    %dma_start3A_114 = tpu.memref_squeeze %dma_start3A_113 : memref<1x1x64xf32, #tpu.memory_space<vmem>> -> memref<1x64xf32, #tpu.memory_space<vmem>>
    %dma_start3A_115 = arith.constant 0 : i32
    %dma_start3A_116 = tpu.memref_slice %arg5[%shift_right_arithmetic3A_100, %and3A_102, %dma_start3A_115] : memref<125000x8x64xf32, #tpu.memory_space<hbm>> -> memref<1x1x64xf32, #tpu.memory_space<hbm>>
    %dma_start3A_117 = tpu.memref_squeeze %dma_start3A_116 : memref<1x1x64xf32, #tpu.memory_space<hbm>> -> memref<1x64xf32, #tpu.memory_space<hbm>>
    tpu.enqueue_dma source(%dma_start3A_117 : memref<1x64xf32, #tpu.memory_space<hbm>>) target(%dma_start3A_114 : memref<1x64xf32, #tpu.memory_space<vmem>>) target_semaphore(%arg21 : memref<!tpu.dma_semaphore, #tpu.memory_space<semaphore_mem>>)
    %get3A_118 = arith.constant 0 : index
    %get3A_119 = tpu.vector_load %arg7[%get3A_118] {strides = array<i32>} : memref<512xi32, #tpu.memory_space<vmem>>, vector<16xi32>,
    %eq3A_120 = arith.constant 2 : i32
    %eq3A_121 = vector.broadcast %eq3A_120 : i32 to vector<16xi32>
    %eq3A_122 = arith.cmpi eq, %iota3A, %eq3A_121 : vector<16xi32>
    %jit3A_123 = arith.constant 0 : i32
    %broadcast_in_dim3A_124 = vector.broadcast %jit3A_123 : i32 to vector<16xi32>
    %select_n3A_125 = arith.select %eq3A_122, %get3A_119, %broadcast_in_dim3A_124 : vector<16xi1>, vector<16xi32>
    %reduce_sum3A_126 = arith.constant true
    %reduce_sum3A_127 = vector.broadcast %reduce_sum3A_126 : i1 to vector<16xi1>
    %reduce_sum3A_128 = tpu.scan <sum>, %select_n3A_125 masked %reduce_sum3A_127 : vector<16xi32>, vector<16xi1> -> vector<16xi32>
    %reduce_sum3A_129 = vector.extract %reduce_sum3A_128[15] : i32 from vector<16xi32>
    %get3A_130 = arith.constant 0 : index
    %get3A_131 = tpu.vector_load %arg8[%get3A_130] {strides = array<i32>} : memref<512xi32, #tpu.memory_space<vmem>>, vector<16xi32>,
    %eq3A_132 = arith.constant 2 : i32
    %eq3A_133 = vector.broadcast %eq3A_132 : i32 to vector<16xi32>
    %eq3A_134 = arith.cmpi eq, %iota3A, %eq3A_133 : vector<16xi32>
    %jit3A_135 = arith.constant 0 : i32
    %broadcast_in_dim3A_136 = vector.broadcast %jit3A_135 : i32 to vector<16xi32>
    %select_n3A_137 = arith.select %eq3A_134, %get3A_131, %broadcast_in_dim3A_136 : vector<16xi1>, vector<16xi32>
    %reduce_sum3A_138 = arith.constant true
    %reduce_sum3A_139 = vector.broadcast %reduce_sum3A_138 : i1 to vector<16xi1>
    %reduce_sum3A_140 = tpu.scan <sum>, %select_n3A_137 masked %reduce_sum3A_139 : vector<16xi32>, vector<16xi1> -> vector<16xi32>
    %reduce_sum3A_141 = vector.extract %reduce_sum3A_140[15] : i32 from vector<16xi32>
    %shift_right_arithmetic3A_142 = arith.constant 3 : i32
    %shift_right_arithmetic3A_143 = arith.shrsi %reduce_sum3A_129, %shift_right_arithmetic3A_142 : i32
    %and3A_144 = arith.constant 7 : i32
    %and3A_145 = arith.andi %reduce_sum3A_129, %and3A_144 : i32
    %dma_start3A_146 = arith.constant 2 : i32
    %dma_start3A_147 = arith.constant 0 : i32
    %dma_start3A_148 = arith.constant 0 : i32
    %dma_start3A_149 = tpu.memref_slice %arg9[%dma_start3A_146, %dma_start3A_147, %dma_start3A_148] : memref<8x1x64xf32, #tpu.memory_space<vmem>> -> memref<1x1x64xf32, #tpu.memory_space<vmem>>
    %dma_start3A_150 = tpu.memref_squeeze %dma_start3A_149 : memref<1x1x64xf32, #tpu.memory_space<vmem>> -> memref<1x64xf32, #tpu.memory_space<vmem>>
    %dma_start3A_151 = arith.constant 0 : i32
    %dma_start3A_152 = tpu.memref_slice %arg4[%shift_right_arithmetic3A_143, %and3A_145, %dma_start3A_151] : memref<125000x8x64xf32, #tpu.memory_space<hbm>> -> memref<1x1x64xf32, #tpu.memory_space<hbm>>
    %dma_start3A_153 = tpu.memref_squeeze %dma_start3A_152 : memref<1x1x64xf32, #tpu.memory_space<hbm>> -> memref<1x64xf32, #tpu.memory_space<hbm>>
    %dma_start3A_154 = arith.constant 0 : i32
    %dma_start3A_155 = arith.constant 0 : i32
    %dma_start3A_156 = tpu.memref_slice %arg9[%dma_start3A_146, %dma_start3A_154, %dma_start3A_155] : memref<8x1x64xf32, #tpu.memory_space<vmem>> -> memref<1x1x64xf32, #tpu.memory_space<vmem>>
    %dma_start3A_157 = tpu.memref_squeeze %dma_start3A_156 : memref<1x1x64xf32, #tpu.memory_space<vmem>> -> memref<1x64xf32, #tpu.memory_space<vmem>>
    %dma_start3A_158 = arith.constant 0 : i32
    %dma_start3A_159 = tpu.memref_slice %arg4[%shift_right_arithmetic3A_143, %and3A_145, %dma_start3A_158] : memref<125000x8x64xf32, #tpu.memory_space<hbm>> -> memref<1x1x64xf32, #tpu.memory_space<hbm>>
    %dma_start3A_160 = tpu.memref_squeeze %dma_start3A_159 : memref<1x1x64xf32, #tpu.memory_space<hbm>> -> memref<1x64xf32, #tpu.memory_space<hbm>>
    tpu.enqueue_dma source(%dma_start3A_160 : memref<1x64xf32, #tpu.memory_space<hbm>>) target(%dma_start3A_157 : memref<1x64xf32, #tpu.memory_space<vmem>>) target_semaphore(%arg14 : memref<!tpu.dma_semaphore, #tpu.memory_space<semaphore_mem>>)
    %shift_right_arithmetic3A_161 = arith.constant 3 : i32
    %shift_right_arithmetic3A_162 = arith.shrsi %reduce_sum3A_141, %shift_right_arithmetic3A_161 : i32
    %and3A_163 = arith.constant 7 : i32
    %and3A_164 = arith.andi %reduce_sum3A_141, %and3A_163 : i32
    %dma_start3A_165 = arith.constant 2 : i32
    %dma_start3A_166 = arith.constant 0 : i32
    %dma_start3A_167 = arith.constant 0 : i32
    %dma_start3A_168 = tpu.memref_slice %arg10[%dma_start3A_165, %dma_start3A_166, %dma_start3A_167] : memref<8x1x64xf32, #tpu.memory_space<vmem>> -> memref<1x1x64xf32, #tpu.memory_space<vmem>>
    %dma_start3A_169 = tpu.memref_squeeze %dma_start3A_168 : memref<1x1x64xf32, #tpu.memory_space<vmem>> -> memref<1x64xf32, #tpu.memory_space<vmem>>
    %dma_start3A_170 = arith.constant 0 : i32
    %dma_start3A_171 = tpu.memref_slice %arg5[%shift_right_arithmetic3A_162, %and3A_164, %dma_start3A_170] : memref<125000x8x64xf32, #tpu.memory_space<hbm>> -> memref<1x1x64xf32, #tpu.memory_space<hbm>>
    %dma_start3A_172 = tpu.memref_squeeze %dma_start3A_171 : memref<1x1x64xf32, #tpu.memory_space<hbm>> -> memref<1x64xf32, #tpu.memory_space<hbm>>
    %dma_start3A_173 = arith.constant 0 : i32
    %dma_start3A_174 = arith.constant 0 : i32
    %dma_start3A_175 = tpu.memref_slice %arg10[%dma_start3A_165, %dma_start3A_173, %dma_start3A_174] : memref<8x1x64xf32, #tpu.memory_space<vmem>> -> memref<1x1x64xf32, #tpu.memory_space<vmem>>
    %dma_start3A_176 = tpu.memref_squeeze %dma_start3A_175 : memref<1x1x64xf32, #tpu.memory_space<vmem>> -> memref<1x64xf32, #tpu.memory_space<vmem>>
    %dma_start3A_177 = arith.constant 0 : i32
    %dma_start3A_178 = tpu.memref_slice %arg5[%shift_right_arithmetic3A_162, %and3A_164, %dma_start3A_177] : memref<125000x8x64xf32, #tpu.memory_space<hbm>> -> memref<1x1x64xf32, #tpu.memory_space<hbm>>
    %dma_start3A_179 = tpu.memref_squeeze %dma_start3A_178 : memref<1x1x64xf32, #tpu.memory_space<hbm>> -> memref<1x64xf32, #tpu.memory_space<hbm>>
    tpu.enqueue_dma source(%dma_start3A_179 : memref<1x64xf32, #tpu.memory_space<hbm>>) target(%dma_start3A_176 : memref<1x64xf32, #tpu.memory_space<vmem>>) target_semaphore(%arg22 : memref<!tpu.dma_semaphore, #tpu.memory_space<semaphore_mem>>)
    %get3A_180 = arith.constant 0 : index
    %get3A_181 = tpu.vector_load %arg7[%get3A_180] {strides = array<i32>} : memref<512xi32, #tpu.memory_space<vmem>>, vector<16xi32>,
    %eq3A_182 = arith.constant 3 : i32
    %eq3A_183 = vector.broadcast %eq3A_182 : i32 to vector<16xi32>
    %eq3A_184 = arith.cmpi eq, %iota3A, %eq3A_183 : vector<16xi32>
    %jit3A_185 = arith.constant 0 : i32
    %broadcast_in_dim3A_186 = vector.broadcast %jit3A_185 : i32 to vector<16xi32>
    %select_n3A_187 = arith.select %eq3A_184, %get3A_181, %broadcast_in_dim3A_186 : vector<16xi1>, vector<16xi32>
    %reduce_sum3A_188 = arith.constant true
    %reduce_sum3A_189 = vector.broadcast %reduce_sum3A_188 : i1 to vector<16xi1>
    %reduce_sum3A_190 = tpu.scan <sum>, %select_n3A_187 masked %reduce_sum3A_189 : vector<16xi32>, vector<16xi1> -> vector<16xi32>
    %reduce_sum3A_191 = vector.extract %reduce_sum3A_190[15] : i32 from vector<16xi32>
    %get3A_192 = arith.constant 0 : index
    %get3A_193 = tpu.vector_load %arg8[%get3A_192] {strides = array<i32>} : memref<512xi32, #tpu.memory_space<vmem>>, vector<16xi32>,
    %eq3A_194 = arith.constant 3 : i32
    %eq3A_195 = vector.broadcast %eq3A_194 : i32 to vector<16xi32>
    %eq3A_196 = arith.cmpi eq, %iota3A, %eq3A_195 : vector<16xi32>
    %jit3A_197 = arith.constant 0 : i32
    %broadcast_in_dim3A_198 = vector.broadcast %jit3A_197 : i32 to vector<16xi32>
    %select_n3A_199 = arith.select %eq3A_196, %get3A_193, %broadcast_in_dim3A_198 : vector<16xi1>, vector<16xi32>
    %reduce_sum3A_200 = arith.constant true
    %reduce_sum3A_201 = vector.broadcast %reduce_sum3A_200 : i1 to vector<16xi1>
    %reduce_sum3A_202 = tpu.scan <sum>, %select_n3A_199 masked %reduce_sum3A_201 : vector<16xi32>, vector<16xi1> -> vector<16xi32>
    %reduce_sum3A_203 = vector.extract %reduce_sum3A_202[15] : i32 from vector<16xi32>
    %shift_right_arithmetic3A_204 = arith.constant 3 : i32
    %shift_right_arithmetic3A_205 = arith.shrsi %reduce_sum3A_191, %shift_right_arithmetic3A_204 : i32
    %and3A_206 = arith.constant 7 : i32
    %and3A_207 = arith.andi %reduce_sum3A_191, %and3A_206 : i32
    %dma_start3A_208 = arith.constant 3 : i32
    %dma_start3A_209 = arith.constant 0 : i32
    %dma_start3A_210 = arith.constant 0 : i32
    %dma_start3A_211 = tpu.memref_slice %arg9[%dma_start3A_208, %dma_start3A_209, %dma_start3A_210] : memref<8x1x64xf32, #tpu.memory_space<vmem>> -> memref<1x1x64xf32, #tpu.memory_space<vmem>>
    %dma_start3A_212 = tpu.memref_squeeze %dma_start3A_211 : memref<1x1x64xf32, #tpu.memory_space<vmem>> -> memref<1x64xf32, #tpu.memory_space<vmem>>
    %dma_start3A_213 = arith.constant 0 : i32
    %dma_start3A_214 = tpu.memref_slice %arg4[%shift_right_arithmetic3A_205, %and3A_207, %dma_start3A_213] : memref<125000x8x64xf32, #tpu.memory_space<hbm>> -> memref<1x1x64xf32, #tpu.memory_space<hbm>>
    %dma_start3A_215 = tpu.memref_squeeze %dma_start3A_214 : memref<1x1x64xf32, #tpu.memory_space<hbm>> -> memref<1x64xf32, #tpu.memory_space<hbm>>
    %dma_start3A_216 = arith.constant 0 : i32
    %dma_start3A_217 = arith.constant 0 : i32
    %dma_start3A_218 = tpu.memref_slice %arg9[%dma_start3A_208, %dma_start3A_216, %dma_start3A_217] : memref<8x1x64xf32, #tpu.memory_space<vmem>> -> memref<1x1x64xf32, #tpu.memory_space<vmem>>
    %dma_start3A_219 = tpu.memref_squeeze %dma_start3A_218 : memref<1x1x64xf32, #tpu.memory_space<vmem>> -> memref<1x64xf32, #tpu.memory_space<vmem>>
    %dma_start3A_220 = arith.constant 0 : i32
    %dma_start3A_221 = tpu.memref_slice %arg4[%shift_right_arithmetic3A_205, %and3A_207, %dma_start3A_220] : memref<125000x8x64xf32, #tpu.memory_space<hbm>> -> memref<1x1x64xf32, #tpu.memory_space<hbm>>
    %dma_start3A_222 = tpu.memref_squeeze %dma_start3A_221 : memref<1x1x64xf32, #tpu.memory_space<hbm>> -> memref<1x64xf32, #tpu.memory_space<hbm>>
    tpu.enqueue_dma source(%dma_start3A_222 : memref<1x64xf32, #tpu.memory_space<hbm>>) target(%dma_start3A_219 : memref<1x64xf32, #tpu.memory_space<vmem>>) target_semaphore(%arg15 : memref<!tpu.dma_semaphore, #tpu.memory_space<semaphore_mem>>)
    %shift_right_arithmetic3A_223 = arith.constant 3 : i32
    %shift_right_arithmetic3A_224 = arith.shrsi %reduce_sum3A_203, %shift_right_arithmetic3A_223 : i32
    %and3A_225 = arith.constant 7 : i32
    %and3A_226 = arith.andi %reduce_sum3A_203, %and3A_225 : i32
    %dma_start3A_227 = arith.constant 3 : i32
    %dma_start3A_228 = arith.constant 0 : i32
    %dma_start3A_229 = arith.constant 0 : i32
    %dma_start3A_230 = tpu.memref_slice %arg10[%dma_start3A_227, %dma_start3A_228, %dma_start3A_229] : memref<8x1x64xf32, #tpu.memory_space<vmem>> -> memref<1x1x64xf32, #tpu.memory_space<vmem>>
    %dma_start3A_231 = tpu.memref_squeeze %dma_start3A_230 : memref<1x1x64xf32, #tpu.memory_space<vmem>> -> memref<1x64xf32, #tpu.memory_space<vmem>>
    %dma_start3A_232 = arith.constant 0 : i32
    %dma_start3A_233 = tpu.memref_slice %arg5[%shift_right_arithmetic3A_224, %and3A_226, %dma_start3A_232] : memref<125000x8x64xf32, #tpu.memory_space<hbm>> -> memref<1x1x64xf32, #tpu.memory_space<hbm>>
    %dma_start3A_234 = tpu.memref_squeeze %dma_start3A_233 : memref<1x1x64xf32, #tpu.memory_space<hbm>> -> memref<1x64xf32, #tpu.memory_space<hbm>>
    %dma_start3A_235 = arith.constant 0 : i32
    %dma_start3A_236 = arith.constant 0 : i32
    %dma_start3A_237 = tpu.memref_slice %arg10[%dma_start3A_227, %dma_start3A_235, %dma_start3A_236] : memref<8x1x64xf32, #tpu.memory_space<vmem>> -> memref<1x1x64xf32, #tpu.memory_space<vmem>>
    %dma_start3A_238 = tpu.memref_squeeze %dma_start3A_237 : memref<1x1x64xf32, #tpu.memory_space<vmem>> -> memref<1x64xf32, #tpu.memory_space<vmem>>
    %dma_start3A_239 = arith.constant 0 : i32
    %dma_start3A_240 = tpu.memref_slice %arg5[%shift_right_arithmetic3A_224, %and3A_226, %dma_start3A_239] : memref<125000x8x64xf32, #tpu.memory_space<hbm>> -> memref<1x1x64xf32, #tpu.memory_space<hbm>>
    %dma_start3A_241 = tpu.memref_squeeze %dma_start3A_240 : memref<1x1x64xf32, #tpu.memory_space<hbm>> -> memref<1x64xf32, #tpu.memory_space<hbm>>
    tpu.enqueue_dma source(%dma_start3A_241 : memref<1x64xf32, #tpu.memory_space<hbm>>) target(%dma_start3A_238 : memref<1x64xf32, #tpu.memory_space<vmem>>) target_semaphore(%arg23 : memref<!tpu.dma_semaphore, #tpu.memory_space<semaphore_mem>>)
    %get3A_242 = arith.constant 0 : index
    %get3A_243 = tpu.vector_load %arg7[%get3A_242] {strides = array<i32>} : memref<512xi32, #tpu.memory_space<vmem>>, vector<16xi32>,
    %eq3A_244 = arith.constant 4 : i32
    %eq3A_245 = vector.broadcast %eq3A_244 : i32 to vector<16xi32>
    %eq3A_246 = arith.cmpi eq, %iota3A, %eq3A_245 : vector<16xi32>
    %jit3A_247 = arith.constant 0 : i32
    %broadcast_in_dim3A_248 = vector.broadcast %jit3A_247 : i32 to vector<16xi32>
    %select_n3A_249 = arith.select %eq3A_246, %get3A_243, %broadcast_in_dim3A_248 : vector<16xi1>, vector<16xi32>
    %reduce_sum3A_250 = arith.constant true
    %reduce_sum3A_251 = vector.broadcast %reduce_sum3A_250 : i1 to vector<16xi1>
    %reduce_sum3A_252 = tpu.scan <sum>, %select_n3A_249 masked %reduce_sum3A_251 : vector<16xi32>, vector<16xi1> -> vector<16xi32>
    %reduce_sum3A_253 = vector.extract %reduce_sum3A_252[15] : i32 from vector<16xi32>
    %get3A_254 = arith.constant 0 : index
    %get3A_255 = tpu.vector_load %arg8[%get3A_254] {strides = array<i32>} : memref<512xi32, #tpu.memory_space<vmem>>, vector<16xi32>,
    %eq3A_256 = arith.constant 4 : i32
    %eq3A_257 = vector.broadcast %eq3A_256 : i32 to vector<16xi32>
    %eq3A_258 = arith.cmpi eq, %iota3A, %eq3A_257 : vector<16xi32>
    %jit3A_259 = arith.constant 0 : i32
    %broadcast_in_dim3A_260 = vector.broadcast %jit3A_259 : i32 to vector<16xi32>
    %select_n3A_261 = arith.select %eq3A_258, %get3A_255, %broadcast_in_dim3A_260 : vector<16xi1>, vector<16xi32>
    %reduce_sum3A_262 = arith.constant true
    %reduce_sum3A_263 = vector.broadcast %reduce_sum3A_262 : i1 to vector<16xi1>
    %reduce_sum3A_264 = tpu.scan <sum>, %select_n3A_261 masked %reduce_sum3A_263 : vector<16xi32>, vector<16xi1> -> vector<16xi32>
    %reduce_sum3A_265 = vector.extract %reduce_sum3A_264[15] : i32 from vector<16xi32>
    %shift_right_arithmetic3A_266 = arith.constant 3 : i32
    %shift_right_arithmetic3A_267 = arith.shrsi %reduce_sum3A_253, %shift_right_arithmetic3A_266 : i32
    %and3A_268 = arith.constant 7 : i32
    %and3A_269 = arith.andi %reduce_sum3A_253, %and3A_268 : i32
    %dma_start3A_270 = arith.constant 4 : i32
    %dma_start3A_271 = arith.constant 0 : i32
    %dma_start3A_272 = arith.constant 0 : i32
    %dma_start3A_273 = tpu.memref_slice %arg9[%dma_start3A_270, %dma_start3A_271, %dma_start3A_272] : memref<8x1x64xf32, #tpu.memory_space<vmem>> -> memref<1x1x64xf32, #tpu.memory_space<vmem>>
    %dma_start3A_274 = tpu.memref_squeeze %dma_start3A_273 : memref<1x1x64xf32, #tpu.memory_space<vmem>> -> memref<1x64xf32, #tpu.memory_space<vmem>>
    %dma_start3A_275 = arith.constant 0 : i32
    %dma_start3A_276 = tpu.memref_slice %arg4[%shift_right_arithmetic3A_267, %and3A_269, %dma_start3A_275] : memref<125000x8x64xf32, #tpu.memory_space<hbm>> -> memref<1x1x64xf32, #tpu.memory_space<hbm>>
    %dma_start3A_277 = tpu.memref_squeeze %dma_start3A_276 : memref<1x1x64xf32, #tpu.memory_space<hbm>> -> memref<1x64xf32, #tpu.memory_space<hbm>>
    %dma_start3A_278 = arith.constant 0 : i32
    %dma_start3A_279 = arith.constant 0 : i32
    %dma_start3A_280 = tpu.memref_slice %arg9[%dma_start3A_270, %dma_start3A_278, %dma_start3A_279] : memref<8x1x64xf32, #tpu.memory_space<vmem>> -> memref<1x1x64xf32, #tpu.memory_space<vmem>>
    %dma_start3A_281 = tpu.memref_squeeze %dma_start3A_280 : memref<1x1x64xf32, #tpu.memory_space<vmem>> -> memref<1x64xf32, #tpu.memory_space<vmem>>
    %dma_start3A_282 = arith.constant 0 : i32
    %dma_start3A_283 = tpu.memref_slice %arg4[%shift_right_arithmetic3A_267, %and3A_269, %dma_start3A_282] : memref<125000x8x64xf32, #tpu.memory_space<hbm>> -> memref<1x1x64xf32, #tpu.memory_space<hbm>>
    %dma_start3A_284 = tpu.memref_squeeze %dma_start3A_283 : memref<1x1x64xf32, #tpu.memory_space<hbm>> -> memref<1x64xf32, #tpu.memory_space<hbm>>
    tpu.enqueue_dma source(%dma_start3A_284 : memref<1x64xf32, #tpu.memory_space<hbm>>) target(%dma_start3A_281 : memref<1x64xf32, #tpu.memory_space<vmem>>) target_semaphore(%arg16 : memref<!tpu.dma_semaphore, #tpu.memory_space<semaphore_mem>>)
    %shift_right_arithmetic3A_285 = arith.constant 3 : i32
    %shift_right_arithmetic3A_286 = arith.shrsi %reduce_sum3A_265, %shift_right_arithmetic3A_285 : i32
    %and3A_287 = arith.constant 7 : i32
    %and3A_288 = arith.andi %reduce_sum3A_265, %and3A_287 : i32
    %dma_start3A_289 = arith.constant 4 : i32
    %dma_start3A_290 = arith.constant 0 : i32
    %dma_start3A_291 = arith.constant 0 : i32
    %dma_start3A_292 = tpu.memref_slice %arg10[%dma_start3A_289, %dma_start3A_290, %dma_start3A_291] : memref<8x1x64xf32, #tpu.memory_space<vmem>> -> memref<1x1x64xf32, #tpu.memory_space<vmem>>
    %dma_start3A_293 = tpu.memref_squeeze %dma_start3A_292 : memref<1x1x64xf32, #tpu.memory_space<vmem>> -> memref<1x64xf32, #tpu.memory_space<vmem>>
    %dma_start3A_294 = arith.constant 0 : i32
    %dma_start3A_295 = tpu.memref_slice %arg5[%shift_right_arithmetic3A_286, %and3A_288, %dma_start3A_294] : memref<125000x8x64xf32, #tpu.memory_space<hbm>> -> memref<1x1x64xf32, #tpu.memory_space<hbm>>
    %dma_start3A_296 = tpu.memref_squeeze %dma_start3A_295 : memref<1x1x64xf32, #tpu.memory_space<hbm>> -> memref<1x64xf32, #tpu.memory_space<hbm>>
    %dma_start3A_297 = arith.constant 0 : i32
    %dma_start3A_298 = arith.constant 0 : i32
    %dma_start3A_299 = tpu.memref_slice %arg10[%dma_start3A_289, %dma_start3A_297, %dma_start3A_298] : memref<8x1x64xf32, #tpu.memory_space<vmem>> -> memref<1x1x64xf32, #tpu.memory_space<vmem>>
    %dma_start3A_300 = tpu.memref_squeeze %dma_start3A_299 : memref<1x1x64xf32, #tpu.memory_space<vmem>> -> memref<1x64xf32, #tpu.memory_space<vmem>>
    %dma_start3A_301 = arith.constant 0 : i32
    %dma_start3A_302 = tpu.memref_slice %arg5[%shift_right_arithmetic3A_286, %and3A_288, %dma_start3A_301] : memref<125000x8x64xf32, #tpu.memory_space<hbm>> -> memref<1x1x64xf32, #tpu.memory_space<hbm>>
    %dma_start3A_303 = tpu.memref_squeeze %dma_start3A_302 : memref<1x1x64xf32, #tpu.memory_space<hbm>> -> memref<1x64xf32, #tpu.memory_space<hbm>>
    tpu.enqueue_dma source(%dma_start3A_303 : memref<1x64xf32, #tpu.memory_space<hbm>>) target(%dma_start3A_300 : memref<1x64xf32, #tpu.memory_space<vmem>>) target_semaphore(%arg24 : memref<!tpu.dma_semaphore, #tpu.memory_space<semaphore_mem>>)
    %get3A_304 = arith.constant 0 : index
    %get3A_305 = tpu.vector_load %arg7[%get3A_304] {strides = array<i32>} : memref<512xi32, #tpu.memory_space<vmem>>, vector<16xi32>,
    %eq3A_306 = arith.constant 5 : i32
    %eq3A_307 = vector.broadcast %eq3A_306 : i32 to vector<16xi32>
    %eq3A_308 = arith.cmpi eq, %iota3A, %eq3A_307 : vector<16xi32>
    %jit3A_309 = arith.constant 0 : i32
    %broadcast_in_dim3A_310 = vector.broadcast %jit3A_309 : i32 to vector<16xi32>
    %select_n3A_311 = arith.select %eq3A_308, %get3A_305, %broadcast_in_dim3A_310 : vector<16xi1>, vector<16xi32>
    %reduce_sum3A_312 = arith.constant true
    %reduce_sum3A_313 = vector.broadcast %reduce_sum3A_312 : i1 to vector<16xi1>
    %reduce_sum3A_314 = tpu.scan <sum>, %select_n3A_311 masked %reduce_sum3A_313 : vector<16xi32>, vector<16xi1> -> vector<16xi32>
    %reduce_sum3A_315 = vector.extract %reduce_sum3A_314[15] : i32 from vector<16xi32>
    %get3A_316 = arith.constant 0 : index
    %get3A_317 = tpu.vector_load %arg8[%get3A_316] {strides = array<i32>} : memref<512xi32, #tpu.memory_space<vmem>>, vector<16xi32>,
    %eq3A_318 = arith.constant 5 : i32
    %eq3A_319 = vector.broadcast %eq3A_318 : i32 to vector<16xi32>
    %eq3A_320 = arith.cmpi eq, %iota3A, %eq3A_319 : vector<16xi32>
    %jit3A_321 = arith.constant 0 : i32
    %broadcast_in_dim3A_322 = vector.broadcast %jit3A_321 : i32 to vector<16xi32>
    %select_n3A_323 = arith.select %eq3A_320, %get3A_317, %broadcast_in_dim3A_322 : vector<16xi1>, vector<16xi32>
    %reduce_sum3A_324 = arith.constant true
    %reduce_sum3A_325 = vector.broadcast %reduce_sum3A_324 : i1 to vector<16xi1>
    %reduce_sum3A_326 = tpu.scan <sum>, %select_n3A_323 masked %reduce_sum3A_325 : vector<16xi32>, vector<16xi1> -> vector<16xi32>
    %reduce_sum3A_327 = vector.extract %reduce_sum3A_326[15] : i32 from vector<16xi32>
    %shift_right_arithmetic3A_328 = arith.constant 3 : i32
    %shift_right_arithmetic3A_329 = arith.shrsi %reduce_sum3A_315, %shift_right_arithmetic3A_328 : i32
    %and3A_330 = arith.constant 7 : i32
    %and3A_331 = arith.andi %reduce_sum3A_315, %and3A_330 : i32
    %dma_start3A_332 = arith.constant 5 : i32
    %dma_start3A_333 = arith.constant 0 : i32
    %dma_start3A_334 = arith.constant 0 : i32
    %dma_start3A_335 = tpu.memref_slice %arg9[%dma_start3A_332, %dma_start3A_333, %dma_start3A_334] : memref<8x1x64xf32, #tpu.memory_space<vmem>> -> memref<1x1x64xf32, #tpu.memory_space<vmem>>
    %dma_start3A_336 = tpu.memref_squeeze %dma_start3A_335 : memref<1x1x64xf32, #tpu.memory_space<vmem>> -> memref<1x64xf32, #tpu.memory_space<vmem>>
    %dma_start3A_337 = arith.constant 0 : i32
    %dma_start3A_338 = tpu.memref_slice %arg4[%shift_right_arithmetic3A_329, %and3A_331, %dma_start3A_337] : memref<125000x8x64xf32, #tpu.memory_space<hbm>> -> memref<1x1x64xf32, #tpu.memory_space<hbm>>
    %dma_start3A_339 = tpu.memref_squeeze %dma_start3A_338 : memref<1x1x64xf32, #tpu.memory_space<hbm>> -> memref<1x64xf32, #tpu.memory_space<hbm>>
    %dma_start3A_340 = arith.constant 0 : i32
    %dma_start3A_341 = arith.constant 0 : i32
    %dma_start3A_342 = tpu.memref_slice %arg9[%dma_start3A_332, %dma_start3A_340, %dma_start3A_341] : memref<8x1x64xf32, #tpu.memory_space<vmem>> -> memref<1x1x64xf32, #tpu.memory_space<vmem>>
    %dma_start3A_343 = tpu.memref_squeeze %dma_start3A_342 : memref<1x1x64xf32, #tpu.memory_space<vmem>> -> memref<1x64xf32, #tpu.memory_space<vmem>>
    %dma_start3A_344 = arith.constant 0 : i32
    %dma_start3A_345 = tpu.memref_slice %arg4[%shift_right_arithmetic3A_329, %and3A_331, %dma_start3A_344] : memref<125000x8x64xf32, #tpu.memory_space<hbm>> -> memref<1x1x64xf32, #tpu.memory_space<hbm>>
    %dma_start3A_346 = tpu.memref_squeeze %dma_start3A_345 : memref<1x1x64xf32, #tpu.memory_space<hbm>> -> memref<1x64xf32, #tpu.memory_space<hbm>>
    tpu.enqueue_dma source(%dma_start3A_346 : memref<1x64xf32, #tpu.memory_space<hbm>>) target(%dma_start3A_343 : memref<1x64xf32, #tpu.memory_space<vmem>>) target_semaphore(%arg17 : memref<!tpu.dma_semaphore, #tpu.memory_space<semaphore_mem>>)
    %shift_right_arithmetic3A_347 = arith.constant 3 : i32
    %shift_right_arithmetic3A_348 = arith.shrsi %reduce_sum3A_327, %shift_right_arithmetic3A_347 : i32
    %and3A_349 = arith.constant 7 : i32
    %and3A_350 = arith.andi %reduce_sum3A_327, %and3A_349 : i32
    %dma_start3A_351 = arith.constant 5 : i32
    %dma_start3A_352 = arith.constant 0 : i32
    %dma_start3A_353 = arith.constant 0 : i32
    %dma_start3A_354 = tpu.memref_slice %arg10[%dma_start3A_351, %dma_start3A_352, %dma_start3A_353] : memref<8x1x64xf32, #tpu.memory_space<vmem>> -> memref<1x1x64xf32, #tpu.memory_space<vmem>>
    %dma_start3A_355 = tpu.memref_squeeze %dma_start3A_354 : memref<1x1x64xf32, #tpu.memory_space<vmem>> -> memref<1x64xf32, #tpu.memory_space<vmem>>
    %dma_start3A_356 = arith.constant 0 : i32
    %dma_start3A_357 = tpu.memref_slice %arg5[%shift_right_arithmetic3A_348, %and3A_350, %dma_start3A_356] : memref<125000x8x64xf32, #tpu.memory_space<hbm>> -> memref<1x1x64xf32, #tpu.memory_space<hbm>>
    %dma_start3A_358 = tpu.memref_squeeze %dma_start3A_357 : memref<1x1x64xf32, #tpu.memory_space<hbm>> -> memref<1x64xf32, #tpu.memory_space<hbm>>
    %dma_start3A_359 = arith.constant 0 : i32
    %dma_start3A_360 = arith.constant 0 : i32
    %dma_start3A_361 = tpu.memref_slice %arg10[%dma_start3A_351, %dma_start3A_359, %dma_start3A_360] : memref<8x1x64xf32, #tpu.memory_space<vmem>> -> memref<1x1x64xf32, #tpu.memory_space<vmem>>
    %dma_start3A_362 = tpu.memref_squeeze %dma_start3A_361 : memref<1x1x64xf32, #tpu.memory_space<vmem>> -> memref<1x64xf32, #tpu.memory_space<vmem>>
    %dma_start3A_363 = arith.constant 0 : i32
    %dma_start3A_364 = tpu.memref_slice %arg5[%shift_right_arithmetic3A_348, %and3A_350, %dma_start3A_363] : memref<125000x8x64xf32, #tpu.memory_space<hbm>> -> memref<1x1x64xf32, #tpu.memory_space<hbm>>
    %dma_start3A_365 = tpu.memref_squeeze %dma_start3A_364 : memref<1x1x64xf32, #tpu.memory_space<hbm>> -> memref<1x64xf32, #tpu.memory_space<hbm>>
    tpu.enqueue_dma source(%dma_start3A_365 : memref<1x64xf32, #tpu.memory_space<hbm>>) target(%dma_start3A_362 : memref<1x64xf32, #tpu.memory_space<vmem>>) target_semaphore(%arg25 : memref<!tpu.dma_semaphore, #tpu.memory_space<semaphore_mem>>)
    %get3A_366 = arith.constant 0 : index
    %get3A_367 = tpu.vector_load %arg7[%get3A_366] {strides = array<i32>} : memref<512xi32, #tpu.memory_space<vmem>>, vector<16xi32>,
    %eq3A_368 = arith.constant 6 : i32
    %eq3A_369 = vector.broadcast %eq3A_368 : i32 to vector<16xi32>
    %eq3A_370 = arith.cmpi eq, %iota3A, %eq3A_369 : vector<16xi32>
    %jit3A_371 = arith.constant 0 : i32
    %broadcast_in_dim3A_372 = vector.broadcast %jit3A_371 : i32 to vector<16xi32>
    %select_n3A_373 = arith.select %eq3A_370, %get3A_367, %broadcast_in_dim3A_372 : vector<16xi1>, vector<16xi32>
    %reduce_sum3A_374 = arith.constant true
    %reduce_sum3A_375 = vector.broadcast %reduce_sum3A_374 : i1 to vector<16xi1>
    %reduce_sum3A_376 = tpu.scan <sum>, %select_n3A_373 masked %reduce_sum3A_375 : vector<16xi32>, vector<16xi1> -> vector<16xi32>
    %reduce_sum3A_377 = vector.extract %reduce_sum3A_376[15] : i32 from vector<16xi32>
    %get3A_378 = arith.constant 0 : index
    %get3A_379 = tpu.vector_load %arg8[%get3A_378] {strides = array<i32>} : memref<512xi32, #tpu.memory_space<vmem>>, vector<16xi32>,
    %eq3A_380 = arith.constant 6 : i32
    %eq3A_381 = vector.broadcast %eq3A_380 : i32 to vector<16xi32>
    %eq3A_382 = arith.cmpi eq, %iota3A, %eq3A_381 : vector<16xi32>
    %jit3A_383 = arith.constant 0 : i32
    %broadcast_in_dim3A_384 = vector.broadcast %jit3A_383 : i32 to vector<16xi32>
    %select_n3A_385 = arith.select %eq3A_382, %get3A_379, %broadcast_in_dim3A_384 : vector<16xi1>, vector<16xi32>
    %reduce_sum3A_386 = arith.constant true
    %reduce_sum3A_387 = vector.broadcast %reduce_sum3A_386 : i1 to vector<16xi1>
    %reduce_sum3A_388 = tpu.scan <sum>, %select_n3A_385 masked %reduce_sum3A_387 : vector<16xi32>, vector<16xi1> -> vector<16xi32>
    %reduce_sum3A_389 = vector.extract %reduce_sum3A_388[15] : i32 from vector<16xi32>
    %shift_right_arithmetic3A_390 = arith.constant 3 : i32
    %shift_right_arithmetic3A_391 = arith.shrsi %reduce_sum3A_377, %shift_right_arithmetic3A_390 : i32
    %and3A_392 = arith.constant 7 : i32
    %and3A_393 = arith.andi %reduce_sum3A_377, %and3A_392 : i32
    %dma_start3A_394 = arith.constant 6 : i32
    %dma_start3A_395 = arith.constant 0 : i32
    %dma_start3A_396 = arith.constant 0 : i32
    %dma_start3A_397 = tpu.memref_slice %arg9[%dma_start3A_394, %dma_start3A_395, %dma_start3A_396] : memref<8x1x64xf32, #tpu.memory_space<vmem>> -> memref<1x1x64xf32, #tpu.memory_space<vmem>>
    %dma_start3A_398 = tpu.memref_squeeze %dma_start3A_397 : memref<1x1x64xf32, #tpu.memory_space<vmem>> -> memref<1x64xf32, #tpu.memory_space<vmem>>
    %dma_start3A_399 = arith.constant 0 : i32
    %dma_start3A_400 = tpu.memref_slice %arg4[%shift_right_arithmetic3A_391, %and3A_393, %dma_start3A_399] : memref<125000x8x64xf32, #tpu.memory_space<hbm>> -> memref<1x1x64xf32, #tpu.memory_space<hbm>>
    %dma_start3A_401 = tpu.memref_squeeze %dma_start3A_400 : memref<1x1x64xf32, #tpu.memory_space<hbm>> -> memref<1x64xf32, #tpu.memory_space<hbm>>
    %dma_start3A_402 = arith.constant 0 : i32
    %dma_start3A_403 = arith.constant 0 : i32
    %dma_start3A_404 = tpu.memref_slice %arg9[%dma_start3A_394, %dma_start3A_402, %dma_start3A_403] : memref<8x1x64xf32, #tpu.memory_space<vmem>> -> memref<1x1x64xf32, #tpu.memory_space<vmem>>
    %dma_start3A_405 = tpu.memref_squeeze %dma_start3A_404 : memref<1x1x64xf32, #tpu.memory_space<vmem>> -> memref<1x64xf32, #tpu.memory_space<vmem>>
    %dma_start3A_406 = arith.constant 0 : i32
    %dma_start3A_407 = tpu.memref_slice %arg4[%shift_right_arithmetic3A_391, %and3A_393, %dma_start3A_406] : memref<125000x8x64xf32, #tpu.memory_space<hbm>> -> memref<1x1x64xf32, #tpu.memory_space<hbm>>
    %dma_start3A_408 = tpu.memref_squeeze %dma_start3A_407 : memref<1x1x64xf32, #tpu.memory_space<hbm>> -> memref<1x64xf32, #tpu.memory_space<hbm>>
    tpu.enqueue_dma source(%dma_start3A_408 : memref<1x64xf32, #tpu.memory_space<hbm>>) target(%dma_start3A_405 : memref<1x64xf32, #tpu.memory_space<vmem>>) target_semaphore(%arg18 : memref<!tpu.dma_semaphore, #tpu.memory_space<semaphore_mem>>)
    %shift_right_arithmetic3A_409 = arith.constant 3 : i32
    %shift_right_arithmetic3A_410 = arith.shrsi %reduce_sum3A_389, %shift_right_arithmetic3A_409 : i32
    %and3A_411 = arith.constant 7 : i32
    %and3A_412 = arith.andi %reduce_sum3A_389, %and3A_411 : i32
    %dma_start3A_413 = arith.constant 6 : i32
    %dma_start3A_414 = arith.constant 0 : i32
    %dma_start3A_415 = arith.constant 0 : i32
    %dma_start3A_416 = tpu.memref_slice %arg10[%dma_start3A_413, %dma_start3A_414, %dma_start3A_415] : memref<8x1x64xf32, #tpu.memory_space<vmem>> -> memref<1x1x64xf32, #tpu.memory_space<vmem>>
    %dma_start3A_417 = tpu.memref_squeeze %dma_start3A_416 : memref<1x1x64xf32, #tpu.memory_space<vmem>> -> memref<1x64xf32, #tpu.memory_space<vmem>>
    %dma_start3A_418 = arith.constant 0 : i32
    %dma_start3A_419 = tpu.memref_slice %arg5[%shift_right_arithmetic3A_410, %and3A_412, %dma_start3A_418] : memref<125000x8x64xf32, #tpu.memory_space<hbm>> -> memref<1x1x64xf32, #tpu.memory_space<hbm>>
    %dma_start3A_420 = tpu.memref_squeeze %dma_start3A_419 : memref<1x1x64xf32, #tpu.memory_space<hbm>> -> memref<1x64xf32, #tpu.memory_space<hbm>>
    %dma_start3A_421 = arith.constant 0 : i32
    %dma_start3A_422 = arith.constant 0 : i32
    %dma_start3A_423 = tpu.memref_slice %arg10[%dma_start3A_413, %dma_start3A_421, %dma_start3A_422] : memref<8x1x64xf32, #tpu.memory_space<vmem>> -> memref<1x1x64xf32, #tpu.memory_space<vmem>>
    %dma_start3A_424 = tpu.memref_squeeze %dma_start3A_423 : memref<1x1x64xf32, #tpu.memory_space<vmem>> -> memref<1x64xf32, #tpu.memory_space<vmem>>
    %dma_start3A_425 = arith.constant 0 : i32
    %dma_start3A_426 = tpu.memref_slice %arg5[%shift_right_arithmetic3A_410, %and3A_412, %dma_start3A_425] : memref<125000x8x64xf32, #tpu.memory_space<hbm>> -> memref<1x1x64xf32, #tpu.memory_space<hbm>>
    %dma_start3A_427 = tpu.memref_squeeze %dma_start3A_426 : memref<1x1x64xf32, #tpu.memory_space<hbm>> -> memref<1x64xf32, #tpu.memory_space<hbm>>
    tpu.enqueue_dma source(%dma_start3A_427 : memref<1x64xf32, #tpu.memory_space<hbm>>) target(%dma_start3A_424 : memref<1x64xf32, #tpu.memory_space<vmem>>) target_semaphore(%arg26 : memref<!tpu.dma_semaphore, #tpu.memory_space<semaphore_mem>>)
    %get3A_428 = arith.constant 0 : index
    %get3A_429 = tpu.vector_load %arg7[%get3A_428] {strides = array<i32>} : memref<512xi32, #tpu.memory_space<vmem>>, vector<16xi32>,
    %eq3A_430 = arith.constant 7 : i32
    %eq3A_431 = vector.broadcast %eq3A_430 : i32 to vector<16xi32>
    %eq3A_432 = arith.cmpi eq, %iota3A, %eq3A_431 : vector<16xi32>
    %jit3A_433 = arith.constant 0 : i32
    %broadcast_in_dim3A_434 = vector.broadcast %jit3A_433 : i32 to vector<16xi32>
    %select_n3A_435 = arith.select %eq3A_432, %get3A_429, %broadcast_in_dim3A_434 : vector<16xi1>, vector<16xi32>
    %reduce_sum3A_436 = arith.constant true
    %reduce_sum3A_437 = vector.broadcast %reduce_sum3A_436 : i1 to vector<16xi1>
    %reduce_sum3A_438 = tpu.scan <sum>, %select_n3A_435 masked %reduce_sum3A_437 : vector<16xi32>, vector<16xi1> -> vector<16xi32>
    %reduce_sum3A_439 = vector.extract %reduce_sum3A_438[15] : i32 from vector<16xi32>
    %get3A_440 = arith.constant 0 : index
    %get3A_441 = tpu.vector_load %arg8[%get3A_440] {strides = array<i32>} : memref<512xi32, #tpu.memory_space<vmem>>, vector<16xi32>,
    %eq3A_442 = arith.constant 7 : i32
    %eq3A_443 = vector.broadcast %eq3A_442 : i32 to vector<16xi32>
    %eq3A_444 = arith.cmpi eq, %iota3A, %eq3A_443 : vector<16xi32>
    %jit3A_445 = arith.constant 0 : i32
    %broadcast_in_dim3A_446 = vector.broadcast %jit3A_445 : i32 to vector<16xi32>
    %select_n3A_447 = arith.select %eq3A_444, %get3A_441, %broadcast_in_dim3A_446 : vector<16xi1>, vector<16xi32>
    %reduce_sum3A_448 = arith.constant true
    %reduce_sum3A_449 = vector.broadcast %reduce_sum3A_448 : i1 to vector<16xi1>
    %reduce_sum3A_450 = tpu.scan <sum>, %select_n3A_447 masked %reduce_sum3A_449 : vector<16xi32>, vector<16xi1> -> vector<16xi32>
    %reduce_sum3A_451 = vector.extract %reduce_sum3A_450[15] : i32 from vector<16xi32>
    %shift_right_arithmetic3A_452 = arith.constant 3 : i32
    %shift_right_arithmetic3A_453 = arith.shrsi %reduce_sum3A_439, %shift_right_arithmetic3A_452 : i32
    %and3A_454 = arith.constant 7 : i32
    %and3A_455 = arith.andi %reduce_sum3A_439, %and3A_454 : i32
    %dma_start3A_456 = arith.constant 7 : i32
    %dma_start3A_457 = arith.constant 0 : i32
    %dma_start3A_458 = arith.constant 0 : i32
    %dma_start3A_459 = tpu.memref_slice %arg9[%dma_start3A_456, %dma_start3A_457, %dma_start3A_458] : memref<8x1x64xf32, #tpu.memory_space<vmem>> -> memref<1x1x64xf32, #tpu.memory_space<vmem>>
    %dma_start3A_460 = tpu.memref_squeeze %dma_start3A_459 : memref<1x1x64xf32, #tpu.memory_space<vmem>> -> memref<1x64xf32, #tpu.memory_space<vmem>>
    %dma_start3A_461 = arith.constant 0 : i32
    %dma_start3A_462 = tpu.memref_slice %arg4[%shift_right_arithmetic3A_453, %and3A_455, %dma_start3A_461] : memref<125000x8x64xf32, #tpu.memory_space<hbm>> -> memref<1x1x64xf32, #tpu.memory_space<hbm>>
    %dma_start3A_463 = tpu.memref_squeeze %dma_start3A_462 : memref<1x1x64xf32, #tpu.memory_space<hbm>> -> memref<1x64xf32, #tpu.memory_space<hbm>>
    %dma_start3A_464 = arith.constant 0 : i32
    %dma_start3A_465 = arith.constant 0 : i32
    %dma_start3A_466 = tpu.memref_slice %arg9[%dma_start3A_456, %dma_start3A_464, %dma_start3A_465] : memref<8x1x64xf32, #tpu.memory_space<vmem>> -> memref<1x1x64xf32, #tpu.memory_space<vmem>>
    %dma_start3A_467 = tpu.memref_squeeze %dma_start3A_466 : memref<1x1x64xf32, #tpu.memory_space<vmem>> -> memref<1x64xf32, #tpu.memory_space<vmem>>
    %dma_start3A_468 = arith.constant 0 : i32
    %dma_start3A_469 = tpu.memref_slice %arg4[%shift_right_arithmetic3A_453, %and3A_455, %dma_start3A_468] : memref<125000x8x64xf32, #tpu.memory_space<hbm>> -> memref<1x1x64xf32, #tpu.memory_space<hbm>>
    %dma_start3A_470 = tpu.memref_squeeze %dma_start3A_469 : memref<1x1x64xf32, #tpu.memory_space<hbm>> -> memref<1x64xf32, #tpu.memory_space<hbm>>
    tpu.enqueue_dma source(%dma_start3A_470 : memref<1x64xf32, #tpu.memory_space<hbm>>) target(%dma_start3A_467 : memref<1x64xf32, #tpu.memory_space<vmem>>) target_semaphore(%arg19 : memref<!tpu.dma_semaphore, #tpu.memory_space<semaphore_mem>>)
    %shift_right_arithmetic3A_471 = arith.constant 3 : i32
    %shift_right_arithmetic3A_472 = arith.shrsi %reduce_sum3A_451, %shift_right_arithmetic3A_471 : i32
    %and3A_473 = arith.constant 7 : i32
    %and3A_474 = arith.andi %reduce_sum3A_451, %and3A_473 : i32
    %dma_start3A_475 = arith.constant 7 : i32
    %dma_start3A_476 = arith.constant 0 : i32
    %dma_start3A_477 = arith.constant 0 : i32
    %dma_start3A_478 = tpu.memref_slice %arg10[%dma_start3A_475, %dma_start3A_476, %dma_start3A_477] : memref<8x1x64xf32, #tpu.memory_space<vmem>> -> memref<1x1x64xf32, #tpu.memory_space<vmem>>
    %dma_start3A_479 = tpu.memref_squeeze %dma_start3A_478 : memref<1x1x64xf32, #tpu.memory_space<vmem>> -> memref<1x64xf32, #tpu.memory_space<vmem>>
    %dma_start3A_480 = arith.constant 0 : i32
    %dma_start3A_481 = tpu.memref_slice %arg5[%shift_right_arithmetic3A_472, %and3A_474, %dma_start3A_480] : memref<125000x8x64xf32, #tpu.memory_space<hbm>> -> memref<1x1x64xf32, #tpu.memory_space<hbm>>
    %dma_start3A_482 = tpu.memref_squeeze %dma_start3A_481 : memref<1x1x64xf32, #tpu.memory_space<hbm>> -> memref<1x64xf32, #tpu.memory_space<hbm>>
    %dma_start3A_483 = arith.constant 0 : i32
    %dma_start3A_484 = arith.constant 0 : i32
    %dma_start3A_485 = tpu.memref_slice %arg10[%dma_start3A_475, %dma_start3A_483, %dma_start3A_484] : memref<8x1x64xf32, #tpu.memory_space<vmem>> -> memref<1x1x64xf32, #tpu.memory_space<vmem>>
    %dma_start3A_486 = tpu.memref_squeeze %dma_start3A_485 : memref<1x1x64xf32, #tpu.memory_space<vmem>> -> memref<1x64xf32, #tpu.memory_space<vmem>>
    %dma_start3A_487 = arith.constant 0 : i32
    %dma_start3A_488 = tpu.memref_slice %arg5[%shift_right_arithmetic3A_472, %and3A_474, %dma_start3A_487] : memref<125000x8x64xf32, #tpu.memory_space<hbm>> -> memref<1x1x64xf32, #tpu.memory_space<hbm>>
    %dma_start3A_489 = tpu.memref_squeeze %dma_start3A_488 : memref<1x1x64xf32, #tpu.memory_space<hbm>> -> memref<1x64xf32, #tpu.memory_space<hbm>>
    tpu.enqueue_dma source(%dma_start3A_489 : memref<1x64xf32, #tpu.memory_space<hbm>>) target(%dma_start3A_486 : memref<1x64xf32, #tpu.memory_space<vmem>>) target_semaphore(%arg27 : memref<!tpu.dma_semaphore, #tpu.memory_space<semaphore_mem>>)
    %scan3A = arith.constant 0 : i32
    %scan3A_490 = arith.constant 0 : i32
    %scan3A_491 = arith.constant 32 : i32
    %scan3A_492 = arith.addi %scan3A_490, %scan3A_491 : i32
    %scan3A_493 = arith.constant 1 : i32
    scf.for %scan3A_495 = %scan3A_490 to %scan3A_492 step %scan3A_493  : i32 {
      %broadcast_in_dim3A_496 = arith.constant 0.000000e+00 : f32
      %broadcast_in_dim3A_497 = vector.broadcast %broadcast_in_dim3A_496 : f32 to vector<16xf32>
      %dma_wait3A = arith.constant 0 : i32
      %dma_wait3A_498 = arith.constant 0 : i32
      %dma_wait3A_499 = arith.constant 0 : i32
      %dma_wait3A_500 = arith.constant 0 : i32
      %dma_wait3A_501 = tpu.memref_slice %arg9[%dma_wait3A_498, %dma_wait3A_499, %dma_wait3A_500] : memref<8x1x64xf32, #tpu.memory_space<vmem>> -> memref<1x1x64xf32, #tpu.memory_space<vmem>>
      %dma_wait3A_502 = tpu.memref_squeeze %dma_wait3A_501 : memref<1x1x64xf32, #tpu.memory_space<vmem>> -> memref<1x64xf32, #tpu.memory_space<vmem>>
      %dma_wait3A_503 = arith.constant 0 : i32
      %dma_wait3A_504 = arith.constant 0 : i32
      %dma_wait3A_505 = tpu.memref_slice %arg4[%dma_wait3A, %dma_wait3A_503, %dma_wait3A_504] : memref<125000x8x64xf32, #tpu.memory_space<hbm>> -> memref<1x1x64xf32, #tpu.memory_space<hbm>>
      %dma_wait3A_506 = tpu.memref_squeeze %dma_wait3A_505 : memref<1x1x64xf32, #tpu.memory_space<hbm>> -> memref<1x64xf32, #tpu.memory_space<hbm>>
      %dma_wait3A_507 = arith.constant 0 : i32
      %dma_wait3A_508 = arith.constant 0 : i32
      %dma_wait3A_509 = tpu.memref_slice %arg9[%dma_wait3A_498, %dma_wait3A_507, %dma_wait3A_508] : memref<8x1x64xf32, #tpu.memory_space<vmem>> -> memref<1x1x64xf32, #tpu.memory_space<vmem>>
      %dma_wait3A_510 = tpu.memref_squeeze %dma_wait3A_509 : memref<1x1x64xf32, #tpu.memory_space<vmem>> -> memref<1x64xf32, #tpu.memory_space<vmem>>
      %dma_wait3A_511 = arith.constant 0 : i32
      %dma_wait3A_512 = arith.constant 0 : i32
      %dma_wait3A_513 = tpu.memref_slice %arg4[%dma_wait3A, %dma_wait3A_511, %dma_wait3A_512] : memref<125000x8x64xf32, #tpu.memory_space<hbm>> -> memref<1x1x64xf32, #tpu.memory_space<hbm>>
      %dma_wait3A_514 = tpu.memref_squeeze %dma_wait3A_513 : memref<1x1x64xf32, #tpu.memory_space<hbm>> -> memref<1x64xf32, #tpu.memory_space<hbm>>
      tpu.wait_dma2 semaphore(%arg12 : memref<!tpu.dma_semaphore, #tpu.memory_space<semaphore_mem>>) src(%dma_wait3A_514 : memref<1x64xf32, #tpu.memory_space<hbm>>) dst(%dma_wait3A_510 : memref<1x64xf32, #tpu.memory_space<vmem>>)
      %dma_wait3A_515 = arith.constant 0 : i32
      %dma_wait3A_516 = arith.constant 0 : i32
      %dma_wait3A_517 = arith.constant 0 : i32
      %dma_wait3A_518 = arith.constant 0 : i32
      %dma_wait3A_519 = tpu.memref_slice %arg10[%dma_wait3A_516, %dma_wait3A_517, %dma_wait3A_518] : memref<8x1x64xf32, #tpu.memory_space<vmem>> -> memref<1x1x64xf32, #tpu.memory_space<vmem>>
      %dma_wait3A_520 = tpu.memref_squeeze %dma_wait3A_519 : memref<1x1x64xf32, #tpu.memory_space<vmem>> -> memref<1x64xf32, #tpu.memory_space<vmem>>
      %dma_wait3A_521 = arith.constant 0 : i32
      %dma_wait3A_522 = arith.constant 0 : i32
      %dma_wait3A_523 = tpu.memref_slice %arg5[%dma_wait3A_515, %dma_wait3A_521, %dma_wait3A_522] : memref<125000x8x64xf32, #tpu.memory_space<hbm>> -> memref<1x1x64xf32, #tpu.memory_space<hbm>>
      %dma_wait3A_524 = tpu.memref_squeeze %dma_wait3A_523 : memref<1x1x64xf32, #tpu.memory_space<hbm>> -> memref<1x64xf32, #tpu.memory_space<hbm>>
      %dma_wait3A_525 = arith.constant 0 : i32
      %dma_wait3A_526 = arith.constant 0 : i32
      %dma_wait3A_527 = tpu.memref_slice %arg10[%dma_wait3A_516, %dma_wait3A_525, %dma_wait3A_526] : memref<8x1x64xf32, #tpu.memory_space<vmem>> -> memref<1x1x64xf32, #tpu.memory_space<vmem>>
      %dma_wait3A_528 = tpu.memref_squeeze %dma_wait3A_527 : memref<1x1x64xf32, #tpu.memory_space<vmem>> -> memref<1x64xf32, #tpu.memory_space<vmem>>
      %dma_wait3A_529 = arith.constant 0 : i32
      %dma_wait3A_530 = arith.constant 0 : i32
      %dma_wait3A_531 = tpu.memref_slice %arg5[%dma_wait3A_515, %dma_wait3A_529, %dma_wait3A_530] : memref<125000x8x64xf32, #tpu.memory_space<hbm>> -> memref<1x1x64xf32, #tpu.memory_space<hbm>>
      %dma_wait3A_532 = tpu.memref_squeeze %dma_wait3A_531 : memref<1x1x64xf32, #tpu.memory_space<hbm>> -> memref<1x64xf32, #tpu.memory_space<hbm>>
      tpu.wait_dma2 semaphore(%arg20 : memref<!tpu.dma_semaphore, #tpu.memory_space<semaphore_mem>>) src(%dma_wait3A_532 : memref<1x64xf32, #tpu.memory_space<hbm>>) dst(%dma_wait3A_528 : memref<1x64xf32, #tpu.memory_space<vmem>>)
      %get3A_533 = arith.constant 0 : i32
      %get3A_534 = arith.constant 0 : i32
      %get3A_535 = arith.index_cast %get3A_533 : i32 to index
      %get3A_536 = arith.index_cast %get3A_534 : i32 to index
      %get3A_537 = arith.constant 0 : index
      %get3A_538 = tpu.vector_load %arg9[%get3A_535, %get3A_536, %get3A_537] {strides = array<i32>} : memref<8x1x64xf32, #tpu.memory_space<vmem>>, vector<16xf32>,
      %get3A_539 = arith.constant 0 : i32
      %get3A_540 = arith.constant 0 : i32
      %get3A_541 = arith.index_cast %get3A_539 : i32 to index
      %get3A_542 = arith.index_cast %get3A_540 : i32 to index
      %get3A_543 = arith.constant 0 : index
      %get3A_544 = tpu.vector_load %arg10[%get3A_541, %get3A_542, %get3A_543] {strides = array<i32>} : memref<8x1x64xf32, #tpu.memory_space<vmem>>, vector<16xf32>,
      %mul3A_545 = arith.mulf %get3A_538, %get3A_544 : vector<16xf32>
      %get3A_546 = arith.constant 0 : i32
      %get3A_547 = arith.constant 0 : i32
      %get3A_548 = arith.index_cast %get3A_546 : i32 to index
      %get3A_549 = arith.index_cast %get3A_547 : i32 to index
      %get3A_550 = arith.constant 16 : index
      %get3A_551 = tpu.vector_load %arg9[%get3A_548, %get3A_549, %get3A_550] {strides = array<i32>} : memref<8x1x64xf32, #tpu.memory_space<vmem>>, vector<16xf32>,
      %get3A_552 = arith.constant 0 : i32
      %get3A_553 = arith.constant 0 : i32
      %get3A_554 = arith.index_cast %get3A_552 : i32 to index
      %get3A_555 = arith.index_cast %get3A_553 : i32 to index
      %get3A_556 = arith.constant 16 : index
      %get3A_557 = tpu.vector_load %arg10[%get3A_554, %get3A_555, %get3A_556] {strides = array<i32>} : memref<8x1x64xf32, #tpu.memory_space<vmem>>, vector<16xf32>,
      %mul3A_558 = arith.mulf %get3A_551, %get3A_557 : vector<16xf32>
      %add3A_559 = arith.addf %mul3A_545, %mul3A_558 : vector<16xf32>
      %get3A_560 = arith.constant 0 : i32
      %get3A_561 = arith.constant 0 : i32
      %get3A_562 = arith.index_cast %get3A_560 : i32 to index
      %get3A_563 = arith.index_cast %get3A_561 : i32 to index
      %get3A_564 = arith.constant 32 : index
      %get3A_565 = tpu.vector_load %arg9[%get3A_562, %get3A_563, %get3A_564] {strides = array<i32>} : memref<8x1x64xf32, #tpu.memory_space<vmem>>, vector<16xf32>,
      %get3A_566 = arith.constant 0 : i32
      %get3A_567 = arith.constant 0 : i32
      %get3A_568 = arith.index_cast %get3A_566 : i32 to index
      %get3A_569 = arith.index_cast %get3A_567 : i32 to index
      %get3A_570 = arith.constant 32 : index
      %get3A_571 = tpu.vector_load %arg10[%get3A_568, %get3A_569, %get3A_570] {strides = array<i32>} : memref<8x1x64xf32, #tpu.memory_space<vmem>>, vector<16xf32>,
      %mul3A_572 = arith.mulf %get3A_565, %get3A_571 : vector<16xf32>
      %add3A_573 = arith.addf %add3A_559, %mul3A_572 : vector<16xf32>
      %get3A_574 = arith.constant 0 : i32
      %get3A_575 = arith.constant 0 : i32
      %get3A_576 = arith.index_cast %get3A_574 : i32 to index
      %get3A_577 = arith.index_cast %get3A_575 : i32 to index
      %get3A_578 = arith.constant 48 : index
      %get3A_579 = tpu.vector_load %arg9[%get3A_576, %get3A_577, %get3A_578] {strides = array<i32>} : memref<8x1x64xf32, #tpu.memory_space<vmem>>, vector<16xf32>,
      %get3A_580 = arith.constant 0 : i32
      %get3A_581 = arith.constant 0 : i32
      %get3A_582 = arith.index_cast %get3A_580 : i32 to index
      %get3A_583 = arith.index_cast %get3A_581 : i32 to index
      %get3A_584 = arith.constant 48 : index
      %get3A_585 = tpu.vector_load %arg10[%get3A_582, %get3A_583, %get3A_584] {strides = array<i32>} : memref<8x1x64xf32, #tpu.memory_space<vmem>>, vector<16xf32>,
      %mul3A_586 = arith.mulf %get3A_579, %get3A_585 : vector<16xf32>
      %add3A_587 = arith.addf %add3A_573, %mul3A_586 : vector<16xf32>
      %xor3A = arith.constant 8 : i32
      %xor3A_588 = vector.broadcast %xor3A : i32 to vector<16xi32>
      %xor3A_589 = arith.xori %iota3A, %xor3A_588 : vector<16xi32>
      %broadcast_in_dim3A_590 = vector.shape_cast %xor3A_589 : vector<16xi32> to vector<16x1xi32>
      %gather3A = vector.shape_cast %broadcast_in_dim3A_590 : vector<16x1xi32> to vector<16xi32>
      %gather3A_591 = tpu.dynamic_gather %add3A_587[%gather3A] in [0] : vector<16xf32>, vector<16xi32> -> vector<16xf32>
      %add3A_592 = arith.addf %add3A_587, %gather3A_591 : vector<16xf32>
      %xor3A_593 = arith.constant 4 : i32
      %xor3A_594 = vector.broadcast %xor3A_593 : i32 to vector<16xi32>
      %xor3A_595 = arith.xori %iota3A, %xor3A_594 : vector<16xi32>
      %broadcast_in_dim3A_596 = vector.shape_cast %xor3A_595 : vector<16xi32> to vector<16x1xi32>
      %gather3A_597 = vector.shape_cast %broadcast_in_dim3A_596 : vector<16x1xi32> to vector<16xi32>
      %gather3A_598 = tpu.dynamic_gather %add3A_592[%gather3A_597] in [0] : vector<16xf32>, vector<16xi32> -> vector<16xf32>
      %add3A_599 = arith.addf %add3A_592, %gather3A_598 : vector<16xf32>
      %xor3A_600 = arith.constant 2 : i32
      %xor3A_601 = vector.broadcast %xor3A_600 : i32 to vector<16xi32>
      %xor3A_602 = arith.xori %iota3A, %xor3A_601 : vector<16xi32>
      %broadcast_in_dim3A_603 = vector.shape_cast %xor3A_602 : vector<16xi32> to vector<16x1xi32>
      %gather3A_604 = vector.shape_cast %broadcast_in_dim3A_603 : vector<16x1xi32> to vector<16xi32>
      %gather3A_605 = tpu.dynamic_gather %add3A_599[%gather3A_604] in [0] : vector<16xf32>, vector<16xi32> -> vector<16xf32>
      %add3A_606 = arith.addf %add3A_599, %gather3A_605 : vector<16xf32>
      %xor3A_607 = arith.constant 1 : i32
      %xor3A_608 = vector.broadcast %xor3A_607 : i32 to vector<16xi32>
      %xor3A_609 = arith.xori %iota3A, %xor3A_608 : vector<16xi32>
      %broadcast_in_dim3A_610 = vector.shape_cast %xor3A_609 : vector<16xi32> to vector<16x1xi32>
      %gather3A_611 = vector.shape_cast %broadcast_in_dim3A_610 : vector<16x1xi32> to vector<16xi32>
      %gather3A_612 = tpu.dynamic_gather %add3A_606[%gather3A_611] in [0] : vector<16xf32>, vector<16xi32> -> vector<16xf32>
      %add3A_613 = arith.addf %add3A_606, %gather3A_612 : vector<16xf32>
      %eq3A_614 = arith.constant 0 : i32
      %eq3A_615 = vector.broadcast %eq3A_614 : i32 to vector<16xi32>
      %eq3A_616 = arith.cmpi eq, %iota3A, %eq3A_615 : vector<16xi32>
      %select_n3A_617 = arith.select %eq3A_616, %add3A_613, %broadcast_in_dim3A_497 : vector<16xi1>, vector<16xf32>
      %mul3A_618 = arith.constant 16 : i32
      %mul3A_619 = arith.muli %scan3A_495, %mul3A_618 : i32
      %get3A_620 = arith.index_cast %mul3A_619 : i32 to index
      %get3A_621 = tpu.vector_load %arg7[%get3A_620] {strides = array<i32>} : memref<512xi32, #tpu.memory_space<vmem>>, vector<16xi32>,
      %eq3A_622 = arith.constant 8 : i32
      %eq3A_623 = vector.broadcast %eq3A_622 : i32 to vector<16xi32>
      %eq3A_624 = arith.cmpi eq, %iota3A, %eq3A_623 : vector<16xi32>
      %jit3A_625 = arith.constant 0 : i32
      %broadcast_in_dim3A_626 = vector.broadcast %jit3A_625 : i32 to vector<16xi32>
      %select_n3A_627 = arith.select %eq3A_624, %get3A_621, %broadcast_in_dim3A_626 : vector<16xi1>, vector<16xi32>
      %reduce_sum3A_628 = arith.constant true
      %reduce_sum3A_629 = vector.broadcast %reduce_sum3A_628 : i1 to vector<16xi1>
      %reduce_sum3A_630 = tpu.scan <sum>, %select_n3A_627 masked %reduce_sum3A_629 : vector<16xi32>, vector<16xi1> -> vector<16xi32>
      %reduce_sum3A_631 = vector.extract %reduce_sum3A_630[15] : i32 from vector<16xi32>
      %mul3A_632 = arith.constant 16 : i32
      %mul3A_633 = arith.muli %scan3A_495, %mul3A_632 : i32
      %get3A_634 = arith.index_cast %mul3A_633 : i32 to index
      %get3A_635 = tpu.vector_load %arg8[%get3A_634] {strides = array<i32>} : memref<512xi32, #tpu.memory_space<vmem>>, vector<16xi32>,
      %eq3A_636 = arith.constant 8 : i32
      %eq3A_637 = vector.broadcast %eq3A_636 : i32 to vector<16xi32>
      %eq3A_638 = arith.cmpi eq, %iota3A, %eq3A_637 : vector<16xi32>
      %jit3A_639 = arith.constant 0 : i32
      %broadcast_in_dim3A_640 = vector.broadcast %jit3A_639 : i32 to vector<16xi32>
      %select_n3A_641 = arith.select %eq3A_638, %get3A_635, %broadcast_in_dim3A_640 : vector<16xi1>, vector<16xi32>
      %reduce_sum3A_642 = arith.constant true
      %reduce_sum3A_643 = vector.broadcast %reduce_sum3A_642 : i1 to vector<16xi1>
      %reduce_sum3A_644 = tpu.scan <sum>, %select_n3A_641 masked %reduce_sum3A_643 : vector<16xi32>, vector<16xi1> -> vector<16xi32>
      %reduce_sum3A_645 = vector.extract %reduce_sum3A_644[15] : i32 from vector<16xi32>
      %shift_right_arithmetic3A_646 = arith.constant 3 : i32
      %shift_right_arithmetic3A_647 = arith.shrsi %reduce_sum3A_631, %shift_right_arithmetic3A_646 : i32
      %and3A_648 = arith.constant 7 : i32
      %and3A_649 = arith.andi %reduce_sum3A_631, %and3A_648 : i32
      %dma_start3A_650 = arith.constant 0 : i32
      %dma_start3A_651 = arith.constant 0 : i32
      %dma_start3A_652 = arith.constant 0 : i32
      %dma_start3A_653 = tpu.memref_slice %arg9[%dma_start3A_650, %dma_start3A_651, %dma_start3A_652] : memref<8x1x64xf32, #tpu.memory_space<vmem>> -> memref<1x1x64xf32, #tpu.memory_space<vmem>>
      %dma_start3A_654 = tpu.memref_squeeze %dma_start3A_653 : memref<1x1x64xf32, #tpu.memory_space<vmem>> -> memref<1x64xf32, #tpu.memory_space<vmem>>
      %dma_start3A_655 = arith.constant 0 : i32
      %dma_start3A_656 = tpu.memref_slice %arg4[%shift_right_arithmetic3A_647, %and3A_649, %dma_start3A_655] : memref<125000x8x64xf32, #tpu.memory_space<hbm>> -> memref<1x1x64xf32, #tpu.memory_space<hbm>>
      %dma_start3A_657 = tpu.memref_squeeze %dma_start3A_656 : memref<1x1x64xf32, #tpu.memory_space<hbm>> -> memref<1x64xf32, #tpu.memory_space<hbm>>
      %dma_start3A_658 = arith.constant 0 : i32
      %dma_start3A_659 = arith.constant 0 : i32
      %dma_start3A_660 = tpu.memref_slice %arg9[%dma_start3A_650, %dma_start3A_658, %dma_start3A_659] : memref<8x1x64xf32, #tpu.memory_space<vmem>> -> memref<1x1x64xf32, #tpu.memory_space<vmem>>
      %dma_start3A_661 = tpu.memref_squeeze %dma_start3A_660 : memref<1x1x64xf32, #tpu.memory_space<vmem>> -> memref<1x64xf32, #tpu.memory_space<vmem>>
      %dma_start3A_662 = arith.constant 0 : i32
      %dma_start3A_663 = tpu.memref_slice %arg4[%shift_right_arithmetic3A_647, %and3A_649, %dma_start3A_662] : memref<125000x8x64xf32, #tpu.memory_space<hbm>> -> memref<1x1x64xf32, #tpu.memory_space<hbm>>
      %dma_start3A_664 = tpu.memref_squeeze %dma_start3A_663 : memref<1x1x64xf32, #tpu.memory_space<hbm>> -> memref<1x64xf32, #tpu.memory_space<hbm>>
      tpu.enqueue_dma source(%dma_start3A_664 : memref<1x64xf32, #tpu.memory_space<hbm>>) target(%dma_start3A_661 : memref<1x64xf32, #tpu.memory_space<vmem>>) target_semaphore(%arg12 : memref<!tpu.dma_semaphore, #tpu.memory_space<semaphore_mem>>)
      %shift_right_arithmetic3A_665 = arith.constant 3 : i32
      %shift_right_arithmetic3A_666 = arith.shrsi %reduce_sum3A_645, %shift_right_arithmetic3A_665 : i32
      %and3A_667 = arith.constant 7 : i32
      %and3A_668 = arith.andi %reduce_sum3A_645, %and3A_667 : i32
      %dma_start3A_669 = arith.constant 0 : i32
      %dma_start3A_670 = arith.constant 0 : i32
      %dma_start3A_671 = arith.constant 0 : i32
      %dma_start3A_672 = tpu.memref_slice %arg10[%dma_start3A_669, %dma_start3A_670, %dma_start3A_671] : memref<8x1x64xf32, #tpu.memory_space<vmem>> -> memref<1x1x64xf32, #tpu.memory_space<vmem>>
      %dma_start3A_673 = tpu.memref_squeeze %dma_start3A_672 : memref<1x1x64xf32, #tpu.memory_space<vmem>> -> memref<1x64xf32, #tpu.memory_space<vmem>>
      %dma_start3A_674 = arith.constant 0 : i32
      %dma_start3A_675 = tpu.memref_slice %arg5[%shift_right_arithmetic3A_666, %and3A_668, %dma_start3A_674] : memref<125000x8x64xf32, #tpu.memory_space<hbm>> -> memref<1x1x64xf32, #tpu.memory_space<hbm>>
      %dma_start3A_676 = tpu.memref_squeeze %dma_start3A_675 : memref<1x1x64xf32, #tpu.memory_space<hbm>> -> memref<1x64xf32, #tpu.memory_space<hbm>>
      %dma_start3A_677 = arith.constant 0 : i32
      %dma_start3A_678 = arith.constant 0 : i32
      %dma_start3A_679 = tpu.memref_slice %arg10[%dma_start3A_669, %dma_start3A_677, %dma_start3A_678] : memref<8x1x64xf32, #tpu.memory_space<vmem>> -> memref<1x1x64xf32, #tpu.memory_space<vmem>>
      %dma_start3A_680 = tpu.memref_squeeze %dma_start3A_679 : memref<1x1x64xf32, #tpu.memory_space<vmem>> -> memref<1x64xf32, #tpu.memory_space<vmem>>
      %dma_start3A_681 = arith.constant 0 : i32
      %dma_start3A_682 = tpu.memref_slice %arg5[%shift_right_arithmetic3A_666, %and3A_668, %dma_start3A_681] : memref<125000x8x64xf32, #tpu.memory_space<hbm>> -> memref<1x1x64xf32, #tpu.memory_space<hbm>>
      %dma_start3A_683 = tpu.memref_squeeze %dma_start3A_682 : memref<1x1x64xf32, #tpu.memory_space<hbm>> -> memref<1x64xf32, #tpu.memory_space<hbm>>
      tpu.enqueue_dma source(%dma_start3A_683 : memref<1x64xf32, #tpu.memory_space<hbm>>) target(%dma_start3A_680 : memref<1x64xf32, #tpu.memory_space<vmem>>) target_semaphore(%arg20 : memref<!tpu.dma_semaphore, #tpu.memory_space<semaphore_mem>>)
      %dma_wait3A_684 = arith.constant 0 : i32
      %dma_wait3A_685 = arith.constant 1 : i32
      %dma_wait3A_686 = arith.constant 0 : i32
      %dma_wait3A_687 = arith.constant 0 : i32
      %dma_wait3A_688 = tpu.memref_slice %arg9[%dma_wait3A_685, %dma_wait3A_686, %dma_wait3A_687] : memref<8x1x64xf32, #tpu.memory_space<vmem>> -> memref<1x1x64xf32, #tpu.memory_space<vmem>>
      %dma_wait3A_689 = tpu.memref_squeeze %dma_wait3A_688 : memref<1x1x64xf32, #tpu.memory_space<vmem>> -> memref<1x64xf32, #tpu.memory_space<vmem>>
      %dma_wait3A_690 = arith.constant 0 : i32
      %dma_wait3A_691 = arith.constant 0 : i32
      %dma_wait3A_692 = tpu.memref_slice %arg4[%dma_wait3A_684, %dma_wait3A_690, %dma_wait3A_691] : memref<125000x8x64xf32, #tpu.memory_space<hbm>> -> memref<1x1x64xf32, #tpu.memory_space<hbm>>
      %dma_wait3A_693 = tpu.memref_squeeze %dma_wait3A_692 : memref<1x1x64xf32, #tpu.memory_space<hbm>> -> memref<1x64xf32, #tpu.memory_space<hbm>>
      %dma_wait3A_694 = arith.constant 0 : i32
      %dma_wait3A_695 = arith.constant 0 : i32
      %dma_wait3A_696 = tpu.memref_slice %arg9[%dma_wait3A_685, %dma_wait3A_694, %dma_wait3A_695] : memref<8x1x64xf32, #tpu.memory_space<vmem>> -> memref<1x1x64xf32, #tpu.memory_space<vmem>>
      %dma_wait3A_697 = tpu.memref_squeeze %dma_wait3A_696 : memref<1x1x64xf32, #tpu.memory_space<vmem>> -> memref<1x64xf32, #tpu.memory_space<vmem>>
      %dma_wait3A_698 = arith.constant 0 : i32
      %dma_wait3A_699 = arith.constant 0 : i32
      %dma_wait3A_700 = tpu.memref_slice %arg4[%dma_wait3A_684, %dma_wait3A_698, %dma_wait3A_699] : memref<125000x8x64xf32, #tpu.memory_space<hbm>> -> memref<1x1x64xf32, #tpu.memory_space<hbm>>
      %dma_wait3A_701 = tpu.memref_squeeze %dma_wait3A_700 : memref<1x1x64xf32, #tpu.memory_space<hbm>> -> memref<1x64xf32, #tpu.memory_space<hbm>>
      tpu.wait_dma2 semaphore(%arg13 : memref<!tpu.dma_semaphore, #tpu.memory_space<semaphore_mem>>) src(%dma_wait3A_701 : memref<1x64xf32, #tpu.memory_space<hbm>>) dst(%dma_wait3A_697 : memref<1x64xf32, #tpu.memory_space<vmem>>)
      %dma_wait3A_702 = arith.constant 0 : i32
      %dma_wait3A_703 = arith.constant 1 : i32
      %dma_wait3A_704 = arith.constant 0 : i32
      %dma_wait3A_705 = arith.constant 0 : i32
      %dma_wait3A_706 = tpu.memref_slice %arg10[%dma_wait3A_703, %dma_wait3A_704, %dma_wait3A_705] : memref<8x1x64xf32, #tpu.memory_space<vmem>> -> memref<1x1x64xf32, #tpu.memory_space<vmem>>
      %dma_wait3A_707 = tpu.memref_squeeze %dma_wait3A_706 : memref<1x1x64xf32, #tpu.memory_space<vmem>> -> memref<1x64xf32, #tpu.memory_space<vmem>>
      %dma_wait3A_708 = arith.constant 0 : i32
      %dma_wait3A_709 = arith.constant 0 : i32
      %dma_wait3A_710 = tpu.memref_slice %arg5[%dma_wait3A_702, %dma_wait3A_708, %dma_wait3A_709] : memref<125000x8x64xf32, #tpu.memory_space<hbm>> -> memref<1x1x64xf32, #tpu.memory_space<hbm>>
      %dma_wait3A_711 = tpu.memref_squeeze %dma_wait3A_710 : memref<1x1x64xf32, #tpu.memory_space<hbm>> -> memref<1x64xf32, #tpu.memory_space<hbm>>
      %dma_wait3A_712 = arith.constant 0 : i32
      %dma_wait3A_713 = arith.constant 0 : i32
      %dma_wait3A_714 = tpu.memref_slice %arg10[%dma_wait3A_703, %dma_wait3A_712, %dma_wait3A_713] : memref<8x1x64xf32, #tpu.memory_space<vmem>> -> memref<1x1x64xf32, #tpu.memory_space<vmem>>
      %dma_wait3A_715 = tpu.memref_squeeze %dma_wait3A_714 : memref<1x1x64xf32, #tpu.memory_space<vmem>> -> memref<1x64xf32, #tpu.memory_space<vmem>>
      %dma_wait3A_716 = arith.constant 0 : i32
      %dma_wait3A_717 = arith.constant 0 : i32
      %dma_wait3A_718 = tpu.memref_slice %arg5[%dma_wait3A_702, %dma_wait3A_716, %dma_wait3A_717] : memref<125000x8x64xf32, #tpu.memory_space<hbm>> -> memref<1x1x64xf32, #tpu.memory_space<hbm>>
      %dma_wait3A_719 = tpu.memref_squeeze %dma_wait3A_718 : memref<1x1x64xf32, #tpu.memory_space<hbm>> -> memref<1x64xf32, #tpu.memory_space<hbm>>
      tpu.wait_dma2 semaphore(%arg21 : memref<!tpu.dma_semaphore, #tpu.memory_space<semaphore_mem>>) src(%dma_wait3A_719 : memref<1x64xf32, #tpu.memory_space<hbm>>) dst(%dma_wait3A_715 : memref<1x64xf32, #tpu.memory_space<vmem>>)
      %get3A_720 = arith.constant 1 : i32
      %get3A_721 = arith.constant 0 : i32
      %get3A_722 = arith.index_cast %get3A_720 : i32 to index
      %get3A_723 = arith.index_cast %get3A_721 : i32 to index
      %get3A_724 = arith.constant 0 : index
      %get3A_725 = tpu.vector_load %arg9[%get3A_722, %get3A_723, %get3A_724] {strides = array<i32>} : memref<8x1x64xf32, #tpu.memory_space<vmem>>, vector<16xf32>,
      %get3A_726 = arith.constant 1 : i32
      %get3A_727 = arith.constant 0 : i32
      %get3A_728 = arith.index_cast %get3A_726 : i32 to index
      %get3A_729 = arith.index_cast %get3A_727 : i32 to index
      %get3A_730 = arith.constant 0 : index
      %get3A_731 = tpu.vector_load %arg10[%get3A_728, %get3A_729, %get3A_730] {strides = array<i32>} : memref<8x1x64xf32, #tpu.memory_space<vmem>>, vector<16xf32>,
      %mul3A_732 = arith.mulf %get3A_725, %get3A_731 : vector<16xf32>
      %get3A_733 = arith.constant 1 : i32
      %get3A_734 = arith.constant 0 : i32
      %get3A_735 = arith.index_cast %get3A_733 : i32 to index
      %get3A_736 = arith.index_cast %get3A_734 : i32 to index
      %get3A_737 = arith.constant 16 : index
      %get3A_738 = tpu.vector_load %arg9[%get3A_735, %get3A_736, %get3A_737] {strides = array<i32>} : memref<8x1x64xf32, #tpu.memory_space<vmem>>, vector<16xf32>,
      %get3A_739 = arith.constant 1 : i32
      %get3A_740 = arith.constant 0 : i32
      %get3A_741 = arith.index_cast %get3A_739 : i32 to index
      %get3A_742 = arith.index_cast %get3A_740 : i32 to index
      %get3A_743 = arith.constant 16 : index
      %get3A_744 = tpu.vector_load %arg10[%get3A_741, %get3A_742, %get3A_743] {strides = array<i32>} : memref<8x1x64xf32, #tpu.memory_space<vmem>>, vector<16xf32>,
      %mul3A_745 = arith.mulf %get3A_738, %get3A_744 : vector<16xf32>
      %add3A_746 = arith.addf %mul3A_732, %mul3A_745 : vector<16xf32>
      %get3A_747 = arith.constant 1 : i32
      %get3A_748 = arith.constant 0 : i32
      %get3A_749 = arith.index_cast %get3A_747 : i32 to index
      %get3A_750 = arith.index_cast %get3A_748 : i32 to index
      %get3A_751 = arith.constant 32 : index
      %get3A_752 = tpu.vector_load %arg9[%get3A_749, %get3A_750, %get3A_751] {strides = array<i32>} : memref<8x1x64xf32, #tpu.memory_space<vmem>>, vector<16xf32>,
      %get3A_753 = arith.constant 1 : i32
      %get3A_754 = arith.constant 0 : i32
      %get3A_755 = arith.index_cast %get3A_753 : i32 to index
      %get3A_756 = arith.index_cast %get3A_754 : i32 to index
      %get3A_757 = arith.constant 32 : index
      %get3A_758 = tpu.vector_load %arg10[%get3A_755, %get3A_756, %get3A_757] {strides = array<i32>} : memref<8x1x64xf32, #tpu.memory_space<vmem>>, vector<16xf32>,
      %mul3A_759 = arith.mulf %get3A_752, %get3A_758 : vector<16xf32>
      %add3A_760 = arith.addf %add3A_746, %mul3A_759 : vector<16xf32>
      %get3A_761 = arith.constant 1 : i32
      %get3A_762 = arith.constant 0 : i32
      %get3A_763 = arith.index_cast %get3A_761 : i32 to index
      %get3A_764 = arith.index_cast %get3A_762 : i32 to index
      %get3A_765 = arith.constant 48 : index
      %get3A_766 = tpu.vector_load %arg9[%get3A_763, %get3A_764, %get3A_765] {strides = array<i32>} : memref<8x1x64xf32, #tpu.memory_space<vmem>>, vector<16xf32>,
      %get3A_767 = arith.constant 1 : i32
      %get3A_768 = arith.constant 0 : i32
      %get3A_769 = arith.index_cast %get3A_767 : i32 to index
      %get3A_770 = arith.index_cast %get3A_768 : i32 to index
      %get3A_771 = arith.constant 48 : index
      %get3A_772 = tpu.vector_load %arg10[%get3A_769, %get3A_770, %get3A_771] {strides = array<i32>} : memref<8x1x64xf32, #tpu.memory_space<vmem>>, vector<16xf32>,
      %mul3A_773 = arith.mulf %get3A_766, %get3A_772 : vector<16xf32>
      %add3A_774 = arith.addf %add3A_760, %mul3A_773 : vector<16xf32>
      %xor3A_775 = arith.constant 8 : i32
      %xor3A_776 = vector.broadcast %xor3A_775 : i32 to vector<16xi32>
      %xor3A_777 = arith.xori %iota3A, %xor3A_776 : vector<16xi32>
      %broadcast_in_dim3A_778 = vector.shape_cast %xor3A_777 : vector<16xi32> to vector<16x1xi32>
      %gather3A_779 = vector.shape_cast %broadcast_in_dim3A_778 : vector<16x1xi32> to vector<16xi32>
      %gather3A_780 = tpu.dynamic_gather %add3A_774[%gather3A_779] in [0] : vector<16xf32>, vector<16xi32> -> vector<16xf32>
      %add3A_781 = arith.addf %add3A_774, %gather3A_780 : vector<16xf32>
      %xor3A_782 = arith.constant 4 : i32
      %xor3A_783 = vector.broadcast %xor3A_782 : i32 to vector<16xi32>
      %xor3A_784 = arith.xori %iota3A, %xor3A_783 : vector<16xi32>
      %broadcast_in_dim3A_785 = vector.shape_cast %xor3A_784 : vector<16xi32> to vector<16x1xi32>
      %gather3A_786 = vector.shape_cast %broadcast_in_dim3A_785 : vector<16x1xi32> to vector<16xi32>
      %gather3A_787 = tpu.dynamic_gather %add3A_781[%gather3A_786] in [0] : vector<16xf32>, vector<16xi32> -> vector<16xf32>
      %add3A_788 = arith.addf %add3A_781, %gather3A_787 : vector<16xf32>
      %xor3A_789 = arith.constant 2 : i32
      %xor3A_790 = vector.broadcast %xor3A_789 : i32 to vector<16xi32>
      %xor3A_791 = arith.xori %iota3A, %xor3A_790 : vector<16xi32>
      %broadcast_in_dim3A_792 = vector.shape_cast %xor3A_791 : vector<16xi32> to vector<16x1xi32>
      %gather3A_793 = vector.shape_cast %broadcast_in_dim3A_792 : vector<16x1xi32> to vector<16xi32>
      %gather3A_794 = tpu.dynamic_gather %add3A_788[%gather3A_793] in [0] : vector<16xf32>, vector<16xi32> -> vector<16xf32>
      %add3A_795 = arith.addf %add3A_788, %gather3A_794 : vector<16xf32>
      %xor3A_796 = arith.constant 1 : i32
      %xor3A_797 = vector.broadcast %xor3A_796 : i32 to vector<16xi32>
      %xor3A_798 = arith.xori %iota3A, %xor3A_797 : vector<16xi32>
      %broadcast_in_dim3A_799 = vector.shape_cast %xor3A_798 : vector<16xi32> to vector<16x1xi32>
      %gather3A_800 = vector.shape_cast %broadcast_in_dim3A_799 : vector<16x1xi32> to vector<16xi32>
      %gather3A_801 = tpu.dynamic_gather %add3A_795[%gather3A_800] in [0] : vector<16xf32>, vector<16xi32> -> vector<16xf32>
      %add3A_802 = arith.addf %add3A_795, %gather3A_801 : vector<16xf32>
      %eq3A_803 = arith.constant 1 : i32
      %eq3A_804 = vector.broadcast %eq3A_803 : i32 to vector<16xi32>
      %eq3A_805 = arith.cmpi eq, %iota3A, %eq3A_804 : vector<16xi32>
      %select_n3A_806 = arith.select %eq3A_805, %add3A_802, %select_n3A_617 : vector<16xi1>, vector<16xf32>
      %mul3A_807 = arith.constant 16 : i32
      %mul3A_808 = arith.muli %scan3A_495, %mul3A_807 : i32
      %get3A_809 = arith.index_cast %mul3A_808 : i32 to index
      %get3A_810 = tpu.vector_load %arg7[%get3A_809] {strides = array<i32>} : memref<512xi32, #tpu.memory_space<vmem>>, vector<16xi32>,
      %eq3A_811 = arith.constant 9 : i32
      %eq3A_812 = vector.broadcast %eq3A_811 : i32 to vector<16xi32>
      %eq3A_813 = arith.cmpi eq, %iota3A, %eq3A_812 : vector<16xi32>
      %jit3A_814 = arith.constant 0 : i32
      %broadcast_in_dim3A_815 = vector.broadcast %jit3A_814 : i32 to vector<16xi32>
      %select_n3A_816 = arith.select %eq3A_813, %get3A_810, %broadcast_in_dim3A_815 : vector<16xi1>, vector<16xi32>
      %reduce_sum3A_817 = arith.constant true
      %reduce_sum3A_818 = vector.broadcast %reduce_sum3A_817 : i1 to vector<16xi1>
      %reduce_sum3A_819 = tpu.scan <sum>, %select_n3A_816 masked %reduce_sum3A_818 : vector<16xi32>, vector<16xi1> -> vector<16xi32>
      %reduce_sum3A_820 = vector.extract %reduce_sum3A_819[15] : i32 from vector<16xi32>
      %mul3A_821 = arith.constant 16 : i32
      %mul3A_822 = arith.muli %scan3A_495, %mul3A_821 : i32
      %get3A_823 = arith.index_cast %mul3A_822 : i32 to index
      %get3A_824 = tpu.vector_load %arg8[%get3A_823] {strides = array<i32>} : memref<512xi32, #tpu.memory_space<vmem>>, vector<16xi32>,
      %eq3A_825 = arith.constant 9 : i32
      %eq3A_826 = vector.broadcast %eq3A_825 : i32 to vector<16xi32>
      %eq3A_827 = arith.cmpi eq, %iota3A, %eq3A_826 : vector<16xi32>
      %jit3A_828 = arith.constant 0 : i32
      %broadcast_in_dim3A_829 = vector.broadcast %jit3A_828 : i32 to vector<16xi32>
      %select_n3A_830 = arith.select %eq3A_827, %get3A_824, %broadcast_in_dim3A_829 : vector<16xi1>, vector<16xi32>
      %reduce_sum3A_831 = arith.constant true
      %reduce_sum3A_832 = vector.broadcast %reduce_sum3A_831 : i1 to vector<16xi1>
      %reduce_sum3A_833 = tpu.scan <sum>, %select_n3A_830 masked %reduce_sum3A_832 : vector<16xi32>, vector<16xi1> -> vector<16xi32>
      %reduce_sum3A_834 = vector.extract %reduce_sum3A_833[15] : i32 from vector<16xi32>
      %shift_right_arithmetic3A_835 = arith.constant 3 : i32
      %shift_right_arithmetic3A_836 = arith.shrsi %reduce_sum3A_820, %shift_right_arithmetic3A_835 : i32
      %and3A_837 = arith.constant 7 : i32
      %and3A_838 = arith.andi %reduce_sum3A_820, %and3A_837 : i32
      %dma_start3A_839 = arith.constant 1 : i32
      %dma_start3A_840 = arith.constant 0 : i32
      %dma_start3A_841 = arith.constant 0 : i32
      %dma_start3A_842 = tpu.memref_slice %arg9[%dma_start3A_839, %dma_start3A_840, %dma_start3A_841] : memref<8x1x64xf32, #tpu.memory_space<vmem>> -> memref<1x1x64xf32, #tpu.memory_space<vmem>>
      %dma_start3A_843 = tpu.memref_squeeze %dma_start3A_842 : memref<1x1x64xf32, #tpu.memory_space<vmem>> -> memref<1x64xf32, #tpu.memory_space<vmem>>
      %dma_start3A_844 = arith.constant 0 : i32
      %dma_start3A_845 = tpu.memref_slice %arg4[%shift_right_arithmetic3A_836, %and3A_838, %dma_start3A_844] : memref<125000x8x64xf32, #tpu.memory_space<hbm>> -> memref<1x1x64xf32, #tpu.memory_space<hbm>>
      %dma_start3A_846 = tpu.memref_squeeze %dma_start3A_845 : memref<1x1x64xf32, #tpu.memory_space<hbm>> -> memref<1x64xf32, #tpu.memory_space<hbm>>
      %dma_start3A_847 = arith.constant 0 : i32
      %dma_start3A_848 = arith.constant 0 : i32
      %dma_start3A_849 = tpu.memref_slice %arg9[%dma_start3A_839, %dma_start3A_847, %dma_start3A_848] : memref<8x1x64xf32, #tpu.memory_space<vmem>> -> memref<1x1x64xf32, #tpu.memory_space<vmem>>
      %dma_start3A_850 = tpu.memref_squeeze %dma_start3A_849 : memref<1x1x64xf32, #tpu.memory_space<vmem>> -> memref<1x64xf32, #tpu.memory_space<vmem>>
      %dma_start3A_851 = arith.constant 0 : i32
      %dma_start3A_852 = tpu.memref_slice %arg4[%shift_right_arithmetic3A_836, %and3A_838, %dma_start3A_851] : memref<125000x8x64xf32, #tpu.memory_space<hbm>> -> memref<1x1x64xf32, #tpu.memory_space<hbm>>
      %dma_start3A_853 = tpu.memref_squeeze %dma_start3A_852 : memref<1x1x64xf32, #tpu.memory_space<hbm>> -> memref<1x64xf32, #tpu.memory_space<hbm>>
      tpu.enqueue_dma source(%dma_start3A_853 : memref<1x64xf32, #tpu.memory_space<hbm>>) target(%dma_start3A_850 : memref<1x64xf32, #tpu.memory_space<vmem>>) target_semaphore(%arg13 : memref<!tpu.dma_semaphore, #tpu.memory_space<semaphore_mem>>)
      %shift_right_arithmetic3A_854 = arith.constant 3 : i32
      %shift_right_arithmetic3A_855 = arith.shrsi %reduce_sum3A_834, %shift_right_arithmetic3A_854 : i32
      %and3A_856 = arith.constant 7 : i32
      %and3A_857 = arith.andi %reduce_sum3A_834, %and3A_856 : i32
      %dma_start3A_858 = arith.constant 1 : i32
      %dma_start3A_859 = arith.constant 0 : i32
      %dma_start3A_860 = arith.constant 0 : i32
      %dma_start3A_861 = tpu.memref_slice %arg10[%dma_start3A_858, %dma_start3A_859, %dma_start3A_860] : memref<8x1x64xf32, #tpu.memory_space<vmem>> -> memref<1x1x64xf32, #tpu.memory_space<vmem>>
      %dma_start3A_862 = tpu.memref_squeeze %dma_start3A_861 : memref<1x1x64xf32, #tpu.memory_space<vmem>> -> memref<1x64xf32, #tpu.memory_space<vmem>>
      %dma_start3A_863 = arith.constant 0 : i32
      %dma_start3A_864 = tpu.memref_slice %arg5[%shift_right_arithmetic3A_855, %and3A_857, %dma_start3A_863] : memref<125000x8x64xf32, #tpu.memory_space<hbm>> -> memref<1x1x64xf32, #tpu.memory_space<hbm>>
      %dma_start3A_865 = tpu.memref_squeeze %dma_start3A_864 : memref<1x1x64xf32, #tpu.memory_space<hbm>> -> memref<1x64xf32, #tpu.memory_space<hbm>>
      %dma_start3A_866 = arith.constant 0 : i32
      %dma_start3A_867 = arith.constant 0 : i32
      %dma_start3A_868 = tpu.memref_slice %arg10[%dma_start3A_858, %dma_start3A_866, %dma_start3A_867] : memref<8x1x64xf32, #tpu.memory_space<vmem>> -> memref<1x1x64xf32, #tpu.memory_space<vmem>>
      %dma_start3A_869 = tpu.memref_squeeze %dma_start3A_868 : memref<1x1x64xf32, #tpu.memory_space<vmem>> -> memref<1x64xf32, #tpu.memory_space<vmem>>
      %dma_start3A_870 = arith.constant 0 : i32
      %dma_start3A_871 = tpu.memref_slice %arg5[%shift_right_arithmetic3A_855, %and3A_857, %dma_start3A_870] : memref<125000x8x64xf32, #tpu.memory_space<hbm>> -> memref<1x1x64xf32, #tpu.memory_space<hbm>>
      %dma_start3A_872 = tpu.memref_squeeze %dma_start3A_871 : memref<1x1x64xf32, #tpu.memory_space<hbm>> -> memref<1x64xf32, #tpu.memory_space<hbm>>
      tpu.enqueue_dma source(%dma_start3A_872 : memref<1x64xf32, #tpu.memory_space<hbm>>) target(%dma_start3A_869 : memref<1x64xf32, #tpu.memory_space<vmem>>) target_semaphore(%arg21 : memref<!tpu.dma_semaphore, #tpu.memory_space<semaphore_mem>>)
      %dma_wait3A_873 = arith.constant 0 : i32
      %dma_wait3A_874 = arith.constant 2 : i32
      %dma_wait3A_875 = arith.constant 0 : i32
      %dma_wait3A_876 = arith.constant 0 : i32
      %dma_wait3A_877 = tpu.memref_slice %arg9[%dma_wait3A_874, %dma_wait3A_875, %dma_wait3A_876] : memref<8x1x64xf32, #tpu.memory_space<vmem>> -> memref<1x1x64xf32, #tpu.memory_space<vmem>>
      %dma_wait3A_878 = tpu.memref_squeeze %dma_wait3A_877 : memref<1x1x64xf32, #tpu.memory_space<vmem>> -> memref<1x64xf32, #tpu.memory_space<vmem>>
      %dma_wait3A_879 = arith.constant 0 : i32
      %dma_wait3A_880 = arith.constant 0 : i32
      %dma_wait3A_881 = tpu.memref_slice %arg4[%dma_wait3A_873, %dma_wait3A_879, %dma_wait3A_880] : memref<125000x8x64xf32, #tpu.memory_space<hbm>> -> memref<1x1x64xf32, #tpu.memory_space<hbm>>
      %dma_wait3A_882 = tpu.memref_squeeze %dma_wait3A_881 : memref<1x1x64xf32, #tpu.memory_space<hbm>> -> memref<1x64xf32, #tpu.memory_space<hbm>>
      %dma_wait3A_883 = arith.constant 0 : i32
      %dma_wait3A_884 = arith.constant 0 : i32
      %dma_wait3A_885 = tpu.memref_slice %arg9[%dma_wait3A_874, %dma_wait3A_883, %dma_wait3A_884] : memref<8x1x64xf32, #tpu.memory_space<vmem>> -> memref<1x1x64xf32, #tpu.memory_space<vmem>>
      %dma_wait3A_886 = tpu.memref_squeeze %dma_wait3A_885 : memref<1x1x64xf32, #tpu.memory_space<vmem>> -> memref<1x64xf32, #tpu.memory_space<vmem>>
      %dma_wait3A_887 = arith.constant 0 : i32
      %dma_wait3A_888 = arith.constant 0 : i32
      %dma_wait3A_889 = tpu.memref_slice %arg4[%dma_wait3A_873, %dma_wait3A_887, %dma_wait3A_888] : memref<125000x8x64xf32, #tpu.memory_space<hbm>> -> memref<1x1x64xf32, #tpu.memory_space<hbm>>
      %dma_wait3A_890 = tpu.memref_squeeze %dma_wait3A_889 : memref<1x1x64xf32, #tpu.memory_space<hbm>> -> memref<1x64xf32, #tpu.memory_space<hbm>>
      tpu.wait_dma2 semaphore(%arg14 : memref<!tpu.dma_semaphore, #tpu.memory_space<semaphore_mem>>) src(%dma_wait3A_890 : memref<1x64xf32, #tpu.memory_space<hbm>>) dst(%dma_wait3A_886 : memref<1x64xf32, #tpu.memory_space<vmem>>)
      %dma_wait3A_891 = arith.constant 0 : i32
      %dma_wait3A_892 = arith.constant 2 : i32
      %dma_wait3A_893 = arith.constant 0 : i32
      %dma_wait3A_894 = arith.constant 0 : i32
      %dma_wait3A_895 = tpu.memref_slice %arg10[%dma_wait3A_892, %dma_wait3A_893, %dma_wait3A_894] : memref<8x1x64xf32, #tpu.memory_space<vmem>> -> memref<1x1x64xf32, #tpu.memory_space<vmem>>
      %dma_wait3A_896 = tpu.memref_squeeze %dma_wait3A_895 : memref<1x1x64xf32, #tpu.memory_space<vmem>> -> memref<1x64xf32, #tpu.memory_space<vmem>>
      %dma_wait3A_897 = arith.constant 0 : i32
      %dma_wait3A_898 = arith.constant 0 : i32
      %dma_wait3A_899 = tpu.memref_slice %arg5[%dma_wait3A_891, %dma_wait3A_897, %dma_wait3A_898] : memref<125000x8x64xf32, #tpu.memory_space<hbm>> -> memref<1x1x64xf32, #tpu.memory_space<hbm>>
      %dma_wait3A_900 = tpu.memref_squeeze %dma_wait3A_899 : memref<1x1x64xf32, #tpu.memory_space<hbm>> -> memref<1x64xf32, #tpu.memory_space<hbm>>
      %dma_wait3A_901 = arith.constant 0 : i32
      %dma_wait3A_902 = arith.constant 0 : i32
      %dma_wait3A_903 = tpu.memref_slice %arg10[%dma_wait3A_892, %dma_wait3A_901, %dma_wait3A_902] : memref<8x1x64xf32, #tpu.memory_space<vmem>> -> memref<1x1x64xf32, #tpu.memory_space<vmem>>
      %dma_wait3A_904 = tpu.memref_squeeze %dma_wait3A_903 : memref<1x1x64xf32, #tpu.memory_space<vmem>> -> memref<1x64xf32, #tpu.memory_space<vmem>>
      %dma_wait3A_905 = arith.constant 0 : i32
      %dma_wait3A_906 = arith.constant 0 : i32
      %dma_wait3A_907 = tpu.memref_slice %arg5[%dma_wait3A_891, %dma_wait3A_905, %dma_wait3A_906] : memref<125000x8x64xf32, #tpu.memory_space<hbm>> -> memref<1x1x64xf32, #tpu.memory_space<hbm>>
      %dma_wait3A_908 = tpu.memref_squeeze %dma_wait3A_907 : memref<1x1x64xf32, #tpu.memory_space<hbm>> -> memref<1x64xf32, #tpu.memory_space<hbm>>
      tpu.wait_dma2 semaphore(%arg22 : memref<!tpu.dma_semaphore, #tpu.memory_space<semaphore_mem>>) src(%dma_wait3A_908 : memref<1x64xf32, #tpu.memory_space<hbm>>) dst(%dma_wait3A_904 : memref<1x64xf32, #tpu.memory_space<vmem>>)
      %get3A_909 = arith.constant 2 : i32
      %get3A_910 = arith.constant 0 : i32
      %get3A_911 = arith.index_cast %get3A_909 : i32 to index
      %get3A_912 = arith.index_cast %get3A_910 : i32 to index
      %get3A_913 = arith.constant 0 : index
      %get3A_914 = tpu.vector_load %arg9[%get3A_911, %get3A_912, %get3A_913] {strides = array<i32>} : memref<8x1x64xf32, #tpu.memory_space<vmem>>, vector<16xf32>,
      %get3A_915 = arith.constant 2 : i32
      %get3A_916 = arith.constant 0 : i32
      %get3A_917 = arith.index_cast %get3A_915 : i32 to index
      %get3A_918 = arith.index_cast %get3A_916 : i32 to index
      %get3A_919 = arith.constant 0 : index
      %get3A_920 = tpu.vector_load %arg10[%get3A_917, %get3A_918, %get3A_919] {strides = array<i32>} : memref<8x1x64xf32, #tpu.memory_space<vmem>>, vector<16xf32>,
      %mul3A_921 = arith.mulf %get3A_914, %get3A_920 : vector<16xf32>
      %get3A_922 = arith.constant 2 : i32
      %get3A_923 = arith.constant 0 : i32
      %get3A_924 = arith.index_cast %get3A_922 : i32 to index
      %get3A_925 = arith.index_cast %get3A_923 : i32 to index
      %get3A_926 = arith.constant 16 : index
      %get3A_927 = tpu.vector_load %arg9[%get3A_924, %get3A_925, %get3A_926] {strides = array<i32>} : memref<8x1x64xf32, #tpu.memory_space<vmem>>, vector<16xf32>,
      %get3A_928 = arith.constant 2 : i32
      %get3A_929 = arith.constant 0 : i32
      %get3A_930 = arith.index_cast %get3A_928 : i32 to index
      %get3A_931 = arith.index_cast %get3A_929 : i32 to index
      %get3A_932 = arith.constant 16 : index
      %get3A_933 = tpu.vector_load %arg10[%get3A_930, %get3A_931, %get3A_932] {strides = array<i32>} : memref<8x1x64xf32, #tpu.memory_space<vmem>>, vector<16xf32>,
      %mul3A_934 = arith.mulf %get3A_927, %get3A_933 : vector<16xf32>
      %add3A_935 = arith.addf %mul3A_921, %mul3A_934 : vector<16xf32>
      %get3A_936 = arith.constant 2 : i32
      %get3A_937 = arith.constant 0 : i32
      %get3A_938 = arith.index_cast %get3A_936 : i32 to index
      %get3A_939 = arith.index_cast %get3A_937 : i32 to index
      %get3A_940 = arith.constant 32 : index
      %get3A_941 = tpu.vector_load %arg9[%get3A_938, %get3A_939, %get3A_940] {strides = array<i32>} : memref<8x1x64xf32, #tpu.memory_space<vmem>>, vector<16xf32>,
      %get3A_942 = arith.constant 2 : i32
      %get3A_943 = arith.constant 0 : i32
      %get3A_944 = arith.index_cast %get3A_942 : i32 to index
      %get3A_945 = arith.index_cast %get3A_943 : i32 to index
      %get3A_946 = arith.constant 32 : index
      %get3A_947 = tpu.vector_load %arg10[%get3A_944, %get3A_945, %get3A_946] {strides = array<i32>} : memref<8x1x64xf32, #tpu.memory_space<vmem>>, vector<16xf32>,
      %mul3A_948 = arith.mulf %get3A_941, %get3A_947 : vector<16xf32>
      %add3A_949 = arith.addf %add3A_935, %mul3A_948 : vector<16xf32>
      %get3A_950 = arith.constant 2 : i32
      %get3A_951 = arith.constant 0 : i32
      %get3A_952 = arith.index_cast %get3A_950 : i32 to index
      %get3A_953 = arith.index_cast %get3A_951 : i32 to index
      %get3A_954 = arith.constant 48 : index
      %get3A_955 = tpu.vector_load %arg9[%get3A_952, %get3A_953, %get3A_954] {strides = array<i32>} : memref<8x1x64xf32, #tpu.memory_space<vmem>>, vector<16xf32>,
      %get3A_956 = arith.constant 2 : i32
      %get3A_957 = arith.constant 0 : i32
      %get3A_958 = arith.index_cast %get3A_956 : i32 to index
      %get3A_959 = arith.index_cast %get3A_957 : i32 to index
      %get3A_960 = arith.constant 48 : index
      %get3A_961 = tpu.vector_load %arg10[%get3A_958, %get3A_959, %get3A_960] {strides = array<i32>} : memref<8x1x64xf32, #tpu.memory_space<vmem>>, vector<16xf32>,
      %mul3A_962 = arith.mulf %get3A_955, %get3A_961 : vector<16xf32>
      %add3A_963 = arith.addf %add3A_949, %mul3A_962 : vector<16xf32>
      %xor3A_964 = arith.constant 8 : i32
      %xor3A_965 = vector.broadcast %xor3A_964 : i32 to vector<16xi32>
      %xor3A_966 = arith.xori %iota3A, %xor3A_965 : vector<16xi32>
      %broadcast_in_dim3A_967 = vector.shape_cast %xor3A_966 : vector<16xi32> to vector<16x1xi32>
      %gather3A_968 = vector.shape_cast %broadcast_in_dim3A_967 : vector<16x1xi32> to vector<16xi32>
      %gather3A_969 = tpu.dynamic_gather %add3A_963[%gather3A_968] in [0] : vector<16xf32>, vector<16xi32> -> vector<16xf32>
      %add3A_970 = arith.addf %add3A_963, %gather3A_969 : vector<16xf32>
      %xor3A_971 = arith.constant 4 : i32
      %xor3A_972 = vector.broadcast %xor3A_971 : i32 to vector<16xi32>
      %xor3A_973 = arith.xori %iota3A, %xor3A_972 : vector<16xi32>
      %broadcast_in_dim3A_974 = vector.shape_cast %xor3A_973 : vector<16xi32> to vector<16x1xi32>
      %gather3A_975 = vector.shape_cast %broadcast_in_dim3A_974 : vector<16x1xi32> to vector<16xi32>
      %gather3A_976 = tpu.dynamic_gather %add3A_970[%gather3A_975] in [0] : vector<16xf32>, vector<16xi32> -> vector<16xf32>
      %add3A_977 = arith.addf %add3A_970, %gather3A_976 : vector<16xf32>
      %xor3A_978 = arith.constant 2 : i32
      %xor3A_979 = vector.broadcast %xor3A_978 : i32 to vector<16xi32>
      %xor3A_980 = arith.xori %iota3A, %xor3A_979 : vector<16xi32>
      %broadcast_in_dim3A_981 = vector.shape_cast %xor3A_980 : vector<16xi32> to vector<16x1xi32>
      %gather3A_982 = vector.shape_cast %broadcast_in_dim3A_981 : vector<16x1xi32> to vector<16xi32>
      %gather3A_983 = tpu.dynamic_gather %add3A_977[%gather3A_982] in [0] : vector<16xf32>, vector<16xi32> -> vector<16xf32>
      %add3A_984 = arith.addf %add3A_977, %gather3A_983 : vector<16xf32>
      %xor3A_985 = arith.constant 1 : i32
      %xor3A_986 = vector.broadcast %xor3A_985 : i32 to vector<16xi32>
      %xor3A_987 = arith.xori %iota3A, %xor3A_986 : vector<16xi32>
      %broadcast_in_dim3A_988 = vector.shape_cast %xor3A_987 : vector<16xi32> to vector<16x1xi32>
      %gather3A_989 = vector.shape_cast %broadcast_in_dim3A_988 : vector<16x1xi32> to vector<16xi32>
      %gather3A_990 = tpu.dynamic_gather %add3A_984[%gather3A_989] in [0] : vector<16xf32>, vector<16xi32> -> vector<16xf32>
      %add3A_991 = arith.addf %add3A_984, %gather3A_990 : vector<16xf32>
      %eq3A_992 = arith.constant 2 : i32
      %eq3A_993 = vector.broadcast %eq3A_992 : i32 to vector<16xi32>
      %eq3A_994 = arith.cmpi eq, %iota3A, %eq3A_993 : vector<16xi32>
      %select_n3A_995 = arith.select %eq3A_994, %add3A_991, %select_n3A_806 : vector<16xi1>, vector<16xf32>
      %mul3A_996 = arith.constant 16 : i32
      %mul3A_997 = arith.muli %scan3A_495, %mul3A_996 : i32
      %get3A_998 = arith.index_cast %mul3A_997 : i32 to index
      %get3A_999 = tpu.vector_load %arg7[%get3A_998] {strides = array<i32>} : memref<512xi32, #tpu.memory_space<vmem>>, vector<16xi32>,
      %eq3A_1000 = arith.constant 10 : i32
      %eq3A_1001 = vector.broadcast %eq3A_1000 : i32 to vector<16xi32>
      %eq3A_1002 = arith.cmpi eq, %iota3A, %eq3A_1001 : vector<16xi32>
      %jit3A_1003 = arith.constant 0 : i32
      %broadcast_in_dim3A_1004 = vector.broadcast %jit3A_1003 : i32 to vector<16xi32>
      %select_n3A_1005 = arith.select %eq3A_1002, %get3A_999, %broadcast_in_dim3A_1004 : vector<16xi1>, vector<16xi32>
      %reduce_sum3A_1006 = arith.constant true
      %reduce_sum3A_1007 = vector.broadcast %reduce_sum3A_1006 : i1 to vector<16xi1>
      %reduce_sum3A_1008 = tpu.scan <sum>, %select_n3A_1005 masked %reduce_sum3A_1007 : vector<16xi32>, vector<16xi1> -> vector<16xi32>
      %reduce_sum3A_1009 = vector.extract %reduce_sum3A_1008[15] : i32 from vector<16xi32>
      %mul3A_1010 = arith.constant 16 : i32
      %mul3A_1011 = arith.muli %scan3A_495, %mul3A_1010 : i32
      %get3A_1012 = arith.index_cast %mul3A_1011 : i32 to index
      %get3A_1013 = tpu.vector_load %arg8[%get3A_1012] {strides = array<i32>} : memref<512xi32, #tpu.memory_space<vmem>>, vector<16xi32>,
      %eq3A_1014 = arith.constant 10 : i32
      %eq3A_1015 = vector.broadcast %eq3A_1014 : i32 to vector<16xi32>
      %eq3A_1016 = arith.cmpi eq, %iota3A, %eq3A_1015 : vector<16xi32>
      %jit3A_1017 = arith.constant 0 : i32
      %broadcast_in_dim3A_1018 = vector.broadcast %jit3A_1017 : i32 to vector<16xi32>
      %select_n3A_1019 = arith.select %eq3A_1016, %get3A_1013, %broadcast_in_dim3A_1018 : vector<16xi1>, vector<16xi32>
      %reduce_sum3A_1020 = arith.constant true
      %reduce_sum3A_1021 = vector.broadcast %reduce_sum3A_1020 : i1 to vector<16xi1>
      %reduce_sum3A_1022 = tpu.scan <sum>, %select_n3A_1019 masked %reduce_sum3A_1021 : vector<16xi32>, vector<16xi1> -> vector<16xi32>
      %reduce_sum3A_1023 = vector.extract %reduce_sum3A_1022[15] : i32 from vector<16xi32>
      %shift_right_arithmetic3A_1024 = arith.constant 3 : i32
      %shift_right_arithmetic3A_1025 = arith.shrsi %reduce_sum3A_1009, %shift_right_arithmetic3A_1024 : i32
      %and3A_1026 = arith.constant 7 : i32
      %and3A_1027 = arith.andi %reduce_sum3A_1009, %and3A_1026 : i32
      %dma_start3A_1028 = arith.constant 2 : i32
      %dma_start3A_1029 = arith.constant 0 : i32
      %dma_start3A_1030 = arith.constant 0 : i32
      %dma_start3A_1031 = tpu.memref_slice %arg9[%dma_start3A_1028, %dma_start3A_1029, %dma_start3A_1030] : memref<8x1x64xf32, #tpu.memory_space<vmem>> -> memref<1x1x64xf32, #tpu.memory_space<vmem>>
      %dma_start3A_1032 = tpu.memref_squeeze %dma_start3A_1031 : memref<1x1x64xf32, #tpu.memory_space<vmem>> -> memref<1x64xf32, #tpu.memory_space<vmem>>
      %dma_start3A_1033 = arith.constant 0 : i32
      %dma_start3A_1034 = tpu.memref_slice %arg4[%shift_right_arithmetic3A_1025, %and3A_1027, %dma_start3A_1033] : memref<125000x8x64xf32, #tpu.memory_space<hbm>> -> memref<1x1x64xf32, #tpu.memory_space<hbm>>
      %dma_start3A_1035 = tpu.memref_squeeze %dma_start3A_1034 : memref<1x1x64xf32, #tpu.memory_space<hbm>> -> memref<1x64xf32, #tpu.memory_space<hbm>>
      %dma_start3A_1036 = arith.constant 0 : i32
      %dma_start3A_1037 = arith.constant 0 : i32
      %dma_start3A_1038 = tpu.memref_slice %arg9[%dma_start3A_1028, %dma_start3A_1036, %dma_start3A_1037] : memref<8x1x64xf32, #tpu.memory_space<vmem>> -> memref<1x1x64xf32, #tpu.memory_space<vmem>>
      %dma_start3A_1039 = tpu.memref_squeeze %dma_start3A_1038 : memref<1x1x64xf32, #tpu.memory_space<vmem>> -> memref<1x64xf32, #tpu.memory_space<vmem>>
      %dma_start3A_1040 = arith.constant 0 : i32
      %dma_start3A_1041 = tpu.memref_slice %arg4[%shift_right_arithmetic3A_1025, %and3A_1027, %dma_start3A_1040] : memref<125000x8x64xf32, #tpu.memory_space<hbm>> -> memref<1x1x64xf32, #tpu.memory_space<hbm>>
      %dma_start3A_1042 = tpu.memref_squeeze %dma_start3A_1041 : memref<1x1x64xf32, #tpu.memory_space<hbm>> -> memref<1x64xf32, #tpu.memory_space<hbm>>
      tpu.enqueue_dma source(%dma_start3A_1042 : memref<1x64xf32, #tpu.memory_space<hbm>>) target(%dma_start3A_1039 : memref<1x64xf32, #tpu.memory_space<vmem>>) target_semaphore(%arg14 : memref<!tpu.dma_semaphore, #tpu.memory_space<semaphore_mem>>)
      %shift_right_arithmetic3A_1043 = arith.constant 3 : i32
      %shift_right_arithmetic3A_1044 = arith.shrsi %reduce_sum3A_1023, %shift_right_arithmetic3A_1043 : i32
      %and3A_1045 = arith.constant 7 : i32
      %and3A_1046 = arith.andi %reduce_sum3A_1023, %and3A_1045 : i32
      %dma_start3A_1047 = arith.constant 2 : i32
      %dma_start3A_1048 = arith.constant 0 : i32
      %dma_start3A_1049 = arith.constant 0 : i32
      %dma_start3A_1050 = tpu.memref_slice %arg10[%dma_start3A_1047, %dma_start3A_1048, %dma_start3A_1049] : memref<8x1x64xf32, #tpu.memory_space<vmem>> -> memref<1x1x64xf32, #tpu.memory_space<vmem>>
      %dma_start3A_1051 = tpu.memref_squeeze %dma_start3A_1050 : memref<1x1x64xf32, #tpu.memory_space<vmem>> -> memref<1x64xf32, #tpu.memory_space<vmem>>
      %dma_start3A_1052 = arith.constant 0 : i32
      %dma_start3A_1053 = tpu.memref_slice %arg5[%shift_right_arithmetic3A_1044, %and3A_1046, %dma_start3A_1052] : memref<125000x8x64xf32, #tpu.memory_space<hbm>> -> memref<1x1x64xf32, #tpu.memory_space<hbm>>
      %dma_start3A_1054 = tpu.memref_squeeze %dma_start3A_1053 : memref<1x1x64xf32, #tpu.memory_space<hbm>> -> memref<1x64xf32, #tpu.memory_space<hbm>>
      %dma_start3A_1055 = arith.constant 0 : i32
      %dma_start3A_1056 = arith.constant 0 : i32
      %dma_start3A_1057 = tpu.memref_slice %arg10[%dma_start3A_1047, %dma_start3A_1055, %dma_start3A_1056] : memref<8x1x64xf32, #tpu.memory_space<vmem>> -> memref<1x1x64xf32, #tpu.memory_space<vmem>>
      %dma_start3A_1058 = tpu.memref_squeeze %dma_start3A_1057 : memref<1x1x64xf32, #tpu.memory_space<vmem>> -> memref<1x64xf32, #tpu.memory_space<vmem>>
      %dma_start3A_1059 = arith.constant 0 : i32
      %dma_start3A_1060 = tpu.memref_slice %arg5[%shift_right_arithmetic3A_1044, %and3A_1046, %dma_start3A_1059] : memref<125000x8x64xf32, #tpu.memory_space<hbm>> -> memref<1x1x64xf32, #tpu.memory_space<hbm>>
      %dma_start3A_1061 = tpu.memref_squeeze %dma_start3A_1060 : memref<1x1x64xf32, #tpu.memory_space<hbm>> -> memref<1x64xf32, #tpu.memory_space<hbm>>
      tpu.enqueue_dma source(%dma_start3A_1061 : memref<1x64xf32, #tpu.memory_space<hbm>>) target(%dma_start3A_1058 : memref<1x64xf32, #tpu.memory_space<vmem>>) target_semaphore(%arg22 : memref<!tpu.dma_semaphore, #tpu.memory_space<semaphore_mem>>)
      %dma_wait3A_1062 = arith.constant 0 : i32
      %dma_wait3A_1063 = arith.constant 3 : i32
      %dma_wait3A_1064 = arith.constant 0 : i32
      %dma_wait3A_1065 = arith.constant 0 : i32
      %dma_wait3A_1066 = tpu.memref_slice %arg9[%dma_wait3A_1063, %dma_wait3A_1064, %dma_wait3A_1065] : memref<8x1x64xf32, #tpu.memory_space<vmem>> -> memref<1x1x64xf32, #tpu.memory_space<vmem>>
      %dma_wait3A_1067 = tpu.memref_squeeze %dma_wait3A_1066 : memref<1x1x64xf32, #tpu.memory_space<vmem>> -> memref<1x64xf32, #tpu.memory_space<vmem>>
      %dma_wait3A_1068 = arith.constant 0 : i32
      %dma_wait3A_1069 = arith.constant 0 : i32
      %dma_wait3A_1070 = tpu.memref_slice %arg4[%dma_wait3A_1062, %dma_wait3A_1068, %dma_wait3A_1069] : memref<125000x8x64xf32, #tpu.memory_space<hbm>> -> memref<1x1x64xf32, #tpu.memory_space<hbm>>
      %dma_wait3A_1071 = tpu.memref_squeeze %dma_wait3A_1070 : memref<1x1x64xf32, #tpu.memory_space<hbm>> -> memref<1x64xf32, #tpu.memory_space<hbm>>
      %dma_wait3A_1072 = arith.constant 0 : i32
      %dma_wait3A_1073 = arith.constant 0 : i32
      %dma_wait3A_1074 = tpu.memref_slice %arg9[%dma_wait3A_1063, %dma_wait3A_1072, %dma_wait3A_1073] : memref<8x1x64xf32, #tpu.memory_space<vmem>> -> memref<1x1x64xf32, #tpu.memory_space<vmem>>
      %dma_wait3A_1075 = tpu.memref_squeeze %dma_wait3A_1074 : memref<1x1x64xf32, #tpu.memory_space<vmem>> -> memref<1x64xf32, #tpu.memory_space<vmem>>
      %dma_wait3A_1076 = arith.constant 0 : i32
      %dma_wait3A_1077 = arith.constant 0 : i32
      %dma_wait3A_1078 = tpu.memref_slice %arg4[%dma_wait3A_1062, %dma_wait3A_1076, %dma_wait3A_1077] : memref<125000x8x64xf32, #tpu.memory_space<hbm>> -> memref<1x1x64xf32, #tpu.memory_space<hbm>>
      %dma_wait3A_1079 = tpu.memref_squeeze %dma_wait3A_1078 : memref<1x1x64xf32, #tpu.memory_space<hbm>> -> memref<1x64xf32, #tpu.memory_space<hbm>>
      tpu.wait_dma2 semaphore(%arg15 : memref<!tpu.dma_semaphore, #tpu.memory_space<semaphore_mem>>) src(%dma_wait3A_1079 : memref<1x64xf32, #tpu.memory_space<hbm>>) dst(%dma_wait3A_1075 : memref<1x64xf32, #tpu.memory_space<vmem>>)
      %dma_wait3A_1080 = arith.constant 0 : i32
      %dma_wait3A_1081 = arith.constant 3 : i32
      %dma_wait3A_1082 = arith.constant 0 : i32
      %dma_wait3A_1083 = arith.constant 0 : i32
      %dma_wait3A_1084 = tpu.memref_slice %arg10[%dma_wait3A_1081, %dma_wait3A_1082, %dma_wait3A_1083] : memref<8x1x64xf32, #tpu.memory_space<vmem>> -> memref<1x1x64xf32, #tpu.memory_space<vmem>>
      %dma_wait3A_1085 = tpu.memref_squeeze %dma_wait3A_1084 : memref<1x1x64xf32, #tpu.memory_space<vmem>> -> memref<1x64xf32, #tpu.memory_space<vmem>>
      %dma_wait3A_1086 = arith.constant 0 : i32
      %dma_wait3A_1087 = arith.constant 0 : i32
      %dma_wait3A_1088 = tpu.memref_slice %arg5[%dma_wait3A_1080, %dma_wait3A_1086, %dma_wait3A_1087] : memref<125000x8x64xf32, #tpu.memory_space<hbm>> -> memref<1x1x64xf32, #tpu.memory_space<hbm>>
      %dma_wait3A_1089 = tpu.memref_squeeze %dma_wait3A_1088 : memref<1x1x64xf32, #tpu.memory_space<hbm>> -> memref<1x64xf32, #tpu.memory_space<hbm>>
      %dma_wait3A_1090 = arith.constant 0 : i32
      %dma_wait3A_1091 = arith.constant 0 : i32
      %dma_wait3A_1092 = tpu.memref_slice %arg10[%dma_wait3A_1081, %dma_wait3A_1090, %dma_wait3A_1091] : memref<8x1x64xf32, #tpu.memory_space<vmem>> -> memref<1x1x64xf32, #tpu.memory_space<vmem>>
      %dma_wait3A_1093 = tpu.memref_squeeze %dma_wait3A_1092 : memref<1x1x64xf32, #tpu.memory_space<vmem>> -> memref<1x64xf32, #tpu.memory_space<vmem>>
      %dma_wait3A_1094 = arith.constant 0 : i32
      %dma_wait3A_1095 = arith.constant 0 : i32
      %dma_wait3A_1096 = tpu.memref_slice %arg5[%dma_wait3A_1080, %dma_wait3A_1094, %dma_wait3A_1095] : memref<125000x8x64xf32, #tpu.memory_space<hbm>> -> memref<1x1x64xf32, #tpu.memory_space<hbm>>
      %dma_wait3A_1097 = tpu.memref_squeeze %dma_wait3A_1096 : memref<1x1x64xf32, #tpu.memory_space<hbm>> -> memref<1x64xf32, #tpu.memory_space<hbm>>
      tpu.wait_dma2 semaphore(%arg23 : memref<!tpu.dma_semaphore, #tpu.memory_space<semaphore_mem>>) src(%dma_wait3A_1097 : memref<1x64xf32, #tpu.memory_space<hbm>>) dst(%dma_wait3A_1093 : memref<1x64xf32, #tpu.memory_space<vmem>>)
      %get3A_1098 = arith.constant 3 : i32
      %get3A_1099 = arith.constant 0 : i32
      %get3A_1100 = arith.index_cast %get3A_1098 : i32 to index
      %get3A_1101 = arith.index_cast %get3A_1099 : i32 to index
      %get3A_1102 = arith.constant 0 : index
      %get3A_1103 = tpu.vector_load %arg9[%get3A_1100, %get3A_1101, %get3A_1102] {strides = array<i32>} : memref<8x1x64xf32, #tpu.memory_space<vmem>>, vector<16xf32>,
      %get3A_1104 = arith.constant 3 : i32
      %get3A_1105 = arith.constant 0 : i32
      %get3A_1106 = arith.index_cast %get3A_1104 : i32 to index
      %get3A_1107 = arith.index_cast %get3A_1105 : i32 to index
      %get3A_1108 = arith.constant 0 : index
      %get3A_1109 = tpu.vector_load %arg10[%get3A_1106, %get3A_1107, %get3A_1108] {strides = array<i32>} : memref<8x1x64xf32, #tpu.memory_space<vmem>>, vector<16xf32>,
      %mul3A_1110 = arith.mulf %get3A_1103, %get3A_1109 : vector<16xf32>
      %get3A_1111 = arith.constant 3 : i32
      %get3A_1112 = arith.constant 0 : i32
      %get3A_1113 = arith.index_cast %get3A_1111 : i32 to index
      %get3A_1114 = arith.index_cast %get3A_1112 : i32 to index
      %get3A_1115 = arith.constant 16 : index
      %get3A_1116 = tpu.vector_load %arg9[%get3A_1113, %get3A_1114, %get3A_1115] {strides = array<i32>} : memref<8x1x64xf32, #tpu.memory_space<vmem>>, vector<16xf32>,
      %get3A_1117 = arith.constant 3 : i32
      %get3A_1118 = arith.constant 0 : i32
      %get3A_1119 = arith.index_cast %get3A_1117 : i32 to index
      %get3A_1120 = arith.index_cast %get3A_1118 : i32 to index
      %get3A_1121 = arith.constant 16 : index
      %get3A_1122 = tpu.vector_load %arg10[%get3A_1119, %get3A_1120, %get3A_1121] {strides = array<i32>} : memref<8x1x64xf32, #tpu.memory_space<vmem>>, vector<16xf32>,
      %mul3A_1123 = arith.mulf %get3A_1116, %get3A_1122 : vector<16xf32>
      %add3A_1124 = arith.addf %mul3A_1110, %mul3A_1123 : vector<16xf32>
      %get3A_1125 = arith.constant 3 : i32
      %get3A_1126 = arith.constant 0 : i32
      %get3A_1127 = arith.index_cast %get3A_1125 : i32 to index
      %get3A_1128 = arith.index_cast %get3A_1126 : i32 to index
      %get3A_1129 = arith.constant 32 : index
      %get3A_1130 = tpu.vector_load %arg9[%get3A_1127, %get3A_1128, %get3A_1129] {strides = array<i32>} : memref<8x1x64xf32, #tpu.memory_space<vmem>>, vector<16xf32>,
      %get3A_1131 = arith.constant 3 : i32
      %get3A_1132 = arith.constant 0 : i32
      %get3A_1133 = arith.index_cast %get3A_1131 : i32 to index
      %get3A_1134 = arith.index_cast %get3A_1132 : i32 to index
      %get3A_1135 = arith.constant 32 : index
      %get3A_1136 = tpu.vector_load %arg10[%get3A_1133, %get3A_1134, %get3A_1135] {strides = array<i32>} : memref<8x1x64xf32, #tpu.memory_space<vmem>>, vector<16xf32>,
      %mul3A_1137 = arith.mulf %get3A_1130, %get3A_1136 : vector<16xf32>
      %add3A_1138 = arith.addf %add3A_1124, %mul3A_1137 : vector<16xf32>
      %get3A_1139 = arith.constant 3 : i32
      %get3A_1140 = arith.constant 0 : i32
      %get3A_1141 = arith.index_cast %get3A_1139 : i32 to index
      %get3A_1142 = arith.index_cast %get3A_1140 : i32 to index
      %get3A_1143 = arith.constant 48 : index
      %get3A_1144 = tpu.vector_load %arg9[%get3A_1141, %get3A_1142, %get3A_1143] {strides = array<i32>} : memref<8x1x64xf32, #tpu.memory_space<vmem>>, vector<16xf32>,
      %get3A_1145 = arith.constant 3 : i32
      %get3A_1146 = arith.constant 0 : i32
      %get3A_1147 = arith.index_cast %get3A_1145 : i32 to index
      %get3A_1148 = arith.index_cast %get3A_1146 : i32 to index
      %get3A_1149 = arith.constant 48 : index
      %get3A_1150 = tpu.vector_load %arg10[%get3A_1147, %get3A_1148, %get3A_1149] {strides = array<i32>} : memref<8x1x64xf32, #tpu.memory_space<vmem>>, vector<16xf32>,
      %mul3A_1151 = arith.mulf %get3A_1144, %get3A_1150 : vector<16xf32>
      %add3A_1152 = arith.addf %add3A_1138, %mul3A_1151 : vector<16xf32>
      %xor3A_1153 = arith.constant 8 : i32
      %xor3A_1154 = vector.broadcast %xor3A_1153 : i32 to vector<16xi32>
      %xor3A_1155 = arith.xori %iota3A, %xor3A_1154 : vector<16xi32>
      %broadcast_in_dim3A_1156 = vector.shape_cast %xor3A_1155 : vector<16xi32> to vector<16x1xi32>
      %gather3A_1157 = vector.shape_cast %broadcast_in_dim3A_1156 : vector<16x1xi32> to vector<16xi32>
      %gather3A_1158 = tpu.dynamic_gather %add3A_1152[%gather3A_1157] in [0] : vector<16xf32>, vector<16xi32> -> vector<16xf32>
      %add3A_1159 = arith.addf %add3A_1152, %gather3A_1158 : vector<16xf32>
      %xor3A_1160 = arith.constant 4 : i32
      %xor3A_1161 = vector.broadcast %xor3A_1160 : i32 to vector<16xi32>
      %xor3A_1162 = arith.xori %iota3A, %xor3A_1161 : vector<16xi32>
      %broadcast_in_dim3A_1163 = vector.shape_cast %xor3A_1162 : vector<16xi32> to vector<16x1xi32>
      %gather3A_1164 = vector.shape_cast %broadcast_in_dim3A_1163 : vector<16x1xi32> to vector<16xi32>
      %gather3A_1165 = tpu.dynamic_gather %add3A_1159[%gather3A_1164] in [0] : vector<16xf32>, vector<16xi32> -> vector<16xf32>
      %add3A_1166 = arith.addf %add3A_1159, %gather3A_1165 : vector<16xf32>
      %xor3A_1167 = arith.constant 2 : i32
      %xor3A_1168 = vector.broadcast %xor3A_1167 : i32 to vector<16xi32>
      %xor3A_1169 = arith.xori %iota3A, %xor3A_1168 : vector<16xi32>
      %broadcast_in_dim3A_1170 = vector.shape_cast %xor3A_1169 : vector<16xi32> to vector<16x1xi32>
      %gather3A_1171 = vector.shape_cast %broadcast_in_dim3A_1170 : vector<16x1xi32> to vector<16xi32>
      %gather3A_1172 = tpu.dynamic_gather %add3A_1166[%gather3A_1171] in [0] : vector<16xf32>, vector<16xi32> -> vector<16xf32>
      %add3A_1173 = arith.addf %add3A_1166, %gather3A_1172 : vector<16xf32>
      %xor3A_1174 = arith.constant 1 : i32
      %xor3A_1175 = vector.broadcast %xor3A_1174 : i32 to vector<16xi32>
      %xor3A_1176 = arith.xori %iota3A, %xor3A_1175 : vector<16xi32>
      %broadcast_in_dim3A_1177 = vector.shape_cast %xor3A_1176 : vector<16xi32> to vector<16x1xi32>
      %gather3A_1178 = vector.shape_cast %broadcast_in_dim3A_1177 : vector<16x1xi32> to vector<16xi32>
      %gather3A_1179 = tpu.dynamic_gather %add3A_1173[%gather3A_1178] in [0] : vector<16xf32>, vector<16xi32> -> vector<16xf32>
      %add3A_1180 = arith.addf %add3A_1173, %gather3A_1179 : vector<16xf32>
      %eq3A_1181 = arith.constant 3 : i32
      %eq3A_1182 = vector.broadcast %eq3A_1181 : i32 to vector<16xi32>
      %eq3A_1183 = arith.cmpi eq, %iota3A, %eq3A_1182 : vector<16xi32>
      %select_n3A_1184 = arith.select %eq3A_1183, %add3A_1180, %select_n3A_995 : vector<16xi1>, vector<16xf32>
      %mul3A_1185 = arith.constant 16 : i32
      %mul3A_1186 = arith.muli %scan3A_495, %mul3A_1185 : i32
      %get3A_1187 = arith.index_cast %mul3A_1186 : i32 to index
      %get3A_1188 = tpu.vector_load %arg7[%get3A_1187] {strides = array<i32>} : memref<512xi32, #tpu.memory_space<vmem>>, vector<16xi32>,
      %eq3A_1189 = arith.constant 11 : i32
      %eq3A_1190 = vector.broadcast %eq3A_1189 : i32 to vector<16xi32>
      %eq3A_1191 = arith.cmpi eq, %iota3A, %eq3A_1190 : vector<16xi32>
      %jit3A_1192 = arith.constant 0 : i32
      %broadcast_in_dim3A_1193 = vector.broadcast %jit3A_1192 : i32 to vector<16xi32>
      %select_n3A_1194 = arith.select %eq3A_1191, %get3A_1188, %broadcast_in_dim3A_1193 : vector<16xi1>, vector<16xi32>
      %reduce_sum3A_1195 = arith.constant true
      %reduce_sum3A_1196 = vector.broadcast %reduce_sum3A_1195 : i1 to vector<16xi1>
      %reduce_sum3A_1197 = tpu.scan <sum>, %select_n3A_1194 masked %reduce_sum3A_1196 : vector<16xi32>, vector<16xi1> -> vector<16xi32>
      %reduce_sum3A_1198 = vector.extract %reduce_sum3A_1197[15] : i32 from vector<16xi32>
      %mul3A_1199 = arith.constant 16 : i32
      %mul3A_1200 = arith.muli %scan3A_495, %mul3A_1199 : i32
      %get3A_1201 = arith.index_cast %mul3A_1200 : i32 to index
      %get3A_1202 = tpu.vector_load %arg8[%get3A_1201] {strides = array<i32>} : memref<512xi32, #tpu.memory_space<vmem>>, vector<16xi32>,
      %eq3A_1203 = arith.constant 11 : i32
      %eq3A_1204 = vector.broadcast %eq3A_1203 : i32 to vector<16xi32>
      %eq3A_1205 = arith.cmpi eq, %iota3A, %eq3A_1204 : vector<16xi32>
      %jit3A_1206 = arith.constant 0 : i32
      %broadcast_in_dim3A_1207 = vector.broadcast %jit3A_1206 : i32 to vector<16xi32>
      %select_n3A_1208 = arith.select %eq3A_1205, %get3A_1202, %broadcast_in_dim3A_1207 : vector<16xi1>, vector<16xi32>
      %reduce_sum3A_1209 = arith.constant true
      %reduce_sum3A_1210 = vector.broadcast %reduce_sum3A_1209 : i1 to vector<16xi1>
      %reduce_sum3A_1211 = tpu.scan <sum>, %select_n3A_1208 masked %reduce_sum3A_1210 : vector<16xi32>, vector<16xi1> -> vector<16xi32>
      %reduce_sum3A_1212 = vector.extract %reduce_sum3A_1211[15] : i32 from vector<16xi32>
      %shift_right_arithmetic3A_1213 = arith.constant 3 : i32
      %shift_right_arithmetic3A_1214 = arith.shrsi %reduce_sum3A_1198, %shift_right_arithmetic3A_1213 : i32
      %and3A_1215 = arith.constant 7 : i32
      %and3A_1216 = arith.andi %reduce_sum3A_1198, %and3A_1215 : i32
      %dma_start3A_1217 = arith.constant 3 : i32
      %dma_start3A_1218 = arith.constant 0 : i32
      %dma_start3A_1219 = arith.constant 0 : i32
      %dma_start3A_1220 = tpu.memref_slice %arg9[%dma_start3A_1217, %dma_start3A_1218, %dma_start3A_1219] : memref<8x1x64xf32, #tpu.memory_space<vmem>> -> memref<1x1x64xf32, #tpu.memory_space<vmem>>
      %dma_start3A_1221 = tpu.memref_squeeze %dma_start3A_1220 : memref<1x1x64xf32, #tpu.memory_space<vmem>> -> memref<1x64xf32, #tpu.memory_space<vmem>>
      %dma_start3A_1222 = arith.constant 0 : i32
      %dma_start3A_1223 = tpu.memref_slice %arg4[%shift_right_arithmetic3A_1214, %and3A_1216, %dma_start3A_1222] : memref<125000x8x64xf32, #tpu.memory_space<hbm>> -> memref<1x1x64xf32, #tpu.memory_space<hbm>>
      %dma_start3A_1224 = tpu.memref_squeeze %dma_start3A_1223 : memref<1x1x64xf32, #tpu.memory_space<hbm>> -> memref<1x64xf32, #tpu.memory_space<hbm>>
      %dma_start3A_1225 = arith.constant 0 : i32
      %dma_start3A_1226 = arith.constant 0 : i32
      %dma_start3A_1227 = tpu.memref_slice %arg9[%dma_start3A_1217, %dma_start3A_1225, %dma_start3A_1226] : memref<8x1x64xf32, #tpu.memory_space<vmem>> -> memref<1x1x64xf32, #tpu.memory_space<vmem>>
      %dma_start3A_1228 = tpu.memref_squeeze %dma_start3A_1227 : memref<1x1x64xf32, #tpu.memory_space<vmem>> -> memref<1x64xf32, #tpu.memory_space<vmem>>
      %dma_start3A_1229 = arith.constant 0 : i32
      %dma_start3A_1230 = tpu.memref_slice %arg4[%shift_right_arithmetic3A_1214, %and3A_1216, %dma_start3A_1229] : memref<125000x8x64xf32, #tpu.memory_space<hbm>> -> memref<1x1x64xf32, #tpu.memory_space<hbm>>
      %dma_start3A_1231 = tpu.memref_squeeze %dma_start3A_1230 : memref<1x1x64xf32, #tpu.memory_space<hbm>> -> memref<1x64xf32, #tpu.memory_space<hbm>>
      tpu.enqueue_dma source(%dma_start3A_1231 : memref<1x64xf32, #tpu.memory_space<hbm>>) target(%dma_start3A_1228 : memref<1x64xf32, #tpu.memory_space<vmem>>) target_semaphore(%arg15 : memref<!tpu.dma_semaphore, #tpu.memory_space<semaphore_mem>>)
      %shift_right_arithmetic3A_1232 = arith.constant 3 : i32
      %shift_right_arithmetic3A_1233 = arith.shrsi %reduce_sum3A_1212, %shift_right_arithmetic3A_1232 : i32
      %and3A_1234 = arith.constant 7 : i32
      %and3A_1235 = arith.andi %reduce_sum3A_1212, %and3A_1234 : i32
      %dma_start3A_1236 = arith.constant 3 : i32
      %dma_start3A_1237 = arith.constant 0 : i32
      %dma_start3A_1238 = arith.constant 0 : i32
      %dma_start3A_1239 = tpu.memref_slice %arg10[%dma_start3A_1236, %dma_start3A_1237, %dma_start3A_1238] : memref<8x1x64xf32, #tpu.memory_space<vmem>> -> memref<1x1x64xf32, #tpu.memory_space<vmem>>
      %dma_start3A_1240 = tpu.memref_squeeze %dma_start3A_1239 : memref<1x1x64xf32, #tpu.memory_space<vmem>> -> memref<1x64xf32, #tpu.memory_space<vmem>>
      %dma_start3A_1241 = arith.constant 0 : i32
      %dma_start3A_1242 = tpu.memref_slice %arg5[%shift_right_arithmetic3A_1233, %and3A_1235, %dma_start3A_1241] : memref<125000x8x64xf32, #tpu.memory_space<hbm>> -> memref<1x1x64xf32, #tpu.memory_space<hbm>>
      %dma_start3A_1243 = tpu.memref_squeeze %dma_start3A_1242 : memref<1x1x64xf32, #tpu.memory_space<hbm>> -> memref<1x64xf32, #tpu.memory_space<hbm>>
      %dma_start3A_1244 = arith.constant 0 : i32
      %dma_start3A_1245 = arith.constant 0 : i32
      %dma_start3A_1246 = tpu.memref_slice %arg10[%dma_start3A_1236, %dma_start3A_1244, %dma_start3A_1245] : memref<8x1x64xf32, #tpu.memory_space<vmem>> -> memref<1x1x64xf32, #tpu.memory_space<vmem>>
      %dma_start3A_1247 = tpu.memref_squeeze %dma_start3A_1246 : memref<1x1x64xf32, #tpu.memory_space<vmem>> -> memref<1x64xf32, #tpu.memory_space<vmem>>
      %dma_start3A_1248 = arith.constant 0 : i32
      %dma_start3A_1249 = tpu.memref_slice %arg5[%shift_right_arithmetic3A_1233, %and3A_1235, %dma_start3A_1248] : memref<125000x8x64xf32, #tpu.memory_space<hbm>> -> memref<1x1x64xf32, #tpu.memory_space<hbm>>
      %dma_start3A_1250 = tpu.memref_squeeze %dma_start3A_1249 : memref<1x1x64xf32, #tpu.memory_space<hbm>> -> memref<1x64xf32, #tpu.memory_space<hbm>>
      tpu.enqueue_dma source(%dma_start3A_1250 : memref<1x64xf32, #tpu.memory_space<hbm>>) target(%dma_start3A_1247 : memref<1x64xf32, #tpu.memory_space<vmem>>) target_semaphore(%arg23 : memref<!tpu.dma_semaphore, #tpu.memory_space<semaphore_mem>>)
      %dma_wait3A_1251 = arith.constant 0 : i32
      %dma_wait3A_1252 = arith.constant 4 : i32
      %dma_wait3A_1253 = arith.constant 0 : i32
      %dma_wait3A_1254 = arith.constant 0 : i32
      %dma_wait3A_1255 = tpu.memref_slice %arg9[%dma_wait3A_1252, %dma_wait3A_1253, %dma_wait3A_1254] : memref<8x1x64xf32, #tpu.memory_space<vmem>> -> memref<1x1x64xf32, #tpu.memory_space<vmem>>
      %dma_wait3A_1256 = tpu.memref_squeeze %dma_wait3A_1255 : memref<1x1x64xf32, #tpu.memory_space<vmem>> -> memref<1x64xf32, #tpu.memory_space<vmem>>
      %dma_wait3A_1257 = arith.constant 0 : i32
      %dma_wait3A_1258 = arith.constant 0 : i32
      %dma_wait3A_1259 = tpu.memref_slice %arg4[%dma_wait3A_1251, %dma_wait3A_1257, %dma_wait3A_1258] : memref<125000x8x64xf32, #tpu.memory_space<hbm>> -> memref<1x1x64xf32, #tpu.memory_space<hbm>>
      %dma_wait3A_1260 = tpu.memref_squeeze %dma_wait3A_1259 : memref<1x1x64xf32, #tpu.memory_space<hbm>> -> memref<1x64xf32, #tpu.memory_space<hbm>>
      %dma_wait3A_1261 = arith.constant 0 : i32
      %dma_wait3A_1262 = arith.constant 0 : i32
      %dma_wait3A_1263 = tpu.memref_slice %arg9[%dma_wait3A_1252, %dma_wait3A_1261, %dma_wait3A_1262] : memref<8x1x64xf32, #tpu.memory_space<vmem>> -> memref<1x1x64xf32, #tpu.memory_space<vmem>>
      %dma_wait3A_1264 = tpu.memref_squeeze %dma_wait3A_1263 : memref<1x1x64xf32, #tpu.memory_space<vmem>> -> memref<1x64xf32, #tpu.memory_space<vmem>>
      %dma_wait3A_1265 = arith.constant 0 : i32
      %dma_wait3A_1266 = arith.constant 0 : i32
      %dma_wait3A_1267 = tpu.memref_slice %arg4[%dma_wait3A_1251, %dma_wait3A_1265, %dma_wait3A_1266] : memref<125000x8x64xf32, #tpu.memory_space<hbm>> -> memref<1x1x64xf32, #tpu.memory_space<hbm>>
      %dma_wait3A_1268 = tpu.memref_squeeze %dma_wait3A_1267 : memref<1x1x64xf32, #tpu.memory_space<hbm>> -> memref<1x64xf32, #tpu.memory_space<hbm>>
      tpu.wait_dma2 semaphore(%arg16 : memref<!tpu.dma_semaphore, #tpu.memory_space<semaphore_mem>>) src(%dma_wait3A_1268 : memref<1x64xf32, #tpu.memory_space<hbm>>) dst(%dma_wait3A_1264 : memref<1x64xf32, #tpu.memory_space<vmem>>)
      %dma_wait3A_1269 = arith.constant 0 : i32
      %dma_wait3A_1270 = arith.constant 4 : i32
      %dma_wait3A_1271 = arith.constant 0 : i32
      %dma_wait3A_1272 = arith.constant 0 : i32
      %dma_wait3A_1273 = tpu.memref_slice %arg10[%dma_wait3A_1270, %dma_wait3A_1271, %dma_wait3A_1272] : memref<8x1x64xf32, #tpu.memory_space<vmem>> -> memref<1x1x64xf32, #tpu.memory_space<vmem>>
      %dma_wait3A_1274 = tpu.memref_squeeze %dma_wait3A_1273 : memref<1x1x64xf32, #tpu.memory_space<vmem>> -> memref<1x64xf32, #tpu.memory_space<vmem>>
      %dma_wait3A_1275 = arith.constant 0 : i32
      %dma_wait3A_1276 = arith.constant 0 : i32
      %dma_wait3A_1277 = tpu.memref_slice %arg5[%dma_wait3A_1269, %dma_wait3A_1275, %dma_wait3A_1276] : memref<125000x8x64xf32, #tpu.memory_space<hbm>> -> memref<1x1x64xf32, #tpu.memory_space<hbm>>
      %dma_wait3A_1278 = tpu.memref_squeeze %dma_wait3A_1277 : memref<1x1x64xf32, #tpu.memory_space<hbm>> -> memref<1x64xf32, #tpu.memory_space<hbm>>
      %dma_wait3A_1279 = arith.constant 0 : i32
      %dma_wait3A_1280 = arith.constant 0 : i32
      %dma_wait3A_1281 = tpu.memref_slice %arg10[%dma_wait3A_1270, %dma_wait3A_1279, %dma_wait3A_1280] : memref<8x1x64xf32, #tpu.memory_space<vmem>> -> memref<1x1x64xf32, #tpu.memory_space<vmem>>
      %dma_wait3A_1282 = tpu.memref_squeeze %dma_wait3A_1281 : memref<1x1x64xf32, #tpu.memory_space<vmem>> -> memref<1x64xf32, #tpu.memory_space<vmem>>
      %dma_wait3A_1283 = arith.constant 0 : i32
      %dma_wait3A_1284 = arith.constant 0 : i32
      %dma_wait3A_1285 = tpu.memref_slice %arg5[%dma_wait3A_1269, %dma_wait3A_1283, %dma_wait3A_1284] : memref<125000x8x64xf32, #tpu.memory_space<hbm>> -> memref<1x1x64xf32, #tpu.memory_space<hbm>>
      %dma_wait3A_1286 = tpu.memref_squeeze %dma_wait3A_1285 : memref<1x1x64xf32, #tpu.memory_space<hbm>> -> memref<1x64xf32, #tpu.memory_space<hbm>>
      tpu.wait_dma2 semaphore(%arg24 : memref<!tpu.dma_semaphore, #tpu.memory_space<semaphore_mem>>) src(%dma_wait3A_1286 : memref<1x64xf32, #tpu.memory_space<hbm>>) dst(%dma_wait3A_1282 : memref<1x64xf32, #tpu.memory_space<vmem>>)
      %get3A_1287 = arith.constant 4 : i32
      %get3A_1288 = arith.constant 0 : i32
      %get3A_1289 = arith.index_cast %get3A_1287 : i32 to index
      %get3A_1290 = arith.index_cast %get3A_1288 : i32 to index
      %get3A_1291 = arith.constant 0 : index
      %get3A_1292 = tpu.vector_load %arg9[%get3A_1289, %get3A_1290, %get3A_1291] {strides = array<i32>} : memref<8x1x64xf32, #tpu.memory_space<vmem>>, vector<16xf32>,
      %get3A_1293 = arith.constant 4 : i32
      %get3A_1294 = arith.constant 0 : i32
      %get3A_1295 = arith.index_cast %get3A_1293 : i32 to index
      %get3A_1296 = arith.index_cast %get3A_1294 : i32 to index
      %get3A_1297 = arith.constant 0 : index
      %get3A_1298 = tpu.vector_load %arg10[%get3A_1295, %get3A_1296, %get3A_1297] {strides = array<i32>} : memref<8x1x64xf32, #tpu.memory_space<vmem>>, vector<16xf32>,
      %mul3A_1299 = arith.mulf %get3A_1292, %get3A_1298 : vector<16xf32>
      %get3A_1300 = arith.constant 4 : i32
      %get3A_1301 = arith.constant 0 : i32
      %get3A_1302 = arith.index_cast %get3A_1300 : i32 to index
      %get3A_1303 = arith.index_cast %get3A_1301 : i32 to index
      %get3A_1304 = arith.constant 16 : index
      %get3A_1305 = tpu.vector_load %arg9[%get3A_1302, %get3A_1303, %get3A_1304] {strides = array<i32>} : memref<8x1x64xf32, #tpu.memory_space<vmem>>, vector<16xf32>,
      %get3A_1306 = arith.constant 4 : i32
      %get3A_1307 = arith.constant 0 : i32
      %get3A_1308 = arith.index_cast %get3A_1306 : i32 to index
      %get3A_1309 = arith.index_cast %get3A_1307 : i32 to index
      %get3A_1310 = arith.constant 16 : index
      %get3A_1311 = tpu.vector_load %arg10[%get3A_1308, %get3A_1309, %get3A_1310] {strides = array<i32>} : memref<8x1x64xf32, #tpu.memory_space<vmem>>, vector<16xf32>,
      %mul3A_1312 = arith.mulf %get3A_1305, %get3A_1311 : vector<16xf32>
      %add3A_1313 = arith.addf %mul3A_1299, %mul3A_1312 : vector<16xf32>
      %get3A_1314 = arith.constant 4 : i32
      %get3A_1315 = arith.constant 0 : i32
      %get3A_1316 = arith.index_cast %get3A_1314 : i32 to index
      %get3A_1317 = arith.index_cast %get3A_1315 : i32 to index
      %get3A_1318 = arith.constant 32 : index
      %get3A_1319 = tpu.vector_load %arg9[%get3A_1316, %get3A_1317, %get3A_1318] {strides = array<i32>} : memref<8x1x64xf32, #tpu.memory_space<vmem>>, vector<16xf32>,
      %get3A_1320 = arith.constant 4 : i32
      %get3A_1321 = arith.constant 0 : i32
      %get3A_1322 = arith.index_cast %get3A_1320 : i32 to index
      %get3A_1323 = arith.index_cast %get3A_1321 : i32 to index
      %get3A_1324 = arith.constant 32 : index
      %get3A_1325 = tpu.vector_load %arg10[%get3A_1322, %get3A_1323, %get3A_1324] {strides = array<i32>} : memref<8x1x64xf32, #tpu.memory_space<vmem>>, vector<16xf32>,
      %mul3A_1326 = arith.mulf %get3A_1319, %get3A_1325 : vector<16xf32>
      %add3A_1327 = arith.addf %add3A_1313, %mul3A_1326 : vector<16xf32>
      %get3A_1328 = arith.constant 4 : i32
      %get3A_1329 = arith.constant 0 : i32
      %get3A_1330 = arith.index_cast %get3A_1328 : i32 to index
      %get3A_1331 = arith.index_cast %get3A_1329 : i32 to index
      %get3A_1332 = arith.constant 48 : index
      %get3A_1333 = tpu.vector_load %arg9[%get3A_1330, %get3A_1331, %get3A_1332] {strides = array<i32>} : memref<8x1x64xf32, #tpu.memory_space<vmem>>, vector<16xf32>,
      %get3A_1334 = arith.constant 4 : i32
      %get3A_1335 = arith.constant 0 : i32
      %get3A_1336 = arith.index_cast %get3A_1334 : i32 to index
      %get3A_1337 = arith.index_cast %get3A_1335 : i32 to index
      %get3A_1338 = arith.constant 48 : index
      %get3A_1339 = tpu.vector_load %arg10[%get3A_1336, %get3A_1337, %get3A_1338] {strides = array<i32>} : memref<8x1x64xf32, #tpu.memory_space<vmem>>, vector<16xf32>,
      %mul3A_1340 = arith.mulf %get3A_1333, %get3A_1339 : vector<16xf32>
      %add3A_1341 = arith.addf %add3A_1327, %mul3A_1340 : vector<16xf32>
      %xor3A_1342 = arith.constant 8 : i32
      %xor3A_1343 = vector.broadcast %xor3A_1342 : i32 to vector<16xi32>
      %xor3A_1344 = arith.xori %iota3A, %xor3A_1343 : vector<16xi32>
      %broadcast_in_dim3A_1345 = vector.shape_cast %xor3A_1344 : vector<16xi32> to vector<16x1xi32>
      %gather3A_1346 = vector.shape_cast %broadcast_in_dim3A_1345 : vector<16x1xi32> to vector<16xi32>
      %gather3A_1347 = tpu.dynamic_gather %add3A_1341[%gather3A_1346] in [0] : vector<16xf32>, vector<16xi32> -> vector<16xf32>
      %add3A_1348 = arith.addf %add3A_1341, %gather3A_1347 : vector<16xf32>
      %xor3A_1349 = arith.constant 4 : i32
      %xor3A_1350 = vector.broadcast %xor3A_1349 : i32 to vector<16xi32>
      %xor3A_1351 = arith.xori %iota3A, %xor3A_1350 : vector<16xi32>
      %broadcast_in_dim3A_1352 = vector.shape_cast %xor3A_1351 : vector<16xi32> to vector<16x1xi32>
      %gather3A_1353 = vector.shape_cast %broadcast_in_dim3A_1352 : vector<16x1xi32> to vector<16xi32>
      %gather3A_1354 = tpu.dynamic_gather %add3A_1348[%gather3A_1353] in [0] : vector<16xf32>, vector<16xi32> -> vector<16xf32>
      %add3A_1355 = arith.addf %add3A_1348, %gather3A_1354 : vector<16xf32>
      %xor3A_1356 = arith.constant 2 : i32
      %xor3A_1357 = vector.broadcast %xor3A_1356 : i32 to vector<16xi32>
      %xor3A_1358 = arith.xori %iota3A, %xor3A_1357 : vector<16xi32>
      %broadcast_in_dim3A_1359 = vector.shape_cast %xor3A_1358 : vector<16xi32> to vector<16x1xi32>
      %gather3A_1360 = vector.shape_cast %broadcast_in_dim3A_1359 : vector<16x1xi32> to vector<16xi32>
      %gather3A_1361 = tpu.dynamic_gather %add3A_1355[%gather3A_1360] in [0] : vector<16xf32>, vector<16xi32> -> vector<16xf32>
      %add3A_1362 = arith.addf %add3A_1355, %gather3A_1361 : vector<16xf32>
      %xor3A_1363 = arith.constant 1 : i32
      %xor3A_1364 = vector.broadcast %xor3A_1363 : i32 to vector<16xi32>
      %xor3A_1365 = arith.xori %iota3A, %xor3A_1364 : vector<16xi32>
      %broadcast_in_dim3A_1366 = vector.shape_cast %xor3A_1365 : vector<16xi32> to vector<16x1xi32>
      %gather3A_1367 = vector.shape_cast %broadcast_in_dim3A_1366 : vector<16x1xi32> to vector<16xi32>
      %gather3A_1368 = tpu.dynamic_gather %add3A_1362[%gather3A_1367] in [0] : vector<16xf32>, vector<16xi32> -> vector<16xf32>
      %add3A_1369 = arith.addf %add3A_1362, %gather3A_1368 : vector<16xf32>
      %eq3A_1370 = arith.constant 4 : i32
      %eq3A_1371 = vector.broadcast %eq3A_1370 : i32 to vector<16xi32>
      %eq3A_1372 = arith.cmpi eq, %iota3A, %eq3A_1371 : vector<16xi32>
      %select_n3A_1373 = arith.select %eq3A_1372, %add3A_1369, %select_n3A_1184 : vector<16xi1>, vector<16xf32>
      %mul3A_1374 = arith.constant 16 : i32
      %mul3A_1375 = arith.muli %scan3A_495, %mul3A_1374 : i32
      %get3A_1376 = arith.index_cast %mul3A_1375 : i32 to index
      %get3A_1377 = tpu.vector_load %arg7[%get3A_1376] {strides = array<i32>} : memref<512xi32, #tpu.memory_space<vmem>>, vector<16xi32>,
      %eq3A_1378 = arith.constant 12 : i32
      %eq3A_1379 = vector.broadcast %eq3A_1378 : i32 to vector<16xi32>
      %eq3A_1380 = arith.cmpi eq, %iota3A, %eq3A_1379 : vector<16xi32>
      %jit3A_1381 = arith.constant 0 : i32
      %broadcast_in_dim3A_1382 = vector.broadcast %jit3A_1381 : i32 to vector<16xi32>
      %select_n3A_1383 = arith.select %eq3A_1380, %get3A_1377, %broadcast_in_dim3A_1382 : vector<16xi1>, vector<16xi32>
      %reduce_sum3A_1384 = arith.constant true
      %reduce_sum3A_1385 = vector.broadcast %reduce_sum3A_1384 : i1 to vector<16xi1>
      %reduce_sum3A_1386 = tpu.scan <sum>, %select_n3A_1383 masked %reduce_sum3A_1385 : vector<16xi32>, vector<16xi1> -> vector<16xi32>
      %reduce_sum3A_1387 = vector.extract %reduce_sum3A_1386[15] : i32 from vector<16xi32>
      %mul3A_1388 = arith.constant 16 : i32
      %mul3A_1389 = arith.muli %scan3A_495, %mul3A_1388 : i32
      %get3A_1390 = arith.index_cast %mul3A_1389 : i32 to index
      %get3A_1391 = tpu.vector_load %arg8[%get3A_1390] {strides = array<i32>} : memref<512xi32, #tpu.memory_space<vmem>>, vector<16xi32>,
      %eq3A_1392 = arith.constant 12 : i32
      %eq3A_1393 = vector.broadcast %eq3A_1392 : i32 to vector<16xi32>
      %eq3A_1394 = arith.cmpi eq, %iota3A, %eq3A_1393 : vector<16xi32>
      %jit3A_1395 = arith.constant 0 : i32
      %broadcast_in_dim3A_1396 = vector.broadcast %jit3A_1395 : i32 to vector<16xi32>
      %select_n3A_1397 = arith.select %eq3A_1394, %get3A_1391, %broadcast_in_dim3A_1396 : vector<16xi1>, vector<16xi32>
      %reduce_sum3A_1398 = arith.constant true
      %reduce_sum3A_1399 = vector.broadcast %reduce_sum3A_1398 : i1 to vector<16xi1>
      %reduce_sum3A_1400 = tpu.scan <sum>, %select_n3A_1397 masked %reduce_sum3A_1399 : vector<16xi32>, vector<16xi1> -> vector<16xi32>
      %reduce_sum3A_1401 = vector.extract %reduce_sum3A_1400[15] : i32 from vector<16xi32>
      %shift_right_arithmetic3A_1402 = arith.constant 3 : i32
      %shift_right_arithmetic3A_1403 = arith.shrsi %reduce_sum3A_1387, %shift_right_arithmetic3A_1402 : i32
      %and3A_1404 = arith.constant 7 : i32
      %and3A_1405 = arith.andi %reduce_sum3A_1387, %and3A_1404 : i32
      %dma_start3A_1406 = arith.constant 4 : i32
      %dma_start3A_1407 = arith.constant 0 : i32
      %dma_start3A_1408 = arith.constant 0 : i32
      %dma_start3A_1409 = tpu.memref_slice %arg9[%dma_start3A_1406, %dma_start3A_1407, %dma_start3A_1408] : memref<8x1x64xf32, #tpu.memory_space<vmem>> -> memref<1x1x64xf32, #tpu.memory_space<vmem>>
      %dma_start3A_1410 = tpu.memref_squeeze %dma_start3A_1409 : memref<1x1x64xf32, #tpu.memory_space<vmem>> -> memref<1x64xf32, #tpu.memory_space<vmem>>
      %dma_start3A_1411 = arith.constant 0 : i32
      %dma_start3A_1412 = tpu.memref_slice %arg4[%shift_right_arithmetic3A_1403, %and3A_1405, %dma_start3A_1411] : memref<125000x8x64xf32, #tpu.memory_space<hbm>> -> memref<1x1x64xf32, #tpu.memory_space<hbm>>
      %dma_start3A_1413 = tpu.memref_squeeze %dma_start3A_1412 : memref<1x1x64xf32, #tpu.memory_space<hbm>> -> memref<1x64xf32, #tpu.memory_space<hbm>>
      %dma_start3A_1414 = arith.constant 0 : i32
      %dma_start3A_1415 = arith.constant 0 : i32
      %dma_start3A_1416 = tpu.memref_slice %arg9[%dma_start3A_1406, %dma_start3A_1414, %dma_start3A_1415] : memref<8x1x64xf32, #tpu.memory_space<vmem>> -> memref<1x1x64xf32, #tpu.memory_space<vmem>>
      %dma_start3A_1417 = tpu.memref_squeeze %dma_start3A_1416 : memref<1x1x64xf32, #tpu.memory_space<vmem>> -> memref<1x64xf32, #tpu.memory_space<vmem>>
      %dma_start3A_1418 = arith.constant 0 : i32
      %dma_start3A_1419 = tpu.memref_slice %arg4[%shift_right_arithmetic3A_1403, %and3A_1405, %dma_start3A_1418] : memref<125000x8x64xf32, #tpu.memory_space<hbm>> -> memref<1x1x64xf32, #tpu.memory_space<hbm>>
      %dma_start3A_1420 = tpu.memref_squeeze %dma_start3A_1419 : memref<1x1x64xf32, #tpu.memory_space<hbm>> -> memref<1x64xf32, #tpu.memory_space<hbm>>
      tpu.enqueue_dma source(%dma_start3A_1420 : memref<1x64xf32, #tpu.memory_space<hbm>>) target(%dma_start3A_1417 : memref<1x64xf32, #tpu.memory_space<vmem>>) target_semaphore(%arg16 : memref<!tpu.dma_semaphore, #tpu.memory_space<semaphore_mem>>)
      %shift_right_arithmetic3A_1421 = arith.constant 3 : i32
      %shift_right_arithmetic3A_1422 = arith.shrsi %reduce_sum3A_1401, %shift_right_arithmetic3A_1421 : i32
      %and3A_1423 = arith.constant 7 : i32
      %and3A_1424 = arith.andi %reduce_sum3A_1401, %and3A_1423 : i32
      %dma_start3A_1425 = arith.constant 4 : i32
      %dma_start3A_1426 = arith.constant 0 : i32
      %dma_start3A_1427 = arith.constant 0 : i32
      %dma_start3A_1428 = tpu.memref_slice %arg10[%dma_start3A_1425, %dma_start3A_1426, %dma_start3A_1427] : memref<8x1x64xf32, #tpu.memory_space<vmem>> -> memref<1x1x64xf32, #tpu.memory_space<vmem>>
      %dma_start3A_1429 = tpu.memref_squeeze %dma_start3A_1428 : memref<1x1x64xf32, #tpu.memory_space<vmem>> -> memref<1x64xf32, #tpu.memory_space<vmem>>
      %dma_start3A_1430 = arith.constant 0 : i32
      %dma_start3A_1431 = tpu.memref_slice %arg5[%shift_right_arithmetic3A_1422, %and3A_1424, %dma_start3A_1430] : memref<125000x8x64xf32, #tpu.memory_space<hbm>> -> memref<1x1x64xf32, #tpu.memory_space<hbm>>
      %dma_start3A_1432 = tpu.memref_squeeze %dma_start3A_1431 : memref<1x1x64xf32, #tpu.memory_space<hbm>> -> memref<1x64xf32, #tpu.memory_space<hbm>>
      %dma_start3A_1433 = arith.constant 0 : i32
      %dma_start3A_1434 = arith.constant 0 : i32
      %dma_start3A_1435 = tpu.memref_slice %arg10[%dma_start3A_1425, %dma_start3A_1433, %dma_start3A_1434] : memref<8x1x64xf32, #tpu.memory_space<vmem>> -> memref<1x1x64xf32, #tpu.memory_space<vmem>>
      %dma_start3A_1436 = tpu.memref_squeeze %dma_start3A_1435 : memref<1x1x64xf32, #tpu.memory_space<vmem>> -> memref<1x64xf32, #tpu.memory_space<vmem>>
      %dma_start3A_1437 = arith.constant 0 : i32
      %dma_start3A_1438 = tpu.memref_slice %arg5[%shift_right_arithmetic3A_1422, %and3A_1424, %dma_start3A_1437] : memref<125000x8x64xf32, #tpu.memory_space<hbm>> -> memref<1x1x64xf32, #tpu.memory_space<hbm>>
      %dma_start3A_1439 = tpu.memref_squeeze %dma_start3A_1438 : memref<1x1x64xf32, #tpu.memory_space<hbm>> -> memref<1x64xf32, #tpu.memory_space<hbm>>
      tpu.enqueue_dma source(%dma_start3A_1439 : memref<1x64xf32, #tpu.memory_space<hbm>>) target(%dma_start3A_1436 : memref<1x64xf32, #tpu.memory_space<vmem>>) target_semaphore(%arg24 : memref<!tpu.dma_semaphore, #tpu.memory_space<semaphore_mem>>)
      %dma_wait3A_1440 = arith.constant 0 : i32
      %dma_wait3A_1441 = arith.constant 5 : i32
      %dma_wait3A_1442 = arith.constant 0 : i32
      %dma_wait3A_1443 = arith.constant 0 : i32
      %dma_wait3A_1444 = tpu.memref_slice %arg9[%dma_wait3A_1441, %dma_wait3A_1442, %dma_wait3A_1443] : memref<8x1x64xf32, #tpu.memory_space<vmem>> -> memref<1x1x64xf32, #tpu.memory_space<vmem>>
      %dma_wait3A_1445 = tpu.memref_squeeze %dma_wait3A_1444 : memref<1x1x64xf32, #tpu.memory_space<vmem>> -> memref<1x64xf32, #tpu.memory_space<vmem>>
      %dma_wait3A_1446 = arith.constant 0 : i32
      %dma_wait3A_1447 = arith.constant 0 : i32
      %dma_wait3A_1448 = tpu.memref_slice %arg4[%dma_wait3A_1440, %dma_wait3A_1446, %dma_wait3A_1447] : memref<125000x8x64xf32, #tpu.memory_space<hbm>> -> memref<1x1x64xf32, #tpu.memory_space<hbm>>
      %dma_wait3A_1449 = tpu.memref_squeeze %dma_wait3A_1448 : memref<1x1x64xf32, #tpu.memory_space<hbm>> -> memref<1x64xf32, #tpu.memory_space<hbm>>
      %dma_wait3A_1450 = arith.constant 0 : i32
      %dma_wait3A_1451 = arith.constant 0 : i32
      %dma_wait3A_1452 = tpu.memref_slice %arg9[%dma_wait3A_1441, %dma_wait3A_1450, %dma_wait3A_1451] : memref<8x1x64xf32, #tpu.memory_space<vmem>> -> memref<1x1x64xf32, #tpu.memory_space<vmem>>
      %dma_wait3A_1453 = tpu.memref_squeeze %dma_wait3A_1452 : memref<1x1x64xf32, #tpu.memory_space<vmem>> -> memref<1x64xf32, #tpu.memory_space<vmem>>
      %dma_wait3A_1454 = arith.constant 0 : i32
      %dma_wait3A_1455 = arith.constant 0 : i32
      %dma_wait3A_1456 = tpu.memref_slice %arg4[%dma_wait3A_1440, %dma_wait3A_1454, %dma_wait3A_1455] : memref<125000x8x64xf32, #tpu.memory_space<hbm>> -> memref<1x1x64xf32, #tpu.memory_space<hbm>>
      %dma_wait3A_1457 = tpu.memref_squeeze %dma_wait3A_1456 : memref<1x1x64xf32, #tpu.memory_space<hbm>> -> memref<1x64xf32, #tpu.memory_space<hbm>>
      tpu.wait_dma2 semaphore(%arg17 : memref<!tpu.dma_semaphore, #tpu.memory_space<semaphore_mem>>) src(%dma_wait3A_1457 : memref<1x64xf32, #tpu.memory_space<hbm>>) dst(%dma_wait3A_1453 : memref<1x64xf32, #tpu.memory_space<vmem>>)
      %dma_wait3A_1458 = arith.constant 0 : i32
      %dma_wait3A_1459 = arith.constant 5 : i32
      %dma_wait3A_1460 = arith.constant 0 : i32
      %dma_wait3A_1461 = arith.constant 0 : i32
      %dma_wait3A_1462 = tpu.memref_slice %arg10[%dma_wait3A_1459, %dma_wait3A_1460, %dma_wait3A_1461] : memref<8x1x64xf32, #tpu.memory_space<vmem>> -> memref<1x1x64xf32, #tpu.memory_space<vmem>>
      %dma_wait3A_1463 = tpu.memref_squeeze %dma_wait3A_1462 : memref<1x1x64xf32, #tpu.memory_space<vmem>> -> memref<1x64xf32, #tpu.memory_space<vmem>>
      %dma_wait3A_1464 = arith.constant 0 : i32
      %dma_wait3A_1465 = arith.constant 0 : i32
      %dma_wait3A_1466 = tpu.memref_slice %arg5[%dma_wait3A_1458, %dma_wait3A_1464, %dma_wait3A_1465] : memref<125000x8x64xf32, #tpu.memory_space<hbm>> -> memref<1x1x64xf32, #tpu.memory_space<hbm>>
      %dma_wait3A_1467 = tpu.memref_squeeze %dma_wait3A_1466 : memref<1x1x64xf32, #tpu.memory_space<hbm>> -> memref<1x64xf32, #tpu.memory_space<hbm>>
      %dma_wait3A_1468 = arith.constant 0 : i32
      %dma_wait3A_1469 = arith.constant 0 : i32
      %dma_wait3A_1470 = tpu.memref_slice %arg10[%dma_wait3A_1459, %dma_wait3A_1468, %dma_wait3A_1469] : memref<8x1x64xf32, #tpu.memory_space<vmem>> -> memref<1x1x64xf32, #tpu.memory_space<vmem>>
      %dma_wait3A_1471 = tpu.memref_squeeze %dma_wait3A_1470 : memref<1x1x64xf32, #tpu.memory_space<vmem>> -> memref<1x64xf32, #tpu.memory_space<vmem>>
      %dma_wait3A_1472 = arith.constant 0 : i32
      %dma_wait3A_1473 = arith.constant 0 : i32
      %dma_wait3A_1474 = tpu.memref_slice %arg5[%dma_wait3A_1458, %dma_wait3A_1472, %dma_wait3A_1473] : memref<125000x8x64xf32, #tpu.memory_space<hbm>> -> memref<1x1x64xf32, #tpu.memory_space<hbm>>
      %dma_wait3A_1475 = tpu.memref_squeeze %dma_wait3A_1474 : memref<1x1x64xf32, #tpu.memory_space<hbm>> -> memref<1x64xf32, #tpu.memory_space<hbm>>
      tpu.wait_dma2 semaphore(%arg25 : memref<!tpu.dma_semaphore, #tpu.memory_space<semaphore_mem>>) src(%dma_wait3A_1475 : memref<1x64xf32, #tpu.memory_space<hbm>>) dst(%dma_wait3A_1471 : memref<1x64xf32, #tpu.memory_space<vmem>>)
      %get3A_1476 = arith.constant 5 : i32
      %get3A_1477 = arith.constant 0 : i32
      %get3A_1478 = arith.index_cast %get3A_1476 : i32 to index
      %get3A_1479 = arith.index_cast %get3A_1477 : i32 to index
      %get3A_1480 = arith.constant 0 : index
      %get3A_1481 = tpu.vector_load %arg9[%get3A_1478, %get3A_1479, %get3A_1480] {strides = array<i32>} : memref<8x1x64xf32, #tpu.memory_space<vmem>>, vector<16xf32>,
      %get3A_1482 = arith.constant 5 : i32
      %get3A_1483 = arith.constant 0 : i32
      %get3A_1484 = arith.index_cast %get3A_1482 : i32 to index
      %get3A_1485 = arith.index_cast %get3A_1483 : i32 to index
      %get3A_1486 = arith.constant 0 : index
      %get3A_1487 = tpu.vector_load %arg10[%get3A_1484, %get3A_1485, %get3A_1486] {strides = array<i32>} : memref<8x1x64xf32, #tpu.memory_space<vmem>>, vector<16xf32>,
      %mul3A_1488 = arith.mulf %get3A_1481, %get3A_1487 : vector<16xf32>
      %get3A_1489 = arith.constant 5 : i32
      %get3A_1490 = arith.constant 0 : i32
      %get3A_1491 = arith.index_cast %get3A_1489 : i32 to index
      %get3A_1492 = arith.index_cast %get3A_1490 : i32 to index
      %get3A_1493 = arith.constant 16 : index
      %get3A_1494 = tpu.vector_load %arg9[%get3A_1491, %get3A_1492, %get3A_1493] {strides = array<i32>} : memref<8x1x64xf32, #tpu.memory_space<vmem>>, vector<16xf32>,
      %get3A_1495 = arith.constant 5 : i32
      %get3A_1496 = arith.constant 0 : i32
      %get3A_1497 = arith.index_cast %get3A_1495 : i32 to index
      %get3A_1498 = arith.index_cast %get3A_1496 : i32 to index
      %get3A_1499 = arith.constant 16 : index
      %get3A_1500 = tpu.vector_load %arg10[%get3A_1497, %get3A_1498, %get3A_1499] {strides = array<i32>} : memref<8x1x64xf32, #tpu.memory_space<vmem>>, vector<16xf32>,
      %mul3A_1501 = arith.mulf %get3A_1494, %get3A_1500 : vector<16xf32>
      %add3A_1502 = arith.addf %mul3A_1488, %mul3A_1501 : vector<16xf32>
      %get3A_1503 = arith.constant 5 : i32
      %get3A_1504 = arith.constant 0 : i32
      %get3A_1505 = arith.index_cast %get3A_1503 : i32 to index
      %get3A_1506 = arith.index_cast %get3A_1504 : i32 to index
      %get3A_1507 = arith.constant 32 : index
      %get3A_1508 = tpu.vector_load %arg9[%get3A_1505, %get3A_1506, %get3A_1507] {strides = array<i32>} : memref<8x1x64xf32, #tpu.memory_space<vmem>>, vector<16xf32>,
      %get3A_1509 = arith.constant 5 : i32
      %get3A_1510 = arith.constant 0 : i32
      %get3A_1511 = arith.index_cast %get3A_1509 : i32 to index
      %get3A_1512 = arith.index_cast %get3A_1510 : i32 to index
      %get3A_1513 = arith.constant 32 : index
      %get3A_1514 = tpu.vector_load %arg10[%get3A_1511, %get3A_1512, %get3A_1513] {strides = array<i32>} : memref<8x1x64xf32, #tpu.memory_space<vmem>>, vector<16xf32>,
      %mul3A_1515 = arith.mulf %get3A_1508, %get3A_1514 : vector<16xf32>
      %add3A_1516 = arith.addf %add3A_1502, %mul3A_1515 : vector<16xf32>
      %get3A_1517 = arith.constant 5 : i32
      %get3A_1518 = arith.constant 0 : i32
      %get3A_1519 = arith.index_cast %get3A_1517 : i32 to index
      %get3A_1520 = arith.index_cast %get3A_1518 : i32 to index
      %get3A_1521 = arith.constant 48 : index
      %get3A_1522 = tpu.vector_load %arg9[%get3A_1519, %get3A_1520, %get3A_1521] {strides = array<i32>} : memref<8x1x64xf32, #tpu.memory_space<vmem>>, vector<16xf32>,
      %get3A_1523 = arith.constant 5 : i32
      %get3A_1524 = arith.constant 0 : i32
      %get3A_1525 = arith.index_cast %get3A_1523 : i32 to index
      %get3A_1526 = arith.index_cast %get3A_1524 : i32 to index
      %get3A_1527 = arith.constant 48 : index
      %get3A_1528 = tpu.vector_load %arg10[%get3A_1525, %get3A_1526, %get3A_1527] {strides = array<i32>} : memref<8x1x64xf32, #tpu.memory_space<vmem>>, vector<16xf32>,
      %mul3A_1529 = arith.mulf %get3A_1522, %get3A_1528 : vector<16xf32>
      %add3A_1530 = arith.addf %add3A_1516, %mul3A_1529 : vector<16xf32>
      %xor3A_1531 = arith.constant 8 : i32
      %xor3A_1532 = vector.broadcast %xor3A_1531 : i32 to vector<16xi32>
      %xor3A_1533 = arith.xori %iota3A, %xor3A_1532 : vector<16xi32>
      %broadcast_in_dim3A_1534 = vector.shape_cast %xor3A_1533 : vector<16xi32> to vector<16x1xi32>
      %gather3A_1535 = vector.shape_cast %broadcast_in_dim3A_1534 : vector<16x1xi32> to vector<16xi32>
      %gather3A_1536 = tpu.dynamic_gather %add3A_1530[%gather3A_1535] in [0] : vector<16xf32>, vector<16xi32> -> vector<16xf32>
      %add3A_1537 = arith.addf %add3A_1530, %gather3A_1536 : vector<16xf32>
      %xor3A_1538 = arith.constant 4 : i32
      %xor3A_1539 = vector.broadcast %xor3A_1538 : i32 to vector<16xi32>
      %xor3A_1540 = arith.xori %iota3A, %xor3A_1539 : vector<16xi32>
      %broadcast_in_dim3A_1541 = vector.shape_cast %xor3A_1540 : vector<16xi32> to vector<16x1xi32>
      %gather3A_1542 = vector.shape_cast %broadcast_in_dim3A_1541 : vector<16x1xi32> to vector<16xi32>
      %gather3A_1543 = tpu.dynamic_gather %add3A_1537[%gather3A_1542] in [0] : vector<16xf32>, vector<16xi32> -> vector<16xf32>
      %add3A_1544 = arith.addf %add3A_1537, %gather3A_1543 : vector<16xf32>
      %xor3A_1545 = arith.constant 2 : i32
      %xor3A_1546 = vector.broadcast %xor3A_1545 : i32 to vector<16xi32>
      %xor3A_1547 = arith.xori %iota3A, %xor3A_1546 : vector<16xi32>
      %broadcast_in_dim3A_1548 = vector.shape_cast %xor3A_1547 : vector<16xi32> to vector<16x1xi32>
      %gather3A_1549 = vector.shape_cast %broadcast_in_dim3A_1548 : vector<16x1xi32> to vector<16xi32>
      %gather3A_1550 = tpu.dynamic_gather %add3A_1544[%gather3A_1549] in [0] : vector<16xf32>, vector<16xi32> -> vector<16xf32>
      %add3A_1551 = arith.addf %add3A_1544, %gather3A_1550 : vector<16xf32>
      %xor3A_1552 = arith.constant 1 : i32
      %xor3A_1553 = vector.broadcast %xor3A_1552 : i32 to vector<16xi32>
      %xor3A_1554 = arith.xori %iota3A, %xor3A_1553 : vector<16xi32>
      %broadcast_in_dim3A_1555 = vector.shape_cast %xor3A_1554 : vector<16xi32> to vector<16x1xi32>
      %gather3A_1556 = vector.shape_cast %broadcast_in_dim3A_1555 : vector<16x1xi32> to vector<16xi32>
      %gather3A_1557 = tpu.dynamic_gather %add3A_1551[%gather3A_1556] in [0] : vector<16xf32>, vector<16xi32> -> vector<16xf32>
      %add3A_1558 = arith.addf %add3A_1551, %gather3A_1557 : vector<16xf32>
      %eq3A_1559 = arith.constant 5 : i32
      %eq3A_1560 = vector.broadcast %eq3A_1559 : i32 to vector<16xi32>
      %eq3A_1561 = arith.cmpi eq, %iota3A, %eq3A_1560 : vector<16xi32>
      %select_n3A_1562 = arith.select %eq3A_1561, %add3A_1558, %select_n3A_1373 : vector<16xi1>, vector<16xf32>
      %mul3A_1563 = arith.constant 16 : i32
      %mul3A_1564 = arith.muli %scan3A_495, %mul3A_1563 : i32
      %get3A_1565 = arith.index_cast %mul3A_1564 : i32 to index
      %get3A_1566 = tpu.vector_load %arg7[%get3A_1565] {strides = array<i32>} : memref<512xi32, #tpu.memory_space<vmem>>, vector<16xi32>,
      %eq3A_1567 = arith.constant 13 : i32
      %eq3A_1568 = vector.broadcast %eq3A_1567 : i32 to vector<16xi32>
      %eq3A_1569 = arith.cmpi eq, %iota3A, %eq3A_1568 : vector<16xi32>
      %jit3A_1570 = arith.constant 0 : i32
      %broadcast_in_dim3A_1571 = vector.broadcast %jit3A_1570 : i32 to vector<16xi32>
      %select_n3A_1572 = arith.select %eq3A_1569, %get3A_1566, %broadcast_in_dim3A_1571 : vector<16xi1>, vector<16xi32>
      %reduce_sum3A_1573 = arith.constant true
      %reduce_sum3A_1574 = vector.broadcast %reduce_sum3A_1573 : i1 to vector<16xi1>
      %reduce_sum3A_1575 = tpu.scan <sum>, %select_n3A_1572 masked %reduce_sum3A_1574 : vector<16xi32>, vector<16xi1> -> vector<16xi32>
      %reduce_sum3A_1576 = vector.extract %reduce_sum3A_1575[15] : i32 from vector<16xi32>
      %mul3A_1577 = arith.constant 16 : i32
      %mul3A_1578 = arith.muli %scan3A_495, %mul3A_1577 : i32
      %get3A_1579 = arith.index_cast %mul3A_1578 : i32 to index
      %get3A_1580 = tpu.vector_load %arg8[%get3A_1579] {strides = array<i32>} : memref<512xi32, #tpu.memory_space<vmem>>, vector<16xi32>,
      %eq3A_1581 = arith.constant 13 : i32
      %eq3A_1582 = vector.broadcast %eq3A_1581 : i32 to vector<16xi32>
      %eq3A_1583 = arith.cmpi eq, %iota3A, %eq3A_1582 : vector<16xi32>
      %jit3A_1584 = arith.constant 0 : i32
      %broadcast_in_dim3A_1585 = vector.broadcast %jit3A_1584 : i32 to vector<16xi32>
      %select_n3A_1586 = arith.select %eq3A_1583, %get3A_1580, %broadcast_in_dim3A_1585 : vector<16xi1>, vector<16xi32>
      %reduce_sum3A_1587 = arith.constant true
      %reduce_sum3A_1588 = vector.broadcast %reduce_sum3A_1587 : i1 to vector<16xi1>
      %reduce_sum3A_1589 = tpu.scan <sum>, %select_n3A_1586 masked %reduce_sum3A_1588 : vector<16xi32>, vector<16xi1> -> vector<16xi32>
      %reduce_sum3A_1590 = vector.extract %reduce_sum3A_1589[15] : i32 from vector<16xi32>
      %shift_right_arithmetic3A_1591 = arith.constant 3 : i32
      %shift_right_arithmetic3A_1592 = arith.shrsi %reduce_sum3A_1576, %shift_right_arithmetic3A_1591 : i32
      %and3A_1593 = arith.constant 7 : i32
      %and3A_1594 = arith.andi %reduce_sum3A_1576, %and3A_1593 : i32
      %dma_start3A_1595 = arith.constant 5 : i32
      %dma_start3A_1596 = arith.constant 0 : i32
      %dma_start3A_1597 = arith.constant 0 : i32
      %dma_start3A_1598 = tpu.memref_slice %arg9[%dma_start3A_1595, %dma_start3A_1596, %dma_start3A_1597] : memref<8x1x64xf32, #tpu.memory_space<vmem>> -> memref<1x1x64xf32, #tpu.memory_space<vmem>>
      %dma_start3A_1599 = tpu.memref_squeeze %dma_start3A_1598 : memref<1x1x64xf32, #tpu.memory_space<vmem>> -> memref<1x64xf32, #tpu.memory_space<vmem>>
      %dma_start3A_1600 = arith.constant 0 : i32
      %dma_start3A_1601 = tpu.memref_slice %arg4[%shift_right_arithmetic3A_1592, %and3A_1594, %dma_start3A_1600] : memref<125000x8x64xf32, #tpu.memory_space<hbm>> -> memref<1x1x64xf32, #tpu.memory_space<hbm>>
      %dma_start3A_1602 = tpu.memref_squeeze %dma_start3A_1601 : memref<1x1x64xf32, #tpu.memory_space<hbm>> -> memref<1x64xf32, #tpu.memory_space<hbm>>
      %dma_start3A_1603 = arith.constant 0 : i32
      %dma_start3A_1604 = arith.constant 0 : i32
      %dma_start3A_1605 = tpu.memref_slice %arg9[%dma_start3A_1595, %dma_start3A_1603, %dma_start3A_1604] : memref<8x1x64xf32, #tpu.memory_space<vmem>> -> memref<1x1x64xf32, #tpu.memory_space<vmem>>
      %dma_start3A_1606 = tpu.memref_squeeze %dma_start3A_1605 : memref<1x1x64xf32, #tpu.memory_space<vmem>> -> memref<1x64xf32, #tpu.memory_space<vmem>>
      %dma_start3A_1607 = arith.constant 0 : i32
      %dma_start3A_1608 = tpu.memref_slice %arg4[%shift_right_arithmetic3A_1592, %and3A_1594, %dma_start3A_1607] : memref<125000x8x64xf32, #tpu.memory_space<hbm>> -> memref<1x1x64xf32, #tpu.memory_space<hbm>>
      %dma_start3A_1609 = tpu.memref_squeeze %dma_start3A_1608 : memref<1x1x64xf32, #tpu.memory_space<hbm>> -> memref<1x64xf32, #tpu.memory_space<hbm>>
      tpu.enqueue_dma source(%dma_start3A_1609 : memref<1x64xf32, #tpu.memory_space<hbm>>) target(%dma_start3A_1606 : memref<1x64xf32, #tpu.memory_space<vmem>>) target_semaphore(%arg17 : memref<!tpu.dma_semaphore, #tpu.memory_space<semaphore_mem>>)
      %shift_right_arithmetic3A_1610 = arith.constant 3 : i32
      %shift_right_arithmetic3A_1611 = arith.shrsi %reduce_sum3A_1590, %shift_right_arithmetic3A_1610 : i32
      %and3A_1612 = arith.constant 7 : i32
      %and3A_1613 = arith.andi %reduce_sum3A_1590, %and3A_1612 : i32
      %dma_start3A_1614 = arith.constant 5 : i32
      %dma_start3A_1615 = arith.constant 0 : i32
      %dma_start3A_1616 = arith.constant 0 : i32
      %dma_start3A_1617 = tpu.memref_slice %arg10[%dma_start3A_1614, %dma_start3A_1615, %dma_start3A_1616] : memref<8x1x64xf32, #tpu.memory_space<vmem>> -> memref<1x1x64xf32, #tpu.memory_space<vmem>>
      %dma_start3A_1618 = tpu.memref_squeeze %dma_start3A_1617 : memref<1x1x64xf32, #tpu.memory_space<vmem>> -> memref<1x64xf32, #tpu.memory_space<vmem>>
      %dma_start3A_1619 = arith.constant 0 : i32
      %dma_start3A_1620 = tpu.memref_slice %arg5[%shift_right_arithmetic3A_1611, %and3A_1613, %dma_start3A_1619] : memref<125000x8x64xf32, #tpu.memory_space<hbm>> -> memref<1x1x64xf32, #tpu.memory_space<hbm>>
      %dma_start3A_1621 = tpu.memref_squeeze %dma_start3A_1620 : memref<1x1x64xf32, #tpu.memory_space<hbm>> -> memref<1x64xf32, #tpu.memory_space<hbm>>
      %dma_start3A_1622 = arith.constant 0 : i32
      %dma_start3A_1623 = arith.constant 0 : i32
      %dma_start3A_1624 = tpu.memref_slice %arg10[%dma_start3A_1614, %dma_start3A_1622, %dma_start3A_1623] : memref<8x1x64xf32, #tpu.memory_space<vmem>> -> memref<1x1x64xf32, #tpu.memory_space<vmem>>
      %dma_start3A_1625 = tpu.memref_squeeze %dma_start3A_1624 : memref<1x1x64xf32, #tpu.memory_space<vmem>> -> memref<1x64xf32, #tpu.memory_space<vmem>>
      %dma_start3A_1626 = arith.constant 0 : i32
      %dma_start3A_1627 = tpu.memref_slice %arg5[%shift_right_arithmetic3A_1611, %and3A_1613, %dma_start3A_1626] : memref<125000x8x64xf32, #tpu.memory_space<hbm>> -> memref<1x1x64xf32, #tpu.memory_space<hbm>>
      %dma_start3A_1628 = tpu.memref_squeeze %dma_start3A_1627 : memref<1x1x64xf32, #tpu.memory_space<hbm>> -> memref<1x64xf32, #tpu.memory_space<hbm>>
      tpu.enqueue_dma source(%dma_start3A_1628 : memref<1x64xf32, #tpu.memory_space<hbm>>) target(%dma_start3A_1625 : memref<1x64xf32, #tpu.memory_space<vmem>>) target_semaphore(%arg25 : memref<!tpu.dma_semaphore, #tpu.memory_space<semaphore_mem>>)
      %dma_wait3A_1629 = arith.constant 0 : i32
      %dma_wait3A_1630 = arith.constant 6 : i32
      %dma_wait3A_1631 = arith.constant 0 : i32
      %dma_wait3A_1632 = arith.constant 0 : i32
      %dma_wait3A_1633 = tpu.memref_slice %arg9[%dma_wait3A_1630, %dma_wait3A_1631, %dma_wait3A_1632] : memref<8x1x64xf32, #tpu.memory_space<vmem>> -> memref<1x1x64xf32, #tpu.memory_space<vmem>>
      %dma_wait3A_1634 = tpu.memref_squeeze %dma_wait3A_1633 : memref<1x1x64xf32, #tpu.memory_space<vmem>> -> memref<1x64xf32, #tpu.memory_space<vmem>>
      %dma_wait3A_1635 = arith.constant 0 : i32
      %dma_wait3A_1636 = arith.constant 0 : i32
      %dma_wait3A_1637 = tpu.memref_slice %arg4[%dma_wait3A_1629, %dma_wait3A_1635, %dma_wait3A_1636] : memref<125000x8x64xf32, #tpu.memory_space<hbm>> -> memref<1x1x64xf32, #tpu.memory_space<hbm>>
      %dma_wait3A_1638 = tpu.memref_squeeze %dma_wait3A_1637 : memref<1x1x64xf32, #tpu.memory_space<hbm>> -> memref<1x64xf32, #tpu.memory_space<hbm>>
      %dma_wait3A_1639 = arith.constant 0 : i32
      %dma_wait3A_1640 = arith.constant 0 : i32
      %dma_wait3A_1641 = tpu.memref_slice %arg9[%dma_wait3A_1630, %dma_wait3A_1639, %dma_wait3A_1640] : memref<8x1x64xf32, #tpu.memory_space<vmem>> -> memref<1x1x64xf32, #tpu.memory_space<vmem>>
      %dma_wait3A_1642 = tpu.memref_squeeze %dma_wait3A_1641 : memref<1x1x64xf32, #tpu.memory_space<vmem>> -> memref<1x64xf32, #tpu.memory_space<vmem>>
      %dma_wait3A_1643 = arith.constant 0 : i32
      %dma_wait3A_1644 = arith.constant 0 : i32
      %dma_wait3A_1645 = tpu.memref_slice %arg4[%dma_wait3A_1629, %dma_wait3A_1643, %dma_wait3A_1644] : memref<125000x8x64xf32, #tpu.memory_space<hbm>> -> memref<1x1x64xf32, #tpu.memory_space<hbm>>
      %dma_wait3A_1646 = tpu.memref_squeeze %dma_wait3A_1645 : memref<1x1x64xf32, #tpu.memory_space<hbm>> -> memref<1x64xf32, #tpu.memory_space<hbm>>
      tpu.wait_dma2 semaphore(%arg18 : memref<!tpu.dma_semaphore, #tpu.memory_space<semaphore_mem>>) src(%dma_wait3A_1646 : memref<1x64xf32, #tpu.memory_space<hbm>>) dst(%dma_wait3A_1642 : memref<1x64xf32, #tpu.memory_space<vmem>>)
      %dma_wait3A_1647 = arith.constant 0 : i32
      %dma_wait3A_1648 = arith.constant 6 : i32
      %dma_wait3A_1649 = arith.constant 0 : i32
      %dma_wait3A_1650 = arith.constant 0 : i32
      %dma_wait3A_1651 = tpu.memref_slice %arg10[%dma_wait3A_1648, %dma_wait3A_1649, %dma_wait3A_1650] : memref<8x1x64xf32, #tpu.memory_space<vmem>> -> memref<1x1x64xf32, #tpu.memory_space<vmem>>
      %dma_wait3A_1652 = tpu.memref_squeeze %dma_wait3A_1651 : memref<1x1x64xf32, #tpu.memory_space<vmem>> -> memref<1x64xf32, #tpu.memory_space<vmem>>
      %dma_wait3A_1653 = arith.constant 0 : i32
      %dma_wait3A_1654 = arith.constant 0 : i32
      %dma_wait3A_1655 = tpu.memref_slice %arg5[%dma_wait3A_1647, %dma_wait3A_1653, %dma_wait3A_1654] : memref<125000x8x64xf32, #tpu.memory_space<hbm>> -> memref<1x1x64xf32, #tpu.memory_space<hbm>>
      %dma_wait3A_1656 = tpu.memref_squeeze %dma_wait3A_1655 : memref<1x1x64xf32, #tpu.memory_space<hbm>> -> memref<1x64xf32, #tpu.memory_space<hbm>>
      %dma_wait3A_1657 = arith.constant 0 : i32
      %dma_wait3A_1658 = arith.constant 0 : i32
      %dma_wait3A_1659 = tpu.memref_slice %arg10[%dma_wait3A_1648, %dma_wait3A_1657, %dma_wait3A_1658] : memref<8x1x64xf32, #tpu.memory_space<vmem>> -> memref<1x1x64xf32, #tpu.memory_space<vmem>>
      %dma_wait3A_1660 = tpu.memref_squeeze %dma_wait3A_1659 : memref<1x1x64xf32, #tpu.memory_space<vmem>> -> memref<1x64xf32, #tpu.memory_space<vmem>>
      %dma_wait3A_1661 = arith.constant 0 : i32
      %dma_wait3A_1662 = arith.constant 0 : i32
      %dma_wait3A_1663 = tpu.memref_slice %arg5[%dma_wait3A_1647, %dma_wait3A_1661, %dma_wait3A_1662] : memref<125000x8x64xf32, #tpu.memory_space<hbm>> -> memref<1x1x64xf32, #tpu.memory_space<hbm>>
      %dma_wait3A_1664 = tpu.memref_squeeze %dma_wait3A_1663 : memref<1x1x64xf32, #tpu.memory_space<hbm>> -> memref<1x64xf32, #tpu.memory_space<hbm>>
      tpu.wait_dma2 semaphore(%arg26 : memref<!tpu.dma_semaphore, #tpu.memory_space<semaphore_mem>>) src(%dma_wait3A_1664 : memref<1x64xf32, #tpu.memory_space<hbm>>) dst(%dma_wait3A_1660 : memref<1x64xf32, #tpu.memory_space<vmem>>)
      %get3A_1665 = arith.constant 6 : i32
      %get3A_1666 = arith.constant 0 : i32
      %get3A_1667 = arith.index_cast %get3A_1665 : i32 to index
      %get3A_1668 = arith.index_cast %get3A_1666 : i32 to index
      %get3A_1669 = arith.constant 0 : index
      %get3A_1670 = tpu.vector_load %arg9[%get3A_1667, %get3A_1668, %get3A_1669] {strides = array<i32>} : memref<8x1x64xf32, #tpu.memory_space<vmem>>, vector<16xf32>,
      %get3A_1671 = arith.constant 6 : i32
      %get3A_1672 = arith.constant 0 : i32
      %get3A_1673 = arith.index_cast %get3A_1671 : i32 to index
      %get3A_1674 = arith.index_cast %get3A_1672 : i32 to index
      %get3A_1675 = arith.constant 0 : index
      %get3A_1676 = tpu.vector_load %arg10[%get3A_1673, %get3A_1674, %get3A_1675] {strides = array<i32>} : memref<8x1x64xf32, #tpu.memory_space<vmem>>, vector<16xf32>,
      %mul3A_1677 = arith.mulf %get3A_1670, %get3A_1676 : vector<16xf32>
      %get3A_1678 = arith.constant 6 : i32
      %get3A_1679 = arith.constant 0 : i32
      %get3A_1680 = arith.index_cast %get3A_1678 : i32 to index
      %get3A_1681 = arith.index_cast %get3A_1679 : i32 to index
      %get3A_1682 = arith.constant 16 : index
      %get3A_1683 = tpu.vector_load %arg9[%get3A_1680, %get3A_1681, %get3A_1682] {strides = array<i32>} : memref<8x1x64xf32, #tpu.memory_space<vmem>>, vector<16xf32>,
      %get3A_1684 = arith.constant 6 : i32
      %get3A_1685 = arith.constant 0 : i32
      %get3A_1686 = arith.index_cast %get3A_1684 : i32 to index
      %get3A_1687 = arith.index_cast %get3A_1685 : i32 to index
      %get3A_1688 = arith.constant 16 : index
      %get3A_1689 = tpu.vector_load %arg10[%get3A_1686, %get3A_1687, %get3A_1688] {strides = array<i32>} : memref<8x1x64xf32, #tpu.memory_space<vmem>>, vector<16xf32>,
      %mul3A_1690 = arith.mulf %get3A_1683, %get3A_1689 : vector<16xf32>
      %add3A_1691 = arith.addf %mul3A_1677, %mul3A_1690 : vector<16xf32>
      %get3A_1692 = arith.constant 6 : i32
      %get3A_1693 = arith.constant 0 : i32
      %get3A_1694 = arith.index_cast %get3A_1692 : i32 to index
      %get3A_1695 = arith.index_cast %get3A_1693 : i32 to index
      %get3A_1696 = arith.constant 32 : index
      %get3A_1697 = tpu.vector_load %arg9[%get3A_1694, %get3A_1695, %get3A_1696] {strides = array<i32>} : memref<8x1x64xf32, #tpu.memory_space<vmem>>, vector<16xf32>,
      %get3A_1698 = arith.constant 6 : i32
      %get3A_1699 = arith.constant 0 : i32
      %get3A_1700 = arith.index_cast %get3A_1698 : i32 to index
      %get3A_1701 = arith.index_cast %get3A_1699 : i32 to index
      %get3A_1702 = arith.constant 32 : index
      %get3A_1703 = tpu.vector_load %arg10[%get3A_1700, %get3A_1701, %get3A_1702] {strides = array<i32>} : memref<8x1x64xf32, #tpu.memory_space<vmem>>, vector<16xf32>,
      %mul3A_1704 = arith.mulf %get3A_1697, %get3A_1703 : vector<16xf32>
      %add3A_1705 = arith.addf %add3A_1691, %mul3A_1704 : vector<16xf32>
      %get3A_1706 = arith.constant 6 : i32
      %get3A_1707 = arith.constant 0 : i32
      %get3A_1708 = arith.index_cast %get3A_1706 : i32 to index
      %get3A_1709 = arith.index_cast %get3A_1707 : i32 to index
      %get3A_1710 = arith.constant 48 : index
      %get3A_1711 = tpu.vector_load %arg9[%get3A_1708, %get3A_1709, %get3A_1710] {strides = array<i32>} : memref<8x1x64xf32, #tpu.memory_space<vmem>>, vector<16xf32>,
      %get3A_1712 = arith.constant 6 : i32
      %get3A_1713 = arith.constant 0 : i32
      %get3A_1714 = arith.index_cast %get3A_1712 : i32 to index
      %get3A_1715 = arith.index_cast %get3A_1713 : i32 to index
      %get3A_1716 = arith.constant 48 : index
      %get3A_1717 = tpu.vector_load %arg10[%get3A_1714, %get3A_1715, %get3A_1716] {strides = array<i32>} : memref<8x1x64xf32, #tpu.memory_space<vmem>>, vector<16xf32>,
      %mul3A_1718 = arith.mulf %get3A_1711, %get3A_1717 : vector<16xf32>
      %add3A_1719 = arith.addf %add3A_1705, %mul3A_1718 : vector<16xf32>
      %xor3A_1720 = arith.constant 8 : i32
      %xor3A_1721 = vector.broadcast %xor3A_1720 : i32 to vector<16xi32>
      %xor3A_1722 = arith.xori %iota3A, %xor3A_1721 : vector<16xi32>
      %broadcast_in_dim3A_1723 = vector.shape_cast %xor3A_1722 : vector<16xi32> to vector<16x1xi32>
      %gather3A_1724 = vector.shape_cast %broadcast_in_dim3A_1723 : vector<16x1xi32> to vector<16xi32>
      %gather3A_1725 = tpu.dynamic_gather %add3A_1719[%gather3A_1724] in [0] : vector<16xf32>, vector<16xi32> -> vector<16xf32>
      %add3A_1726 = arith.addf %add3A_1719, %gather3A_1725 : vector<16xf32>
      %xor3A_1727 = arith.constant 4 : i32
      %xor3A_1728 = vector.broadcast %xor3A_1727 : i32 to vector<16xi32>
      %xor3A_1729 = arith.xori %iota3A, %xor3A_1728 : vector<16xi32>
      %broadcast_in_dim3A_1730 = vector.shape_cast %xor3A_1729 : vector<16xi32> to vector<16x1xi32>
      %gather3A_1731 = vector.shape_cast %broadcast_in_dim3A_1730 : vector<16x1xi32> to vector<16xi32>
      %gather3A_1732 = tpu.dynamic_gather %add3A_1726[%gather3A_1731] in [0] : vector<16xf32>, vector<16xi32> -> vector<16xf32>
      %add3A_1733 = arith.addf %add3A_1726, %gather3A_1732 : vector<16xf32>
      %xor3A_1734 = arith.constant 2 : i32
      %xor3A_1735 = vector.broadcast %xor3A_1734 : i32 to vector<16xi32>
      %xor3A_1736 = arith.xori %iota3A, %xor3A_1735 : vector<16xi32>
      %broadcast_in_dim3A_1737 = vector.shape_cast %xor3A_1736 : vector<16xi32> to vector<16x1xi32>
      %gather3A_1738 = vector.shape_cast %broadcast_in_dim3A_1737 : vector<16x1xi32> to vector<16xi32>
      %gather3A_1739 = tpu.dynamic_gather %add3A_1733[%gather3A_1738] in [0] : vector<16xf32>, vector<16xi32> -> vector<16xf32>
      %add3A_1740 = arith.addf %add3A_1733, %gather3A_1739 : vector<16xf32>
      %xor3A_1741 = arith.constant 1 : i32
      %xor3A_1742 = vector.broadcast %xor3A_1741 : i32 to vector<16xi32>
      %xor3A_1743 = arith.xori %iota3A, %xor3A_1742 : vector<16xi32>
      %broadcast_in_dim3A_1744 = vector.shape_cast %xor3A_1743 : vector<16xi32> to vector<16x1xi32>
      %gather3A_1745 = vector.shape_cast %broadcast_in_dim3A_1744 : vector<16x1xi32> to vector<16xi32>
      %gather3A_1746 = tpu.dynamic_gather %add3A_1740[%gather3A_1745] in [0] : vector<16xf32>, vector<16xi32> -> vector<16xf32>
      %add3A_1747 = arith.addf %add3A_1740, %gather3A_1746 : vector<16xf32>
      %eq3A_1748 = arith.constant 6 : i32
      %eq3A_1749 = vector.broadcast %eq3A_1748 : i32 to vector<16xi32>
      %eq3A_1750 = arith.cmpi eq, %iota3A, %eq3A_1749 : vector<16xi32>
      %select_n3A_1751 = arith.select %eq3A_1750, %add3A_1747, %select_n3A_1562 : vector<16xi1>, vector<16xf32>
      %mul3A_1752 = arith.constant 16 : i32
      %mul3A_1753 = arith.muli %scan3A_495, %mul3A_1752 : i32
      %get3A_1754 = arith.index_cast %mul3A_1753 : i32 to index
      %get3A_1755 = tpu.vector_load %arg7[%get3A_1754] {strides = array<i32>} : memref<512xi32, #tpu.memory_space<vmem>>, vector<16xi32>,
      %eq3A_1756 = arith.constant 14 : i32
      %eq3A_1757 = vector.broadcast %eq3A_1756 : i32 to vector<16xi32>
      %eq3A_1758 = arith.cmpi eq, %iota3A, %eq3A_1757 : vector<16xi32>
      %jit3A_1759 = arith.constant 0 : i32
      %broadcast_in_dim3A_1760 = vector.broadcast %jit3A_1759 : i32 to vector<16xi32>
      %select_n3A_1761 = arith.select %eq3A_1758, %get3A_1755, %broadcast_in_dim3A_1760 : vector<16xi1>, vector<16xi32>
      %reduce_sum3A_1762 = arith.constant true
      %reduce_sum3A_1763 = vector.broadcast %reduce_sum3A_1762 : i1 to vector<16xi1>
      %reduce_sum3A_1764 = tpu.scan <sum>, %select_n3A_1761 masked %reduce_sum3A_1763 : vector<16xi32>, vector<16xi1> -> vector<16xi32>
      %reduce_sum3A_1765 = vector.extract %reduce_sum3A_1764[15] : i32 from vector<16xi32>
      %mul3A_1766 = arith.constant 16 : i32
      %mul3A_1767 = arith.muli %scan3A_495, %mul3A_1766 : i32
      %get3A_1768 = arith.index_cast %mul3A_1767 : i32 to index
      %get3A_1769 = tpu.vector_load %arg8[%get3A_1768] {strides = array<i32>} : memref<512xi32, #tpu.memory_space<vmem>>, vector<16xi32>,
      %eq3A_1770 = arith.constant 14 : i32
      %eq3A_1771 = vector.broadcast %eq3A_1770 : i32 to vector<16xi32>
      %eq3A_1772 = arith.cmpi eq, %iota3A, %eq3A_1771 : vector<16xi32>
      %jit3A_1773 = arith.constant 0 : i32
      %broadcast_in_dim3A_1774 = vector.broadcast %jit3A_1773 : i32 to vector<16xi32>
      %select_n3A_1775 = arith.select %eq3A_1772, %get3A_1769, %broadcast_in_dim3A_1774 : vector<16xi1>, vector<16xi32>
      %reduce_sum3A_1776 = arith.constant true
      %reduce_sum3A_1777 = vector.broadcast %reduce_sum3A_1776 : i1 to vector<16xi1>
      %reduce_sum3A_1778 = tpu.scan <sum>, %select_n3A_1775 masked %reduce_sum3A_1777 : vector<16xi32>, vector<16xi1> -> vector<16xi32>
      %reduce_sum3A_1779 = vector.extract %reduce_sum3A_1778[15] : i32 from vector<16xi32>
      %shift_right_arithmetic3A_1780 = arith.constant 3 : i32
      %shift_right_arithmetic3A_1781 = arith.shrsi %reduce_sum3A_1765, %shift_right_arithmetic3A_1780 : i32
      %and3A_1782 = arith.constant 7 : i32
      %and3A_1783 = arith.andi %reduce_sum3A_1765, %and3A_1782 : i32
      %dma_start3A_1784 = arith.constant 6 : i32
      %dma_start3A_1785 = arith.constant 0 : i32
      %dma_start3A_1786 = arith.constant 0 : i32
      %dma_start3A_1787 = tpu.memref_slice %arg9[%dma_start3A_1784, %dma_start3A_1785, %dma_start3A_1786] : memref<8x1x64xf32, #tpu.memory_space<vmem>> -> memref<1x1x64xf32, #tpu.memory_space<vmem>>
      %dma_start3A_1788 = tpu.memref_squeeze %dma_start3A_1787 : memref<1x1x64xf32, #tpu.memory_space<vmem>> -> memref<1x64xf32, #tpu.memory_space<vmem>>
      %dma_start3A_1789 = arith.constant 0 : i32
      %dma_start3A_1790 = tpu.memref_slice %arg4[%shift_right_arithmetic3A_1781, %and3A_1783, %dma_start3A_1789] : memref<125000x8x64xf32, #tpu.memory_space<hbm>> -> memref<1x1x64xf32, #tpu.memory_space<hbm>>
      %dma_start3A_1791 = tpu.memref_squeeze %dma_start3A_1790 : memref<1x1x64xf32, #tpu.memory_space<hbm>> -> memref<1x64xf32, #tpu.memory_space<hbm>>
      %dma_start3A_1792 = arith.constant 0 : i32
      %dma_start3A_1793 = arith.constant 0 : i32
      %dma_start3A_1794 = tpu.memref_slice %arg9[%dma_start3A_1784, %dma_start3A_1792, %dma_start3A_1793] : memref<8x1x64xf32, #tpu.memory_space<vmem>> -> memref<1x1x64xf32, #tpu.memory_space<vmem>>
      %dma_start3A_1795 = tpu.memref_squeeze %dma_start3A_1794 : memref<1x1x64xf32, #tpu.memory_space<vmem>> -> memref<1x64xf32, #tpu.memory_space<vmem>>
      %dma_start3A_1796 = arith.constant 0 : i32
      %dma_start3A_1797 = tpu.memref_slice %arg4[%shift_right_arithmetic3A_1781, %and3A_1783, %dma_start3A_1796] : memref<125000x8x64xf32, #tpu.memory_space<hbm>> -> memref<1x1x64xf32, #tpu.memory_space<hbm>>
      %dma_start3A_1798 = tpu.memref_squeeze %dma_start3A_1797 : memref<1x1x64xf32, #tpu.memory_space<hbm>> -> memref<1x64xf32, #tpu.memory_space<hbm>>
      tpu.enqueue_dma source(%dma_start3A_1798 : memref<1x64xf32, #tpu.memory_space<hbm>>) target(%dma_start3A_1795 : memref<1x64xf32, #tpu.memory_space<vmem>>) target_semaphore(%arg18 : memref<!tpu.dma_semaphore, #tpu.memory_space<semaphore_mem>>)
      %shift_right_arithmetic3A_1799 = arith.constant 3 : i32
      %shift_right_arithmetic3A_1800 = arith.shrsi %reduce_sum3A_1779, %shift_right_arithmetic3A_1799 : i32
      %and3A_1801 = arith.constant 7 : i32
      %and3A_1802 = arith.andi %reduce_sum3A_1779, %and3A_1801 : i32
      %dma_start3A_1803 = arith.constant 6 : i32
      %dma_start3A_1804 = arith.constant 0 : i32
      %dma_start3A_1805 = arith.constant 0 : i32
      %dma_start3A_1806 = tpu.memref_slice %arg10[%dma_start3A_1803, %dma_start3A_1804, %dma_start3A_1805] : memref<8x1x64xf32, #tpu.memory_space<vmem>> -> memref<1x1x64xf32, #tpu.memory_space<vmem>>
      %dma_start3A_1807 = tpu.memref_squeeze %dma_start3A_1806 : memref<1x1x64xf32, #tpu.memory_space<vmem>> -> memref<1x64xf32, #tpu.memory_space<vmem>>
      %dma_start3A_1808 = arith.constant 0 : i32
      %dma_start3A_1809 = tpu.memref_slice %arg5[%shift_right_arithmetic3A_1800, %and3A_1802, %dma_start3A_1808] : memref<125000x8x64xf32, #tpu.memory_space<hbm>> -> memref<1x1x64xf32, #tpu.memory_space<hbm>>
      %dma_start3A_1810 = tpu.memref_squeeze %dma_start3A_1809 : memref<1x1x64xf32, #tpu.memory_space<hbm>> -> memref<1x64xf32, #tpu.memory_space<hbm>>
      %dma_start3A_1811 = arith.constant 0 : i32
      %dma_start3A_1812 = arith.constant 0 : i32
      %dma_start3A_1813 = tpu.memref_slice %arg10[%dma_start3A_1803, %dma_start3A_1811, %dma_start3A_1812] : memref<8x1x64xf32, #tpu.memory_space<vmem>> -> memref<1x1x64xf32, #tpu.memory_space<vmem>>
      %dma_start3A_1814 = tpu.memref_squeeze %dma_start3A_1813 : memref<1x1x64xf32, #tpu.memory_space<vmem>> -> memref<1x64xf32, #tpu.memory_space<vmem>>
      %dma_start3A_1815 = arith.constant 0 : i32
      %dma_start3A_1816 = tpu.memref_slice %arg5[%shift_right_arithmetic3A_1800, %and3A_1802, %dma_start3A_1815] : memref<125000x8x64xf32, #tpu.memory_space<hbm>> -> memref<1x1x64xf32, #tpu.memory_space<hbm>>
      %dma_start3A_1817 = tpu.memref_squeeze %dma_start3A_1816 : memref<1x1x64xf32, #tpu.memory_space<hbm>> -> memref<1x64xf32, #tpu.memory_space<hbm>>
      tpu.enqueue_dma source(%dma_start3A_1817 : memref<1x64xf32, #tpu.memory_space<hbm>>) target(%dma_start3A_1814 : memref<1x64xf32, #tpu.memory_space<vmem>>) target_semaphore(%arg26 : memref<!tpu.dma_semaphore, #tpu.memory_space<semaphore_mem>>)
      %dma_wait3A_1818 = arith.constant 0 : i32
      %dma_wait3A_1819 = arith.constant 7 : i32
      %dma_wait3A_1820 = arith.constant 0 : i32
      %dma_wait3A_1821 = arith.constant 0 : i32
      %dma_wait3A_1822 = tpu.memref_slice %arg9[%dma_wait3A_1819, %dma_wait3A_1820, %dma_wait3A_1821] : memref<8x1x64xf32, #tpu.memory_space<vmem>> -> memref<1x1x64xf32, #tpu.memory_space<vmem>>
      %dma_wait3A_1823 = tpu.memref_squeeze %dma_wait3A_1822 : memref<1x1x64xf32, #tpu.memory_space<vmem>> -> memref<1x64xf32, #tpu.memory_space<vmem>>
      %dma_wait3A_1824 = arith.constant 0 : i32
      %dma_wait3A_1825 = arith.constant 0 : i32
      %dma_wait3A_1826 = tpu.memref_slice %arg4[%dma_wait3A_1818, %dma_wait3A_1824, %dma_wait3A_1825] : memref<125000x8x64xf32, #tpu.memory_space<hbm>> -> memref<1x1x64xf32, #tpu.memory_space<hbm>>
      %dma_wait3A_1827 = tpu.memref_squeeze %dma_wait3A_1826 : memref<1x1x64xf32, #tpu.memory_space<hbm>> -> memref<1x64xf32, #tpu.memory_space<hbm>>
      %dma_wait3A_1828 = arith.constant 0 : i32
      %dma_wait3A_1829 = arith.constant 0 : i32
      %dma_wait3A_1830 = tpu.memref_slice %arg9[%dma_wait3A_1819, %dma_wait3A_1828, %dma_wait3A_1829] : memref<8x1x64xf32, #tpu.memory_space<vmem>> -> memref<1x1x64xf32, #tpu.memory_space<vmem>>
      %dma_wait3A_1831 = tpu.memref_squeeze %dma_wait3A_1830 : memref<1x1x64xf32, #tpu.memory_space<vmem>> -> memref<1x64xf32, #tpu.memory_space<vmem>>
      %dma_wait3A_1832 = arith.constant 0 : i32
      %dma_wait3A_1833 = arith.constant 0 : i32
      %dma_wait3A_1834 = tpu.memref_slice %arg4[%dma_wait3A_1818, %dma_wait3A_1832, %dma_wait3A_1833] : memref<125000x8x64xf32, #tpu.memory_space<hbm>> -> memref<1x1x64xf32, #tpu.memory_space<hbm>>
      %dma_wait3A_1835 = tpu.memref_squeeze %dma_wait3A_1834 : memref<1x1x64xf32, #tpu.memory_space<hbm>> -> memref<1x64xf32, #tpu.memory_space<hbm>>
      tpu.wait_dma2 semaphore(%arg19 : memref<!tpu.dma_semaphore, #tpu.memory_space<semaphore_mem>>) src(%dma_wait3A_1835 : memref<1x64xf32, #tpu.memory_space<hbm>>) dst(%dma_wait3A_1831 : memref<1x64xf32, #tpu.memory_space<vmem>>)
      %dma_wait3A_1836 = arith.constant 0 : i32
      %dma_wait3A_1837 = arith.constant 7 : i32
      %dma_wait3A_1838 = arith.constant 0 : i32
      %dma_wait3A_1839 = arith.constant 0 : i32
      %dma_wait3A_1840 = tpu.memref_slice %arg10[%dma_wait3A_1837, %dma_wait3A_1838, %dma_wait3A_1839] : memref<8x1x64xf32, #tpu.memory_space<vmem>> -> memref<1x1x64xf32, #tpu.memory_space<vmem>>
      %dma_wait3A_1841 = tpu.memref_squeeze %dma_wait3A_1840 : memref<1x1x64xf32, #tpu.memory_space<vmem>> -> memref<1x64xf32, #tpu.memory_space<vmem>>
      %dma_wait3A_1842 = arith.constant 0 : i32
      %dma_wait3A_1843 = arith.constant 0 : i32
      %dma_wait3A_1844 = tpu.memref_slice %arg5[%dma_wait3A_1836, %dma_wait3A_1842, %dma_wait3A_1843] : memref<125000x8x64xf32, #tpu.memory_space<hbm>> -> memref<1x1x64xf32, #tpu.memory_space<hbm>>
      %dma_wait3A_1845 = tpu.memref_squeeze %dma_wait3A_1844 : memref<1x1x64xf32, #tpu.memory_space<hbm>> -> memref<1x64xf32, #tpu.memory_space<hbm>>
      %dma_wait3A_1846 = arith.constant 0 : i32
      %dma_wait3A_1847 = arith.constant 0 : i32
      %dma_wait3A_1848 = tpu.memref_slice %arg10[%dma_wait3A_1837, %dma_wait3A_1846, %dma_wait3A_1847] : memref<8x1x64xf32, #tpu.memory_space<vmem>> -> memref<1x1x64xf32, #tpu.memory_space<vmem>>
      %dma_wait3A_1849 = tpu.memref_squeeze %dma_wait3A_1848 : memref<1x1x64xf32, #tpu.memory_space<vmem>> -> memref<1x64xf32, #tpu.memory_space<vmem>>
      %dma_wait3A_1850 = arith.constant 0 : i32
      %dma_wait3A_1851 = arith.constant 0 : i32
      %dma_wait3A_1852 = tpu.memref_slice %arg5[%dma_wait3A_1836, %dma_wait3A_1850, %dma_wait3A_1851] : memref<125000x8x64xf32, #tpu.memory_space<hbm>> -> memref<1x1x64xf32, #tpu.memory_space<hbm>>
      %dma_wait3A_1853 = tpu.memref_squeeze %dma_wait3A_1852 : memref<1x1x64xf32, #tpu.memory_space<hbm>> -> memref<1x64xf32, #tpu.memory_space<hbm>>
      tpu.wait_dma2 semaphore(%arg27 : memref<!tpu.dma_semaphore, #tpu.memory_space<semaphore_mem>>) src(%dma_wait3A_1853 : memref<1x64xf32, #tpu.memory_space<hbm>>) dst(%dma_wait3A_1849 : memref<1x64xf32, #tpu.memory_space<vmem>>)
      %get3A_1854 = arith.constant 7 : i32
      %get3A_1855 = arith.constant 0 : i32
      %get3A_1856 = arith.index_cast %get3A_1854 : i32 to index
      %get3A_1857 = arith.index_cast %get3A_1855 : i32 to index
      %get3A_1858 = arith.constant 0 : index
      %get3A_1859 = tpu.vector_load %arg9[%get3A_1856, %get3A_1857, %get3A_1858] {strides = array<i32>} : memref<8x1x64xf32, #tpu.memory_space<vmem>>, vector<16xf32>,
      %get3A_1860 = arith.constant 7 : i32
      %get3A_1861 = arith.constant 0 : i32
      %get3A_1862 = arith.index_cast %get3A_1860 : i32 to index
      %get3A_1863 = arith.index_cast %get3A_1861 : i32 to index
      %get3A_1864 = arith.constant 0 : index
      %get3A_1865 = tpu.vector_load %arg10[%get3A_1862, %get3A_1863, %get3A_1864] {strides = array<i32>} : memref<8x1x64xf32, #tpu.memory_space<vmem>>, vector<16xf32>,
      %mul3A_1866 = arith.mulf %get3A_1859, %get3A_1865 : vector<16xf32>
      %get3A_1867 = arith.constant 7 : i32
      %get3A_1868 = arith.constant 0 : i32
      %get3A_1869 = arith.index_cast %get3A_1867 : i32 to index
      %get3A_1870 = arith.index_cast %get3A_1868 : i32 to index
      %get3A_1871 = arith.constant 16 : index
      %get3A_1872 = tpu.vector_load %arg9[%get3A_1869, %get3A_1870, %get3A_1871] {strides = array<i32>} : memref<8x1x64xf32, #tpu.memory_space<vmem>>, vector<16xf32>,
      %get3A_1873 = arith.constant 7 : i32
      %get3A_1874 = arith.constant 0 : i32
      %get3A_1875 = arith.index_cast %get3A_1873 : i32 to index
      %get3A_1876 = arith.index_cast %get3A_1874 : i32 to index
      %get3A_1877 = arith.constant 16 : index
      %get3A_1878 = tpu.vector_load %arg10[%get3A_1875, %get3A_1876, %get3A_1877] {strides = array<i32>} : memref<8x1x64xf32, #tpu.memory_space<vmem>>, vector<16xf32>,
      %mul3A_1879 = arith.mulf %get3A_1872, %get3A_1878 : vector<16xf32>
      %add3A_1880 = arith.addf %mul3A_1866, %mul3A_1879 : vector<16xf32>
      %get3A_1881 = arith.constant 7 : i32
      %get3A_1882 = arith.constant 0 : i32
      %get3A_1883 = arith.index_cast %get3A_1881 : i32 to index
      %get3A_1884 = arith.index_cast %get3A_1882 : i32 to index
      %get3A_1885 = arith.constant 32 : index
      %get3A_1886 = tpu.vector_load %arg9[%get3A_1883, %get3A_1884, %get3A_1885] {strides = array<i32>} : memref<8x1x64xf32, #tpu.memory_space<vmem>>, vector<16xf32>,
      %get3A_1887 = arith.constant 7 : i32
      %get3A_1888 = arith.constant 0 : i32
      %get3A_1889 = arith.index_cast %get3A_1887 : i32 to index
      %get3A_1890 = arith.index_cast %get3A_1888 : i32 to index
      %get3A_1891 = arith.constant 32 : index
      %get3A_1892 = tpu.vector_load %arg10[%get3A_1889, %get3A_1890, %get3A_1891] {strides = array<i32>} : memref<8x1x64xf32, #tpu.memory_space<vmem>>, vector<16xf32>,
      %mul3A_1893 = arith.mulf %get3A_1886, %get3A_1892 : vector<16xf32>
      %add3A_1894 = arith.addf %add3A_1880, %mul3A_1893 : vector<16xf32>
      %get3A_1895 = arith.constant 7 : i32
      %get3A_1896 = arith.constant 0 : i32
      %get3A_1897 = arith.index_cast %get3A_1895 : i32 to index
      %get3A_1898 = arith.index_cast %get3A_1896 : i32 to index
      %get3A_1899 = arith.constant 48 : index
      %get3A_1900 = tpu.vector_load %arg9[%get3A_1897, %get3A_1898, %get3A_1899] {strides = array<i32>} : memref<8x1x64xf32, #tpu.memory_space<vmem>>, vector<16xf32>,
      %get3A_1901 = arith.constant 7 : i32
      %get3A_1902 = arith.constant 0 : i32
      %get3A_1903 = arith.index_cast %get3A_1901 : i32 to index
      %get3A_1904 = arith.index_cast %get3A_1902 : i32 to index
      %get3A_1905 = arith.constant 48 : index
      %get3A_1906 = tpu.vector_load %arg10[%get3A_1903, %get3A_1904, %get3A_1905] {strides = array<i32>} : memref<8x1x64xf32, #tpu.memory_space<vmem>>, vector<16xf32>,
      %mul3A_1907 = arith.mulf %get3A_1900, %get3A_1906 : vector<16xf32>
      %add3A_1908 = arith.addf %add3A_1894, %mul3A_1907 : vector<16xf32>
      %xor3A_1909 = arith.constant 8 : i32
      %xor3A_1910 = vector.broadcast %xor3A_1909 : i32 to vector<16xi32>
      %xor3A_1911 = arith.xori %iota3A, %xor3A_1910 : vector<16xi32>
      %broadcast_in_dim3A_1912 = vector.shape_cast %xor3A_1911 : vector<16xi32> to vector<16x1xi32>
      %gather3A_1913 = vector.shape_cast %broadcast_in_dim3A_1912 : vector<16x1xi32> to vector<16xi32>
      %gather3A_1914 = tpu.dynamic_gather %add3A_1908[%gather3A_1913] in [0] : vector<16xf32>, vector<16xi32> -> vector<16xf32>
      %add3A_1915 = arith.addf %add3A_1908, %gather3A_1914 : vector<16xf32>
      %xor3A_1916 = arith.constant 4 : i32
      %xor3A_1917 = vector.broadcast %xor3A_1916 : i32 to vector<16xi32>
      %xor3A_1918 = arith.xori %iota3A, %xor3A_1917 : vector<16xi32>
      %broadcast_in_dim3A_1919 = vector.shape_cast %xor3A_1918 : vector<16xi32> to vector<16x1xi32>
      %gather3A_1920 = vector.shape_cast %broadcast_in_dim3A_1919 : vector<16x1xi32> to vector<16xi32>
      %gather3A_1921 = tpu.dynamic_gather %add3A_1915[%gather3A_1920] in [0] : vector<16xf32>, vector<16xi32> -> vector<16xf32>
      %add3A_1922 = arith.addf %add3A_1915, %gather3A_1921 : vector<16xf32>
      %xor3A_1923 = arith.constant 2 : i32
      %xor3A_1924 = vector.broadcast %xor3A_1923 : i32 to vector<16xi32>
      %xor3A_1925 = arith.xori %iota3A, %xor3A_1924 : vector<16xi32>
      %broadcast_in_dim3A_1926 = vector.shape_cast %xor3A_1925 : vector<16xi32> to vector<16x1xi32>
      %gather3A_1927 = vector.shape_cast %broadcast_in_dim3A_1926 : vector<16x1xi32> to vector<16xi32>
      %gather3A_1928 = tpu.dynamic_gather %add3A_1922[%gather3A_1927] in [0] : vector<16xf32>, vector<16xi32> -> vector<16xf32>
      %add3A_1929 = arith.addf %add3A_1922, %gather3A_1928 : vector<16xf32>
      %xor3A_1930 = arith.constant 1 : i32
      %xor3A_1931 = vector.broadcast %xor3A_1930 : i32 to vector<16xi32>
      %xor3A_1932 = arith.xori %iota3A, %xor3A_1931 : vector<16xi32>
      %broadcast_in_dim3A_1933 = vector.shape_cast %xor3A_1932 : vector<16xi32> to vector<16x1xi32>
      %gather3A_1934 = vector.shape_cast %broadcast_in_dim3A_1933 : vector<16x1xi32> to vector<16xi32>
      %gather3A_1935 = tpu.dynamic_gather %add3A_1929[%gather3A_1934] in [0] : vector<16xf32>, vector<16xi32> -> vector<16xf32>
      %add3A_1936 = arith.addf %add3A_1929, %gather3A_1935 : vector<16xf32>
      %eq3A_1937 = arith.constant 7 : i32
      %eq3A_1938 = vector.broadcast %eq3A_1937 : i32 to vector<16xi32>
      %eq3A_1939 = arith.cmpi eq, %iota3A, %eq3A_1938 : vector<16xi32>
      %select_n3A_1940 = arith.select %eq3A_1939, %add3A_1936, %select_n3A_1751 : vector<16xi1>, vector<16xf32>
      %mul3A_1941 = arith.constant 16 : i32
      %mul3A_1942 = arith.muli %scan3A_495, %mul3A_1941 : i32
      %get3A_1943 = arith.index_cast %mul3A_1942 : i32 to index
      %get3A_1944 = tpu.vector_load %arg7[%get3A_1943] {strides = array<i32>} : memref<512xi32, #tpu.memory_space<vmem>>, vector<16xi32>,
      %eq3A_1945 = arith.constant 15 : i32
      %eq3A_1946 = vector.broadcast %eq3A_1945 : i32 to vector<16xi32>
      %eq3A_1947 = arith.cmpi eq, %iota3A, %eq3A_1946 : vector<16xi32>
      %jit3A_1948 = arith.constant 0 : i32
      %broadcast_in_dim3A_1949 = vector.broadcast %jit3A_1948 : i32 to vector<16xi32>
      %select_n3A_1950 = arith.select %eq3A_1947, %get3A_1944, %broadcast_in_dim3A_1949 : vector<16xi1>, vector<16xi32>
      %reduce_sum3A_1951 = arith.constant true
      %reduce_sum3A_1952 = vector.broadcast %reduce_sum3A_1951 : i1 to vector<16xi1>
      %reduce_sum3A_1953 = tpu.scan <sum>, %select_n3A_1950 masked %reduce_sum3A_1952 : vector<16xi32>, vector<16xi1> -> vector<16xi32>
      %reduce_sum3A_1954 = vector.extract %reduce_sum3A_1953[15] : i32 from vector<16xi32>
      %mul3A_1955 = arith.constant 16 : i32
      %mul3A_1956 = arith.muli %scan3A_495, %mul3A_1955 : i32
      %get3A_1957 = arith.index_cast %mul3A_1956 : i32 to index
      %get3A_1958 = tpu.vector_load %arg8[%get3A_1957] {strides = array<i32>} : memref<512xi32, #tpu.memory_space<vmem>>, vector<16xi32>,
      %eq3A_1959 = arith.constant 15 : i32
      %eq3A_1960 = vector.broadcast %eq3A_1959 : i32 to vector<16xi32>
      %eq3A_1961 = arith.cmpi eq, %iota3A, %eq3A_1960 : vector<16xi32>
      %jit3A_1962 = arith.constant 0 : i32
      %broadcast_in_dim3A_1963 = vector.broadcast %jit3A_1962 : i32 to vector<16xi32>
      %select_n3A_1964 = arith.select %eq3A_1961, %get3A_1958, %broadcast_in_dim3A_1963 : vector<16xi1>, vector<16xi32>
      %reduce_sum3A_1965 = arith.constant true
      %reduce_sum3A_1966 = vector.broadcast %reduce_sum3A_1965 : i1 to vector<16xi1>
      %reduce_sum3A_1967 = tpu.scan <sum>, %select_n3A_1964 masked %reduce_sum3A_1966 : vector<16xi32>, vector<16xi1> -> vector<16xi32>
      %reduce_sum3A_1968 = vector.extract %reduce_sum3A_1967[15] : i32 from vector<16xi32>
      %shift_right_arithmetic3A_1969 = arith.constant 3 : i32
      %shift_right_arithmetic3A_1970 = arith.shrsi %reduce_sum3A_1954, %shift_right_arithmetic3A_1969 : i32
      %and3A_1971 = arith.constant 7 : i32
      %and3A_1972 = arith.andi %reduce_sum3A_1954, %and3A_1971 : i32
      %dma_start3A_1973 = arith.constant 7 : i32
      %dma_start3A_1974 = arith.constant 0 : i32
      %dma_start3A_1975 = arith.constant 0 : i32
      %dma_start3A_1976 = tpu.memref_slice %arg9[%dma_start3A_1973, %dma_start3A_1974, %dma_start3A_1975] : memref<8x1x64xf32, #tpu.memory_space<vmem>> -> memref<1x1x64xf32, #tpu.memory_space<vmem>>
      %dma_start3A_1977 = tpu.memref_squeeze %dma_start3A_1976 : memref<1x1x64xf32, #tpu.memory_space<vmem>> -> memref<1x64xf32, #tpu.memory_space<vmem>>
      %dma_start3A_1978 = arith.constant 0 : i32
      %dma_start3A_1979 = tpu.memref_slice %arg4[%shift_right_arithmetic3A_1970, %and3A_1972, %dma_start3A_1978] : memref<125000x8x64xf32, #tpu.memory_space<hbm>> -> memref<1x1x64xf32, #tpu.memory_space<hbm>>
      %dma_start3A_1980 = tpu.memref_squeeze %dma_start3A_1979 : memref<1x1x64xf32, #tpu.memory_space<hbm>> -> memref<1x64xf32, #tpu.memory_space<hbm>>
      %dma_start3A_1981 = arith.constant 0 : i32
      %dma_start3A_1982 = arith.constant 0 : i32
      %dma_start3A_1983 = tpu.memref_slice %arg9[%dma_start3A_1973, %dma_start3A_1981, %dma_start3A_1982] : memref<8x1x64xf32, #tpu.memory_space<vmem>> -> memref<1x1x64xf32, #tpu.memory_space<vmem>>
      %dma_start3A_1984 = tpu.memref_squeeze %dma_start3A_1983 : memref<1x1x64xf32, #tpu.memory_space<vmem>> -> memref<1x64xf32, #tpu.memory_space<vmem>>
      %dma_start3A_1985 = arith.constant 0 : i32
      %dma_start3A_1986 = tpu.memref_slice %arg4[%shift_right_arithmetic3A_1970, %and3A_1972, %dma_start3A_1985] : memref<125000x8x64xf32, #tpu.memory_space<hbm>> -> memref<1x1x64xf32, #tpu.memory_space<hbm>>
      %dma_start3A_1987 = tpu.memref_squeeze %dma_start3A_1986 : memref<1x1x64xf32, #tpu.memory_space<hbm>> -> memref<1x64xf32, #tpu.memory_space<hbm>>
      tpu.enqueue_dma source(%dma_start3A_1987 : memref<1x64xf32, #tpu.memory_space<hbm>>) target(%dma_start3A_1984 : memref<1x64xf32, #tpu.memory_space<vmem>>) target_semaphore(%arg19 : memref<!tpu.dma_semaphore, #tpu.memory_space<semaphore_mem>>)
      %shift_right_arithmetic3A_1988 = arith.constant 3 : i32
      %shift_right_arithmetic3A_1989 = arith.shrsi %reduce_sum3A_1968, %shift_right_arithmetic3A_1988 : i32
      %and3A_1990 = arith.constant 7 : i32
      %and3A_1991 = arith.andi %reduce_sum3A_1968, %and3A_1990 : i32
      %dma_start3A_1992 = arith.constant 7 : i32
      %dma_start3A_1993 = arith.constant 0 : i32
      %dma_start3A_1994 = arith.constant 0 : i32
      %dma_start3A_1995 = tpu.memref_slice %arg10[%dma_start3A_1992, %dma_start3A_1993, %dma_start3A_1994] : memref<8x1x64xf32, #tpu.memory_space<vmem>> -> memref<1x1x64xf32, #tpu.memory_space<vmem>>
      %dma_start3A_1996 = tpu.memref_squeeze %dma_start3A_1995 : memref<1x1x64xf32, #tpu.memory_space<vmem>> -> memref<1x64xf32, #tpu.memory_space<vmem>>
      %dma_start3A_1997 = arith.constant 0 : i32
      %dma_start3A_1998 = tpu.memref_slice %arg5[%shift_right_arithmetic3A_1989, %and3A_1991, %dma_start3A_1997] : memref<125000x8x64xf32, #tpu.memory_space<hbm>> -> memref<1x1x64xf32, #tpu.memory_space<hbm>>
      %dma_start3A_1999 = tpu.memref_squeeze %dma_start3A_1998 : memref<1x1x64xf32, #tpu.memory_space<hbm>> -> memref<1x64xf32, #tpu.memory_space<hbm>>
      %dma_start3A_2000 = arith.constant 0 : i32
      %dma_start3A_2001 = arith.constant 0 : i32
      %dma_start3A_2002 = tpu.memref_slice %arg10[%dma_start3A_1992, %dma_start3A_2000, %dma_start3A_2001] : memref<8x1x64xf32, #tpu.memory_space<vmem>> -> memref<1x1x64xf32, #tpu.memory_space<vmem>>
      %dma_start3A_2003 = tpu.memref_squeeze %dma_start3A_2002 : memref<1x1x64xf32, #tpu.memory_space<vmem>> -> memref<1x64xf32, #tpu.memory_space<vmem>>
      %dma_start3A_2004 = arith.constant 0 : i32
      %dma_start3A_2005 = tpu.memref_slice %arg5[%shift_right_arithmetic3A_1989, %and3A_1991, %dma_start3A_2004] : memref<125000x8x64xf32, #tpu.memory_space<hbm>> -> memref<1x1x64xf32, #tpu.memory_space<hbm>>
      %dma_start3A_2006 = tpu.memref_squeeze %dma_start3A_2005 : memref<1x1x64xf32, #tpu.memory_space<hbm>> -> memref<1x64xf32, #tpu.memory_space<hbm>>
      tpu.enqueue_dma source(%dma_start3A_2006 : memref<1x64xf32, #tpu.memory_space<hbm>>) target(%dma_start3A_2003 : memref<1x64xf32, #tpu.memory_space<vmem>>) target_semaphore(%arg27 : memref<!tpu.dma_semaphore, #tpu.memory_space<semaphore_mem>>)
      %dma_wait3A_2007 = arith.constant 0 : i32
      %dma_wait3A_2008 = arith.constant 0 : i32
      %dma_wait3A_2009 = arith.constant 0 : i32
      %dma_wait3A_2010 = arith.constant 0 : i32
      %dma_wait3A_2011 = tpu.memref_slice %arg9[%dma_wait3A_2008, %dma_wait3A_2009, %dma_wait3A_2010] : memref<8x1x64xf32, #tpu.memory_space<vmem>> -> memref<1x1x64xf32, #tpu.memory_space<vmem>>
      %dma_wait3A_2012 = tpu.memref_squeeze %dma_wait3A_2011 : memref<1x1x64xf32, #tpu.memory_space<vmem>> -> memref<1x64xf32, #tpu.memory_space<vmem>>
      %dma_wait3A_2013 = arith.constant 0 : i32
      %dma_wait3A_2014 = arith.constant 0 : i32
      %dma_wait3A_2015 = tpu.memref_slice %arg4[%dma_wait3A_2007, %dma_wait3A_2013, %dma_wait3A_2014] : memref<125000x8x64xf32, #tpu.memory_space<hbm>> -> memref<1x1x64xf32, #tpu.memory_space<hbm>>
      %dma_wait3A_2016 = tpu.memref_squeeze %dma_wait3A_2015 : memref<1x1x64xf32, #tpu.memory_space<hbm>> -> memref<1x64xf32, #tpu.memory_space<hbm>>
      %dma_wait3A_2017 = arith.constant 0 : i32
      %dma_wait3A_2018 = arith.constant 0 : i32
      %dma_wait3A_2019 = tpu.memref_slice %arg9[%dma_wait3A_2008, %dma_wait3A_2017, %dma_wait3A_2018] : memref<8x1x64xf32, #tpu.memory_space<vmem>> -> memref<1x1x64xf32, #tpu.memory_space<vmem>>
      %dma_wait3A_2020 = tpu.memref_squeeze %dma_wait3A_2019 : memref<1x1x64xf32, #tpu.memory_space<vmem>> -> memref<1x64xf32, #tpu.memory_space<vmem>>
      %dma_wait3A_2021 = arith.constant 0 : i32
      %dma_wait3A_2022 = arith.constant 0 : i32
      %dma_wait3A_2023 = tpu.memref_slice %arg4[%dma_wait3A_2007, %dma_wait3A_2021, %dma_wait3A_2022] : memref<125000x8x64xf32, #tpu.memory_space<hbm>> -> memref<1x1x64xf32, #tpu.memory_space<hbm>>
      %dma_wait3A_2024 = tpu.memref_squeeze %dma_wait3A_2023 : memref<1x1x64xf32, #tpu.memory_space<hbm>> -> memref<1x64xf32, #tpu.memory_space<hbm>>
      tpu.wait_dma2 semaphore(%arg12 : memref<!tpu.dma_semaphore, #tpu.memory_space<semaphore_mem>>) src(%dma_wait3A_2024 : memref<1x64xf32, #tpu.memory_space<hbm>>) dst(%dma_wait3A_2020 : memref<1x64xf32, #tpu.memory_space<vmem>>)
      %dma_wait3A_2025 = arith.constant 0 : i32
      %dma_wait3A_2026 = arith.constant 0 : i32
      %dma_wait3A_2027 = arith.constant 0 : i32
      %dma_wait3A_2028 = arith.constant 0 : i32
      %dma_wait3A_2029 = tpu.memref_slice %arg10[%dma_wait3A_2026, %dma_wait3A_2027, %dma_wait3A_2028] : memref<8x1x64xf32, #tpu.memory_space<vmem>> -> memref<1x1x64xf32, #tpu.memory_space<vmem>>
      %dma_wait3A_2030 = tpu.memref_squeeze %dma_wait3A_2029 : memref<1x1x64xf32, #tpu.memory_space<vmem>> -> memref<1x64xf32, #tpu.memory_space<vmem>>
      %dma_wait3A_2031 = arith.constant 0 : i32
      %dma_wait3A_2032 = arith.constant 0 : i32
      %dma_wait3A_2033 = tpu.memref_slice %arg5[%dma_wait3A_2025, %dma_wait3A_2031, %dma_wait3A_2032] : memref<125000x8x64xf32, #tpu.memory_space<hbm>> -> memref<1x1x64xf32, #tpu.memory_space<hbm>>
      %dma_wait3A_2034 = tpu.memref_squeeze %dma_wait3A_2033 : memref<1x1x64xf32, #tpu.memory_space<hbm>> -> memref<1x64xf32, #tpu.memory_space<hbm>>
      %dma_wait3A_2035 = arith.constant 0 : i32
      %dma_wait3A_2036 = arith.constant 0 : i32
      %dma_wait3A_2037 = tpu.memref_slice %arg10[%dma_wait3A_2026, %dma_wait3A_2035, %dma_wait3A_2036] : memref<8x1x64xf32, #tpu.memory_space<vmem>> -> memref<1x1x64xf32, #tpu.memory_space<vmem>>
      %dma_wait3A_2038 = tpu.memref_squeeze %dma_wait3A_2037 : memref<1x1x64xf32, #tpu.memory_space<vmem>> -> memref<1x64xf32, #tpu.memory_space<vmem>>
      %dma_wait3A_2039 = arith.constant 0 : i32
      %dma_wait3A_2040 = arith.constant 0 : i32
      %dma_wait3A_2041 = tpu.memref_slice %arg5[%dma_wait3A_2025, %dma_wait3A_2039, %dma_wait3A_2040] : memref<125000x8x64xf32, #tpu.memory_space<hbm>> -> memref<1x1x64xf32, #tpu.memory_space<hbm>>
      %dma_wait3A_2042 = tpu.memref_squeeze %dma_wait3A_2041 : memref<1x1x64xf32, #tpu.memory_space<hbm>> -> memref<1x64xf32, #tpu.memory_space<hbm>>
      tpu.wait_dma2 semaphore(%arg20 : memref<!tpu.dma_semaphore, #tpu.memory_space<semaphore_mem>>) src(%dma_wait3A_2042 : memref<1x64xf32, #tpu.memory_space<hbm>>) dst(%dma_wait3A_2038 : memref<1x64xf32, #tpu.memory_space<vmem>>)
      %get3A_2043 = arith.constant 0 : i32
      %get3A_2044 = arith.constant 0 : i32
      %get3A_2045 = arith.index_cast %get3A_2043 : i32 to index
      %get3A_2046 = arith.index_cast %get3A_2044 : i32 to index
      %get3A_2047 = arith.constant 0 : index
      %get3A_2048 = tpu.vector_load %arg9[%get3A_2045, %get3A_2046, %get3A_2047] {strides = array<i32>} : memref<8x1x64xf32, #tpu.memory_space<vmem>>, vector<16xf32>,
      %get3A_2049 = arith.constant 0 : i32
      %get3A_2050 = arith.constant 0 : i32
      %get3A_2051 = arith.index_cast %get3A_2049 : i32 to index
      %get3A_2052 = arith.index_cast %get3A_2050 : i32 to index
      %get3A_2053 = arith.constant 0 : index
      %get3A_2054 = tpu.vector_load %arg10[%get3A_2051, %get3A_2052, %get3A_2053] {strides = array<i32>} : memref<8x1x64xf32, #tpu.memory_space<vmem>>, vector<16xf32>,
      %mul3A_2055 = arith.mulf %get3A_2048, %get3A_2054 : vector<16xf32>
      %get3A_2056 = arith.constant 0 : i32
      %get3A_2057 = arith.constant 0 : i32
      %get3A_2058 = arith.index_cast %get3A_2056 : i32 to index
      %get3A_2059 = arith.index_cast %get3A_2057 : i32 to index
      %get3A_2060 = arith.constant 16 : index
      %get3A_2061 = tpu.vector_load %arg9[%get3A_2058, %get3A_2059, %get3A_2060] {strides = array<i32>} : memref<8x1x64xf32, #tpu.memory_space<vmem>>, vector<16xf32>,
      %get3A_2062 = arith.constant 0 : i32
      %get3A_2063 = arith.constant 0 : i32
      %get3A_2064 = arith.index_cast %get3A_2062 : i32 to index
      %get3A_2065 = arith.index_cast %get3A_2063 : i32 to index
      %get3A_2066 = arith.constant 16 : index
      %get3A_2067 = tpu.vector_load %arg10[%get3A_2064, %get3A_2065, %get3A_2066] {strides = array<i32>} : memref<8x1x64xf32, #tpu.memory_space<vmem>>, vector<16xf32>,
      %mul3A_2068 = arith.mulf %get3A_2061, %get3A_2067 : vector<16xf32>
      %add3A_2069 = arith.addf %mul3A_2055, %mul3A_2068 : vector<16xf32>
      %get3A_2070 = arith.constant 0 : i32
      %get3A_2071 = arith.constant 0 : i32
      %get3A_2072 = arith.index_cast %get3A_2070 : i32 to index
      %get3A_2073 = arith.index_cast %get3A_2071 : i32 to index
      %get3A_2074 = arith.constant 32 : index
      %get3A_2075 = tpu.vector_load %arg9[%get3A_2072, %get3A_2073, %get3A_2074] {strides = array<i32>} : memref<8x1x64xf32, #tpu.memory_space<vmem>>, vector<16xf32>,
      %get3A_2076 = arith.constant 0 : i32
      %get3A_2077 = arith.constant 0 : i32
      %get3A_2078 = arith.index_cast %get3A_2076 : i32 to index
      %get3A_2079 = arith.index_cast %get3A_2077 : i32 to index
      %get3A_2080 = arith.constant 32 : index
      %get3A_2081 = tpu.vector_load %arg10[%get3A_2078, %get3A_2079, %get3A_2080] {strides = array<i32>} : memref<8x1x64xf32, #tpu.memory_space<vmem>>, vector<16xf32>,
      %mul3A_2082 = arith.mulf %get3A_2075, %get3A_2081 : vector<16xf32>
      %add3A_2083 = arith.addf %add3A_2069, %mul3A_2082 : vector<16xf32>
      %get3A_2084 = arith.constant 0 : i32
      %get3A_2085 = arith.constant 0 : i32
      %get3A_2086 = arith.index_cast %get3A_2084 : i32 to index
      %get3A_2087 = arith.index_cast %get3A_2085 : i32 to index
      %get3A_2088 = arith.constant 48 : index
      %get3A_2089 = tpu.vector_load %arg9[%get3A_2086, %get3A_2087, %get3A_2088] {strides = array<i32>} : memref<8x1x64xf32, #tpu.memory_space<vmem>>, vector<16xf32>,
      %get3A_2090 = arith.constant 0 : i32
      %get3A_2091 = arith.constant 0 : i32
      %get3A_2092 = arith.index_cast %get3A_2090 : i32 to index
      %get3A_2093 = arith.index_cast %get3A_2091 : i32 to index
      %get3A_2094 = arith.constant 48 : index
      %get3A_2095 = tpu.vector_load %arg10[%get3A_2092, %get3A_2093, %get3A_2094] {strides = array<i32>} : memref<8x1x64xf32, #tpu.memory_space<vmem>>, vector<16xf32>,
      %mul3A_2096 = arith.mulf %get3A_2089, %get3A_2095 : vector<16xf32>
      %add3A_2097 = arith.addf %add3A_2083, %mul3A_2096 : vector<16xf32>
      %xor3A_2098 = arith.constant 8 : i32
      %xor3A_2099 = vector.broadcast %xor3A_2098 : i32 to vector<16xi32>
      %xor3A_2100 = arith.xori %iota3A, %xor3A_2099 : vector<16xi32>
      %broadcast_in_dim3A_2101 = vector.shape_cast %xor3A_2100 : vector<16xi32> to vector<16x1xi32>
      %gather3A_2102 = vector.shape_cast %broadcast_in_dim3A_2101 : vector<16x1xi32> to vector<16xi32>
      %gather3A_2103 = tpu.dynamic_gather %add3A_2097[%gather3A_2102] in [0] : vector<16xf32>, vector<16xi32> -> vector<16xf32>
      %add3A_2104 = arith.addf %add3A_2097, %gather3A_2103 : vector<16xf32>
      %xor3A_2105 = arith.constant 4 : i32
      %xor3A_2106 = vector.broadcast %xor3A_2105 : i32 to vector<16xi32>
      %xor3A_2107 = arith.xori %iota3A, %xor3A_2106 : vector<16xi32>
      %broadcast_in_dim3A_2108 = vector.shape_cast %xor3A_2107 : vector<16xi32> to vector<16x1xi32>
      %gather3A_2109 = vector.shape_cast %broadcast_in_dim3A_2108 : vector<16x1xi32> to vector<16xi32>
      %gather3A_2110 = tpu.dynamic_gather %add3A_2104[%gather3A_2109] in [0] : vector<16xf32>, vector<16xi32> -> vector<16xf32>
      %add3A_2111 = arith.addf %add3A_2104, %gather3A_2110 : vector<16xf32>
      %xor3A_2112 = arith.constant 2 : i32
      %xor3A_2113 = vector.broadcast %xor3A_2112 : i32 to vector<16xi32>
      %xor3A_2114 = arith.xori %iota3A, %xor3A_2113 : vector<16xi32>
      %broadcast_in_dim3A_2115 = vector.shape_cast %xor3A_2114 : vector<16xi32> to vector<16x1xi32>
      %gather3A_2116 = vector.shape_cast %broadcast_in_dim3A_2115 : vector<16x1xi32> to vector<16xi32>
      %gather3A_2117 = tpu.dynamic_gather %add3A_2111[%gather3A_2116] in [0] : vector<16xf32>, vector<16xi32> -> vector<16xf32>
      %add3A_2118 = arith.addf %add3A_2111, %gather3A_2117 : vector<16xf32>
      %xor3A_2119 = arith.constant 1 : i32
      %xor3A_2120 = vector.broadcast %xor3A_2119 : i32 to vector<16xi32>
      %xor3A_2121 = arith.xori %iota3A, %xor3A_2120 : vector<16xi32>
      %broadcast_in_dim3A_2122 = vector.shape_cast %xor3A_2121 : vector<16xi32> to vector<16x1xi32>
      %gather3A_2123 = vector.shape_cast %broadcast_in_dim3A_2122 : vector<16x1xi32> to vector<16xi32>
      %gather3A_2124 = tpu.dynamic_gather %add3A_2118[%gather3A_2123] in [0] : vector<16xf32>, vector<16xi32> -> vector<16xf32>
      %add3A_2125 = arith.addf %add3A_2118, %gather3A_2124 : vector<16xf32>
      %eq3A_2126 = arith.constant 8 : i32
      %eq3A_2127 = vector.broadcast %eq3A_2126 : i32 to vector<16xi32>
      %eq3A_2128 = arith.cmpi eq, %iota3A, %eq3A_2127 : vector<16xi32>
      %select_n3A_2129 = arith.select %eq3A_2128, %add3A_2125, %select_n3A_1940 : vector<16xi1>, vector<16xf32>
      %lt3A = arith.constant 31 : i32
      %lt3A_2130 = arith.cmpi slt, %scan3A_495, %lt3A : i32
      %convert_element_type3A = arith.extui %lt3A_2130 : i1 to i32
      %cond3A = arith.constant 0 : i32
      %cond3A_2131 = arith.cmpi ne, %convert_element_type3A, %cond3A : i32
      scf.if %cond3A_2131 {
        %add3A_3031 = arith.constant 1 : i32
        %add3A_3032 = arith.addi %scan3A_495, %add3A_3031 : i32
        %mul3A_3033 = arith.constant 16 : i32
        %mul3A_3034 = arith.muli %add3A_3032, %mul3A_3033 : i32
        %get3A_3035 = arith.index_cast %mul3A_3034 : i32 to index
        %get3A_3036 = tpu.vector_load %arg7[%get3A_3035] {strides = array<i32>} : memref<512xi32, #tpu.memory_space<vmem>>, vector<16xi32>,
        %eq3A_3037 = arith.constant 0 : i32
        %eq3A_3038 = vector.broadcast %eq3A_3037 : i32 to vector<16xi32>
        %eq3A_3039 = arith.cmpi eq, %iota3A, %eq3A_3038 : vector<16xi32>
        %jit3A_3040 = arith.constant 0 : i32
        %broadcast_in_dim3A_3041 = vector.broadcast %jit3A_3040 : i32 to vector<16xi32>
        %select_n3A_3042 = arith.select %eq3A_3039, %get3A_3036, %broadcast_in_dim3A_3041 : vector<16xi1>, vector<16xi32>
        %reduce_sum3A_3043 = arith.constant true
        %reduce_sum3A_3044 = vector.broadcast %reduce_sum3A_3043 : i1 to vector<16xi1>
        %reduce_sum3A_3045 = tpu.scan <sum>, %select_n3A_3042 masked %reduce_sum3A_3044 : vector<16xi32>, vector<16xi1> -> vector<16xi32>
        %reduce_sum3A_3046 = vector.extract %reduce_sum3A_3045[15] : i32 from vector<16xi32>
        %mul3A_3047 = arith.constant 16 : i32
        %mul3A_3048 = arith.muli %add3A_3032, %mul3A_3047 : i32
        %get3A_3049 = arith.index_cast %mul3A_3048 : i32 to index
        %get3A_3050 = tpu.vector_load %arg8[%get3A_3049] {strides = array<i32>} : memref<512xi32, #tpu.memory_space<vmem>>, vector<16xi32>,
        %eq3A_3051 = arith.constant 0 : i32
        %eq3A_3052 = vector.broadcast %eq3A_3051 : i32 to vector<16xi32>
        %eq3A_3053 = arith.cmpi eq, %iota3A, %eq3A_3052 : vector<16xi32>
        %jit3A_3054 = arith.constant 0 : i32
        %broadcast_in_dim3A_3055 = vector.broadcast %jit3A_3054 : i32 to vector<16xi32>
        %select_n3A_3056 = arith.select %eq3A_3053, %get3A_3050, %broadcast_in_dim3A_3055 : vector<16xi1>, vector<16xi32>
        %reduce_sum3A_3057 = arith.constant true
        %reduce_sum3A_3058 = vector.broadcast %reduce_sum3A_3057 : i1 to vector<16xi1>
        %reduce_sum3A_3059 = tpu.scan <sum>, %select_n3A_3056 masked %reduce_sum3A_3058 : vector<16xi32>, vector<16xi1> -> vector<16xi32>
        %reduce_sum3A_3060 = vector.extract %reduce_sum3A_3059[15] : i32 from vector<16xi32>
        %shift_right_arithmetic3A_3061 = arith.constant 3 : i32
        %shift_right_arithmetic3A_3062 = arith.shrsi %reduce_sum3A_3046, %shift_right_arithmetic3A_3061 : i32
        %and3A_3063 = arith.constant 7 : i32
        %and3A_3064 = arith.andi %reduce_sum3A_3046, %and3A_3063 : i32
        %dma_start3A_3065 = arith.constant 0 : i32
        %dma_start3A_3066 = arith.constant 0 : i32
        %dma_start3A_3067 = arith.constant 0 : i32
        %dma_start3A_3068 = tpu.memref_slice %arg9[%dma_start3A_3065, %dma_start3A_3066, %dma_start3A_3067] : memref<8x1x64xf32, #tpu.memory_space<vmem>> -> memref<1x1x64xf32, #tpu.memory_space<vmem>>
        %dma_start3A_3069 = tpu.memref_squeeze %dma_start3A_3068 : memref<1x1x64xf32, #tpu.memory_space<vmem>> -> memref<1x64xf32, #tpu.memory_space<vmem>>
        %dma_start3A_3070 = arith.constant 0 : i32
        %dma_start3A_3071 = tpu.memref_slice %arg4[%shift_right_arithmetic3A_3062, %and3A_3064, %dma_start3A_3070] : memref<125000x8x64xf32, #tpu.memory_space<hbm>> -> memref<1x1x64xf32, #tpu.memory_space<hbm>>
        %dma_start3A_3072 = tpu.memref_squeeze %dma_start3A_3071 : memref<1x1x64xf32, #tpu.memory_space<hbm>> -> memref<1x64xf32, #tpu.memory_space<hbm>>
        %dma_start3A_3073 = arith.constant 0 : i32
        %dma_start3A_3074 = arith.constant 0 : i32
        %dma_start3A_3075 = tpu.memref_slice %arg9[%dma_start3A_3065, %dma_start3A_3073, %dma_start3A_3074] : memref<8x1x64xf32, #tpu.memory_space<vmem>> -> memref<1x1x64xf32, #tpu.memory_space<vmem>>
        %dma_start3A_3076 = tpu.memref_squeeze %dma_start3A_3075 : memref<1x1x64xf32, #tpu.memory_space<vmem>> -> memref<1x64xf32, #tpu.memory_space<vmem>>
        %dma_start3A_3077 = arith.constant 0 : i32
        %dma_start3A_3078 = tpu.memref_slice %arg4[%shift_right_arithmetic3A_3062, %and3A_3064, %dma_start3A_3077] : memref<125000x8x64xf32, #tpu.memory_space<hbm>> -> memref<1x1x64xf32, #tpu.memory_space<hbm>>
        %dma_start3A_3079 = tpu.memref_squeeze %dma_start3A_3078 : memref<1x1x64xf32, #tpu.memory_space<hbm>> -> memref<1x64xf32, #tpu.memory_space<hbm>>
        tpu.enqueue_dma source(%dma_start3A_3079 : memref<1x64xf32, #tpu.memory_space<hbm>>) target(%dma_start3A_3076 : memref<1x64xf32, #tpu.memory_space<vmem>>) target_semaphore(%arg12 : memref<!tpu.dma_semaphore, #tpu.memory_space<semaphore_mem>>)
        %shift_right_arithmetic3A_3080 = arith.constant 3 : i32
        %shift_right_arithmetic3A_3081 = arith.shrsi %reduce_sum3A_3060, %shift_right_arithmetic3A_3080 : i32
        %and3A_3082 = arith.constant 7 : i32
        %and3A_3083 = arith.andi %reduce_sum3A_3060, %and3A_3082 : i32
        %dma_start3A_3084 = arith.constant 0 : i32
        %dma_start3A_3085 = arith.constant 0 : i32
        %dma_start3A_3086 = arith.constant 0 : i32
        %dma_start3A_3087 = tpu.memref_slice %arg10[%dma_start3A_3084, %dma_start3A_3085, %dma_start3A_3086] : memref<8x1x64xf32, #tpu.memory_space<vmem>> -> memref<1x1x64xf32, #tpu.memory_space<vmem>>
        %dma_start3A_3088 = tpu.memref_squeeze %dma_start3A_3087 : memref<1x1x64xf32, #tpu.memory_space<vmem>> -> memref<1x64xf32, #tpu.memory_space<vmem>>
        %dma_start3A_3089 = arith.constant 0 : i32
        %dma_start3A_3090 = tpu.memref_slice %arg5[%shift_right_arithmetic3A_3081, %and3A_3083, %dma_start3A_3089] : memref<125000x8x64xf32, #tpu.memory_space<hbm>> -> memref<1x1x64xf32, #tpu.memory_space<hbm>>
        %dma_start3A_3091 = tpu.memref_squeeze %dma_start3A_3090 : memref<1x1x64xf32, #tpu.memory_space<hbm>> -> memref<1x64xf32, #tpu.memory_space<hbm>>
        %dma_start3A_3092 = arith.constant 0 : i32
        %dma_start3A_3093 = arith.constant 0 : i32
        %dma_start3A_3094 = tpu.memref_slice %arg10[%dma_start3A_3084, %dma_start3A_3092, %dma_start3A_3093] : memref<8x1x64xf32, #tpu.memory_space<vmem>> -> memref<1x1x64xf32, #tpu.memory_space<vmem>>
        %dma_start3A_3095 = tpu.memref_squeeze %dma_start3A_3094 : memref<1x1x64xf32, #tpu.memory_space<vmem>> -> memref<1x64xf32, #tpu.memory_space<vmem>>
        %dma_start3A_3096 = arith.constant 0 : i32
        %dma_start3A_3097 = tpu.memref_slice %arg5[%shift_right_arithmetic3A_3081, %and3A_3083, %dma_start3A_3096] : memref<125000x8x64xf32, #tpu.memory_space<hbm>> -> memref<1x1x64xf32, #tpu.memory_space<hbm>>
        %dma_start3A_3098 = tpu.memref_squeeze %dma_start3A_3097 : memref<1x1x64xf32, #tpu.memory_space<hbm>> -> memref<1x64xf32, #tpu.memory_space<hbm>>
        tpu.enqueue_dma source(%dma_start3A_3098 : memref<1x64xf32, #tpu.memory_space<hbm>>) target(%dma_start3A_3095 : memref<1x64xf32, #tpu.memory_space<vmem>>) target_semaphore(%arg20 : memref<!tpu.dma_semaphore, #tpu.memory_space<semaphore_mem>>)
      } else {
      }
      %dma_wait3A_2132 = arith.constant 0 : i32
      %dma_wait3A_2133 = arith.constant 1 : i32
      %dma_wait3A_2134 = arith.constant 0 : i32
      %dma_wait3A_2135 = arith.constant 0 : i32
      %dma_wait3A_2136 = tpu.memref_slice %arg9[%dma_wait3A_2133, %dma_wait3A_2134, %dma_wait3A_2135] : memref<8x1x64xf32, #tpu.memory_space<vmem>> -> memref<1x1x64xf32, #tpu.memory_space<vmem>>
      %dma_wait3A_2137 = tpu.memref_squeeze %dma_wait3A_2136 : memref<1x1x64xf32, #tpu.memory_space<vmem>> -> memref<1x64xf32, #tpu.memory_space<vmem>>
      %dma_wait3A_2138 = arith.constant 0 : i32
      %dma_wait3A_2139 = arith.constant 0 : i32
      %dma_wait3A_2140 = tpu.memref_slice %arg4[%dma_wait3A_2132, %dma_wait3A_2138, %dma_wait3A_2139] : memref<125000x8x64xf32, #tpu.memory_space<hbm>> -> memref<1x1x64xf32, #tpu.memory_space<hbm>>
      %dma_wait3A_2141 = tpu.memref_squeeze %dma_wait3A_2140 : memref<1x1x64xf32, #tpu.memory_space<hbm>> -> memref<1x64xf32, #tpu.memory_space<hbm>>
      %dma_wait3A_2142 = arith.constant 0 : i32
      %dma_wait3A_2143 = arith.constant 0 : i32
      %dma_wait3A_2144 = tpu.memref_slice %arg9[%dma_wait3A_2133, %dma_wait3A_2142, %dma_wait3A_2143] : memref<8x1x64xf32, #tpu.memory_space<vmem>> -> memref<1x1x64xf32, #tpu.memory_space<vmem>>
      %dma_wait3A_2145 = tpu.memref_squeeze %dma_wait3A_2144 : memref<1x1x64xf32, #tpu.memory_space<vmem>> -> memref<1x64xf32, #tpu.memory_space<vmem>>
      %dma_wait3A_2146 = arith.constant 0 : i32
      %dma_wait3A_2147 = arith.constant 0 : i32
      %dma_wait3A_2148 = tpu.memref_slice %arg4[%dma_wait3A_2132, %dma_wait3A_2146, %dma_wait3A_2147] : memref<125000x8x64xf32, #tpu.memory_space<hbm>> -> memref<1x1x64xf32, #tpu.memory_space<hbm>>
      %dma_wait3A_2149 = tpu.memref_squeeze %dma_wait3A_2148 : memref<1x1x64xf32, #tpu.memory_space<hbm>> -> memref<1x64xf32, #tpu.memory_space<hbm>>
      tpu.wait_dma2 semaphore(%arg13 : memref<!tpu.dma_semaphore, #tpu.memory_space<semaphore_mem>>) src(%dma_wait3A_2149 : memref<1x64xf32, #tpu.memory_space<hbm>>) dst(%dma_wait3A_2145 : memref<1x64xf32, #tpu.memory_space<vmem>>)
      %dma_wait3A_2150 = arith.constant 0 : i32
      %dma_wait3A_2151 = arith.constant 1 : i32
      %dma_wait3A_2152 = arith.constant 0 : i32
      %dma_wait3A_2153 = arith.constant 0 : i32
      %dma_wait3A_2154 = tpu.memref_slice %arg10[%dma_wait3A_2151, %dma_wait3A_2152, %dma_wait3A_2153] : memref<8x1x64xf32, #tpu.memory_space<vmem>> -> memref<1x1x64xf32, #tpu.memory_space<vmem>>
      %dma_wait3A_2155 = tpu.memref_squeeze %dma_wait3A_2154 : memref<1x1x64xf32, #tpu.memory_space<vmem>> -> memref<1x64xf32, #tpu.memory_space<vmem>>
      %dma_wait3A_2156 = arith.constant 0 : i32
      %dma_wait3A_2157 = arith.constant 0 : i32
      %dma_wait3A_2158 = tpu.memref_slice %arg5[%dma_wait3A_2150, %dma_wait3A_2156, %dma_wait3A_2157] : memref<125000x8x64xf32, #tpu.memory_space<hbm>> -> memref<1x1x64xf32, #tpu.memory_space<hbm>>
      %dma_wait3A_2159 = tpu.memref_squeeze %dma_wait3A_2158 : memref<1x1x64xf32, #tpu.memory_space<hbm>> -> memref<1x64xf32, #tpu.memory_space<hbm>>
      %dma_wait3A_2160 = arith.constant 0 : i32
      %dma_wait3A_2161 = arith.constant 0 : i32
      %dma_wait3A_2162 = tpu.memref_slice %arg10[%dma_wait3A_2151, %dma_wait3A_2160, %dma_wait3A_2161] : memref<8x1x64xf32, #tpu.memory_space<vmem>> -> memref<1x1x64xf32, #tpu.memory_space<vmem>>
      %dma_wait3A_2163 = tpu.memref_squeeze %dma_wait3A_2162 : memref<1x1x64xf32, #tpu.memory_space<vmem>> -> memref<1x64xf32, #tpu.memory_space<vmem>>
      %dma_wait3A_2164 = arith.constant 0 : i32
      %dma_wait3A_2165 = arith.constant 0 : i32
      %dma_wait3A_2166 = tpu.memref_slice %arg5[%dma_wait3A_2150, %dma_wait3A_2164, %dma_wait3A_2165] : memref<125000x8x64xf32, #tpu.memory_space<hbm>> -> memref<1x1x64xf32, #tpu.memory_space<hbm>>
      %dma_wait3A_2167 = tpu.memref_squeeze %dma_wait3A_2166 : memref<1x1x64xf32, #tpu.memory_space<hbm>> -> memref<1x64xf32, #tpu.memory_space<hbm>>
      tpu.wait_dma2 semaphore(%arg21 : memref<!tpu.dma_semaphore, #tpu.memory_space<semaphore_mem>>) src(%dma_wait3A_2167 : memref<1x64xf32, #tpu.memory_space<hbm>>) dst(%dma_wait3A_2163 : memref<1x64xf32, #tpu.memory_space<vmem>>)
      %get3A_2168 = arith.constant 1 : i32
      %get3A_2169 = arith.constant 0 : i32
      %get3A_2170 = arith.index_cast %get3A_2168 : i32 to index
      %get3A_2171 = arith.index_cast %get3A_2169 : i32 to index
      %get3A_2172 = arith.constant 0 : index
      %get3A_2173 = tpu.vector_load %arg9[%get3A_2170, %get3A_2171, %get3A_2172] {strides = array<i32>} : memref<8x1x64xf32, #tpu.memory_space<vmem>>, vector<16xf32>,
      %get3A_2174 = arith.constant 1 : i32
      %get3A_2175 = arith.constant 0 : i32
      %get3A_2176 = arith.index_cast %get3A_2174 : i32 to index
      %get3A_2177 = arith.index_cast %get3A_2175 : i32 to index
      %get3A_2178 = arith.constant 0 : index
      %get3A_2179 = tpu.vector_load %arg10[%get3A_2176, %get3A_2177, %get3A_2178] {strides = array<i32>} : memref<8x1x64xf32, #tpu.memory_space<vmem>>, vector<16xf32>,
      %mul3A_2180 = arith.mulf %get3A_2173, %get3A_2179 : vector<16xf32>
      %get3A_2181 = arith.constant 1 : i32
      %get3A_2182 = arith.constant 0 : i32
      %get3A_2183 = arith.index_cast %get3A_2181 : i32 to index
      %get3A_2184 = arith.index_cast %get3A_2182 : i32 to index
      %get3A_2185 = arith.constant 16 : index
      %get3A_2186 = tpu.vector_load %arg9[%get3A_2183, %get3A_2184, %get3A_2185] {strides = array<i32>} : memref<8x1x64xf32, #tpu.memory_space<vmem>>, vector<16xf32>,
      %get3A_2187 = arith.constant 1 : i32
      %get3A_2188 = arith.constant 0 : i32
      %get3A_2189 = arith.index_cast %get3A_2187 : i32 to index
      %get3A_2190 = arith.index_cast %get3A_2188 : i32 to index
      %get3A_2191 = arith.constant 16 : index
      %get3A_2192 = tpu.vector_load %arg10[%get3A_2189, %get3A_2190, %get3A_2191] {strides = array<i32>} : memref<8x1x64xf32, #tpu.memory_space<vmem>>, vector<16xf32>,
      %mul3A_2193 = arith.mulf %get3A_2186, %get3A_2192 : vector<16xf32>
      %add3A_2194 = arith.addf %mul3A_2180, %mul3A_2193 : vector<16xf32>
      %get3A_2195 = arith.constant 1 : i32
      %get3A_2196 = arith.constant 0 : i32
      %get3A_2197 = arith.index_cast %get3A_2195 : i32 to index
      %get3A_2198 = arith.index_cast %get3A_2196 : i32 to index
      %get3A_2199 = arith.constant 32 : index
      %get3A_2200 = tpu.vector_load %arg9[%get3A_2197, %get3A_2198, %get3A_2199] {strides = array<i32>} : memref<8x1x64xf32, #tpu.memory_space<vmem>>, vector<16xf32>,
      %get3A_2201 = arith.constant 1 : i32
      %get3A_2202 = arith.constant 0 : i32
      %get3A_2203 = arith.index_cast %get3A_2201 : i32 to index
      %get3A_2204 = arith.index_cast %get3A_2202 : i32 to index
      %get3A_2205 = arith.constant 32 : index
      %get3A_2206 = tpu.vector_load %arg10[%get3A_2203, %get3A_2204, %get3A_2205] {strides = array<i32>} : memref<8x1x64xf32, #tpu.memory_space<vmem>>, vector<16xf32>,
      %mul3A_2207 = arith.mulf %get3A_2200, %get3A_2206 : vector<16xf32>
      %add3A_2208 = arith.addf %add3A_2194, %mul3A_2207 : vector<16xf32>
      %get3A_2209 = arith.constant 1 : i32
      %get3A_2210 = arith.constant 0 : i32
      %get3A_2211 = arith.index_cast %get3A_2209 : i32 to index
      %get3A_2212 = arith.index_cast %get3A_2210 : i32 to index
      %get3A_2213 = arith.constant 48 : index
      %get3A_2214 = tpu.vector_load %arg9[%get3A_2211, %get3A_2212, %get3A_2213] {strides = array<i32>} : memref<8x1x64xf32, #tpu.memory_space<vmem>>, vector<16xf32>,
      %get3A_2215 = arith.constant 1 : i32
      %get3A_2216 = arith.constant 0 : i32
      %get3A_2217 = arith.index_cast %get3A_2215 : i32 to index
      %get3A_2218 = arith.index_cast %get3A_2216 : i32 to index
      %get3A_2219 = arith.constant 48 : index
      %get3A_2220 = tpu.vector_load %arg10[%get3A_2217, %get3A_2218, %get3A_2219] {strides = array<i32>} : memref<8x1x64xf32, #tpu.memory_space<vmem>>, vector<16xf32>,
      %mul3A_2221 = arith.mulf %get3A_2214, %get3A_2220 : vector<16xf32>
      %add3A_2222 = arith.addf %add3A_2208, %mul3A_2221 : vector<16xf32>
      %xor3A_2223 = arith.constant 8 : i32
      %xor3A_2224 = vector.broadcast %xor3A_2223 : i32 to vector<16xi32>
      %xor3A_2225 = arith.xori %iota3A, %xor3A_2224 : vector<16xi32>
      %broadcast_in_dim3A_2226 = vector.shape_cast %xor3A_2225 : vector<16xi32> to vector<16x1xi32>
      %gather3A_2227 = vector.shape_cast %broadcast_in_dim3A_2226 : vector<16x1xi32> to vector<16xi32>
      %gather3A_2228 = tpu.dynamic_gather %add3A_2222[%gather3A_2227] in [0] : vector<16xf32>, vector<16xi32> -> vector<16xf32>
      %add3A_2229 = arith.addf %add3A_2222, %gather3A_2228 : vector<16xf32>
      %xor3A_2230 = arith.constant 4 : i32
      %xor3A_2231 = vector.broadcast %xor3A_2230 : i32 to vector<16xi32>
      %xor3A_2232 = arith.xori %iota3A, %xor3A_2231 : vector<16xi32>
      %broadcast_in_dim3A_2233 = vector.shape_cast %xor3A_2232 : vector<16xi32> to vector<16x1xi32>
      %gather3A_2234 = vector.shape_cast %broadcast_in_dim3A_2233 : vector<16x1xi32> to vector<16xi32>
      %gather3A_2235 = tpu.dynamic_gather %add3A_2229[%gather3A_2234] in [0] : vector<16xf32>, vector<16xi32> -> vector<16xf32>
      %add3A_2236 = arith.addf %add3A_2229, %gather3A_2235 : vector<16xf32>
      %xor3A_2237 = arith.constant 2 : i32
      %xor3A_2238 = vector.broadcast %xor3A_2237 : i32 to vector<16xi32>
      %xor3A_2239 = arith.xori %iota3A, %xor3A_2238 : vector<16xi32>
      %broadcast_in_dim3A_2240 = vector.shape_cast %xor3A_2239 : vector<16xi32> to vector<16x1xi32>
      %gather3A_2241 = vector.shape_cast %broadcast_in_dim3A_2240 : vector<16x1xi32> to vector<16xi32>
      %gather3A_2242 = tpu.dynamic_gather %add3A_2236[%gather3A_2241] in [0] : vector<16xf32>, vector<16xi32> -> vector<16xf32>
      %add3A_2243 = arith.addf %add3A_2236, %gather3A_2242 : vector<16xf32>
      %xor3A_2244 = arith.constant 1 : i32
      %xor3A_2245 = vector.broadcast %xor3A_2244 : i32 to vector<16xi32>
      %xor3A_2246 = arith.xori %iota3A, %xor3A_2245 : vector<16xi32>
      %broadcast_in_dim3A_2247 = vector.shape_cast %xor3A_2246 : vector<16xi32> to vector<16x1xi32>
      %gather3A_2248 = vector.shape_cast %broadcast_in_dim3A_2247 : vector<16x1xi32> to vector<16xi32>
      %gather3A_2249 = tpu.dynamic_gather %add3A_2243[%gather3A_2248] in [0] : vector<16xf32>, vector<16xi32> -> vector<16xf32>
      %add3A_2250 = arith.addf %add3A_2243, %gather3A_2249 : vector<16xf32>
      %eq3A_2251 = arith.constant 9 : i32
      %eq3A_2252 = vector.broadcast %eq3A_2251 : i32 to vector<16xi32>
      %eq3A_2253 = arith.cmpi eq, %iota3A, %eq3A_2252 : vector<16xi32>
      %select_n3A_2254 = arith.select %eq3A_2253, %add3A_2250, %select_n3A_2129 : vector<16xi1>, vector<16xf32>
      %lt3A_2255 = arith.constant 31 : i32
      %lt3A_2256 = arith.cmpi slt, %scan3A_495, %lt3A_2255 : i32
      %convert_element_type3A_2257 = arith.extui %lt3A_2256 : i1 to i32
      %cond3A_2258 = arith.constant 0 : i32
      %cond3A_2259 = arith.cmpi ne, %convert_element_type3A_2257, %cond3A_2258 : i32
      scf.if %cond3A_2259 {
        %add3A_3031 = arith.constant 1 : i32
        %add3A_3032 = arith.addi %scan3A_495, %add3A_3031 : i32
        %mul3A_3033 = arith.constant 16 : i32
        %mul3A_3034 = arith.muli %add3A_3032, %mul3A_3033 : i32
        %get3A_3035 = arith.index_cast %mul3A_3034 : i32 to index
        %get3A_3036 = tpu.vector_load %arg7[%get3A_3035] {strides = array<i32>} : memref<512xi32, #tpu.memory_space<vmem>>, vector<16xi32>,
        %eq3A_3037 = arith.constant 1 : i32
        %eq3A_3038 = vector.broadcast %eq3A_3037 : i32 to vector<16xi32>
        %eq3A_3039 = arith.cmpi eq, %iota3A, %eq3A_3038 : vector<16xi32>
        %jit3A_3040 = arith.constant 0 : i32
        %broadcast_in_dim3A_3041 = vector.broadcast %jit3A_3040 : i32 to vector<16xi32>
        %select_n3A_3042 = arith.select %eq3A_3039, %get3A_3036, %broadcast_in_dim3A_3041 : vector<16xi1>, vector<16xi32>
        %reduce_sum3A_3043 = arith.constant true
        %reduce_sum3A_3044 = vector.broadcast %reduce_sum3A_3043 : i1 to vector<16xi1>
        %reduce_sum3A_3045 = tpu.scan <sum>, %select_n3A_3042 masked %reduce_sum3A_3044 : vector<16xi32>, vector<16xi1> -> vector<16xi32>
        %reduce_sum3A_3046 = vector.extract %reduce_sum3A_3045[15] : i32 from vector<16xi32>
        %mul3A_3047 = arith.constant 16 : i32
        %mul3A_3048 = arith.muli %add3A_3032, %mul3A_3047 : i32
        %get3A_3049 = arith.index_cast %mul3A_3048 : i32 to index
        %get3A_3050 = tpu.vector_load %arg8[%get3A_3049] {strides = array<i32>} : memref<512xi32, #tpu.memory_space<vmem>>, vector<16xi32>,
        %eq3A_3051 = arith.constant 1 : i32
        %eq3A_3052 = vector.broadcast %eq3A_3051 : i32 to vector<16xi32>
        %eq3A_3053 = arith.cmpi eq, %iota3A, %eq3A_3052 : vector<16xi32>
        %jit3A_3054 = arith.constant 0 : i32
        %broadcast_in_dim3A_3055 = vector.broadcast %jit3A_3054 : i32 to vector<16xi32>
        %select_n3A_3056 = arith.select %eq3A_3053, %get3A_3050, %broadcast_in_dim3A_3055 : vector<16xi1>, vector<16xi32>
        %reduce_sum3A_3057 = arith.constant true
        %reduce_sum3A_3058 = vector.broadcast %reduce_sum3A_3057 : i1 to vector<16xi1>
        %reduce_sum3A_3059 = tpu.scan <sum>, %select_n3A_3056 masked %reduce_sum3A_3058 : vector<16xi32>, vector<16xi1> -> vector<16xi32>
        %reduce_sum3A_3060 = vector.extract %reduce_sum3A_3059[15] : i32 from vector<16xi32>
        %shift_right_arithmetic3A_3061 = arith.constant 3 : i32
        %shift_right_arithmetic3A_3062 = arith.shrsi %reduce_sum3A_3046, %shift_right_arithmetic3A_3061 : i32
        %and3A_3063 = arith.constant 7 : i32
        %and3A_3064 = arith.andi %reduce_sum3A_3046, %and3A_3063 : i32
        %dma_start3A_3065 = arith.constant 1 : i32
        %dma_start3A_3066 = arith.constant 0 : i32
        %dma_start3A_3067 = arith.constant 0 : i32
        %dma_start3A_3068 = tpu.memref_slice %arg9[%dma_start3A_3065, %dma_start3A_3066, %dma_start3A_3067] : memref<8x1x64xf32, #tpu.memory_space<vmem>> -> memref<1x1x64xf32, #tpu.memory_space<vmem>>
        %dma_start3A_3069 = tpu.memref_squeeze %dma_start3A_3068 : memref<1x1x64xf32, #tpu.memory_space<vmem>> -> memref<1x64xf32, #tpu.memory_space<vmem>>
        %dma_start3A_3070 = arith.constant 0 : i32
        %dma_start3A_3071 = tpu.memref_slice %arg4[%shift_right_arithmetic3A_3062, %and3A_3064, %dma_start3A_3070] : memref<125000x8x64xf32, #tpu.memory_space<hbm>> -> memref<1x1x64xf32, #tpu.memory_space<hbm>>
        %dma_start3A_3072 = tpu.memref_squeeze %dma_start3A_3071 : memref<1x1x64xf32, #tpu.memory_space<hbm>> -> memref<1x64xf32, #tpu.memory_space<hbm>>
        %dma_start3A_3073 = arith.constant 0 : i32
        %dma_start3A_3074 = arith.constant 0 : i32
        %dma_start3A_3075 = tpu.memref_slice %arg9[%dma_start3A_3065, %dma_start3A_3073, %dma_start3A_3074] : memref<8x1x64xf32, #tpu.memory_space<vmem>> -> memref<1x1x64xf32, #tpu.memory_space<vmem>>
        %dma_start3A_3076 = tpu.memref_squeeze %dma_start3A_3075 : memref<1x1x64xf32, #tpu.memory_space<vmem>> -> memref<1x64xf32, #tpu.memory_space<vmem>>
        %dma_start3A_3077 = arith.constant 0 : i32
        %dma_start3A_3078 = tpu.memref_slice %arg4[%shift_right_arithmetic3A_3062, %and3A_3064, %dma_start3A_3077] : memref<125000x8x64xf32, #tpu.memory_space<hbm>> -> memref<1x1x64xf32, #tpu.memory_space<hbm>>
        %dma_start3A_3079 = tpu.memref_squeeze %dma_start3A_3078 : memref<1x1x64xf32, #tpu.memory_space<hbm>> -> memref<1x64xf32, #tpu.memory_space<hbm>>
        tpu.enqueue_dma source(%dma_start3A_3079 : memref<1x64xf32, #tpu.memory_space<hbm>>) target(%dma_start3A_3076 : memref<1x64xf32, #tpu.memory_space<vmem>>) target_semaphore(%arg13 : memref<!tpu.dma_semaphore, #tpu.memory_space<semaphore_mem>>)
        %shift_right_arithmetic3A_3080 = arith.constant 3 : i32
        %shift_right_arithmetic3A_3081 = arith.shrsi %reduce_sum3A_3060, %shift_right_arithmetic3A_3080 : i32
        %and3A_3082 = arith.constant 7 : i32
        %and3A_3083 = arith.andi %reduce_sum3A_3060, %and3A_3082 : i32
        %dma_start3A_3084 = arith.constant 1 : i32
        %dma_start3A_3085 = arith.constant 0 : i32
        %dma_start3A_3086 = arith.constant 0 : i32
        %dma_start3A_3087 = tpu.memref_slice %arg10[%dma_start3A_3084, %dma_start3A_3085, %dma_start3A_3086] : memref<8x1x64xf32, #tpu.memory_space<vmem>> -> memref<1x1x64xf32, #tpu.memory_space<vmem>>
        %dma_start3A_3088 = tpu.memref_squeeze %dma_start3A_3087 : memref<1x1x64xf32, #tpu.memory_space<vmem>> -> memref<1x64xf32, #tpu.memory_space<vmem>>
        %dma_start3A_3089 = arith.constant 0 : i32
        %dma_start3A_3090 = tpu.memref_slice %arg5[%shift_right_arithmetic3A_3081, %and3A_3083, %dma_start3A_3089] : memref<125000x8x64xf32, #tpu.memory_space<hbm>> -> memref<1x1x64xf32, #tpu.memory_space<hbm>>
        %dma_start3A_3091 = tpu.memref_squeeze %dma_start3A_3090 : memref<1x1x64xf32, #tpu.memory_space<hbm>> -> memref<1x64xf32, #tpu.memory_space<hbm>>
        %dma_start3A_3092 = arith.constant 0 : i32
        %dma_start3A_3093 = arith.constant 0 : i32
        %dma_start3A_3094 = tpu.memref_slice %arg10[%dma_start3A_3084, %dma_start3A_3092, %dma_start3A_3093] : memref<8x1x64xf32, #tpu.memory_space<vmem>> -> memref<1x1x64xf32, #tpu.memory_space<vmem>>
        %dma_start3A_3095 = tpu.memref_squeeze %dma_start3A_3094 : memref<1x1x64xf32, #tpu.memory_space<vmem>> -> memref<1x64xf32, #tpu.memory_space<vmem>>
        %dma_start3A_3096 = arith.constant 0 : i32
        %dma_start3A_3097 = tpu.memref_slice %arg5[%shift_right_arithmetic3A_3081, %and3A_3083, %dma_start3A_3096] : memref<125000x8x64xf32, #tpu.memory_space<hbm>> -> memref<1x1x64xf32, #tpu.memory_space<hbm>>
        %dma_start3A_3098 = tpu.memref_squeeze %dma_start3A_3097 : memref<1x1x64xf32, #tpu.memory_space<hbm>> -> memref<1x64xf32, #tpu.memory_space<hbm>>
        tpu.enqueue_dma source(%dma_start3A_3098 : memref<1x64xf32, #tpu.memory_space<hbm>>) target(%dma_start3A_3095 : memref<1x64xf32, #tpu.memory_space<vmem>>) target_semaphore(%arg21 : memref<!tpu.dma_semaphore, #tpu.memory_space<semaphore_mem>>)
      } else {
      }
      %dma_wait3A_2260 = arith.constant 0 : i32
      %dma_wait3A_2261 = arith.constant 2 : i32
      %dma_wait3A_2262 = arith.constant 0 : i32
      %dma_wait3A_2263 = arith.constant 0 : i32
      %dma_wait3A_2264 = tpu.memref_slice %arg9[%dma_wait3A_2261, %dma_wait3A_2262, %dma_wait3A_2263] : memref<8x1x64xf32, #tpu.memory_space<vmem>> -> memref<1x1x64xf32, #tpu.memory_space<vmem>>
      %dma_wait3A_2265 = tpu.memref_squeeze %dma_wait3A_2264 : memref<1x1x64xf32, #tpu.memory_space<vmem>> -> memref<1x64xf32, #tpu.memory_space<vmem>>
      %dma_wait3A_2266 = arith.constant 0 : i32
      %dma_wait3A_2267 = arith.constant 0 : i32
      %dma_wait3A_2268 = tpu.memref_slice %arg4[%dma_wait3A_2260, %dma_wait3A_2266, %dma_wait3A_2267] : memref<125000x8x64xf32, #tpu.memory_space<hbm>> -> memref<1x1x64xf32, #tpu.memory_space<hbm>>
      %dma_wait3A_2269 = tpu.memref_squeeze %dma_wait3A_2268 : memref<1x1x64xf32, #tpu.memory_space<hbm>> -> memref<1x64xf32, #tpu.memory_space<hbm>>
      %dma_wait3A_2270 = arith.constant 0 : i32
      %dma_wait3A_2271 = arith.constant 0 : i32
      %dma_wait3A_2272 = tpu.memref_slice %arg9[%dma_wait3A_2261, %dma_wait3A_2270, %dma_wait3A_2271] : memref<8x1x64xf32, #tpu.memory_space<vmem>> -> memref<1x1x64xf32, #tpu.memory_space<vmem>>
      %dma_wait3A_2273 = tpu.memref_squeeze %dma_wait3A_2272 : memref<1x1x64xf32, #tpu.memory_space<vmem>> -> memref<1x64xf32, #tpu.memory_space<vmem>>
      %dma_wait3A_2274 = arith.constant 0 : i32
      %dma_wait3A_2275 = arith.constant 0 : i32
      %dma_wait3A_2276 = tpu.memref_slice %arg4[%dma_wait3A_2260, %dma_wait3A_2274, %dma_wait3A_2275] : memref<125000x8x64xf32, #tpu.memory_space<hbm>> -> memref<1x1x64xf32, #tpu.memory_space<hbm>>
      %dma_wait3A_2277 = tpu.memref_squeeze %dma_wait3A_2276 : memref<1x1x64xf32, #tpu.memory_space<hbm>> -> memref<1x64xf32, #tpu.memory_space<hbm>>
      tpu.wait_dma2 semaphore(%arg14 : memref<!tpu.dma_semaphore, #tpu.memory_space<semaphore_mem>>) src(%dma_wait3A_2277 : memref<1x64xf32, #tpu.memory_space<hbm>>) dst(%dma_wait3A_2273 : memref<1x64xf32, #tpu.memory_space<vmem>>)
      %dma_wait3A_2278 = arith.constant 0 : i32
      %dma_wait3A_2279 = arith.constant 2 : i32
      %dma_wait3A_2280 = arith.constant 0 : i32
      %dma_wait3A_2281 = arith.constant 0 : i32
      %dma_wait3A_2282 = tpu.memref_slice %arg10[%dma_wait3A_2279, %dma_wait3A_2280, %dma_wait3A_2281] : memref<8x1x64xf32, #tpu.memory_space<vmem>> -> memref<1x1x64xf32, #tpu.memory_space<vmem>>
      %dma_wait3A_2283 = tpu.memref_squeeze %dma_wait3A_2282 : memref<1x1x64xf32, #tpu.memory_space<vmem>> -> memref<1x64xf32, #tpu.memory_space<vmem>>
      %dma_wait3A_2284 = arith.constant 0 : i32
      %dma_wait3A_2285 = arith.constant 0 : i32
      %dma_wait3A_2286 = tpu.memref_slice %arg5[%dma_wait3A_2278, %dma_wait3A_2284, %dma_wait3A_2285] : memref<125000x8x64xf32, #tpu.memory_space<hbm>> -> memref<1x1x64xf32, #tpu.memory_space<hbm>>
      %dma_wait3A_2287 = tpu.memref_squeeze %dma_wait3A_2286 : memref<1x1x64xf32, #tpu.memory_space<hbm>> -> memref<1x64xf32, #tpu.memory_space<hbm>>
      %dma_wait3A_2288 = arith.constant 0 : i32
      %dma_wait3A_2289 = arith.constant 0 : i32
      %dma_wait3A_2290 = tpu.memref_slice %arg10[%dma_wait3A_2279, %dma_wait3A_2288, %dma_wait3A_2289] : memref<8x1x64xf32, #tpu.memory_space<vmem>> -> memref<1x1x64xf32, #tpu.memory_space<vmem>>
      %dma_wait3A_2291 = tpu.memref_squeeze %dma_wait3A_2290 : memref<1x1x64xf32, #tpu.memory_space<vmem>> -> memref<1x64xf32, #tpu.memory_space<vmem>>
      %dma_wait3A_2292 = arith.constant 0 : i32
      %dma_wait3A_2293 = arith.constant 0 : i32
      %dma_wait3A_2294 = tpu.memref_slice %arg5[%dma_wait3A_2278, %dma_wait3A_2292, %dma_wait3A_2293] : memref<125000x8x64xf32, #tpu.memory_space<hbm>> -> memref<1x1x64xf32, #tpu.memory_space<hbm>>
      %dma_wait3A_2295 = tpu.memref_squeeze %dma_wait3A_2294 : memref<1x1x64xf32, #tpu.memory_space<hbm>> -> memref<1x64xf32, #tpu.memory_space<hbm>>
      tpu.wait_dma2 semaphore(%arg22 : memref<!tpu.dma_semaphore, #tpu.memory_space<semaphore_mem>>) src(%dma_wait3A_2295 : memref<1x64xf32, #tpu.memory_space<hbm>>) dst(%dma_wait3A_2291 : memref<1x64xf32, #tpu.memory_space<vmem>>)
      %get3A_2296 = arith.constant 2 : i32
      %get3A_2297 = arith.constant 0 : i32
      %get3A_2298 = arith.index_cast %get3A_2296 : i32 to index
      %get3A_2299 = arith.index_cast %get3A_2297 : i32 to index
      %get3A_2300 = arith.constant 0 : index
      %get3A_2301 = tpu.vector_load %arg9[%get3A_2298, %get3A_2299, %get3A_2300] {strides = array<i32>} : memref<8x1x64xf32, #tpu.memory_space<vmem>>, vector<16xf32>,
      %get3A_2302 = arith.constant 2 : i32
      %get3A_2303 = arith.constant 0 : i32
      %get3A_2304 = arith.index_cast %get3A_2302 : i32 to index
      %get3A_2305 = arith.index_cast %get3A_2303 : i32 to index
      %get3A_2306 = arith.constant 0 : index
      %get3A_2307 = tpu.vector_load %arg10[%get3A_2304, %get3A_2305, %get3A_2306] {strides = array<i32>} : memref<8x1x64xf32, #tpu.memory_space<vmem>>, vector<16xf32>,
      %mul3A_2308 = arith.mulf %get3A_2301, %get3A_2307 : vector<16xf32>
      %get3A_2309 = arith.constant 2 : i32
      %get3A_2310 = arith.constant 0 : i32
      %get3A_2311 = arith.index_cast %get3A_2309 : i32 to index
      %get3A_2312 = arith.index_cast %get3A_2310 : i32 to index
      %get3A_2313 = arith.constant 16 : index
      %get3A_2314 = tpu.vector_load %arg9[%get3A_2311, %get3A_2312, %get3A_2313] {strides = array<i32>} : memref<8x1x64xf32, #tpu.memory_space<vmem>>, vector<16xf32>,
      %get3A_2315 = arith.constant 2 : i32
      %get3A_2316 = arith.constant 0 : i32
      %get3A_2317 = arith.index_cast %get3A_2315 : i32 to index
      %get3A_2318 = arith.index_cast %get3A_2316 : i32 to index
      %get3A_2319 = arith.constant 16 : index
      %get3A_2320 = tpu.vector_load %arg10[%get3A_2317, %get3A_2318, %get3A_2319] {strides = array<i32>} : memref<8x1x64xf32, #tpu.memory_space<vmem>>, vector<16xf32>,
      %mul3A_2321 = arith.mulf %get3A_2314, %get3A_2320 : vector<16xf32>
      %add3A_2322 = arith.addf %mul3A_2308, %mul3A_2321 : vector<16xf32>
      %get3A_2323 = arith.constant 2 : i32
      %get3A_2324 = arith.constant 0 : i32
      %get3A_2325 = arith.index_cast %get3A_2323 : i32 to index
      %get3A_2326 = arith.index_cast %get3A_2324 : i32 to index
      %get3A_2327 = arith.constant 32 : index
      %get3A_2328 = tpu.vector_load %arg9[%get3A_2325, %get3A_2326, %get3A_2327] {strides = array<i32>} : memref<8x1x64xf32, #tpu.memory_space<vmem>>, vector<16xf32>,
      %get3A_2329 = arith.constant 2 : i32
      %get3A_2330 = arith.constant 0 : i32
      %get3A_2331 = arith.index_cast %get3A_2329 : i32 to index
      %get3A_2332 = arith.index_cast %get3A_2330 : i32 to index
      %get3A_2333 = arith.constant 32 : index
      %get3A_2334 = tpu.vector_load %arg10[%get3A_2331, %get3A_2332, %get3A_2333] {strides = array<i32>} : memref<8x1x64xf32, #tpu.memory_space<vmem>>, vector<16xf32>,
      %mul3A_2335 = arith.mulf %get3A_2328, %get3A_2334 : vector<16xf32>
      %add3A_2336 = arith.addf %add3A_2322, %mul3A_2335 : vector<16xf32>
      %get3A_2337 = arith.constant 2 : i32
      %get3A_2338 = arith.constant 0 : i32
      %get3A_2339 = arith.index_cast %get3A_2337 : i32 to index
      %get3A_2340 = arith.index_cast %get3A_2338 : i32 to index
      %get3A_2341 = arith.constant 48 : index
      %get3A_2342 = tpu.vector_load %arg9[%get3A_2339, %get3A_2340, %get3A_2341] {strides = array<i32>} : memref<8x1x64xf32, #tpu.memory_space<vmem>>, vector<16xf32>,
      %get3A_2343 = arith.constant 2 : i32
      %get3A_2344 = arith.constant 0 : i32
      %get3A_2345 = arith.index_cast %get3A_2343 : i32 to index
      %get3A_2346 = arith.index_cast %get3A_2344 : i32 to index
      %get3A_2347 = arith.constant 48 : index
      %get3A_2348 = tpu.vector_load %arg10[%get3A_2345, %get3A_2346, %get3A_2347] {strides = array<i32>} : memref<8x1x64xf32, #tpu.memory_space<vmem>>, vector<16xf32>,
      %mul3A_2349 = arith.mulf %get3A_2342, %get3A_2348 : vector<16xf32>
      %add3A_2350 = arith.addf %add3A_2336, %mul3A_2349 : vector<16xf32>
      %xor3A_2351 = arith.constant 8 : i32
      %xor3A_2352 = vector.broadcast %xor3A_2351 : i32 to vector<16xi32>
      %xor3A_2353 = arith.xori %iota3A, %xor3A_2352 : vector<16xi32>
      %broadcast_in_dim3A_2354 = vector.shape_cast %xor3A_2353 : vector<16xi32> to vector<16x1xi32>
      %gather3A_2355 = vector.shape_cast %broadcast_in_dim3A_2354 : vector<16x1xi32> to vector<16xi32>
      %gather3A_2356 = tpu.dynamic_gather %add3A_2350[%gather3A_2355] in [0] : vector<16xf32>, vector<16xi32> -> vector<16xf32>
      %add3A_2357 = arith.addf %add3A_2350, %gather3A_2356 : vector<16xf32>
      %xor3A_2358 = arith.constant 4 : i32
      %xor3A_2359 = vector.broadcast %xor3A_2358 : i32 to vector<16xi32>
      %xor3A_2360 = arith.xori %iota3A, %xor3A_2359 : vector<16xi32>
      %broadcast_in_dim3A_2361 = vector.shape_cast %xor3A_2360 : vector<16xi32> to vector<16x1xi32>
      %gather3A_2362 = vector.shape_cast %broadcast_in_dim3A_2361 : vector<16x1xi32> to vector<16xi32>
      %gather3A_2363 = tpu.dynamic_gather %add3A_2357[%gather3A_2362] in [0] : vector<16xf32>, vector<16xi32> -> vector<16xf32>
      %add3A_2364 = arith.addf %add3A_2357, %gather3A_2363 : vector<16xf32>
      %xor3A_2365 = arith.constant 2 : i32
      %xor3A_2366 = vector.broadcast %xor3A_2365 : i32 to vector<16xi32>
      %xor3A_2367 = arith.xori %iota3A, %xor3A_2366 : vector<16xi32>
      %broadcast_in_dim3A_2368 = vector.shape_cast %xor3A_2367 : vector<16xi32> to vector<16x1xi32>
      %gather3A_2369 = vector.shape_cast %broadcast_in_dim3A_2368 : vector<16x1xi32> to vector<16xi32>
      %gather3A_2370 = tpu.dynamic_gather %add3A_2364[%gather3A_2369] in [0] : vector<16xf32>, vector<16xi32> -> vector<16xf32>
      %add3A_2371 = arith.addf %add3A_2364, %gather3A_2370 : vector<16xf32>
      %xor3A_2372 = arith.constant 1 : i32
      %xor3A_2373 = vector.broadcast %xor3A_2372 : i32 to vector<16xi32>
      %xor3A_2374 = arith.xori %iota3A, %xor3A_2373 : vector<16xi32>
      %broadcast_in_dim3A_2375 = vector.shape_cast %xor3A_2374 : vector<16xi32> to vector<16x1xi32>
      %gather3A_2376 = vector.shape_cast %broadcast_in_dim3A_2375 : vector<16x1xi32> to vector<16xi32>
      %gather3A_2377 = tpu.dynamic_gather %add3A_2371[%gather3A_2376] in [0] : vector<16xf32>, vector<16xi32> -> vector<16xf32>
      %add3A_2378 = arith.addf %add3A_2371, %gather3A_2377 : vector<16xf32>
      %eq3A_2379 = arith.constant 10 : i32
      %eq3A_2380 = vector.broadcast %eq3A_2379 : i32 to vector<16xi32>
      %eq3A_2381 = arith.cmpi eq, %iota3A, %eq3A_2380 : vector<16xi32>
      %select_n3A_2382 = arith.select %eq3A_2381, %add3A_2378, %select_n3A_2254 : vector<16xi1>, vector<16xf32>
      %lt3A_2383 = arith.constant 31 : i32
      %lt3A_2384 = arith.cmpi slt, %scan3A_495, %lt3A_2383 : i32
      %convert_element_type3A_2385 = arith.extui %lt3A_2384 : i1 to i32
      %cond3A_2386 = arith.constant 0 : i32
      %cond3A_2387 = arith.cmpi ne, %convert_element_type3A_2385, %cond3A_2386 : i32
      scf.if %cond3A_2387 {
        %add3A_3031 = arith.constant 1 : i32
        %add3A_3032 = arith.addi %scan3A_495, %add3A_3031 : i32
        %mul3A_3033 = arith.constant 16 : i32
        %mul3A_3034 = arith.muli %add3A_3032, %mul3A_3033 : i32
        %get3A_3035 = arith.index_cast %mul3A_3034 : i32 to index
        %get3A_3036 = tpu.vector_load %arg7[%get3A_3035] {strides = array<i32>} : memref<512xi32, #tpu.memory_space<vmem>>, vector<16xi32>,
        %eq3A_3037 = arith.constant 2 : i32
        %eq3A_3038 = vector.broadcast %eq3A_3037 : i32 to vector<16xi32>
        %eq3A_3039 = arith.cmpi eq, %iota3A, %eq3A_3038 : vector<16xi32>
        %jit3A_3040 = arith.constant 0 : i32
        %broadcast_in_dim3A_3041 = vector.broadcast %jit3A_3040 : i32 to vector<16xi32>
        %select_n3A_3042 = arith.select %eq3A_3039, %get3A_3036, %broadcast_in_dim3A_3041 : vector<16xi1>, vector<16xi32>
        %reduce_sum3A_3043 = arith.constant true
        %reduce_sum3A_3044 = vector.broadcast %reduce_sum3A_3043 : i1 to vector<16xi1>
        %reduce_sum3A_3045 = tpu.scan <sum>, %select_n3A_3042 masked %reduce_sum3A_3044 : vector<16xi32>, vector<16xi1> -> vector<16xi32>
        %reduce_sum3A_3046 = vector.extract %reduce_sum3A_3045[15] : i32 from vector<16xi32>
        %mul3A_3047 = arith.constant 16 : i32
        %mul3A_3048 = arith.muli %add3A_3032, %mul3A_3047 : i32
        %get3A_3049 = arith.index_cast %mul3A_3048 : i32 to index
        %get3A_3050 = tpu.vector_load %arg8[%get3A_3049] {strides = array<i32>} : memref<512xi32, #tpu.memory_space<vmem>>, vector<16xi32>,
        %eq3A_3051 = arith.constant 2 : i32
        %eq3A_3052 = vector.broadcast %eq3A_3051 : i32 to vector<16xi32>
        %eq3A_3053 = arith.cmpi eq, %iota3A, %eq3A_3052 : vector<16xi32>
        %jit3A_3054 = arith.constant 0 : i32
        %broadcast_in_dim3A_3055 = vector.broadcast %jit3A_3054 : i32 to vector<16xi32>
        %select_n3A_3056 = arith.select %eq3A_3053, %get3A_3050, %broadcast_in_dim3A_3055 : vector<16xi1>, vector<16xi32>
        %reduce_sum3A_3057 = arith.constant true
        %reduce_sum3A_3058 = vector.broadcast %reduce_sum3A_3057 : i1 to vector<16xi1>
        %reduce_sum3A_3059 = tpu.scan <sum>, %select_n3A_3056 masked %reduce_sum3A_3058 : vector<16xi32>, vector<16xi1> -> vector<16xi32>
        %reduce_sum3A_3060 = vector.extract %reduce_sum3A_3059[15] : i32 from vector<16xi32>
        %shift_right_arithmetic3A_3061 = arith.constant 3 : i32
        %shift_right_arithmetic3A_3062 = arith.shrsi %reduce_sum3A_3046, %shift_right_arithmetic3A_3061 : i32
        %and3A_3063 = arith.constant 7 : i32
        %and3A_3064 = arith.andi %reduce_sum3A_3046, %and3A_3063 : i32
        %dma_start3A_3065 = arith.constant 2 : i32
        %dma_start3A_3066 = arith.constant 0 : i32
        %dma_start3A_3067 = arith.constant 0 : i32
        %dma_start3A_3068 = tpu.memref_slice %arg9[%dma_start3A_3065, %dma_start3A_3066, %dma_start3A_3067] : memref<8x1x64xf32, #tpu.memory_space<vmem>> -> memref<1x1x64xf32, #tpu.memory_space<vmem>>
        %dma_start3A_3069 = tpu.memref_squeeze %dma_start3A_3068 : memref<1x1x64xf32, #tpu.memory_space<vmem>> -> memref<1x64xf32, #tpu.memory_space<vmem>>
        %dma_start3A_3070 = arith.constant 0 : i32
        %dma_start3A_3071 = tpu.memref_slice %arg4[%shift_right_arithmetic3A_3062, %and3A_3064, %dma_start3A_3070] : memref<125000x8x64xf32, #tpu.memory_space<hbm>> -> memref<1x1x64xf32, #tpu.memory_space<hbm>>
        %dma_start3A_3072 = tpu.memref_squeeze %dma_start3A_3071 : memref<1x1x64xf32, #tpu.memory_space<hbm>> -> memref<1x64xf32, #tpu.memory_space<hbm>>
        %dma_start3A_3073 = arith.constant 0 : i32
        %dma_start3A_3074 = arith.constant 0 : i32
        %dma_start3A_3075 = tpu.memref_slice %arg9[%dma_start3A_3065, %dma_start3A_3073, %dma_start3A_3074] : memref<8x1x64xf32, #tpu.memory_space<vmem>> -> memref<1x1x64xf32, #tpu.memory_space<vmem>>
        %dma_start3A_3076 = tpu.memref_squeeze %dma_start3A_3075 : memref<1x1x64xf32, #tpu.memory_space<vmem>> -> memref<1x64xf32, #tpu.memory_space<vmem>>
        %dma_start3A_3077 = arith.constant 0 : i32
        %dma_start3A_3078 = tpu.memref_slice %arg4[%shift_right_arithmetic3A_3062, %and3A_3064, %dma_start3A_3077] : memref<125000x8x64xf32, #tpu.memory_space<hbm>> -> memref<1x1x64xf32, #tpu.memory_space<hbm>>
        %dma_start3A_3079 = tpu.memref_squeeze %dma_start3A_3078 : memref<1x1x64xf32, #tpu.memory_space<hbm>> -> memref<1x64xf32, #tpu.memory_space<hbm>>
        tpu.enqueue_dma source(%dma_start3A_3079 : memref<1x64xf32, #tpu.memory_space<hbm>>) target(%dma_start3A_3076 : memref<1x64xf32, #tpu.memory_space<vmem>>) target_semaphore(%arg14 : memref<!tpu.dma_semaphore, #tpu.memory_space<semaphore_mem>>)
        %shift_right_arithmetic3A_3080 = arith.constant 3 : i32
        %shift_right_arithmetic3A_3081 = arith.shrsi %reduce_sum3A_3060, %shift_right_arithmetic3A_3080 : i32
        %and3A_3082 = arith.constant 7 : i32
        %and3A_3083 = arith.andi %reduce_sum3A_3060, %and3A_3082 : i32
        %dma_start3A_3084 = arith.constant 2 : i32
        %dma_start3A_3085 = arith.constant 0 : i32
        %dma_start3A_3086 = arith.constant 0 : i32
        %dma_start3A_3087 = tpu.memref_slice %arg10[%dma_start3A_3084, %dma_start3A_3085, %dma_start3A_3086] : memref<8x1x64xf32, #tpu.memory_space<vmem>> -> memref<1x1x64xf32, #tpu.memory_space<vmem>>
        %dma_start3A_3088 = tpu.memref_squeeze %dma_start3A_3087 : memref<1x1x64xf32, #tpu.memory_space<vmem>> -> memref<1x64xf32, #tpu.memory_space<vmem>>
        %dma_start3A_3089 = arith.constant 0 : i32
        %dma_start3A_3090 = tpu.memref_slice %arg5[%shift_right_arithmetic3A_3081, %and3A_3083, %dma_start3A_3089] : memref<125000x8x64xf32, #tpu.memory_space<hbm>> -> memref<1x1x64xf32, #tpu.memory_space<hbm>>
        %dma_start3A_3091 = tpu.memref_squeeze %dma_start3A_3090 : memref<1x1x64xf32, #tpu.memory_space<hbm>> -> memref<1x64xf32, #tpu.memory_space<hbm>>
        %dma_start3A_3092 = arith.constant 0 : i32
        %dma_start3A_3093 = arith.constant 0 : i32
        %dma_start3A_3094 = tpu.memref_slice %arg10[%dma_start3A_3084, %dma_start3A_3092, %dma_start3A_3093] : memref<8x1x64xf32, #tpu.memory_space<vmem>> -> memref<1x1x64xf32, #tpu.memory_space<vmem>>
        %dma_start3A_3095 = tpu.memref_squeeze %dma_start3A_3094 : memref<1x1x64xf32, #tpu.memory_space<vmem>> -> memref<1x64xf32, #tpu.memory_space<vmem>>
        %dma_start3A_3096 = arith.constant 0 : i32
        %dma_start3A_3097 = tpu.memref_slice %arg5[%shift_right_arithmetic3A_3081, %and3A_3083, %dma_start3A_3096] : memref<125000x8x64xf32, #tpu.memory_space<hbm>> -> memref<1x1x64xf32, #tpu.memory_space<hbm>>
        %dma_start3A_3098 = tpu.memref_squeeze %dma_start3A_3097 : memref<1x1x64xf32, #tpu.memory_space<hbm>> -> memref<1x64xf32, #tpu.memory_space<hbm>>
        tpu.enqueue_dma source(%dma_start3A_3098 : memref<1x64xf32, #tpu.memory_space<hbm>>) target(%dma_start3A_3095 : memref<1x64xf32, #tpu.memory_space<vmem>>) target_semaphore(%arg22 : memref<!tpu.dma_semaphore, #tpu.memory_space<semaphore_mem>>)
      } else {
      }
      %dma_wait3A_2388 = arith.constant 0 : i32
      %dma_wait3A_2389 = arith.constant 3 : i32
      %dma_wait3A_2390 = arith.constant 0 : i32
      %dma_wait3A_2391 = arith.constant 0 : i32
      %dma_wait3A_2392 = tpu.memref_slice %arg9[%dma_wait3A_2389, %dma_wait3A_2390, %dma_wait3A_2391] : memref<8x1x64xf32, #tpu.memory_space<vmem>> -> memref<1x1x64xf32, #tpu.memory_space<vmem>>
      %dma_wait3A_2393 = tpu.memref_squeeze %dma_wait3A_2392 : memref<1x1x64xf32, #tpu.memory_space<vmem>> -> memref<1x64xf32, #tpu.memory_space<vmem>>
      %dma_wait3A_2394 = arith.constant 0 : i32
      %dma_wait3A_2395 = arith.constant 0 : i32
      %dma_wait3A_2396 = tpu.memref_slice %arg4[%dma_wait3A_2388, %dma_wait3A_2394, %dma_wait3A_2395] : memref<125000x8x64xf32, #tpu.memory_space<hbm>> -> memref<1x1x64xf32, #tpu.memory_space<hbm>>
      %dma_wait3A_2397 = tpu.memref_squeeze %dma_wait3A_2396 : memref<1x1x64xf32, #tpu.memory_space<hbm>> -> memref<1x64xf32, #tpu.memory_space<hbm>>
      %dma_wait3A_2398 = arith.constant 0 : i32
      %dma_wait3A_2399 = arith.constant 0 : i32
      %dma_wait3A_2400 = tpu.memref_slice %arg9[%dma_wait3A_2389, %dma_wait3A_2398, %dma_wait3A_2399] : memref<8x1x64xf32, #tpu.memory_space<vmem>> -> memref<1x1x64xf32, #tpu.memory_space<vmem>>
      %dma_wait3A_2401 = tpu.memref_squeeze %dma_wait3A_2400 : memref<1x1x64xf32, #tpu.memory_space<vmem>> -> memref<1x64xf32, #tpu.memory_space<vmem>>
      %dma_wait3A_2402 = arith.constant 0 : i32
      %dma_wait3A_2403 = arith.constant 0 : i32
      %dma_wait3A_2404 = tpu.memref_slice %arg4[%dma_wait3A_2388, %dma_wait3A_2402, %dma_wait3A_2403] : memref<125000x8x64xf32, #tpu.memory_space<hbm>> -> memref<1x1x64xf32, #tpu.memory_space<hbm>>
      %dma_wait3A_2405 = tpu.memref_squeeze %dma_wait3A_2404 : memref<1x1x64xf32, #tpu.memory_space<hbm>> -> memref<1x64xf32, #tpu.memory_space<hbm>>
      tpu.wait_dma2 semaphore(%arg15 : memref<!tpu.dma_semaphore, #tpu.memory_space<semaphore_mem>>) src(%dma_wait3A_2405 : memref<1x64xf32, #tpu.memory_space<hbm>>) dst(%dma_wait3A_2401 : memref<1x64xf32, #tpu.memory_space<vmem>>)
      %dma_wait3A_2406 = arith.constant 0 : i32
      %dma_wait3A_2407 = arith.constant 3 : i32
      %dma_wait3A_2408 = arith.constant 0 : i32
      %dma_wait3A_2409 = arith.constant 0 : i32
      %dma_wait3A_2410 = tpu.memref_slice %arg10[%dma_wait3A_2407, %dma_wait3A_2408, %dma_wait3A_2409] : memref<8x1x64xf32, #tpu.memory_space<vmem>> -> memref<1x1x64xf32, #tpu.memory_space<vmem>>
      %dma_wait3A_2411 = tpu.memref_squeeze %dma_wait3A_2410 : memref<1x1x64xf32, #tpu.memory_space<vmem>> -> memref<1x64xf32, #tpu.memory_space<vmem>>
      %dma_wait3A_2412 = arith.constant 0 : i32
      %dma_wait3A_2413 = arith.constant 0 : i32
      %dma_wait3A_2414 = tpu.memref_slice %arg5[%dma_wait3A_2406, %dma_wait3A_2412, %dma_wait3A_2413] : memref<125000x8x64xf32, #tpu.memory_space<hbm>> -> memref<1x1x64xf32, #tpu.memory_space<hbm>>
      %dma_wait3A_2415 = tpu.memref_squeeze %dma_wait3A_2414 : memref<1x1x64xf32, #tpu.memory_space<hbm>> -> memref<1x64xf32, #tpu.memory_space<hbm>>
      %dma_wait3A_2416 = arith.constant 0 : i32
      %dma_wait3A_2417 = arith.constant 0 : i32
      %dma_wait3A_2418 = tpu.memref_slice %arg10[%dma_wait3A_2407, %dma_wait3A_2416, %dma_wait3A_2417] : memref<8x1x64xf32, #tpu.memory_space<vmem>> -> memref<1x1x64xf32, #tpu.memory_space<vmem>>
      %dma_wait3A_2419 = tpu.memref_squeeze %dma_wait3A_2418 : memref<1x1x64xf32, #tpu.memory_space<vmem>> -> memref<1x64xf32, #tpu.memory_space<vmem>>
      %dma_wait3A_2420 = arith.constant 0 : i32
      %dma_wait3A_2421 = arith.constant 0 : i32
      %dma_wait3A_2422 = tpu.memref_slice %arg5[%dma_wait3A_2406, %dma_wait3A_2420, %dma_wait3A_2421] : memref<125000x8x64xf32, #tpu.memory_space<hbm>> -> memref<1x1x64xf32, #tpu.memory_space<hbm>>
      %dma_wait3A_2423 = tpu.memref_squeeze %dma_wait3A_2422 : memref<1x1x64xf32, #tpu.memory_space<hbm>> -> memref<1x64xf32, #tpu.memory_space<hbm>>
      tpu.wait_dma2 semaphore(%arg23 : memref<!tpu.dma_semaphore, #tpu.memory_space<semaphore_mem>>) src(%dma_wait3A_2423 : memref<1x64xf32, #tpu.memory_space<hbm>>) dst(%dma_wait3A_2419 : memref<1x64xf32, #tpu.memory_space<vmem>>)
      %get3A_2424 = arith.constant 3 : i32
      %get3A_2425 = arith.constant 0 : i32
      %get3A_2426 = arith.index_cast %get3A_2424 : i32 to index
      %get3A_2427 = arith.index_cast %get3A_2425 : i32 to index
      %get3A_2428 = arith.constant 0 : index
      %get3A_2429 = tpu.vector_load %arg9[%get3A_2426, %get3A_2427, %get3A_2428] {strides = array<i32>} : memref<8x1x64xf32, #tpu.memory_space<vmem>>, vector<16xf32>,
      %get3A_2430 = arith.constant 3 : i32
      %get3A_2431 = arith.constant 0 : i32
      %get3A_2432 = arith.index_cast %get3A_2430 : i32 to index
      %get3A_2433 = arith.index_cast %get3A_2431 : i32 to index
      %get3A_2434 = arith.constant 0 : index
      %get3A_2435 = tpu.vector_load %arg10[%get3A_2432, %get3A_2433, %get3A_2434] {strides = array<i32>} : memref<8x1x64xf32, #tpu.memory_space<vmem>>, vector<16xf32>,
      %mul3A_2436 = arith.mulf %get3A_2429, %get3A_2435 : vector<16xf32>
      %get3A_2437 = arith.constant 3 : i32
      %get3A_2438 = arith.constant 0 : i32
      %get3A_2439 = arith.index_cast %get3A_2437 : i32 to index
      %get3A_2440 = arith.index_cast %get3A_2438 : i32 to index
      %get3A_2441 = arith.constant 16 : index
      %get3A_2442 = tpu.vector_load %arg9[%get3A_2439, %get3A_2440, %get3A_2441] {strides = array<i32>} : memref<8x1x64xf32, #tpu.memory_space<vmem>>, vector<16xf32>,
      %get3A_2443 = arith.constant 3 : i32
      %get3A_2444 = arith.constant 0 : i32
      %get3A_2445 = arith.index_cast %get3A_2443 : i32 to index
      %get3A_2446 = arith.index_cast %get3A_2444 : i32 to index
      %get3A_2447 = arith.constant 16 : index
      %get3A_2448 = tpu.vector_load %arg10[%get3A_2445, %get3A_2446, %get3A_2447] {strides = array<i32>} : memref<8x1x64xf32, #tpu.memory_space<vmem>>, vector<16xf32>,
      %mul3A_2449 = arith.mulf %get3A_2442, %get3A_2448 : vector<16xf32>
      %add3A_2450 = arith.addf %mul3A_2436, %mul3A_2449 : vector<16xf32>
      %get3A_2451 = arith.constant 3 : i32
      %get3A_2452 = arith.constant 0 : i32
      %get3A_2453 = arith.index_cast %get3A_2451 : i32 to index
      %get3A_2454 = arith.index_cast %get3A_2452 : i32 to index
      %get3A_2455 = arith.constant 32 : index
      %get3A_2456 = tpu.vector_load %arg9[%get3A_2453, %get3A_2454, %get3A_2455] {strides = array<i32>} : memref<8x1x64xf32, #tpu.memory_space<vmem>>, vector<16xf32>,
      %get3A_2457 = arith.constant 3 : i32
      %get3A_2458 = arith.constant 0 : i32
      %get3A_2459 = arith.index_cast %get3A_2457 : i32 to index
      %get3A_2460 = arith.index_cast %get3A_2458 : i32 to index
      %get3A_2461 = arith.constant 32 : index
      %get3A_2462 = tpu.vector_load %arg10[%get3A_2459, %get3A_2460, %get3A_2461] {strides = array<i32>} : memref<8x1x64xf32, #tpu.memory_space<vmem>>, vector<16xf32>,
      %mul3A_2463 = arith.mulf %get3A_2456, %get3A_2462 : vector<16xf32>
      %add3A_2464 = arith.addf %add3A_2450, %mul3A_2463 : vector<16xf32>
      %get3A_2465 = arith.constant 3 : i32
      %get3A_2466 = arith.constant 0 : i32
      %get3A_2467 = arith.index_cast %get3A_2465 : i32 to index
      %get3A_2468 = arith.index_cast %get3A_2466 : i32 to index
      %get3A_2469 = arith.constant 48 : index
      %get3A_2470 = tpu.vector_load %arg9[%get3A_2467, %get3A_2468, %get3A_2469] {strides = array<i32>} : memref<8x1x64xf32, #tpu.memory_space<vmem>>, vector<16xf32>,
      %get3A_2471 = arith.constant 3 : i32
      %get3A_2472 = arith.constant 0 : i32
      %get3A_2473 = arith.index_cast %get3A_2471 : i32 to index
      %get3A_2474 = arith.index_cast %get3A_2472 : i32 to index
      %get3A_2475 = arith.constant 48 : index
      %get3A_2476 = tpu.vector_load %arg10[%get3A_2473, %get3A_2474, %get3A_2475] {strides = array<i32>} : memref<8x1x64xf32, #tpu.memory_space<vmem>>, vector<16xf32>,
      %mul3A_2477 = arith.mulf %get3A_2470, %get3A_2476 : vector<16xf32>
      %add3A_2478 = arith.addf %add3A_2464, %mul3A_2477 : vector<16xf32>
      %xor3A_2479 = arith.constant 8 : i32
      %xor3A_2480 = vector.broadcast %xor3A_2479 : i32 to vector<16xi32>
      %xor3A_2481 = arith.xori %iota3A, %xor3A_2480 : vector<16xi32>
      %broadcast_in_dim3A_2482 = vector.shape_cast %xor3A_2481 : vector<16xi32> to vector<16x1xi32>
      %gather3A_2483 = vector.shape_cast %broadcast_in_dim3A_2482 : vector<16x1xi32> to vector<16xi32>
      %gather3A_2484 = tpu.dynamic_gather %add3A_2478[%gather3A_2483] in [0] : vector<16xf32>, vector<16xi32> -> vector<16xf32>
      %add3A_2485 = arith.addf %add3A_2478, %gather3A_2484 : vector<16xf32>
      %xor3A_2486 = arith.constant 4 : i32
      %xor3A_2487 = vector.broadcast %xor3A_2486 : i32 to vector<16xi32>
      %xor3A_2488 = arith.xori %iota3A, %xor3A_2487 : vector<16xi32>
      %broadcast_in_dim3A_2489 = vector.shape_cast %xor3A_2488 : vector<16xi32> to vector<16x1xi32>
      %gather3A_2490 = vector.shape_cast %broadcast_in_dim3A_2489 : vector<16x1xi32> to vector<16xi32>
      %gather3A_2491 = tpu.dynamic_gather %add3A_2485[%gather3A_2490] in [0] : vector<16xf32>, vector<16xi32> -> vector<16xf32>
      %add3A_2492 = arith.addf %add3A_2485, %gather3A_2491 : vector<16xf32>
      %xor3A_2493 = arith.constant 2 : i32
      %xor3A_2494 = vector.broadcast %xor3A_2493 : i32 to vector<16xi32>
      %xor3A_2495 = arith.xori %iota3A, %xor3A_2494 : vector<16xi32>
      %broadcast_in_dim3A_2496 = vector.shape_cast %xor3A_2495 : vector<16xi32> to vector<16x1xi32>
      %gather3A_2497 = vector.shape_cast %broadcast_in_dim3A_2496 : vector<16x1xi32> to vector<16xi32>
      %gather3A_2498 = tpu.dynamic_gather %add3A_2492[%gather3A_2497] in [0] : vector<16xf32>, vector<16xi32> -> vector<16xf32>
      %add3A_2499 = arith.addf %add3A_2492, %gather3A_2498 : vector<16xf32>
      %xor3A_2500 = arith.constant 1 : i32
      %xor3A_2501 = vector.broadcast %xor3A_2500 : i32 to vector<16xi32>
      %xor3A_2502 = arith.xori %iota3A, %xor3A_2501 : vector<16xi32>
      %broadcast_in_dim3A_2503 = vector.shape_cast %xor3A_2502 : vector<16xi32> to vector<16x1xi32>
      %gather3A_2504 = vector.shape_cast %broadcast_in_dim3A_2503 : vector<16x1xi32> to vector<16xi32>
      %gather3A_2505 = tpu.dynamic_gather %add3A_2499[%gather3A_2504] in [0] : vector<16xf32>, vector<16xi32> -> vector<16xf32>
      %add3A_2506 = arith.addf %add3A_2499, %gather3A_2505 : vector<16xf32>
      %eq3A_2507 = arith.constant 11 : i32
      %eq3A_2508 = vector.broadcast %eq3A_2507 : i32 to vector<16xi32>
      %eq3A_2509 = arith.cmpi eq, %iota3A, %eq3A_2508 : vector<16xi32>
      %select_n3A_2510 = arith.select %eq3A_2509, %add3A_2506, %select_n3A_2382 : vector<16xi1>, vector<16xf32>
      %lt3A_2511 = arith.constant 31 : i32
      %lt3A_2512 = arith.cmpi slt, %scan3A_495, %lt3A_2511 : i32
      %convert_element_type3A_2513 = arith.extui %lt3A_2512 : i1 to i32
      %cond3A_2514 = arith.constant 0 : i32
      %cond3A_2515 = arith.cmpi ne, %convert_element_type3A_2513, %cond3A_2514 : i32
      scf.if %cond3A_2515 {
        %add3A_3031 = arith.constant 1 : i32
        %add3A_3032 = arith.addi %scan3A_495, %add3A_3031 : i32
        %mul3A_3033 = arith.constant 16 : i32
        %mul3A_3034 = arith.muli %add3A_3032, %mul3A_3033 : i32
        %get3A_3035 = arith.index_cast %mul3A_3034 : i32 to index
        %get3A_3036 = tpu.vector_load %arg7[%get3A_3035] {strides = array<i32>} : memref<512xi32, #tpu.memory_space<vmem>>, vector<16xi32>,
        %eq3A_3037 = arith.constant 3 : i32
        %eq3A_3038 = vector.broadcast %eq3A_3037 : i32 to vector<16xi32>
        %eq3A_3039 = arith.cmpi eq, %iota3A, %eq3A_3038 : vector<16xi32>
        %jit3A_3040 = arith.constant 0 : i32
        %broadcast_in_dim3A_3041 = vector.broadcast %jit3A_3040 : i32 to vector<16xi32>
        %select_n3A_3042 = arith.select %eq3A_3039, %get3A_3036, %broadcast_in_dim3A_3041 : vector<16xi1>, vector<16xi32>
        %reduce_sum3A_3043 = arith.constant true
        %reduce_sum3A_3044 = vector.broadcast %reduce_sum3A_3043 : i1 to vector<16xi1>
        %reduce_sum3A_3045 = tpu.scan <sum>, %select_n3A_3042 masked %reduce_sum3A_3044 : vector<16xi32>, vector<16xi1> -> vector<16xi32>
        %reduce_sum3A_3046 = vector.extract %reduce_sum3A_3045[15] : i32 from vector<16xi32>
        %mul3A_3047 = arith.constant 16 : i32
        %mul3A_3048 = arith.muli %add3A_3032, %mul3A_3047 : i32
        %get3A_3049 = arith.index_cast %mul3A_3048 : i32 to index
        %get3A_3050 = tpu.vector_load %arg8[%get3A_3049] {strides = array<i32>} : memref<512xi32, #tpu.memory_space<vmem>>, vector<16xi32>,
        %eq3A_3051 = arith.constant 3 : i32
        %eq3A_3052 = vector.broadcast %eq3A_3051 : i32 to vector<16xi32>
        %eq3A_3053 = arith.cmpi eq, %iota3A, %eq3A_3052 : vector<16xi32>
        %jit3A_3054 = arith.constant 0 : i32
        %broadcast_in_dim3A_3055 = vector.broadcast %jit3A_3054 : i32 to vector<16xi32>
        %select_n3A_3056 = arith.select %eq3A_3053, %get3A_3050, %broadcast_in_dim3A_3055 : vector<16xi1>, vector<16xi32>
        %reduce_sum3A_3057 = arith.constant true
        %reduce_sum3A_3058 = vector.broadcast %reduce_sum3A_3057 : i1 to vector<16xi1>
        %reduce_sum3A_3059 = tpu.scan <sum>, %select_n3A_3056 masked %reduce_sum3A_3058 : vector<16xi32>, vector<16xi1> -> vector<16xi32>
        %reduce_sum3A_3060 = vector.extract %reduce_sum3A_3059[15] : i32 from vector<16xi32>
        %shift_right_arithmetic3A_3061 = arith.constant 3 : i32
        %shift_right_arithmetic3A_3062 = arith.shrsi %reduce_sum3A_3046, %shift_right_arithmetic3A_3061 : i32
        %and3A_3063 = arith.constant 7 : i32
        %and3A_3064 = arith.andi %reduce_sum3A_3046, %and3A_3063 : i32
        %dma_start3A_3065 = arith.constant 3 : i32
        %dma_start3A_3066 = arith.constant 0 : i32
        %dma_start3A_3067 = arith.constant 0 : i32
        %dma_start3A_3068 = tpu.memref_slice %arg9[%dma_start3A_3065, %dma_start3A_3066, %dma_start3A_3067] : memref<8x1x64xf32, #tpu.memory_space<vmem>> -> memref<1x1x64xf32, #tpu.memory_space<vmem>>
        %dma_start3A_3069 = tpu.memref_squeeze %dma_start3A_3068 : memref<1x1x64xf32, #tpu.memory_space<vmem>> -> memref<1x64xf32, #tpu.memory_space<vmem>>
        %dma_start3A_3070 = arith.constant 0 : i32
        %dma_start3A_3071 = tpu.memref_slice %arg4[%shift_right_arithmetic3A_3062, %and3A_3064, %dma_start3A_3070] : memref<125000x8x64xf32, #tpu.memory_space<hbm>> -> memref<1x1x64xf32, #tpu.memory_space<hbm>>
        %dma_start3A_3072 = tpu.memref_squeeze %dma_start3A_3071 : memref<1x1x64xf32, #tpu.memory_space<hbm>> -> memref<1x64xf32, #tpu.memory_space<hbm>>
        %dma_start3A_3073 = arith.constant 0 : i32
        %dma_start3A_3074 = arith.constant 0 : i32
        %dma_start3A_3075 = tpu.memref_slice %arg9[%dma_start3A_3065, %dma_start3A_3073, %dma_start3A_3074] : memref<8x1x64xf32, #tpu.memory_space<vmem>> -> memref<1x1x64xf32, #tpu.memory_space<vmem>>
        %dma_start3A_3076 = tpu.memref_squeeze %dma_start3A_3075 : memref<1x1x64xf32, #tpu.memory_space<vmem>> -> memref<1x64xf32, #tpu.memory_space<vmem>>
        %dma_start3A_3077 = arith.constant 0 : i32
        %dma_start3A_3078 = tpu.memref_slice %arg4[%shift_right_arithmetic3A_3062, %and3A_3064, %dma_start3A_3077] : memref<125000x8x64xf32, #tpu.memory_space<hbm>> -> memref<1x1x64xf32, #tpu.memory_space<hbm>>
        %dma_start3A_3079 = tpu.memref_squeeze %dma_start3A_3078 : memref<1x1x64xf32, #tpu.memory_space<hbm>> -> memref<1x64xf32, #tpu.memory_space<hbm>>
        tpu.enqueue_dma source(%dma_start3A_3079 : memref<1x64xf32, #tpu.memory_space<hbm>>) target(%dma_start3A_3076 : memref<1x64xf32, #tpu.memory_space<vmem>>) target_semaphore(%arg15 : memref<!tpu.dma_semaphore, #tpu.memory_space<semaphore_mem>>)
        %shift_right_arithmetic3A_3080 = arith.constant 3 : i32
        %shift_right_arithmetic3A_3081 = arith.shrsi %reduce_sum3A_3060, %shift_right_arithmetic3A_3080 : i32
        %and3A_3082 = arith.constant 7 : i32
        %and3A_3083 = arith.andi %reduce_sum3A_3060, %and3A_3082 : i32
        %dma_start3A_3084 = arith.constant 3 : i32
        %dma_start3A_3085 = arith.constant 0 : i32
        %dma_start3A_3086 = arith.constant 0 : i32
        %dma_start3A_3087 = tpu.memref_slice %arg10[%dma_start3A_3084, %dma_start3A_3085, %dma_start3A_3086] : memref<8x1x64xf32, #tpu.memory_space<vmem>> -> memref<1x1x64xf32, #tpu.memory_space<vmem>>
        %dma_start3A_3088 = tpu.memref_squeeze %dma_start3A_3087 : memref<1x1x64xf32, #tpu.memory_space<vmem>> -> memref<1x64xf32, #tpu.memory_space<vmem>>
        %dma_start3A_3089 = arith.constant 0 : i32
        %dma_start3A_3090 = tpu.memref_slice %arg5[%shift_right_arithmetic3A_3081, %and3A_3083, %dma_start3A_3089] : memref<125000x8x64xf32, #tpu.memory_space<hbm>> -> memref<1x1x64xf32, #tpu.memory_space<hbm>>
        %dma_start3A_3091 = tpu.memref_squeeze %dma_start3A_3090 : memref<1x1x64xf32, #tpu.memory_space<hbm>> -> memref<1x64xf32, #tpu.memory_space<hbm>>
        %dma_start3A_3092 = arith.constant 0 : i32
        %dma_start3A_3093 = arith.constant 0 : i32
        %dma_start3A_3094 = tpu.memref_slice %arg10[%dma_start3A_3084, %dma_start3A_3092, %dma_start3A_3093] : memref<8x1x64xf32, #tpu.memory_space<vmem>> -> memref<1x1x64xf32, #tpu.memory_space<vmem>>
        %dma_start3A_3095 = tpu.memref_squeeze %dma_start3A_3094 : memref<1x1x64xf32, #tpu.memory_space<vmem>> -> memref<1x64xf32, #tpu.memory_space<vmem>>
        %dma_start3A_3096 = arith.constant 0 : i32
        %dma_start3A_3097 = tpu.memref_slice %arg5[%shift_right_arithmetic3A_3081, %and3A_3083, %dma_start3A_3096] : memref<125000x8x64xf32, #tpu.memory_space<hbm>> -> memref<1x1x64xf32, #tpu.memory_space<hbm>>
        %dma_start3A_3098 = tpu.memref_squeeze %dma_start3A_3097 : memref<1x1x64xf32, #tpu.memory_space<hbm>> -> memref<1x64xf32, #tpu.memory_space<hbm>>
        tpu.enqueue_dma source(%dma_start3A_3098 : memref<1x64xf32, #tpu.memory_space<hbm>>) target(%dma_start3A_3095 : memref<1x64xf32, #tpu.memory_space<vmem>>) target_semaphore(%arg23 : memref<!tpu.dma_semaphore, #tpu.memory_space<semaphore_mem>>)
      } else {
      }
      %dma_wait3A_2516 = arith.constant 0 : i32
      %dma_wait3A_2517 = arith.constant 4 : i32
      %dma_wait3A_2518 = arith.constant 0 : i32
      %dma_wait3A_2519 = arith.constant 0 : i32
      %dma_wait3A_2520 = tpu.memref_slice %arg9[%dma_wait3A_2517, %dma_wait3A_2518, %dma_wait3A_2519] : memref<8x1x64xf32, #tpu.memory_space<vmem>> -> memref<1x1x64xf32, #tpu.memory_space<vmem>>
      %dma_wait3A_2521 = tpu.memref_squeeze %dma_wait3A_2520 : memref<1x1x64xf32, #tpu.memory_space<vmem>> -> memref<1x64xf32, #tpu.memory_space<vmem>>
      %dma_wait3A_2522 = arith.constant 0 : i32
      %dma_wait3A_2523 = arith.constant 0 : i32
      %dma_wait3A_2524 = tpu.memref_slice %arg4[%dma_wait3A_2516, %dma_wait3A_2522, %dma_wait3A_2523] : memref<125000x8x64xf32, #tpu.memory_space<hbm>> -> memref<1x1x64xf32, #tpu.memory_space<hbm>>
      %dma_wait3A_2525 = tpu.memref_squeeze %dma_wait3A_2524 : memref<1x1x64xf32, #tpu.memory_space<hbm>> -> memref<1x64xf32, #tpu.memory_space<hbm>>
      %dma_wait3A_2526 = arith.constant 0 : i32
      %dma_wait3A_2527 = arith.constant 0 : i32
      %dma_wait3A_2528 = tpu.memref_slice %arg9[%dma_wait3A_2517, %dma_wait3A_2526, %dma_wait3A_2527] : memref<8x1x64xf32, #tpu.memory_space<vmem>> -> memref<1x1x64xf32, #tpu.memory_space<vmem>>
      %dma_wait3A_2529 = tpu.memref_squeeze %dma_wait3A_2528 : memref<1x1x64xf32, #tpu.memory_space<vmem>> -> memref<1x64xf32, #tpu.memory_space<vmem>>
      %dma_wait3A_2530 = arith.constant 0 : i32
      %dma_wait3A_2531 = arith.constant 0 : i32
      %dma_wait3A_2532 = tpu.memref_slice %arg4[%dma_wait3A_2516, %dma_wait3A_2530, %dma_wait3A_2531] : memref<125000x8x64xf32, #tpu.memory_space<hbm>> -> memref<1x1x64xf32, #tpu.memory_space<hbm>>
      %dma_wait3A_2533 = tpu.memref_squeeze %dma_wait3A_2532 : memref<1x1x64xf32, #tpu.memory_space<hbm>> -> memref<1x64xf32, #tpu.memory_space<hbm>>
      tpu.wait_dma2 semaphore(%arg16 : memref<!tpu.dma_semaphore, #tpu.memory_space<semaphore_mem>>) src(%dma_wait3A_2533 : memref<1x64xf32, #tpu.memory_space<hbm>>) dst(%dma_wait3A_2529 : memref<1x64xf32, #tpu.memory_space<vmem>>)
      %dma_wait3A_2534 = arith.constant 0 : i32
      %dma_wait3A_2535 = arith.constant 4 : i32
      %dma_wait3A_2536 = arith.constant 0 : i32
      %dma_wait3A_2537 = arith.constant 0 : i32
      %dma_wait3A_2538 = tpu.memref_slice %arg10[%dma_wait3A_2535, %dma_wait3A_2536, %dma_wait3A_2537] : memref<8x1x64xf32, #tpu.memory_space<vmem>> -> memref<1x1x64xf32, #tpu.memory_space<vmem>>
      %dma_wait3A_2539 = tpu.memref_squeeze %dma_wait3A_2538 : memref<1x1x64xf32, #tpu.memory_space<vmem>> -> memref<1x64xf32, #tpu.memory_space<vmem>>
      %dma_wait3A_2540 = arith.constant 0 : i32
      %dma_wait3A_2541 = arith.constant 0 : i32
      %dma_wait3A_2542 = tpu.memref_slice %arg5[%dma_wait3A_2534, %dma_wait3A_2540, %dma_wait3A_2541] : memref<125000x8x64xf32, #tpu.memory_space<hbm>> -> memref<1x1x64xf32, #tpu.memory_space<hbm>>
      %dma_wait3A_2543 = tpu.memref_squeeze %dma_wait3A_2542 : memref<1x1x64xf32, #tpu.memory_space<hbm>> -> memref<1x64xf32, #tpu.memory_space<hbm>>
      %dma_wait3A_2544 = arith.constant 0 : i32
      %dma_wait3A_2545 = arith.constant 0 : i32
      %dma_wait3A_2546 = tpu.memref_slice %arg10[%dma_wait3A_2535, %dma_wait3A_2544, %dma_wait3A_2545] : memref<8x1x64xf32, #tpu.memory_space<vmem>> -> memref<1x1x64xf32, #tpu.memory_space<vmem>>
      %dma_wait3A_2547 = tpu.memref_squeeze %dma_wait3A_2546 : memref<1x1x64xf32, #tpu.memory_space<vmem>> -> memref<1x64xf32, #tpu.memory_space<vmem>>
      %dma_wait3A_2548 = arith.constant 0 : i32
      %dma_wait3A_2549 = arith.constant 0 : i32
      %dma_wait3A_2550 = tpu.memref_slice %arg5[%dma_wait3A_2534, %dma_wait3A_2548, %dma_wait3A_2549] : memref<125000x8x64xf32, #tpu.memory_space<hbm>> -> memref<1x1x64xf32, #tpu.memory_space<hbm>>
      %dma_wait3A_2551 = tpu.memref_squeeze %dma_wait3A_2550 : memref<1x1x64xf32, #tpu.memory_space<hbm>> -> memref<1x64xf32, #tpu.memory_space<hbm>>
      tpu.wait_dma2 semaphore(%arg24 : memref<!tpu.dma_semaphore, #tpu.memory_space<semaphore_mem>>) src(%dma_wait3A_2551 : memref<1x64xf32, #tpu.memory_space<hbm>>) dst(%dma_wait3A_2547 : memref<1x64xf32, #tpu.memory_space<vmem>>)
      %get3A_2552 = arith.constant 4 : i32
      %get3A_2553 = arith.constant 0 : i32
      %get3A_2554 = arith.index_cast %get3A_2552 : i32 to index
      %get3A_2555 = arith.index_cast %get3A_2553 : i32 to index
      %get3A_2556 = arith.constant 0 : index
      %get3A_2557 = tpu.vector_load %arg9[%get3A_2554, %get3A_2555, %get3A_2556] {strides = array<i32>} : memref<8x1x64xf32, #tpu.memory_space<vmem>>, vector<16xf32>,
      %get3A_2558 = arith.constant 4 : i32
      %get3A_2559 = arith.constant 0 : i32
      %get3A_2560 = arith.index_cast %get3A_2558 : i32 to index
      %get3A_2561 = arith.index_cast %get3A_2559 : i32 to index
      %get3A_2562 = arith.constant 0 : index
      %get3A_2563 = tpu.vector_load %arg10[%get3A_2560, %get3A_2561, %get3A_2562] {strides = array<i32>} : memref<8x1x64xf32, #tpu.memory_space<vmem>>, vector<16xf32>,
      %mul3A_2564 = arith.mulf %get3A_2557, %get3A_2563 : vector<16xf32>
      %get3A_2565 = arith.constant 4 : i32
      %get3A_2566 = arith.constant 0 : i32
      %get3A_2567 = arith.index_cast %get3A_2565 : i32 to index
      %get3A_2568 = arith.index_cast %get3A_2566 : i32 to index
      %get3A_2569 = arith.constant 16 : index
      %get3A_2570 = tpu.vector_load %arg9[%get3A_2567, %get3A_2568, %get3A_2569] {strides = array<i32>} : memref<8x1x64xf32, #tpu.memory_space<vmem>>, vector<16xf32>,
      %get3A_2571 = arith.constant 4 : i32
      %get3A_2572 = arith.constant 0 : i32
      %get3A_2573 = arith.index_cast %get3A_2571 : i32 to index
      %get3A_2574 = arith.index_cast %get3A_2572 : i32 to index
      %get3A_2575 = arith.constant 16 : index
      %get3A_2576 = tpu.vector_load %arg10[%get3A_2573, %get3A_2574, %get3A_2575] {strides = array<i32>} : memref<8x1x64xf32, #tpu.memory_space<vmem>>, vector<16xf32>,
      %mul3A_2577 = arith.mulf %get3A_2570, %get3A_2576 : vector<16xf32>
      %add3A_2578 = arith.addf %mul3A_2564, %mul3A_2577 : vector<16xf32>
      %get3A_2579 = arith.constant 4 : i32
      %get3A_2580 = arith.constant 0 : i32
      %get3A_2581 = arith.index_cast %get3A_2579 : i32 to index
      %get3A_2582 = arith.index_cast %get3A_2580 : i32 to index
      %get3A_2583 = arith.constant 32 : index
      %get3A_2584 = tpu.vector_load %arg9[%get3A_2581, %get3A_2582, %get3A_2583] {strides = array<i32>} : memref<8x1x64xf32, #tpu.memory_space<vmem>>, vector<16xf32>,
      %get3A_2585 = arith.constant 4 : i32
      %get3A_2586 = arith.constant 0 : i32
      %get3A_2587 = arith.index_cast %get3A_2585 : i32 to index
      %get3A_2588 = arith.index_cast %get3A_2586 : i32 to index
      %get3A_2589 = arith.constant 32 : index
      %get3A_2590 = tpu.vector_load %arg10[%get3A_2587, %get3A_2588, %get3A_2589] {strides = array<i32>} : memref<8x1x64xf32, #tpu.memory_space<vmem>>, vector<16xf32>,
      %mul3A_2591 = arith.mulf %get3A_2584, %get3A_2590 : vector<16xf32>
      %add3A_2592 = arith.addf %add3A_2578, %mul3A_2591 : vector<16xf32>
      %get3A_2593 = arith.constant 4 : i32
      %get3A_2594 = arith.constant 0 : i32
      %get3A_2595 = arith.index_cast %get3A_2593 : i32 to index
      %get3A_2596 = arith.index_cast %get3A_2594 : i32 to index
      %get3A_2597 = arith.constant 48 : index
      %get3A_2598 = tpu.vector_load %arg9[%get3A_2595, %get3A_2596, %get3A_2597] {strides = array<i32>} : memref<8x1x64xf32, #tpu.memory_space<vmem>>, vector<16xf32>,
      %get3A_2599 = arith.constant 4 : i32
      %get3A_2600 = arith.constant 0 : i32
      %get3A_2601 = arith.index_cast %get3A_2599 : i32 to index
      %get3A_2602 = arith.index_cast %get3A_2600 : i32 to index
      %get3A_2603 = arith.constant 48 : index
      %get3A_2604 = tpu.vector_load %arg10[%get3A_2601, %get3A_2602, %get3A_2603] {strides = array<i32>} : memref<8x1x64xf32, #tpu.memory_space<vmem>>, vector<16xf32>,
      %mul3A_2605 = arith.mulf %get3A_2598, %get3A_2604 : vector<16xf32>
      %add3A_2606 = arith.addf %add3A_2592, %mul3A_2605 : vector<16xf32>
      %xor3A_2607 = arith.constant 8 : i32
      %xor3A_2608 = vector.broadcast %xor3A_2607 : i32 to vector<16xi32>
      %xor3A_2609 = arith.xori %iota3A, %xor3A_2608 : vector<16xi32>
      %broadcast_in_dim3A_2610 = vector.shape_cast %xor3A_2609 : vector<16xi32> to vector<16x1xi32>
      %gather3A_2611 = vector.shape_cast %broadcast_in_dim3A_2610 : vector<16x1xi32> to vector<16xi32>
      %gather3A_2612 = tpu.dynamic_gather %add3A_2606[%gather3A_2611] in [0] : vector<16xf32>, vector<16xi32> -> vector<16xf32>
      %add3A_2613 = arith.addf %add3A_2606, %gather3A_2612 : vector<16xf32>
      %xor3A_2614 = arith.constant 4 : i32
      %xor3A_2615 = vector.broadcast %xor3A_2614 : i32 to vector<16xi32>
      %xor3A_2616 = arith.xori %iota3A, %xor3A_2615 : vector<16xi32>
      %broadcast_in_dim3A_2617 = vector.shape_cast %xor3A_2616 : vector<16xi32> to vector<16x1xi32>
      %gather3A_2618 = vector.shape_cast %broadcast_in_dim3A_2617 : vector<16x1xi32> to vector<16xi32>
      %gather3A_2619 = tpu.dynamic_gather %add3A_2613[%gather3A_2618] in [0] : vector<16xf32>, vector<16xi32> -> vector<16xf32>
      %add3A_2620 = arith.addf %add3A_2613, %gather3A_2619 : vector<16xf32>
      %xor3A_2621 = arith.constant 2 : i32
      %xor3A_2622 = vector.broadcast %xor3A_2621 : i32 to vector<16xi32>
      %xor3A_2623 = arith.xori %iota3A, %xor3A_2622 : vector<16xi32>
      %broadcast_in_dim3A_2624 = vector.shape_cast %xor3A_2623 : vector<16xi32> to vector<16x1xi32>
      %gather3A_2625 = vector.shape_cast %broadcast_in_dim3A_2624 : vector<16x1xi32> to vector<16xi32>
      %gather3A_2626 = tpu.dynamic_gather %add3A_2620[%gather3A_2625] in [0] : vector<16xf32>, vector<16xi32> -> vector<16xf32>
      %add3A_2627 = arith.addf %add3A_2620, %gather3A_2626 : vector<16xf32>
      %xor3A_2628 = arith.constant 1 : i32
      %xor3A_2629 = vector.broadcast %xor3A_2628 : i32 to vector<16xi32>
      %xor3A_2630 = arith.xori %iota3A, %xor3A_2629 : vector<16xi32>
      %broadcast_in_dim3A_2631 = vector.shape_cast %xor3A_2630 : vector<16xi32> to vector<16x1xi32>
      %gather3A_2632 = vector.shape_cast %broadcast_in_dim3A_2631 : vector<16x1xi32> to vector<16xi32>
      %gather3A_2633 = tpu.dynamic_gather %add3A_2627[%gather3A_2632] in [0] : vector<16xf32>, vector<16xi32> -> vector<16xf32>
      %add3A_2634 = arith.addf %add3A_2627, %gather3A_2633 : vector<16xf32>
      %eq3A_2635 = arith.constant 12 : i32
      %eq3A_2636 = vector.broadcast %eq3A_2635 : i32 to vector<16xi32>
      %eq3A_2637 = arith.cmpi eq, %iota3A, %eq3A_2636 : vector<16xi32>
      %select_n3A_2638 = arith.select %eq3A_2637, %add3A_2634, %select_n3A_2510 : vector<16xi1>, vector<16xf32>
      %lt3A_2639 = arith.constant 31 : i32
      %lt3A_2640 = arith.cmpi slt, %scan3A_495, %lt3A_2639 : i32
      %convert_element_type3A_2641 = arith.extui %lt3A_2640 : i1 to i32
      %cond3A_2642 = arith.constant 0 : i32
      %cond3A_2643 = arith.cmpi ne, %convert_element_type3A_2641, %cond3A_2642 : i32
      scf.if %cond3A_2643 {
        %add3A_3031 = arith.constant 1 : i32
        %add3A_3032 = arith.addi %scan3A_495, %add3A_3031 : i32
        %mul3A_3033 = arith.constant 16 : i32
        %mul3A_3034 = arith.muli %add3A_3032, %mul3A_3033 : i32
        %get3A_3035 = arith.index_cast %mul3A_3034 : i32 to index
        %get3A_3036 = tpu.vector_load %arg7[%get3A_3035] {strides = array<i32>} : memref<512xi32, #tpu.memory_space<vmem>>, vector<16xi32>,
        %eq3A_3037 = arith.constant 4 : i32
        %eq3A_3038 = vector.broadcast %eq3A_3037 : i32 to vector<16xi32>
        %eq3A_3039 = arith.cmpi eq, %iota3A, %eq3A_3038 : vector<16xi32>
        %jit3A_3040 = arith.constant 0 : i32
        %broadcast_in_dim3A_3041 = vector.broadcast %jit3A_3040 : i32 to vector<16xi32>
        %select_n3A_3042 = arith.select %eq3A_3039, %get3A_3036, %broadcast_in_dim3A_3041 : vector<16xi1>, vector<16xi32>
        %reduce_sum3A_3043 = arith.constant true
        %reduce_sum3A_3044 = vector.broadcast %reduce_sum3A_3043 : i1 to vector<16xi1>
        %reduce_sum3A_3045 = tpu.scan <sum>, %select_n3A_3042 masked %reduce_sum3A_3044 : vector<16xi32>, vector<16xi1> -> vector<16xi32>
        %reduce_sum3A_3046 = vector.extract %reduce_sum3A_3045[15] : i32 from vector<16xi32>
        %mul3A_3047 = arith.constant 16 : i32
        %mul3A_3048 = arith.muli %add3A_3032, %mul3A_3047 : i32
        %get3A_3049 = arith.index_cast %mul3A_3048 : i32 to index
        %get3A_3050 = tpu.vector_load %arg8[%get3A_3049] {strides = array<i32>} : memref<512xi32, #tpu.memory_space<vmem>>, vector<16xi32>,
        %eq3A_3051 = arith.constant 4 : i32
        %eq3A_3052 = vector.broadcast %eq3A_3051 : i32 to vector<16xi32>
        %eq3A_3053 = arith.cmpi eq, %iota3A, %eq3A_3052 : vector<16xi32>
        %jit3A_3054 = arith.constant 0 : i32
        %broadcast_in_dim3A_3055 = vector.broadcast %jit3A_3054 : i32 to vector<16xi32>
        %select_n3A_3056 = arith.select %eq3A_3053, %get3A_3050, %broadcast_in_dim3A_3055 : vector<16xi1>, vector<16xi32>
        %reduce_sum3A_3057 = arith.constant true
        %reduce_sum3A_3058 = vector.broadcast %reduce_sum3A_3057 : i1 to vector<16xi1>
        %reduce_sum3A_3059 = tpu.scan <sum>, %select_n3A_3056 masked %reduce_sum3A_3058 : vector<16xi32>, vector<16xi1> -> vector<16xi32>
        %reduce_sum3A_3060 = vector.extract %reduce_sum3A_3059[15] : i32 from vector<16xi32>
        %shift_right_arithmetic3A_3061 = arith.constant 3 : i32
        %shift_right_arithmetic3A_3062 = arith.shrsi %reduce_sum3A_3046, %shift_right_arithmetic3A_3061 : i32
        %and3A_3063 = arith.constant 7 : i32
        %and3A_3064 = arith.andi %reduce_sum3A_3046, %and3A_3063 : i32
        %dma_start3A_3065 = arith.constant 4 : i32
        %dma_start3A_3066 = arith.constant 0 : i32
        %dma_start3A_3067 = arith.constant 0 : i32
        %dma_start3A_3068 = tpu.memref_slice %arg9[%dma_start3A_3065, %dma_start3A_3066, %dma_start3A_3067] : memref<8x1x64xf32, #tpu.memory_space<vmem>> -> memref<1x1x64xf32, #tpu.memory_space<vmem>>
        %dma_start3A_3069 = tpu.memref_squeeze %dma_start3A_3068 : memref<1x1x64xf32, #tpu.memory_space<vmem>> -> memref<1x64xf32, #tpu.memory_space<vmem>>
        %dma_start3A_3070 = arith.constant 0 : i32
        %dma_start3A_3071 = tpu.memref_slice %arg4[%shift_right_arithmetic3A_3062, %and3A_3064, %dma_start3A_3070] : memref<125000x8x64xf32, #tpu.memory_space<hbm>> -> memref<1x1x64xf32, #tpu.memory_space<hbm>>
        %dma_start3A_3072 = tpu.memref_squeeze %dma_start3A_3071 : memref<1x1x64xf32, #tpu.memory_space<hbm>> -> memref<1x64xf32, #tpu.memory_space<hbm>>
        %dma_start3A_3073 = arith.constant 0 : i32
        %dma_start3A_3074 = arith.constant 0 : i32
        %dma_start3A_3075 = tpu.memref_slice %arg9[%dma_start3A_3065, %dma_start3A_3073, %dma_start3A_3074] : memref<8x1x64xf32, #tpu.memory_space<vmem>> -> memref<1x1x64xf32, #tpu.memory_space<vmem>>
        %dma_start3A_3076 = tpu.memref_squeeze %dma_start3A_3075 : memref<1x1x64xf32, #tpu.memory_space<vmem>> -> memref<1x64xf32, #tpu.memory_space<vmem>>
        %dma_start3A_3077 = arith.constant 0 : i32
        %dma_start3A_3078 = tpu.memref_slice %arg4[%shift_right_arithmetic3A_3062, %and3A_3064, %dma_start3A_3077] : memref<125000x8x64xf32, #tpu.memory_space<hbm>> -> memref<1x1x64xf32, #tpu.memory_space<hbm>>
        %dma_start3A_3079 = tpu.memref_squeeze %dma_start3A_3078 : memref<1x1x64xf32, #tpu.memory_space<hbm>> -> memref<1x64xf32, #tpu.memory_space<hbm>>
        tpu.enqueue_dma source(%dma_start3A_3079 : memref<1x64xf32, #tpu.memory_space<hbm>>) target(%dma_start3A_3076 : memref<1x64xf32, #tpu.memory_space<vmem>>) target_semaphore(%arg16 : memref<!tpu.dma_semaphore, #tpu.memory_space<semaphore_mem>>)
        %shift_right_arithmetic3A_3080 = arith.constant 3 : i32
        %shift_right_arithmetic3A_3081 = arith.shrsi %reduce_sum3A_3060, %shift_right_arithmetic3A_3080 : i32
        %and3A_3082 = arith.constant 7 : i32
        %and3A_3083 = arith.andi %reduce_sum3A_3060, %and3A_3082 : i32
        %dma_start3A_3084 = arith.constant 4 : i32
        %dma_start3A_3085 = arith.constant 0 : i32
        %dma_start3A_3086 = arith.constant 0 : i32
        %dma_start3A_3087 = tpu.memref_slice %arg10[%dma_start3A_3084, %dma_start3A_3085, %dma_start3A_3086] : memref<8x1x64xf32, #tpu.memory_space<vmem>> -> memref<1x1x64xf32, #tpu.memory_space<vmem>>
        %dma_start3A_3088 = tpu.memref_squeeze %dma_start3A_3087 : memref<1x1x64xf32, #tpu.memory_space<vmem>> -> memref<1x64xf32, #tpu.memory_space<vmem>>
        %dma_start3A_3089 = arith.constant 0 : i32
        %dma_start3A_3090 = tpu.memref_slice %arg5[%shift_right_arithmetic3A_3081, %and3A_3083, %dma_start3A_3089] : memref<125000x8x64xf32, #tpu.memory_space<hbm>> -> memref<1x1x64xf32, #tpu.memory_space<hbm>>
        %dma_start3A_3091 = tpu.memref_squeeze %dma_start3A_3090 : memref<1x1x64xf32, #tpu.memory_space<hbm>> -> memref<1x64xf32, #tpu.memory_space<hbm>>
        %dma_start3A_3092 = arith.constant 0 : i32
        %dma_start3A_3093 = arith.constant 0 : i32
        %dma_start3A_3094 = tpu.memref_slice %arg10[%dma_start3A_3084, %dma_start3A_3092, %dma_start3A_3093] : memref<8x1x64xf32, #tpu.memory_space<vmem>> -> memref<1x1x64xf32, #tpu.memory_space<vmem>>
        %dma_start3A_3095 = tpu.memref_squeeze %dma_start3A_3094 : memref<1x1x64xf32, #tpu.memory_space<vmem>> -> memref<1x64xf32, #tpu.memory_space<vmem>>
        %dma_start3A_3096 = arith.constant 0 : i32
        %dma_start3A_3097 = tpu.memref_slice %arg5[%shift_right_arithmetic3A_3081, %and3A_3083, %dma_start3A_3096] : memref<125000x8x64xf32, #tpu.memory_space<hbm>> -> memref<1x1x64xf32, #tpu.memory_space<hbm>>
        %dma_start3A_3098 = tpu.memref_squeeze %dma_start3A_3097 : memref<1x1x64xf32, #tpu.memory_space<hbm>> -> memref<1x64xf32, #tpu.memory_space<hbm>>
        tpu.enqueue_dma source(%dma_start3A_3098 : memref<1x64xf32, #tpu.memory_space<hbm>>) target(%dma_start3A_3095 : memref<1x64xf32, #tpu.memory_space<vmem>>) target_semaphore(%arg24 : memref<!tpu.dma_semaphore, #tpu.memory_space<semaphore_mem>>)
      } else {
      }
      %dma_wait3A_2644 = arith.constant 0 : i32
      %dma_wait3A_2645 = arith.constant 5 : i32
      %dma_wait3A_2646 = arith.constant 0 : i32
      %dma_wait3A_2647 = arith.constant 0 : i32
      %dma_wait3A_2648 = tpu.memref_slice %arg9[%dma_wait3A_2645, %dma_wait3A_2646, %dma_wait3A_2647] : memref<8x1x64xf32, #tpu.memory_space<vmem>> -> memref<1x1x64xf32, #tpu.memory_space<vmem>>
      %dma_wait3A_2649 = tpu.memref_squeeze %dma_wait3A_2648 : memref<1x1x64xf32, #tpu.memory_space<vmem>> -> memref<1x64xf32, #tpu.memory_space<vmem>>
      %dma_wait3A_2650 = arith.constant 0 : i32
      %dma_wait3A_2651 = arith.constant 0 : i32
      %dma_wait3A_2652 = tpu.memref_slice %arg4[%dma_wait3A_2644, %dma_wait3A_2650, %dma_wait3A_2651] : memref<125000x8x64xf32, #tpu.memory_space<hbm>> -> memref<1x1x64xf32, #tpu.memory_space<hbm>>
      %dma_wait3A_2653 = tpu.memref_squeeze %dma_wait3A_2652 : memref<1x1x64xf32, #tpu.memory_space<hbm>> -> memref<1x64xf32, #tpu.memory_space<hbm>>
      %dma_wait3A_2654 = arith.constant 0 : i32
      %dma_wait3A_2655 = arith.constant 0 : i32
      %dma_wait3A_2656 = tpu.memref_slice %arg9[%dma_wait3A_2645, %dma_wait3A_2654, %dma_wait3A_2655] : memref<8x1x64xf32, #tpu.memory_space<vmem>> -> memref<1x1x64xf32, #tpu.memory_space<vmem>>
      %dma_wait3A_2657 = tpu.memref_squeeze %dma_wait3A_2656 : memref<1x1x64xf32, #tpu.memory_space<vmem>> -> memref<1x64xf32, #tpu.memory_space<vmem>>
      %dma_wait3A_2658 = arith.constant 0 : i32
      %dma_wait3A_2659 = arith.constant 0 : i32
      %dma_wait3A_2660 = tpu.memref_slice %arg4[%dma_wait3A_2644, %dma_wait3A_2658, %dma_wait3A_2659] : memref<125000x8x64xf32, #tpu.memory_space<hbm>> -> memref<1x1x64xf32, #tpu.memory_space<hbm>>
      %dma_wait3A_2661 = tpu.memref_squeeze %dma_wait3A_2660 : memref<1x1x64xf32, #tpu.memory_space<hbm>> -> memref<1x64xf32, #tpu.memory_space<hbm>>
      tpu.wait_dma2 semaphore(%arg17 : memref<!tpu.dma_semaphore, #tpu.memory_space<semaphore_mem>>) src(%dma_wait3A_2661 : memref<1x64xf32, #tpu.memory_space<hbm>>) dst(%dma_wait3A_2657 : memref<1x64xf32, #tpu.memory_space<vmem>>)
      %dma_wait3A_2662 = arith.constant 0 : i32
      %dma_wait3A_2663 = arith.constant 5 : i32
      %dma_wait3A_2664 = arith.constant 0 : i32
      %dma_wait3A_2665 = arith.constant 0 : i32
      %dma_wait3A_2666 = tpu.memref_slice %arg10[%dma_wait3A_2663, %dma_wait3A_2664, %dma_wait3A_2665] : memref<8x1x64xf32, #tpu.memory_space<vmem>> -> memref<1x1x64xf32, #tpu.memory_space<vmem>>
      %dma_wait3A_2667 = tpu.memref_squeeze %dma_wait3A_2666 : memref<1x1x64xf32, #tpu.memory_space<vmem>> -> memref<1x64xf32, #tpu.memory_space<vmem>>
      %dma_wait3A_2668 = arith.constant 0 : i32
      %dma_wait3A_2669 = arith.constant 0 : i32
      %dma_wait3A_2670 = tpu.memref_slice %arg5[%dma_wait3A_2662, %dma_wait3A_2668, %dma_wait3A_2669] : memref<125000x8x64xf32, #tpu.memory_space<hbm>> -> memref<1x1x64xf32, #tpu.memory_space<hbm>>
      %dma_wait3A_2671 = tpu.memref_squeeze %dma_wait3A_2670 : memref<1x1x64xf32, #tpu.memory_space<hbm>> -> memref<1x64xf32, #tpu.memory_space<hbm>>
      %dma_wait3A_2672 = arith.constant 0 : i32
      %dma_wait3A_2673 = arith.constant 0 : i32
      %dma_wait3A_2674 = tpu.memref_slice %arg10[%dma_wait3A_2663, %dma_wait3A_2672, %dma_wait3A_2673] : memref<8x1x64xf32, #tpu.memory_space<vmem>> -> memref<1x1x64xf32, #tpu.memory_space<vmem>>
      %dma_wait3A_2675 = tpu.memref_squeeze %dma_wait3A_2674 : memref<1x1x64xf32, #tpu.memory_space<vmem>> -> memref<1x64xf32, #tpu.memory_space<vmem>>
      %dma_wait3A_2676 = arith.constant 0 : i32
      %dma_wait3A_2677 = arith.constant 0 : i32
      %dma_wait3A_2678 = tpu.memref_slice %arg5[%dma_wait3A_2662, %dma_wait3A_2676, %dma_wait3A_2677] : memref<125000x8x64xf32, #tpu.memory_space<hbm>> -> memref<1x1x64xf32, #tpu.memory_space<hbm>>
      %dma_wait3A_2679 = tpu.memref_squeeze %dma_wait3A_2678 : memref<1x1x64xf32, #tpu.memory_space<hbm>> -> memref<1x64xf32, #tpu.memory_space<hbm>>
      tpu.wait_dma2 semaphore(%arg25 : memref<!tpu.dma_semaphore, #tpu.memory_space<semaphore_mem>>) src(%dma_wait3A_2679 : memref<1x64xf32, #tpu.memory_space<hbm>>) dst(%dma_wait3A_2675 : memref<1x64xf32, #tpu.memory_space<vmem>>)
      %get3A_2680 = arith.constant 5 : i32
      %get3A_2681 = arith.constant 0 : i32
      %get3A_2682 = arith.index_cast %get3A_2680 : i32 to index
      %get3A_2683 = arith.index_cast %get3A_2681 : i32 to index
      %get3A_2684 = arith.constant 0 : index
      %get3A_2685 = tpu.vector_load %arg9[%get3A_2682, %get3A_2683, %get3A_2684] {strides = array<i32>} : memref<8x1x64xf32, #tpu.memory_space<vmem>>, vector<16xf32>,
      %get3A_2686 = arith.constant 5 : i32
      %get3A_2687 = arith.constant 0 : i32
      %get3A_2688 = arith.index_cast %get3A_2686 : i32 to index
      %get3A_2689 = arith.index_cast %get3A_2687 : i32 to index
      %get3A_2690 = arith.constant 0 : index
      %get3A_2691 = tpu.vector_load %arg10[%get3A_2688, %get3A_2689, %get3A_2690] {strides = array<i32>} : memref<8x1x64xf32, #tpu.memory_space<vmem>>, vector<16xf32>,
      %mul3A_2692 = arith.mulf %get3A_2685, %get3A_2691 : vector<16xf32>
      %get3A_2693 = arith.constant 5 : i32
      %get3A_2694 = arith.constant 0 : i32
      %get3A_2695 = arith.index_cast %get3A_2693 : i32 to index
      %get3A_2696 = arith.index_cast %get3A_2694 : i32 to index
      %get3A_2697 = arith.constant 16 : index
      %get3A_2698 = tpu.vector_load %arg9[%get3A_2695, %get3A_2696, %get3A_2697] {strides = array<i32>} : memref<8x1x64xf32, #tpu.memory_space<vmem>>, vector<16xf32>,
      %get3A_2699 = arith.constant 5 : i32
      %get3A_2700 = arith.constant 0 : i32
      %get3A_2701 = arith.index_cast %get3A_2699 : i32 to index
      %get3A_2702 = arith.index_cast %get3A_2700 : i32 to index
      %get3A_2703 = arith.constant 16 : index
      %get3A_2704 = tpu.vector_load %arg10[%get3A_2701, %get3A_2702, %get3A_2703] {strides = array<i32>} : memref<8x1x64xf32, #tpu.memory_space<vmem>>, vector<16xf32>,
      %mul3A_2705 = arith.mulf %get3A_2698, %get3A_2704 : vector<16xf32>
      %add3A_2706 = arith.addf %mul3A_2692, %mul3A_2705 : vector<16xf32>
      %get3A_2707 = arith.constant 5 : i32
      %get3A_2708 = arith.constant 0 : i32
      %get3A_2709 = arith.index_cast %get3A_2707 : i32 to index
      %get3A_2710 = arith.index_cast %get3A_2708 : i32 to index
      %get3A_2711 = arith.constant 32 : index
      %get3A_2712 = tpu.vector_load %arg9[%get3A_2709, %get3A_2710, %get3A_2711] {strides = array<i32>} : memref<8x1x64xf32, #tpu.memory_space<vmem>>, vector<16xf32>,
      %get3A_2713 = arith.constant 5 : i32
      %get3A_2714 = arith.constant 0 : i32
      %get3A_2715 = arith.index_cast %get3A_2713 : i32 to index
      %get3A_2716 = arith.index_cast %get3A_2714 : i32 to index
      %get3A_2717 = arith.constant 32 : index
      %get3A_2718 = tpu.vector_load %arg10[%get3A_2715, %get3A_2716, %get3A_2717] {strides = array<i32>} : memref<8x1x64xf32, #tpu.memory_space<vmem>>, vector<16xf32>,
      %mul3A_2719 = arith.mulf %get3A_2712, %get3A_2718 : vector<16xf32>
      %add3A_2720 = arith.addf %add3A_2706, %mul3A_2719 : vector<16xf32>
      %get3A_2721 = arith.constant 5 : i32
      %get3A_2722 = arith.constant 0 : i32
      %get3A_2723 = arith.index_cast %get3A_2721 : i32 to index
      %get3A_2724 = arith.index_cast %get3A_2722 : i32 to index
      %get3A_2725 = arith.constant 48 : index
      %get3A_2726 = tpu.vector_load %arg9[%get3A_2723, %get3A_2724, %get3A_2725] {strides = array<i32>} : memref<8x1x64xf32, #tpu.memory_space<vmem>>, vector<16xf32>,
      %get3A_2727 = arith.constant 5 : i32
      %get3A_2728 = arith.constant 0 : i32
      %get3A_2729 = arith.index_cast %get3A_2727 : i32 to index
      %get3A_2730 = arith.index_cast %get3A_2728 : i32 to index
      %get3A_2731 = arith.constant 48 : index
      %get3A_2732 = tpu.vector_load %arg10[%get3A_2729, %get3A_2730, %get3A_2731] {strides = array<i32>} : memref<8x1x64xf32, #tpu.memory_space<vmem>>, vector<16xf32>,
      %mul3A_2733 = arith.mulf %get3A_2726, %get3A_2732 : vector<16xf32>
      %add3A_2734 = arith.addf %add3A_2720, %mul3A_2733 : vector<16xf32>
      %xor3A_2735 = arith.constant 8 : i32
      %xor3A_2736 = vector.broadcast %xor3A_2735 : i32 to vector<16xi32>
      %xor3A_2737 = arith.xori %iota3A, %xor3A_2736 : vector<16xi32>
      %broadcast_in_dim3A_2738 = vector.shape_cast %xor3A_2737 : vector<16xi32> to vector<16x1xi32>
      %gather3A_2739 = vector.shape_cast %broadcast_in_dim3A_2738 : vector<16x1xi32> to vector<16xi32>
      %gather3A_2740 = tpu.dynamic_gather %add3A_2734[%gather3A_2739] in [0] : vector<16xf32>, vector<16xi32> -> vector<16xf32>
      %add3A_2741 = arith.addf %add3A_2734, %gather3A_2740 : vector<16xf32>
      %xor3A_2742 = arith.constant 4 : i32
      %xor3A_2743 = vector.broadcast %xor3A_2742 : i32 to vector<16xi32>
      %xor3A_2744 = arith.xori %iota3A, %xor3A_2743 : vector<16xi32>
      %broadcast_in_dim3A_2745 = vector.shape_cast %xor3A_2744 : vector<16xi32> to vector<16x1xi32>
      %gather3A_2746 = vector.shape_cast %broadcast_in_dim3A_2745 : vector<16x1xi32> to vector<16xi32>
      %gather3A_2747 = tpu.dynamic_gather %add3A_2741[%gather3A_2746] in [0] : vector<16xf32>, vector<16xi32> -> vector<16xf32>
      %add3A_2748 = arith.addf %add3A_2741, %gather3A_2747 : vector<16xf32>
      %xor3A_2749 = arith.constant 2 : i32
      %xor3A_2750 = vector.broadcast %xor3A_2749 : i32 to vector<16xi32>
      %xor3A_2751 = arith.xori %iota3A, %xor3A_2750 : vector<16xi32>
      %broadcast_in_dim3A_2752 = vector.shape_cast %xor3A_2751 : vector<16xi32> to vector<16x1xi32>
      %gather3A_2753 = vector.shape_cast %broadcast_in_dim3A_2752 : vector<16x1xi32> to vector<16xi32>
      %gather3A_2754 = tpu.dynamic_gather %add3A_2748[%gather3A_2753] in [0] : vector<16xf32>, vector<16xi32> -> vector<16xf32>
      %add3A_2755 = arith.addf %add3A_2748, %gather3A_2754 : vector<16xf32>
      %xor3A_2756 = arith.constant 1 : i32
      %xor3A_2757 = vector.broadcast %xor3A_2756 : i32 to vector<16xi32>
      %xor3A_2758 = arith.xori %iota3A, %xor3A_2757 : vector<16xi32>
      %broadcast_in_dim3A_2759 = vector.shape_cast %xor3A_2758 : vector<16xi32> to vector<16x1xi32>
      %gather3A_2760 = vector.shape_cast %broadcast_in_dim3A_2759 : vector<16x1xi32> to vector<16xi32>
      %gather3A_2761 = tpu.dynamic_gather %add3A_2755[%gather3A_2760] in [0] : vector<16xf32>, vector<16xi32> -> vector<16xf32>
      %add3A_2762 = arith.addf %add3A_2755, %gather3A_2761 : vector<16xf32>
      %eq3A_2763 = arith.constant 13 : i32
      %eq3A_2764 = vector.broadcast %eq3A_2763 : i32 to vector<16xi32>
      %eq3A_2765 = arith.cmpi eq, %iota3A, %eq3A_2764 : vector<16xi32>
      %select_n3A_2766 = arith.select %eq3A_2765, %add3A_2762, %select_n3A_2638 : vector<16xi1>, vector<16xf32>
      %lt3A_2767 = arith.constant 31 : i32
      %lt3A_2768 = arith.cmpi slt, %scan3A_495, %lt3A_2767 : i32
      %convert_element_type3A_2769 = arith.extui %lt3A_2768 : i1 to i32
      %cond3A_2770 = arith.constant 0 : i32
      %cond3A_2771 = arith.cmpi ne, %convert_element_type3A_2769, %cond3A_2770 : i32
      scf.if %cond3A_2771 {
        %add3A_3031 = arith.constant 1 : i32
        %add3A_3032 = arith.addi %scan3A_495, %add3A_3031 : i32
        %mul3A_3033 = arith.constant 16 : i32
        %mul3A_3034 = arith.muli %add3A_3032, %mul3A_3033 : i32
        %get3A_3035 = arith.index_cast %mul3A_3034 : i32 to index
        %get3A_3036 = tpu.vector_load %arg7[%get3A_3035] {strides = array<i32>} : memref<512xi32, #tpu.memory_space<vmem>>, vector<16xi32>,
        %eq3A_3037 = arith.constant 5 : i32
        %eq3A_3038 = vector.broadcast %eq3A_3037 : i32 to vector<16xi32>
        %eq3A_3039 = arith.cmpi eq, %iota3A, %eq3A_3038 : vector<16xi32>
        %jit3A_3040 = arith.constant 0 : i32
        %broadcast_in_dim3A_3041 = vector.broadcast %jit3A_3040 : i32 to vector<16xi32>
        %select_n3A_3042 = arith.select %eq3A_3039, %get3A_3036, %broadcast_in_dim3A_3041 : vector<16xi1>, vector<16xi32>
        %reduce_sum3A_3043 = arith.constant true
        %reduce_sum3A_3044 = vector.broadcast %reduce_sum3A_3043 : i1 to vector<16xi1>
        %reduce_sum3A_3045 = tpu.scan <sum>, %select_n3A_3042 masked %reduce_sum3A_3044 : vector<16xi32>, vector<16xi1> -> vector<16xi32>
        %reduce_sum3A_3046 = vector.extract %reduce_sum3A_3045[15] : i32 from vector<16xi32>
        %mul3A_3047 = arith.constant 16 : i32
        %mul3A_3048 = arith.muli %add3A_3032, %mul3A_3047 : i32
        %get3A_3049 = arith.index_cast %mul3A_3048 : i32 to index
        %get3A_3050 = tpu.vector_load %arg8[%get3A_3049] {strides = array<i32>} : memref<512xi32, #tpu.memory_space<vmem>>, vector<16xi32>,
        %eq3A_3051 = arith.constant 5 : i32
        %eq3A_3052 = vector.broadcast %eq3A_3051 : i32 to vector<16xi32>
        %eq3A_3053 = arith.cmpi eq, %iota3A, %eq3A_3052 : vector<16xi32>
        %jit3A_3054 = arith.constant 0 : i32
        %broadcast_in_dim3A_3055 = vector.broadcast %jit3A_3054 : i32 to vector<16xi32>
        %select_n3A_3056 = arith.select %eq3A_3053, %get3A_3050, %broadcast_in_dim3A_3055 : vector<16xi1>, vector<16xi32>
        %reduce_sum3A_3057 = arith.constant true
        %reduce_sum3A_3058 = vector.broadcast %reduce_sum3A_3057 : i1 to vector<16xi1>
        %reduce_sum3A_3059 = tpu.scan <sum>, %select_n3A_3056 masked %reduce_sum3A_3058 : vector<16xi32>, vector<16xi1> -> vector<16xi32>
        %reduce_sum3A_3060 = vector.extract %reduce_sum3A_3059[15] : i32 from vector<16xi32>
        %shift_right_arithmetic3A_3061 = arith.constant 3 : i32
        %shift_right_arithmetic3A_3062 = arith.shrsi %reduce_sum3A_3046, %shift_right_arithmetic3A_3061 : i32
        %and3A_3063 = arith.constant 7 : i32
        %and3A_3064 = arith.andi %reduce_sum3A_3046, %and3A_3063 : i32
        %dma_start3A_3065 = arith.constant 5 : i32
        %dma_start3A_3066 = arith.constant 0 : i32
        %dma_start3A_3067 = arith.constant 0 : i32
        %dma_start3A_3068 = tpu.memref_slice %arg9[%dma_start3A_3065, %dma_start3A_3066, %dma_start3A_3067] : memref<8x1x64xf32, #tpu.memory_space<vmem>> -> memref<1x1x64xf32, #tpu.memory_space<vmem>>
        %dma_start3A_3069 = tpu.memref_squeeze %dma_start3A_3068 : memref<1x1x64xf32, #tpu.memory_space<vmem>> -> memref<1x64xf32, #tpu.memory_space<vmem>>
        %dma_start3A_3070 = arith.constant 0 : i32
        %dma_start3A_3071 = tpu.memref_slice %arg4[%shift_right_arithmetic3A_3062, %and3A_3064, %dma_start3A_3070] : memref<125000x8x64xf32, #tpu.memory_space<hbm>> -> memref<1x1x64xf32, #tpu.memory_space<hbm>>
        %dma_start3A_3072 = tpu.memref_squeeze %dma_start3A_3071 : memref<1x1x64xf32, #tpu.memory_space<hbm>> -> memref<1x64xf32, #tpu.memory_space<hbm>>
        %dma_start3A_3073 = arith.constant 0 : i32
        %dma_start3A_3074 = arith.constant 0 : i32
        %dma_start3A_3075 = tpu.memref_slice %arg9[%dma_start3A_3065, %dma_start3A_3073, %dma_start3A_3074] : memref<8x1x64xf32, #tpu.memory_space<vmem>> -> memref<1x1x64xf32, #tpu.memory_space<vmem>>
        %dma_start3A_3076 = tpu.memref_squeeze %dma_start3A_3075 : memref<1x1x64xf32, #tpu.memory_space<vmem>> -> memref<1x64xf32, #tpu.memory_space<vmem>>
        %dma_start3A_3077 = arith.constant 0 : i32
        %dma_start3A_3078 = tpu.memref_slice %arg4[%shift_right_arithmetic3A_3062, %and3A_3064, %dma_start3A_3077] : memref<125000x8x64xf32, #tpu.memory_space<hbm>> -> memref<1x1x64xf32, #tpu.memory_space<hbm>>
        %dma_start3A_3079 = tpu.memref_squeeze %dma_start3A_3078 : memref<1x1x64xf32, #tpu.memory_space<hbm>> -> memref<1x64xf32, #tpu.memory_space<hbm>>
        tpu.enqueue_dma source(%dma_start3A_3079 : memref<1x64xf32, #tpu.memory_space<hbm>>) target(%dma_start3A_3076 : memref<1x64xf32, #tpu.memory_space<vmem>>) target_semaphore(%arg17 : memref<!tpu.dma_semaphore, #tpu.memory_space<semaphore_mem>>)
        %shift_right_arithmetic3A_3080 = arith.constant 3 : i32
        %shift_right_arithmetic3A_3081 = arith.shrsi %reduce_sum3A_3060, %shift_right_arithmetic3A_3080 : i32
        %and3A_3082 = arith.constant 7 : i32
        %and3A_3083 = arith.andi %reduce_sum3A_3060, %and3A_3082 : i32
        %dma_start3A_3084 = arith.constant 5 : i32
        %dma_start3A_3085 = arith.constant 0 : i32
        %dma_start3A_3086 = arith.constant 0 : i32
        %dma_start3A_3087 = tpu.memref_slice %arg10[%dma_start3A_3084, %dma_start3A_3085, %dma_start3A_3086] : memref<8x1x64xf32, #tpu.memory_space<vmem>> -> memref<1x1x64xf32, #tpu.memory_space<vmem>>
        %dma_start3A_3088 = tpu.memref_squeeze %dma_start3A_3087 : memref<1x1x64xf32, #tpu.memory_space<vmem>> -> memref<1x64xf32, #tpu.memory_space<vmem>>
        %dma_start3A_3089 = arith.constant 0 : i32
        %dma_start3A_3090 = tpu.memref_slice %arg5[%shift_right_arithmetic3A_3081, %and3A_3083, %dma_start3A_3089] : memref<125000x8x64xf32, #tpu.memory_space<hbm>> -> memref<1x1x64xf32, #tpu.memory_space<hbm>>
        %dma_start3A_3091 = tpu.memref_squeeze %dma_start3A_3090 : memref<1x1x64xf32, #tpu.memory_space<hbm>> -> memref<1x64xf32, #tpu.memory_space<hbm>>
        %dma_start3A_3092 = arith.constant 0 : i32
        %dma_start3A_3093 = arith.constant 0 : i32
        %dma_start3A_3094 = tpu.memref_slice %arg10[%dma_start3A_3084, %dma_start3A_3092, %dma_start3A_3093] : memref<8x1x64xf32, #tpu.memory_space<vmem>> -> memref<1x1x64xf32, #tpu.memory_space<vmem>>
        %dma_start3A_3095 = tpu.memref_squeeze %dma_start3A_3094 : memref<1x1x64xf32, #tpu.memory_space<vmem>> -> memref<1x64xf32, #tpu.memory_space<vmem>>
        %dma_start3A_3096 = arith.constant 0 : i32
        %dma_start3A_3097 = tpu.memref_slice %arg5[%shift_right_arithmetic3A_3081, %and3A_3083, %dma_start3A_3096] : memref<125000x8x64xf32, #tpu.memory_space<hbm>> -> memref<1x1x64xf32, #tpu.memory_space<hbm>>
        %dma_start3A_3098 = tpu.memref_squeeze %dma_start3A_3097 : memref<1x1x64xf32, #tpu.memory_space<hbm>> -> memref<1x64xf32, #tpu.memory_space<hbm>>
        tpu.enqueue_dma source(%dma_start3A_3098 : memref<1x64xf32, #tpu.memory_space<hbm>>) target(%dma_start3A_3095 : memref<1x64xf32, #tpu.memory_space<vmem>>) target_semaphore(%arg25 : memref<!tpu.dma_semaphore, #tpu.memory_space<semaphore_mem>>)
      } else {
      }
      %dma_wait3A_2772 = arith.constant 0 : i32
      %dma_wait3A_2773 = arith.constant 6 : i32
      %dma_wait3A_2774 = arith.constant 0 : i32
      %dma_wait3A_2775 = arith.constant 0 : i32
      %dma_wait3A_2776 = tpu.memref_slice %arg9[%dma_wait3A_2773, %dma_wait3A_2774, %dma_wait3A_2775] : memref<8x1x64xf32, #tpu.memory_space<vmem>> -> memref<1x1x64xf32, #tpu.memory_space<vmem>>
      %dma_wait3A_2777 = tpu.memref_squeeze %dma_wait3A_2776 : memref<1x1x64xf32, #tpu.memory_space<vmem>> -> memref<1x64xf32, #tpu.memory_space<vmem>>
      %dma_wait3A_2778 = arith.constant 0 : i32
      %dma_wait3A_2779 = arith.constant 0 : i32
      %dma_wait3A_2780 = tpu.memref_slice %arg4[%dma_wait3A_2772, %dma_wait3A_2778, %dma_wait3A_2779] : memref<125000x8x64xf32, #tpu.memory_space<hbm>> -> memref<1x1x64xf32, #tpu.memory_space<hbm>>
      %dma_wait3A_2781 = tpu.memref_squeeze %dma_wait3A_2780 : memref<1x1x64xf32, #tpu.memory_space<hbm>> -> memref<1x64xf32, #tpu.memory_space<hbm>>
      %dma_wait3A_2782 = arith.constant 0 : i32
      %dma_wait3A_2783 = arith.constant 0 : i32
      %dma_wait3A_2784 = tpu.memref_slice %arg9[%dma_wait3A_2773, %dma_wait3A_2782, %dma_wait3A_2783] : memref<8x1x64xf32, #tpu.memory_space<vmem>> -> memref<1x1x64xf32, #tpu.memory_space<vmem>>
      %dma_wait3A_2785 = tpu.memref_squeeze %dma_wait3A_2784 : memref<1x1x64xf32, #tpu.memory_space<vmem>> -> memref<1x64xf32, #tpu.memory_space<vmem>>
      %dma_wait3A_2786 = arith.constant 0 : i32
      %dma_wait3A_2787 = arith.constant 0 : i32
      %dma_wait3A_2788 = tpu.memref_slice %arg4[%dma_wait3A_2772, %dma_wait3A_2786, %dma_wait3A_2787] : memref<125000x8x64xf32, #tpu.memory_space<hbm>> -> memref<1x1x64xf32, #tpu.memory_space<hbm>>
      %dma_wait3A_2789 = tpu.memref_squeeze %dma_wait3A_2788 : memref<1x1x64xf32, #tpu.memory_space<hbm>> -> memref<1x64xf32, #tpu.memory_space<hbm>>
      tpu.wait_dma2 semaphore(%arg18 : memref<!tpu.dma_semaphore, #tpu.memory_space<semaphore_mem>>) src(%dma_wait3A_2789 : memref<1x64xf32, #tpu.memory_space<hbm>>) dst(%dma_wait3A_2785 : memref<1x64xf32, #tpu.memory_space<vmem>>)
      %dma_wait3A_2790 = arith.constant 0 : i32
      %dma_wait3A_2791 = arith.constant 6 : i32
      %dma_wait3A_2792 = arith.constant 0 : i32
      %dma_wait3A_2793 = arith.constant 0 : i32
      %dma_wait3A_2794 = tpu.memref_slice %arg10[%dma_wait3A_2791, %dma_wait3A_2792, %dma_wait3A_2793] : memref<8x1x64xf32, #tpu.memory_space<vmem>> -> memref<1x1x64xf32, #tpu.memory_space<vmem>>
      %dma_wait3A_2795 = tpu.memref_squeeze %dma_wait3A_2794 : memref<1x1x64xf32, #tpu.memory_space<vmem>> -> memref<1x64xf32, #tpu.memory_space<vmem>>
      %dma_wait3A_2796 = arith.constant 0 : i32
      %dma_wait3A_2797 = arith.constant 0 : i32
      %dma_wait3A_2798 = tpu.memref_slice %arg5[%dma_wait3A_2790, %dma_wait3A_2796, %dma_wait3A_2797] : memref<125000x8x64xf32, #tpu.memory_space<hbm>> -> memref<1x1x64xf32, #tpu.memory_space<hbm>>
      %dma_wait3A_2799 = tpu.memref_squeeze %dma_wait3A_2798 : memref<1x1x64xf32, #tpu.memory_space<hbm>> -> memref<1x64xf32, #tpu.memory_space<hbm>>
      %dma_wait3A_2800 = arith.constant 0 : i32
      %dma_wait3A_2801 = arith.constant 0 : i32
      %dma_wait3A_2802 = tpu.memref_slice %arg10[%dma_wait3A_2791, %dma_wait3A_2800, %dma_wait3A_2801] : memref<8x1x64xf32, #tpu.memory_space<vmem>> -> memref<1x1x64xf32, #tpu.memory_space<vmem>>
      %dma_wait3A_2803 = tpu.memref_squeeze %dma_wait3A_2802 : memref<1x1x64xf32, #tpu.memory_space<vmem>> -> memref<1x64xf32, #tpu.memory_space<vmem>>
      %dma_wait3A_2804 = arith.constant 0 : i32
      %dma_wait3A_2805 = arith.constant 0 : i32
      %dma_wait3A_2806 = tpu.memref_slice %arg5[%dma_wait3A_2790, %dma_wait3A_2804, %dma_wait3A_2805] : memref<125000x8x64xf32, #tpu.memory_space<hbm>> -> memref<1x1x64xf32, #tpu.memory_space<hbm>>
      %dma_wait3A_2807 = tpu.memref_squeeze %dma_wait3A_2806 : memref<1x1x64xf32, #tpu.memory_space<hbm>> -> memref<1x64xf32, #tpu.memory_space<hbm>>
      tpu.wait_dma2 semaphore(%arg26 : memref<!tpu.dma_semaphore, #tpu.memory_space<semaphore_mem>>) src(%dma_wait3A_2807 : memref<1x64xf32, #tpu.memory_space<hbm>>) dst(%dma_wait3A_2803 : memref<1x64xf32, #tpu.memory_space<vmem>>)
      %get3A_2808 = arith.constant 6 : i32
      %get3A_2809 = arith.constant 0 : i32
      %get3A_2810 = arith.index_cast %get3A_2808 : i32 to index
      %get3A_2811 = arith.index_cast %get3A_2809 : i32 to index
      %get3A_2812 = arith.constant 0 : index
      %get3A_2813 = tpu.vector_load %arg9[%get3A_2810, %get3A_2811, %get3A_2812] {strides = array<i32>} : memref<8x1x64xf32, #tpu.memory_space<vmem>>, vector<16xf32>,
      %get3A_2814 = arith.constant 6 : i32
      %get3A_2815 = arith.constant 0 : i32
      %get3A_2816 = arith.index_cast %get3A_2814 : i32 to index
      %get3A_2817 = arith.index_cast %get3A_2815 : i32 to index
      %get3A_2818 = arith.constant 0 : index
      %get3A_2819 = tpu.vector_load %arg10[%get3A_2816, %get3A_2817, %get3A_2818] {strides = array<i32>} : memref<8x1x64xf32, #tpu.memory_space<vmem>>, vector<16xf32>,
      %mul3A_2820 = arith.mulf %get3A_2813, %get3A_2819 : vector<16xf32>
      %get3A_2821 = arith.constant 6 : i32
      %get3A_2822 = arith.constant 0 : i32
      %get3A_2823 = arith.index_cast %get3A_2821 : i32 to index
      %get3A_2824 = arith.index_cast %get3A_2822 : i32 to index
      %get3A_2825 = arith.constant 16 : index
      %get3A_2826 = tpu.vector_load %arg9[%get3A_2823, %get3A_2824, %get3A_2825] {strides = array<i32>} : memref<8x1x64xf32, #tpu.memory_space<vmem>>, vector<16xf32>,
      %get3A_2827 = arith.constant 6 : i32
      %get3A_2828 = arith.constant 0 : i32
      %get3A_2829 = arith.index_cast %get3A_2827 : i32 to index
      %get3A_2830 = arith.index_cast %get3A_2828 : i32 to index
      %get3A_2831 = arith.constant 16 : index
      %get3A_2832 = tpu.vector_load %arg10[%get3A_2829, %get3A_2830, %get3A_2831] {strides = array<i32>} : memref<8x1x64xf32, #tpu.memory_space<vmem>>, vector<16xf32>,
      %mul3A_2833 = arith.mulf %get3A_2826, %get3A_2832 : vector<16xf32>
      %add3A_2834 = arith.addf %mul3A_2820, %mul3A_2833 : vector<16xf32>
      %get3A_2835 = arith.constant 6 : i32
      %get3A_2836 = arith.constant 0 : i32
      %get3A_2837 = arith.index_cast %get3A_2835 : i32 to index
      %get3A_2838 = arith.index_cast %get3A_2836 : i32 to index
      %get3A_2839 = arith.constant 32 : index
      %get3A_2840 = tpu.vector_load %arg9[%get3A_2837, %get3A_2838, %get3A_2839] {strides = array<i32>} : memref<8x1x64xf32, #tpu.memory_space<vmem>>, vector<16xf32>,
      %get3A_2841 = arith.constant 6 : i32
      %get3A_2842 = arith.constant 0 : i32
      %get3A_2843 = arith.index_cast %get3A_2841 : i32 to index
      %get3A_2844 = arith.index_cast %get3A_2842 : i32 to index
      %get3A_2845 = arith.constant 32 : index
      %get3A_2846 = tpu.vector_load %arg10[%get3A_2843, %get3A_2844, %get3A_2845] {strides = array<i32>} : memref<8x1x64xf32, #tpu.memory_space<vmem>>, vector<16xf32>,
      %mul3A_2847 = arith.mulf %get3A_2840, %get3A_2846 : vector<16xf32>
      %add3A_2848 = arith.addf %add3A_2834, %mul3A_2847 : vector<16xf32>
      %get3A_2849 = arith.constant 6 : i32
      %get3A_2850 = arith.constant 0 : i32
      %get3A_2851 = arith.index_cast %get3A_2849 : i32 to index
      %get3A_2852 = arith.index_cast %get3A_2850 : i32 to index
      %get3A_2853 = arith.constant 48 : index
      %get3A_2854 = tpu.vector_load %arg9[%get3A_2851, %get3A_2852, %get3A_2853] {strides = array<i32>} : memref<8x1x64xf32, #tpu.memory_space<vmem>>, vector<16xf32>,
      %get3A_2855 = arith.constant 6 : i32
      %get3A_2856 = arith.constant 0 : i32
      %get3A_2857 = arith.index_cast %get3A_2855 : i32 to index
      %get3A_2858 = arith.index_cast %get3A_2856 : i32 to index
      %get3A_2859 = arith.constant 48 : index
      %get3A_2860 = tpu.vector_load %arg10[%get3A_2857, %get3A_2858, %get3A_2859] {strides = array<i32>} : memref<8x1x64xf32, #tpu.memory_space<vmem>>, vector<16xf32>,
      %mul3A_2861 = arith.mulf %get3A_2854, %get3A_2860 : vector<16xf32>
      %add3A_2862 = arith.addf %add3A_2848, %mul3A_2861 : vector<16xf32>
      %xor3A_2863 = arith.constant 8 : i32
      %xor3A_2864 = vector.broadcast %xor3A_2863 : i32 to vector<16xi32>
      %xor3A_2865 = arith.xori %iota3A, %xor3A_2864 : vector<16xi32>
      %broadcast_in_dim3A_2866 = vector.shape_cast %xor3A_2865 : vector<16xi32> to vector<16x1xi32>
      %gather3A_2867 = vector.shape_cast %broadcast_in_dim3A_2866 : vector<16x1xi32> to vector<16xi32>
      %gather3A_2868 = tpu.dynamic_gather %add3A_2862[%gather3A_2867] in [0] : vector<16xf32>, vector<16xi32> -> vector<16xf32>
      %add3A_2869 = arith.addf %add3A_2862, %gather3A_2868 : vector<16xf32>
      %xor3A_2870 = arith.constant 4 : i32
      %xor3A_2871 = vector.broadcast %xor3A_2870 : i32 to vector<16xi32>
      %xor3A_2872 = arith.xori %iota3A, %xor3A_2871 : vector<16xi32>
      %broadcast_in_dim3A_2873 = vector.shape_cast %xor3A_2872 : vector<16xi32> to vector<16x1xi32>
      %gather3A_2874 = vector.shape_cast %broadcast_in_dim3A_2873 : vector<16x1xi32> to vector<16xi32>
      %gather3A_2875 = tpu.dynamic_gather %add3A_2869[%gather3A_2874] in [0] : vector<16xf32>, vector<16xi32> -> vector<16xf32>
      %add3A_2876 = arith.addf %add3A_2869, %gather3A_2875 : vector<16xf32>
      %xor3A_2877 = arith.constant 2 : i32
      %xor3A_2878 = vector.broadcast %xor3A_2877 : i32 to vector<16xi32>
      %xor3A_2879 = arith.xori %iota3A, %xor3A_2878 : vector<16xi32>
      %broadcast_in_dim3A_2880 = vector.shape_cast %xor3A_2879 : vector<16xi32> to vector<16x1xi32>
      %gather3A_2881 = vector.shape_cast %broadcast_in_dim3A_2880 : vector<16x1xi32> to vector<16xi32>
      %gather3A_2882 = tpu.dynamic_gather %add3A_2876[%gather3A_2881] in [0] : vector<16xf32>, vector<16xi32> -> vector<16xf32>
      %add3A_2883 = arith.addf %add3A_2876, %gather3A_2882 : vector<16xf32>
      %xor3A_2884 = arith.constant 1 : i32
      %xor3A_2885 = vector.broadcast %xor3A_2884 : i32 to vector<16xi32>
      %xor3A_2886 = arith.xori %iota3A, %xor3A_2885 : vector<16xi32>
      %broadcast_in_dim3A_2887 = vector.shape_cast %xor3A_2886 : vector<16xi32> to vector<16x1xi32>
      %gather3A_2888 = vector.shape_cast %broadcast_in_dim3A_2887 : vector<16x1xi32> to vector<16xi32>
      %gather3A_2889 = tpu.dynamic_gather %add3A_2883[%gather3A_2888] in [0] : vector<16xf32>, vector<16xi32> -> vector<16xf32>
      %add3A_2890 = arith.addf %add3A_2883, %gather3A_2889 : vector<16xf32>
      %eq3A_2891 = arith.constant 14 : i32
      %eq3A_2892 = vector.broadcast %eq3A_2891 : i32 to vector<16xi32>
      %eq3A_2893 = arith.cmpi eq, %iota3A, %eq3A_2892 : vector<16xi32>
      %select_n3A_2894 = arith.select %eq3A_2893, %add3A_2890, %select_n3A_2766 : vector<16xi1>, vector<16xf32>
      %lt3A_2895 = arith.constant 31 : i32
      %lt3A_2896 = arith.cmpi slt, %scan3A_495, %lt3A_2895 : i32
      %convert_element_type3A_2897 = arith.extui %lt3A_2896 : i1 to i32
      %cond3A_2898 = arith.constant 0 : i32
      %cond3A_2899 = arith.cmpi ne, %convert_element_type3A_2897, %cond3A_2898 : i32
      scf.if %cond3A_2899 {
        %add3A_3031 = arith.constant 1 : i32
        %add3A_3032 = arith.addi %scan3A_495, %add3A_3031 : i32
        %mul3A_3033 = arith.constant 16 : i32
        %mul3A_3034 = arith.muli %add3A_3032, %mul3A_3033 : i32
        %get3A_3035 = arith.index_cast %mul3A_3034 : i32 to index
        %get3A_3036 = tpu.vector_load %arg7[%get3A_3035] {strides = array<i32>} : memref<512xi32, #tpu.memory_space<vmem>>, vector<16xi32>,
        %eq3A_3037 = arith.constant 6 : i32
        %eq3A_3038 = vector.broadcast %eq3A_3037 : i32 to vector<16xi32>
        %eq3A_3039 = arith.cmpi eq, %iota3A, %eq3A_3038 : vector<16xi32>
        %jit3A_3040 = arith.constant 0 : i32
        %broadcast_in_dim3A_3041 = vector.broadcast %jit3A_3040 : i32 to vector<16xi32>
        %select_n3A_3042 = arith.select %eq3A_3039, %get3A_3036, %broadcast_in_dim3A_3041 : vector<16xi1>, vector<16xi32>
        %reduce_sum3A_3043 = arith.constant true
        %reduce_sum3A_3044 = vector.broadcast %reduce_sum3A_3043 : i1 to vector<16xi1>
        %reduce_sum3A_3045 = tpu.scan <sum>, %select_n3A_3042 masked %reduce_sum3A_3044 : vector<16xi32>, vector<16xi1> -> vector<16xi32>
        %reduce_sum3A_3046 = vector.extract %reduce_sum3A_3045[15] : i32 from vector<16xi32>
        %mul3A_3047 = arith.constant 16 : i32
        %mul3A_3048 = arith.muli %add3A_3032, %mul3A_3047 : i32
        %get3A_3049 = arith.index_cast %mul3A_3048 : i32 to index
        %get3A_3050 = tpu.vector_load %arg8[%get3A_3049] {strides = array<i32>} : memref<512xi32, #tpu.memory_space<vmem>>, vector<16xi32>,
        %eq3A_3051 = arith.constant 6 : i32
        %eq3A_3052 = vector.broadcast %eq3A_3051 : i32 to vector<16xi32>
        %eq3A_3053 = arith.cmpi eq, %iota3A, %eq3A_3052 : vector<16xi32>
        %jit3A_3054 = arith.constant 0 : i32
        %broadcast_in_dim3A_3055 = vector.broadcast %jit3A_3054 : i32 to vector<16xi32>
        %select_n3A_3056 = arith.select %eq3A_3053, %get3A_3050, %broadcast_in_dim3A_3055 : vector<16xi1>, vector<16xi32>
        %reduce_sum3A_3057 = arith.constant true
        %reduce_sum3A_3058 = vector.broadcast %reduce_sum3A_3057 : i1 to vector<16xi1>
        %reduce_sum3A_3059 = tpu.scan <sum>, %select_n3A_3056 masked %reduce_sum3A_3058 : vector<16xi32>, vector<16xi1> -> vector<16xi32>
        %reduce_sum3A_3060 = vector.extract %reduce_sum3A_3059[15] : i32 from vector<16xi32>
        %shift_right_arithmetic3A_3061 = arith.constant 3 : i32
        %shift_right_arithmetic3A_3062 = arith.shrsi %reduce_sum3A_3046, %shift_right_arithmetic3A_3061 : i32
        %and3A_3063 = arith.constant 7 : i32
        %and3A_3064 = arith.andi %reduce_sum3A_3046, %and3A_3063 : i32
        %dma_start3A_3065 = arith.constant 6 : i32
        %dma_start3A_3066 = arith.constant 0 : i32
        %dma_start3A_3067 = arith.constant 0 : i32
        %dma_start3A_3068 = tpu.memref_slice %arg9[%dma_start3A_3065, %dma_start3A_3066, %dma_start3A_3067] : memref<8x1x64xf32, #tpu.memory_space<vmem>> -> memref<1x1x64xf32, #tpu.memory_space<vmem>>
        %dma_start3A_3069 = tpu.memref_squeeze %dma_start3A_3068 : memref<1x1x64xf32, #tpu.memory_space<vmem>> -> memref<1x64xf32, #tpu.memory_space<vmem>>
        %dma_start3A_3070 = arith.constant 0 : i32
        %dma_start3A_3071 = tpu.memref_slice %arg4[%shift_right_arithmetic3A_3062, %and3A_3064, %dma_start3A_3070] : memref<125000x8x64xf32, #tpu.memory_space<hbm>> -> memref<1x1x64xf32, #tpu.memory_space<hbm>>
        %dma_start3A_3072 = tpu.memref_squeeze %dma_start3A_3071 : memref<1x1x64xf32, #tpu.memory_space<hbm>> -> memref<1x64xf32, #tpu.memory_space<hbm>>
        %dma_start3A_3073 = arith.constant 0 : i32
        %dma_start3A_3074 = arith.constant 0 : i32
        %dma_start3A_3075 = tpu.memref_slice %arg9[%dma_start3A_3065, %dma_start3A_3073, %dma_start3A_3074] : memref<8x1x64xf32, #tpu.memory_space<vmem>> -> memref<1x1x64xf32, #tpu.memory_space<vmem>>
        %dma_start3A_3076 = tpu.memref_squeeze %dma_start3A_3075 : memref<1x1x64xf32, #tpu.memory_space<vmem>> -> memref<1x64xf32, #tpu.memory_space<vmem>>
        %dma_start3A_3077 = arith.constant 0 : i32
        %dma_start3A_3078 = tpu.memref_slice %arg4[%shift_right_arithmetic3A_3062, %and3A_3064, %dma_start3A_3077] : memref<125000x8x64xf32, #tpu.memory_space<hbm>> -> memref<1x1x64xf32, #tpu.memory_space<hbm>>
        %dma_start3A_3079 = tpu.memref_squeeze %dma_start3A_3078 : memref<1x1x64xf32, #tpu.memory_space<hbm>> -> memref<1x64xf32, #tpu.memory_space<hbm>>
        tpu.enqueue_dma source(%dma_start3A_3079 : memref<1x64xf32, #tpu.memory_space<hbm>>) target(%dma_start3A_3076 : memref<1x64xf32, #tpu.memory_space<vmem>>) target_semaphore(%arg18 : memref<!tpu.dma_semaphore, #tpu.memory_space<semaphore_mem>>)
        %shift_right_arithmetic3A_3080 = arith.constant 3 : i32
        %shift_right_arithmetic3A_3081 = arith.shrsi %reduce_sum3A_3060, %shift_right_arithmetic3A_3080 : i32
        %and3A_3082 = arith.constant 7 : i32
        %and3A_3083 = arith.andi %reduce_sum3A_3060, %and3A_3082 : i32
        %dma_start3A_3084 = arith.constant 6 : i32
        %dma_start3A_3085 = arith.constant 0 : i32
        %dma_start3A_3086 = arith.constant 0 : i32
        %dma_start3A_3087 = tpu.memref_slice %arg10[%dma_start3A_3084, %dma_start3A_3085, %dma_start3A_3086] : memref<8x1x64xf32, #tpu.memory_space<vmem>> -> memref<1x1x64xf32, #tpu.memory_space<vmem>>
        %dma_start3A_3088 = tpu.memref_squeeze %dma_start3A_3087 : memref<1x1x64xf32, #tpu.memory_space<vmem>> -> memref<1x64xf32, #tpu.memory_space<vmem>>
        %dma_start3A_3089 = arith.constant 0 : i32
        %dma_start3A_3090 = tpu.memref_slice %arg5[%shift_right_arithmetic3A_3081, %and3A_3083, %dma_start3A_3089] : memref<125000x8x64xf32, #tpu.memory_space<hbm>> -> memref<1x1x64xf32, #tpu.memory_space<hbm>>
        %dma_start3A_3091 = tpu.memref_squeeze %dma_start3A_3090 : memref<1x1x64xf32, #tpu.memory_space<hbm>> -> memref<1x64xf32, #tpu.memory_space<hbm>>
        %dma_start3A_3092 = arith.constant 0 : i32
        %dma_start3A_3093 = arith.constant 0 : i32
        %dma_start3A_3094 = tpu.memref_slice %arg10[%dma_start3A_3084, %dma_start3A_3092, %dma_start3A_3093] : memref<8x1x64xf32, #tpu.memory_space<vmem>> -> memref<1x1x64xf32, #tpu.memory_space<vmem>>
        %dma_start3A_3095 = tpu.memref_squeeze %dma_start3A_3094 : memref<1x1x64xf32, #tpu.memory_space<vmem>> -> memref<1x64xf32, #tpu.memory_space<vmem>>
        %dma_start3A_3096 = arith.constant 0 : i32
        %dma_start3A_3097 = tpu.memref_slice %arg5[%shift_right_arithmetic3A_3081, %and3A_3083, %dma_start3A_3096] : memref<125000x8x64xf32, #tpu.memory_space<hbm>> -> memref<1x1x64xf32, #tpu.memory_space<hbm>>
        %dma_start3A_3098 = tpu.memref_squeeze %dma_start3A_3097 : memref<1x1x64xf32, #tpu.memory_space<hbm>> -> memref<1x64xf32, #tpu.memory_space<hbm>>
        tpu.enqueue_dma source(%dma_start3A_3098 : memref<1x64xf32, #tpu.memory_space<hbm>>) target(%dma_start3A_3095 : memref<1x64xf32, #tpu.memory_space<vmem>>) target_semaphore(%arg26 : memref<!tpu.dma_semaphore, #tpu.memory_space<semaphore_mem>>)
      } else {
      }
      %dma_wait3A_2900 = arith.constant 0 : i32
      %dma_wait3A_2901 = arith.constant 7 : i32
      %dma_wait3A_2902 = arith.constant 0 : i32
      %dma_wait3A_2903 = arith.constant 0 : i32
      %dma_wait3A_2904 = tpu.memref_slice %arg9[%dma_wait3A_2901, %dma_wait3A_2902, %dma_wait3A_2903] : memref<8x1x64xf32, #tpu.memory_space<vmem>> -> memref<1x1x64xf32, #tpu.memory_space<vmem>>
      %dma_wait3A_2905 = tpu.memref_squeeze %dma_wait3A_2904 : memref<1x1x64xf32, #tpu.memory_space<vmem>> -> memref<1x64xf32, #tpu.memory_space<vmem>>
      %dma_wait3A_2906 = arith.constant 0 : i32
      %dma_wait3A_2907 = arith.constant 0 : i32
      %dma_wait3A_2908 = tpu.memref_slice %arg4[%dma_wait3A_2900, %dma_wait3A_2906, %dma_wait3A_2907] : memref<125000x8x64xf32, #tpu.memory_space<hbm>> -> memref<1x1x64xf32, #tpu.memory_space<hbm>>
      %dma_wait3A_2909 = tpu.memref_squeeze %dma_wait3A_2908 : memref<1x1x64xf32, #tpu.memory_space<hbm>> -> memref<1x64xf32, #tpu.memory_space<hbm>>
      %dma_wait3A_2910 = arith.constant 0 : i32
      %dma_wait3A_2911 = arith.constant 0 : i32
      %dma_wait3A_2912 = tpu.memref_slice %arg9[%dma_wait3A_2901, %dma_wait3A_2910, %dma_wait3A_2911] : memref<8x1x64xf32, #tpu.memory_space<vmem>> -> memref<1x1x64xf32, #tpu.memory_space<vmem>>
      %dma_wait3A_2913 = tpu.memref_squeeze %dma_wait3A_2912 : memref<1x1x64xf32, #tpu.memory_space<vmem>> -> memref<1x64xf32, #tpu.memory_space<vmem>>
      %dma_wait3A_2914 = arith.constant 0 : i32
      %dma_wait3A_2915 = arith.constant 0 : i32
      %dma_wait3A_2916 = tpu.memref_slice %arg4[%dma_wait3A_2900, %dma_wait3A_2914, %dma_wait3A_2915] : memref<125000x8x64xf32, #tpu.memory_space<hbm>> -> memref<1x1x64xf32, #tpu.memory_space<hbm>>
      %dma_wait3A_2917 = tpu.memref_squeeze %dma_wait3A_2916 : memref<1x1x64xf32, #tpu.memory_space<hbm>> -> memref<1x64xf32, #tpu.memory_space<hbm>>
      tpu.wait_dma2 semaphore(%arg19 : memref<!tpu.dma_semaphore, #tpu.memory_space<semaphore_mem>>) src(%dma_wait3A_2917 : memref<1x64xf32, #tpu.memory_space<hbm>>) dst(%dma_wait3A_2913 : memref<1x64xf32, #tpu.memory_space<vmem>>)
      %dma_wait3A_2918 = arith.constant 0 : i32
      %dma_wait3A_2919 = arith.constant 7 : i32
      %dma_wait3A_2920 = arith.constant 0 : i32
      %dma_wait3A_2921 = arith.constant 0 : i32
      %dma_wait3A_2922 = tpu.memref_slice %arg10[%dma_wait3A_2919, %dma_wait3A_2920, %dma_wait3A_2921] : memref<8x1x64xf32, #tpu.memory_space<vmem>> -> memref<1x1x64xf32, #tpu.memory_space<vmem>>
      %dma_wait3A_2923 = tpu.memref_squeeze %dma_wait3A_2922 : memref<1x1x64xf32, #tpu.memory_space<vmem>> -> memref<1x64xf32, #tpu.memory_space<vmem>>
      %dma_wait3A_2924 = arith.constant 0 : i32
      %dma_wait3A_2925 = arith.constant 0 : i32
      %dma_wait3A_2926 = tpu.memref_slice %arg5[%dma_wait3A_2918, %dma_wait3A_2924, %dma_wait3A_2925] : memref<125000x8x64xf32, #tpu.memory_space<hbm>> -> memref<1x1x64xf32, #tpu.memory_space<hbm>>
      %dma_wait3A_2927 = tpu.memref_squeeze %dma_wait3A_2926 : memref<1x1x64xf32, #tpu.memory_space<hbm>> -> memref<1x64xf32, #tpu.memory_space<hbm>>
      %dma_wait3A_2928 = arith.constant 0 : i32
      %dma_wait3A_2929 = arith.constant 0 : i32
      %dma_wait3A_2930 = tpu.memref_slice %arg10[%dma_wait3A_2919, %dma_wait3A_2928, %dma_wait3A_2929] : memref<8x1x64xf32, #tpu.memory_space<vmem>> -> memref<1x1x64xf32, #tpu.memory_space<vmem>>
      %dma_wait3A_2931 = tpu.memref_squeeze %dma_wait3A_2930 : memref<1x1x64xf32, #tpu.memory_space<vmem>> -> memref<1x64xf32, #tpu.memory_space<vmem>>
      %dma_wait3A_2932 = arith.constant 0 : i32
      %dma_wait3A_2933 = arith.constant 0 : i32
      %dma_wait3A_2934 = tpu.memref_slice %arg5[%dma_wait3A_2918, %dma_wait3A_2932, %dma_wait3A_2933] : memref<125000x8x64xf32, #tpu.memory_space<hbm>> -> memref<1x1x64xf32, #tpu.memory_space<hbm>>
      %dma_wait3A_2935 = tpu.memref_squeeze %dma_wait3A_2934 : memref<1x1x64xf32, #tpu.memory_space<hbm>> -> memref<1x64xf32, #tpu.memory_space<hbm>>
      tpu.wait_dma2 semaphore(%arg27 : memref<!tpu.dma_semaphore, #tpu.memory_space<semaphore_mem>>) src(%dma_wait3A_2935 : memref<1x64xf32, #tpu.memory_space<hbm>>) dst(%dma_wait3A_2931 : memref<1x64xf32, #tpu.memory_space<vmem>>)
      %get3A_2936 = arith.constant 7 : i32
      %get3A_2937 = arith.constant 0 : i32
      %get3A_2938 = arith.index_cast %get3A_2936 : i32 to index
      %get3A_2939 = arith.index_cast %get3A_2937 : i32 to index
      %get3A_2940 = arith.constant 0 : index
      %get3A_2941 = tpu.vector_load %arg9[%get3A_2938, %get3A_2939, %get3A_2940] {strides = array<i32>} : memref<8x1x64xf32, #tpu.memory_space<vmem>>, vector<16xf32>,
      %get3A_2942 = arith.constant 7 : i32
      %get3A_2943 = arith.constant 0 : i32
      %get3A_2944 = arith.index_cast %get3A_2942 : i32 to index
      %get3A_2945 = arith.index_cast %get3A_2943 : i32 to index
      %get3A_2946 = arith.constant 0 : index
      %get3A_2947 = tpu.vector_load %arg10[%get3A_2944, %get3A_2945, %get3A_2946] {strides = array<i32>} : memref<8x1x64xf32, #tpu.memory_space<vmem>>, vector<16xf32>,
      %mul3A_2948 = arith.mulf %get3A_2941, %get3A_2947 : vector<16xf32>
      %get3A_2949 = arith.constant 7 : i32
      %get3A_2950 = arith.constant 0 : i32
      %get3A_2951 = arith.index_cast %get3A_2949 : i32 to index
      %get3A_2952 = arith.index_cast %get3A_2950 : i32 to index
      %get3A_2953 = arith.constant 16 : index
      %get3A_2954 = tpu.vector_load %arg9[%get3A_2951, %get3A_2952, %get3A_2953] {strides = array<i32>} : memref<8x1x64xf32, #tpu.memory_space<vmem>>, vector<16xf32>,
      %get3A_2955 = arith.constant 7 : i32
      %get3A_2956 = arith.constant 0 : i32
      %get3A_2957 = arith.index_cast %get3A_2955 : i32 to index
      %get3A_2958 = arith.index_cast %get3A_2956 : i32 to index
      %get3A_2959 = arith.constant 16 : index
      %get3A_2960 = tpu.vector_load %arg10[%get3A_2957, %get3A_2958, %get3A_2959] {strides = array<i32>} : memref<8x1x64xf32, #tpu.memory_space<vmem>>, vector<16xf32>,
      %mul3A_2961 = arith.mulf %get3A_2954, %get3A_2960 : vector<16xf32>
      %add3A_2962 = arith.addf %mul3A_2948, %mul3A_2961 : vector<16xf32>
      %get3A_2963 = arith.constant 7 : i32
      %get3A_2964 = arith.constant 0 : i32
      %get3A_2965 = arith.index_cast %get3A_2963 : i32 to index
      %get3A_2966 = arith.index_cast %get3A_2964 : i32 to index
      %get3A_2967 = arith.constant 32 : index
      %get3A_2968 = tpu.vector_load %arg9[%get3A_2965, %get3A_2966, %get3A_2967] {strides = array<i32>} : memref<8x1x64xf32, #tpu.memory_space<vmem>>, vector<16xf32>,
      %get3A_2969 = arith.constant 7 : i32
      %get3A_2970 = arith.constant 0 : i32
      %get3A_2971 = arith.index_cast %get3A_2969 : i32 to index
      %get3A_2972 = arith.index_cast %get3A_2970 : i32 to index
      %get3A_2973 = arith.constant 32 : index
      %get3A_2974 = tpu.vector_load %arg10[%get3A_2971, %get3A_2972, %get3A_2973] {strides = array<i32>} : memref<8x1x64xf32, #tpu.memory_space<vmem>>, vector<16xf32>,
      %mul3A_2975 = arith.mulf %get3A_2968, %get3A_2974 : vector<16xf32>
      %add3A_2976 = arith.addf %add3A_2962, %mul3A_2975 : vector<16xf32>
      %get3A_2977 = arith.constant 7 : i32
      %get3A_2978 = arith.constant 0 : i32
      %get3A_2979 = arith.index_cast %get3A_2977 : i32 to index
      %get3A_2980 = arith.index_cast %get3A_2978 : i32 to index
      %get3A_2981 = arith.constant 48 : index
      %get3A_2982 = tpu.vector_load %arg9[%get3A_2979, %get3A_2980, %get3A_2981] {strides = array<i32>} : memref<8x1x64xf32, #tpu.memory_space<vmem>>, vector<16xf32>,
      %get3A_2983 = arith.constant 7 : i32
      %get3A_2984 = arith.constant 0 : i32
      %get3A_2985 = arith.index_cast %get3A_2983 : i32 to index
      %get3A_2986 = arith.index_cast %get3A_2984 : i32 to index
      %get3A_2987 = arith.constant 48 : index
      %get3A_2988 = tpu.vector_load %arg10[%get3A_2985, %get3A_2986, %get3A_2987] {strides = array<i32>} : memref<8x1x64xf32, #tpu.memory_space<vmem>>, vector<16xf32>,
      %mul3A_2989 = arith.mulf %get3A_2982, %get3A_2988 : vector<16xf32>
      %add3A_2990 = arith.addf %add3A_2976, %mul3A_2989 : vector<16xf32>
      %xor3A_2991 = arith.constant 8 : i32
      %xor3A_2992 = vector.broadcast %xor3A_2991 : i32 to vector<16xi32>
      %xor3A_2993 = arith.xori %iota3A, %xor3A_2992 : vector<16xi32>
      %broadcast_in_dim3A_2994 = vector.shape_cast %xor3A_2993 : vector<16xi32> to vector<16x1xi32>
      %gather3A_2995 = vector.shape_cast %broadcast_in_dim3A_2994 : vector<16x1xi32> to vector<16xi32>
      %gather3A_2996 = tpu.dynamic_gather %add3A_2990[%gather3A_2995] in [0] : vector<16xf32>, vector<16xi32> -> vector<16xf32>
      %add3A_2997 = arith.addf %add3A_2990, %gather3A_2996 : vector<16xf32>
      %xor3A_2998 = arith.constant 4 : i32
      %xor3A_2999 = vector.broadcast %xor3A_2998 : i32 to vector<16xi32>
      %xor3A_3000 = arith.xori %iota3A, %xor3A_2999 : vector<16xi32>
      %broadcast_in_dim3A_3001 = vector.shape_cast %xor3A_3000 : vector<16xi32> to vector<16x1xi32>
      %gather3A_3002 = vector.shape_cast %broadcast_in_dim3A_3001 : vector<16x1xi32> to vector<16xi32>
      %gather3A_3003 = tpu.dynamic_gather %add3A_2997[%gather3A_3002] in [0] : vector<16xf32>, vector<16xi32> -> vector<16xf32>
      %add3A_3004 = arith.addf %add3A_2997, %gather3A_3003 : vector<16xf32>
      %xor3A_3005 = arith.constant 2 : i32
      %xor3A_3006 = vector.broadcast %xor3A_3005 : i32 to vector<16xi32>
      %xor3A_3007 = arith.xori %iota3A, %xor3A_3006 : vector<16xi32>
      %broadcast_in_dim3A_3008 = vector.shape_cast %xor3A_3007 : vector<16xi32> to vector<16x1xi32>
      %gather3A_3009 = vector.shape_cast %broadcast_in_dim3A_3008 : vector<16x1xi32> to vector<16xi32>
      %gather3A_3010 = tpu.dynamic_gather %add3A_3004[%gather3A_3009] in [0] : vector<16xf32>, vector<16xi32> -> vector<16xf32>
      %add3A_3011 = arith.addf %add3A_3004, %gather3A_3010 : vector<16xf32>
      %xor3A_3012 = arith.constant 1 : i32
      %xor3A_3013 = vector.broadcast %xor3A_3012 : i32 to vector<16xi32>
      %xor3A_3014 = arith.xori %iota3A, %xor3A_3013 : vector<16xi32>
      %broadcast_in_dim3A_3015 = vector.shape_cast %xor3A_3014 : vector<16xi32> to vector<16x1xi32>
      %gather3A_3016 = vector.shape_cast %broadcast_in_dim3A_3015 : vector<16x1xi32> to vector<16xi32>
      %gather3A_3017 = tpu.dynamic_gather %add3A_3011[%gather3A_3016] in [0] : vector<16xf32>, vector<16xi32> -> vector<16xf32>
      %add3A_3018 = arith.addf %add3A_3011, %gather3A_3017 : vector<16xf32>
      %eq3A_3019 = arith.constant 15 : i32
      %eq3A_3020 = vector.broadcast %eq3A_3019 : i32 to vector<16xi32>
      %eq3A_3021 = arith.cmpi eq, %iota3A, %eq3A_3020 : vector<16xi32>
      %select_n3A_3022 = arith.select %eq3A_3021, %add3A_3018, %select_n3A_2894 : vector<16xi1>, vector<16xf32>
      %lt3A_3023 = arith.constant 31 : i32
      %lt3A_3024 = arith.cmpi slt, %scan3A_495, %lt3A_3023 : i32
      %convert_element_type3A_3025 = arith.extui %lt3A_3024 : i1 to i32
      %cond3A_3026 = arith.constant 0 : i32
      %cond3A_3027 = arith.cmpi ne, %convert_element_type3A_3025, %cond3A_3026 : i32
      scf.if %cond3A_3027 {
        %add3A_3031 = arith.constant 1 : i32
        %add3A_3032 = arith.addi %scan3A_495, %add3A_3031 : i32
        %mul3A_3033 = arith.constant 16 : i32
        %mul3A_3034 = arith.muli %add3A_3032, %mul3A_3033 : i32
        %get3A_3035 = arith.index_cast %mul3A_3034 : i32 to index
        %get3A_3036 = tpu.vector_load %arg7[%get3A_3035] {strides = array<i32>} : memref<512xi32, #tpu.memory_space<vmem>>, vector<16xi32>,
        %eq3A_3037 = arith.constant 7 : i32
        %eq3A_3038 = vector.broadcast %eq3A_3037 : i32 to vector<16xi32>
        %eq3A_3039 = arith.cmpi eq, %iota3A, %eq3A_3038 : vector<16xi32>
        %jit3A_3040 = arith.constant 0 : i32
        %broadcast_in_dim3A_3041 = vector.broadcast %jit3A_3040 : i32 to vector<16xi32>
        %select_n3A_3042 = arith.select %eq3A_3039, %get3A_3036, %broadcast_in_dim3A_3041 : vector<16xi1>, vector<16xi32>
        %reduce_sum3A_3043 = arith.constant true
        %reduce_sum3A_3044 = vector.broadcast %reduce_sum3A_3043 : i1 to vector<16xi1>
        %reduce_sum3A_3045 = tpu.scan <sum>, %select_n3A_3042 masked %reduce_sum3A_3044 : vector<16xi32>, vector<16xi1> -> vector<16xi32>
        %reduce_sum3A_3046 = vector.extract %reduce_sum3A_3045[15] : i32 from vector<16xi32>
        %mul3A_3047 = arith.constant 16 : i32
        %mul3A_3048 = arith.muli %add3A_3032, %mul3A_3047 : i32
        %get3A_3049 = arith.index_cast %mul3A_3048 : i32 to index
        %get3A_3050 = tpu.vector_load %arg8[%get3A_3049] {strides = array<i32>} : memref<512xi32, #tpu.memory_space<vmem>>, vector<16xi32>,
        %eq3A_3051 = arith.constant 7 : i32
        %eq3A_3052 = vector.broadcast %eq3A_3051 : i32 to vector<16xi32>
        %eq3A_3053 = arith.cmpi eq, %iota3A, %eq3A_3052 : vector<16xi32>
        %jit3A_3054 = arith.constant 0 : i32
        %broadcast_in_dim3A_3055 = vector.broadcast %jit3A_3054 : i32 to vector<16xi32>
        %select_n3A_3056 = arith.select %eq3A_3053, %get3A_3050, %broadcast_in_dim3A_3055 : vector<16xi1>, vector<16xi32>
        %reduce_sum3A_3057 = arith.constant true
        %reduce_sum3A_3058 = vector.broadcast %reduce_sum3A_3057 : i1 to vector<16xi1>
        %reduce_sum3A_3059 = tpu.scan <sum>, %select_n3A_3056 masked %reduce_sum3A_3058 : vector<16xi32>, vector<16xi1> -> vector<16xi32>
        %reduce_sum3A_3060 = vector.extract %reduce_sum3A_3059[15] : i32 from vector<16xi32>
        %shift_right_arithmetic3A_3061 = arith.constant 3 : i32
        %shift_right_arithmetic3A_3062 = arith.shrsi %reduce_sum3A_3046, %shift_right_arithmetic3A_3061 : i32
        %and3A_3063 = arith.constant 7 : i32
        %and3A_3064 = arith.andi %reduce_sum3A_3046, %and3A_3063 : i32
        %dma_start3A_3065 = arith.constant 7 : i32
        %dma_start3A_3066 = arith.constant 0 : i32
        %dma_start3A_3067 = arith.constant 0 : i32
        %dma_start3A_3068 = tpu.memref_slice %arg9[%dma_start3A_3065, %dma_start3A_3066, %dma_start3A_3067] : memref<8x1x64xf32, #tpu.memory_space<vmem>> -> memref<1x1x64xf32, #tpu.memory_space<vmem>>
        %dma_start3A_3069 = tpu.memref_squeeze %dma_start3A_3068 : memref<1x1x64xf32, #tpu.memory_space<vmem>> -> memref<1x64xf32, #tpu.memory_space<vmem>>
        %dma_start3A_3070 = arith.constant 0 : i32
        %dma_start3A_3071 = tpu.memref_slice %arg4[%shift_right_arithmetic3A_3062, %and3A_3064, %dma_start3A_3070] : memref<125000x8x64xf32, #tpu.memory_space<hbm>> -> memref<1x1x64xf32, #tpu.memory_space<hbm>>
        %dma_start3A_3072 = tpu.memref_squeeze %dma_start3A_3071 : memref<1x1x64xf32, #tpu.memory_space<hbm>> -> memref<1x64xf32, #tpu.memory_space<hbm>>
        %dma_start3A_3073 = arith.constant 0 : i32
        %dma_start3A_3074 = arith.constant 0 : i32
        %dma_start3A_3075 = tpu.memref_slice %arg9[%dma_start3A_3065, %dma_start3A_3073, %dma_start3A_3074] : memref<8x1x64xf32, #tpu.memory_space<vmem>> -> memref<1x1x64xf32, #tpu.memory_space<vmem>>
        %dma_start3A_3076 = tpu.memref_squeeze %dma_start3A_3075 : memref<1x1x64xf32, #tpu.memory_space<vmem>> -> memref<1x64xf32, #tpu.memory_space<vmem>>
        %dma_start3A_3077 = arith.constant 0 : i32
        %dma_start3A_3078 = tpu.memref_slice %arg4[%shift_right_arithmetic3A_3062, %and3A_3064, %dma_start3A_3077] : memref<125000x8x64xf32, #tpu.memory_space<hbm>> -> memref<1x1x64xf32, #tpu.memory_space<hbm>>
        %dma_start3A_3079 = tpu.memref_squeeze %dma_start3A_3078 : memref<1x1x64xf32, #tpu.memory_space<hbm>> -> memref<1x64xf32, #tpu.memory_space<hbm>>
        tpu.enqueue_dma source(%dma_start3A_3079 : memref<1x64xf32, #tpu.memory_space<hbm>>) target(%dma_start3A_3076 : memref<1x64xf32, #tpu.memory_space<vmem>>) target_semaphore(%arg19 : memref<!tpu.dma_semaphore, #tpu.memory_space<semaphore_mem>>)
        %shift_right_arithmetic3A_3080 = arith.constant 3 : i32
        %shift_right_arithmetic3A_3081 = arith.shrsi %reduce_sum3A_3060, %shift_right_arithmetic3A_3080 : i32
        %and3A_3082 = arith.constant 7 : i32
        %and3A_3083 = arith.andi %reduce_sum3A_3060, %and3A_3082 : i32
        %dma_start3A_3084 = arith.constant 7 : i32
        %dma_start3A_3085 = arith.constant 0 : i32
        %dma_start3A_3086 = arith.constant 0 : i32
        %dma_start3A_3087 = tpu.memref_slice %arg10[%dma_start3A_3084, %dma_start3A_3085, %dma_start3A_3086] : memref<8x1x64xf32, #tpu.memory_space<vmem>> -> memref<1x1x64xf32, #tpu.memory_space<vmem>>
        %dma_start3A_3088 = tpu.memref_squeeze %dma_start3A_3087 : memref<1x1x64xf32, #tpu.memory_space<vmem>> -> memref<1x64xf32, #tpu.memory_space<vmem>>
        %dma_start3A_3089 = arith.constant 0 : i32
        %dma_start3A_3090 = tpu.memref_slice %arg5[%shift_right_arithmetic3A_3081, %and3A_3083, %dma_start3A_3089] : memref<125000x8x64xf32, #tpu.memory_space<hbm>> -> memref<1x1x64xf32, #tpu.memory_space<hbm>>
        %dma_start3A_3091 = tpu.memref_squeeze %dma_start3A_3090 : memref<1x1x64xf32, #tpu.memory_space<hbm>> -> memref<1x64xf32, #tpu.memory_space<hbm>>
        %dma_start3A_3092 = arith.constant 0 : i32
        %dma_start3A_3093 = arith.constant 0 : i32
        %dma_start3A_3094 = tpu.memref_slice %arg10[%dma_start3A_3084, %dma_start3A_3092, %dma_start3A_3093] : memref<8x1x64xf32, #tpu.memory_space<vmem>> -> memref<1x1x64xf32, #tpu.memory_space<vmem>>
        %dma_start3A_3095 = tpu.memref_squeeze %dma_start3A_3094 : memref<1x1x64xf32, #tpu.memory_space<vmem>> -> memref<1x64xf32, #tpu.memory_space<vmem>>
        %dma_start3A_3096 = arith.constant 0 : i32
        %dma_start3A_3097 = tpu.memref_slice %arg5[%shift_right_arithmetic3A_3081, %and3A_3083, %dma_start3A_3096] : memref<125000x8x64xf32, #tpu.memory_space<hbm>> -> memref<1x1x64xf32, #tpu.memory_space<hbm>>
        %dma_start3A_3098 = tpu.memref_squeeze %dma_start3A_3097 : memref<1x1x64xf32, #tpu.memory_space<hbm>> -> memref<1x64xf32, #tpu.memory_space<hbm>>
        tpu.enqueue_dma source(%dma_start3A_3098 : memref<1x64xf32, #tpu.memory_space<hbm>>) target(%dma_start3A_3095 : memref<1x64xf32, #tpu.memory_space<vmem>>) target_semaphore(%arg27 : memref<!tpu.dma_semaphore, #tpu.memory_space<semaphore_mem>>)
      } else {
      }
      %mul3A_3028 = arith.constant 16 : i32
      %mul3A_3029 = arith.muli %scan3A_495, %mul3A_3028 : i32
      %swap3A = arith.index_cast %mul3A_3029 : i32 to index
      %swap3A_3030 = tpu.vector_load %arg11[%swap3A] {strides = array<i32>} : memref<512xf32, #tpu.memory_space<vmem>>, vector<16xf32>,
      tpu.vector_store %arg11[%swap3A], %select_n3A_3022 {strides = array<i32>} : memref<512xf32, #tpu.memory_space<vmem>>, vector<16xf32>,
    }
    %scan3A_494 = arith.constant 32 : i32
    "tpu.region"() ({
      %run_scoped3A = tpu.sem_alloc : memref<!tpu.dma_semaphore, #tpu.memory_space<semaphore_mem>>
      %dma_start3A_495 = tpu.memref_slice %arg6[%mul3A_2] : memref<16384xf32, #tpu.memory_space<hbm>> -> memref<512xf32, #tpu.memory_space<hbm>>
      %dma_start3A_496 = tpu.memref_slice %arg6[%mul3A_2] : memref<16384xf32, #tpu.memory_space<hbm>> -> memref<512xf32, #tpu.memory_space<hbm>>
      tpu.enqueue_dma source(%arg11 : memref<512xf32, #tpu.memory_space<vmem>>) target(%dma_start3A_496 : memref<512xf32, #tpu.memory_space<hbm>>) target_semaphore(%run_scoped3A : memref<!tpu.dma_semaphore, #tpu.memory_space<semaphore_mem>>)
      %dma_wait3A = tpu.memref_slice %arg6[%mul3A_2] : memref<16384xf32, #tpu.memory_space<hbm>> -> memref<512xf32, #tpu.memory_space<hbm>>
      %dma_wait3A_497 = tpu.memref_slice %arg6[%mul3A_2] : memref<16384xf32, #tpu.memory_space<hbm>> -> memref<512xf32, #tpu.memory_space<hbm>>
      tpu.wait_dma2 semaphore(%run_scoped3A : memref<!tpu.dma_semaphore, #tpu.memory_space<semaphore_mem>>) src(%arg11 : memref<512xf32, #tpu.memory_space<vmem>>) dst(%dma_wait3A_497 : memref<512xf32, #tpu.memory_space<hbm>>)
      tpu.yield
    }) : () -> ()
    return
  }
}

</mosaic_0001>

<sc_bundles>
// kernel: kernel.3.cloned.1.call-start
scs
__scs_entry_jumppad:
0x0: {  	(pc) =	sbr.rel $0x88, $3  }
0x1: {  	(tag) =	ssettag $0x0;
	lr =	simm.s32 $0x1  }
0x2: {  	[smem:$0x3F9D] =	sst lr;
	_ =	strace $0xD0000000  }
0x3: {  	_ = 	snop  }
0x4: {  	_ = 	snop  }
0x5: {  	_ = 	snop  }
0x6: {  	_ = 	snop  }
0x7: {  	_ = 	snop  }
__scs_overlays_trampoline_lowered:
0x8: {  	[smem:$0x3FAC] =	sst s0  }
0x9: {  	[smem:$0x3FAD] =	sst s1  }
0xa: {  	[smem:$0x3FAE] =	sst s2  }
0xb: {  	[smem:$0x3FAF] =	sst s3  }
0xc: {  	[smem:$0x3FB0] =	sst s4  }
0xd: {  	[smem:$0x3FB1] =	sst s5  }
0xe: {  	[smem:$0x3FB2] =	sst s6  }
0xf: {  	[smem:$0x3FB3] =	sst s7  }
0x10: {  	[smem:$0x3FB4] =	sst s8  }
0x11: {  	[smem:$0x3FB5] =	sst s9;
	s0 =	simm.s32 @!p0 $0x0  }
0x12: {  	s1 =	sld [smem:$0x3F9B];
	s0 =	simm.s32 @p0 $0x1  }
0x13: {  	[smem:$0x3FB6] =	sst s0;
	s0 =	simm.s32 @!p1 $0x0  }
0x14: {  	s2 =	sld [smem:$0x3F9A];
	s0 =	simm.s32 @p1 $0x1  }
0x15: {  	[smem:$0x3FB7] =	sst s0;
	s0 =	simm.s32 @!p2 $0x0  }
0x16: {  	s3 =	sld [smem:$0x3FDB];
	s0 =	simm.s32 @p2 $0x1  }
0x17: {  	s4 =	simm.s32 $0x1BF5;
	[smem:$0x3FB9] =	sst s0  }
0x18: {  	s0 =	sld [smem:$0x3F9C];
	_ =	swait.ge [sflag:s4], $0x0  }
0x19: {  	s7 =	sld [smem:$0x3F9D]  }
0x1a: {  	s8 =	sadd.s32 $0xFFFFE003, lr  }
0x1b: {  	s9 =	sadd.s32 $0xFFFFFEF7, lr;
	s5 =	simm.s32 $0xFFFFFFFF;
	p2 =	slt.u32 s8, $0xFFFFF086  }
0x1c: {  	p1 =	slt.u32 s9, $0xF7A;
	s5 =	simm.s32 @!p2 $0x0  }
0x1d: {  	s5 =	simm.s32 @p1 $0x1;
	p0 =	seq.s32 s7, s2  }
0x1e: {  	s7 =	smul.u32 @!p0 $0xF7A, s2;
	p2 =	seq.s32 @!p0 s5, $0x0  }
0x1f: {  	s9 =	smul.u32 $0xF7A, s1;
	s8 =	simm.s32 @!p0 $0x1BF5;
	p2 =	por !p2, p0  }
0x20: {  	[sflag:s8] =	ssyncset.s32 @!p0 $0xFFFFF086;
	s6 =	sadd.s32 @!p0 s3, s7;
	s7 =	simm.s32 @!p0 $0x108  }
0x21: {  	s3 =	sadd.s32 s3, s9;
	s6 =	sadd.s32 @!p0 $0x88, s6;
	s7 =	simm.s32 @p2 $0x1082  }
0x22: {  	[simem:s7], [sflag:s8] =	dma.local @!p0 [hbm:s6], $0xF7A  }
0x23: {  	s9 =	sor.u32 $0xD0000000, s2;
	s6 =	simm.s32 $0x108;
	_ =	swait.ge @!p0 [sflag:s8], $0x0  }
0x24: {  	s3 =	sadd.s32 $0x88, s3;
	s6 =	simm.s32 @!p1 $0x1082;
	[sflag:s4] =	ssyncset.s32 $0xFFFFF086  }
0x25: {  	[simem:s6], [sflag:s4] =	dma.local [hbm:s3], $0xF7A  }
0x26: {  	[smem:$0x3F9D] =	sst s1;
	(tag) =	ssettag s2;
	_ =	strace s9  }
0x27: {  	s1 =	sld [smem:$0x3FAD]  }
0x28: {  	s2 =	sld [smem:$0x3FAE]  }
0x29: {  	s4 =	sld [smem:$0x3FB0]  }
0x2a: {  	p0 =	seq.s32 s5, $0x0;
	s5 =	sld [smem:$0x3FB1]  }
0x2b: {  	s6 =	sld [smem:$0x3FB2]  }
0x2c: {  	s7 =	sld [smem:$0x3FB3]  }
0x2d: {  	s3 =	simm.s32 $0x108;
	s8 =	sld [smem:$0x3FB4]  }
0x2e: {  	s3 =	simm.s32 @!p0 $0x1082;
	s9 =	sld [smem:$0x3FB5]  }
0x2f: {  	lr =	sadd.s32 s0, s3;
	s0 =	sld [smem:$0x3FAC]  }
0x30: {  	s3 =	sld [smem:$0x3FAF]  }
0x31: {  	[smem:$0x3FB8] =	sst s10  }
0x32: {  	s10 =	sld [smem:$0x3FB6];
	_ =	sdelay $0x3  }
0x33: {  	p0 =	seq.s32 s10, $0x1;
	s10 =	sld [smem:$0x3FB8];
	_ =	sdelay $0x3  }
0x34: {  	[smem:$0x3FB8] =	sst s10  }
0x35: {  	s10 =	sld [smem:$0x3FB7];
	_ =	sdelay $0x3  }
0x36: {  	p1 =	seq.s32 s10, $0x1;
	s10 =	sld [smem:$0x3FB8];
	_ =	sdelay $0x3  }
0x37: {  	[smem:$0x3FB8] =	sst s10  }
0x38: {  	s10 =	sld [smem:$0x3FB9]  }
0x39: {  	_ = 	snop;
	(pc) =	sbr.ind lr, $3  }
0x3a: {  	_ = 	snop  }
0x3b: {  	_ = 	snop  }
0x3c: {  	p2 =	seq.s32 s10, $0x1;
	s10 =	sld [smem:$0x3FB8]  }
0x3d: {  	_ =	shalt  }
0x3e: {  	_ =	shalt  }
0x3f: {  	_ =	shalt  }
0x40: {  	_ =	shalt  }
0x41: {  	_ =	shalt  }
0x42: {  	_ =	shalt  }
0x43: {  	_ =	shalt  }
0x44: {  	_ =	shalt  }
0x45: {  	_ =	shalt  }
0x46: {  	_ =	shalt  }
0x47: {  	_ =	shalt  }
0x48: {  	_ =	shalt  }
0x49: {  	_ =	shalt  }
0x4a: {  	_ =	shalt  }
0x4b: {  	_ =	shalt  }
0x4c: {  	_ =	shalt  }
0x4d: {  	_ =	shalt  }
0x4e: {  	_ =	shalt  }
0x4f: {  	_ =	shalt  }
0x50: {  	_ =	shalt  }
0x51: {  	_ =	shalt  }
0x52: {  	_ =	shalt  }
0x53: {  	_ =	shalt  }
0x54: {  	_ =	shalt  }
0x55: {  	_ =	shalt  }
0x56: {  	_ =	shalt  }
0x57: {  	_ =	shalt  }
0x58: {  	_ =	shalt  }
0x59: {  	_ =	shalt  }
0x5a: {  	_ =	shalt  }
0x5b: {  	_ =	shalt  }
0x5c: {  	_ =	shalt  }
0x5d: {  	_ =	shalt  }
0x5e: {  	_ =	shalt  }
0x5f: {  	_ =	shalt  }
0x60: {  	_ =	shalt  }
0x61: {  	_ =	shalt  }
0x62: {  	_ =	shalt  }
0x63: {  	_ =	shalt  }
0x64: {  	_ =	shalt  }
0x65: {  	_ =	shalt  }
0x66: {  	_ =	shalt  }
0x67: {  	_ =	shalt  }
0x68: {  	_ =	shalt  }
0x69: {  	_ =	shalt  }
0x6a: {  	_ =	shalt  }
0x6b: {  	_ =	shalt  }
0x6c: {  	_ =	shalt  }
0x6d: {  	_ =	shalt  }
0x6e: {  	_ =	shalt  }
0x6f: {  	_ =	shalt  }
0x70: {  	_ =	shalt  }
0x71: {  	_ =	shalt  }
0x72: {  	_ =	shalt  }
0x73: {  	_ =	shalt  }
0x74: {  	_ =	shalt  }
0x75: {  	_ =	shalt  }
0x76: {  	_ =	shalt  }
0x77: {  	_ =	shalt  }
0x78: {  	_ =	shalt  }
0x79: {  	_ =	shalt  }
0x7a: {  	_ =	shalt  }
0x7b: {  	_ =	shalt  }
0x7c: {  	_ =	shalt  }
0x7d: {  	_ =	shalt  }
0x7e: {  	_ =	shalt  }
0x7f: {  	_ =	shalt  }
0x80: {  	_ =	shalt  }
0x81: {  	_ =	shalt  }
0x82: {  	_ =	shalt  }
0x83: {  	_ =	shalt  }
0x84: {  	_ =	shalt  }
0x85: {  	_ =	shalt  }
0x86: {  	_ =	shalt  }
0x87: {  	_ =	shalt  }
.Lfunc_end0:
.L_simem_size_0:
called_computation_lowered:
.L_overlay_start_0:
0x88: {  	s2 =	sld [smem:$0x3FD9]  }
0x89: {  	s3 =	sld [smem:$0x3FFE];
	_ =	sdelay $0x1  }
0x8a: {  	s1 =	srdreg.scid  }
0x8b: {  	s0 =	sand.u32 $0x1, s1  }
0x8c: {  	s17 =	sshll.u32 s0, $0xA;
	s2 =	sadd.s32 s3, s2  }
0x8d: {  	s2 =	sadd.s32 s2, s17  }
0x8e: {  	[smem:$0x3FC4] =	sst s2  }
0x8f: {  	_ = 	snop  }
0x90: {  	s2 =	sld [smem:$0x3FC9]  }
0x91: {  	s18 =	sld [smem:$0x3FC8]  }
0x92: {  	s4 =	sld [smem:$0x3FD0];
	(tm) =	ssettm $0x1  }
0x93: {  	s5 =	sld [smem:$0x3FFB];
	_ =	sdelay $0x3  }
0x94: {  	_ =	strace s5  }
0x95: {  	s5 =	sld [smem:$0x3FFC];
	_ =	sdelay $0x3  }
0x96: {  	_ =	strace s5  }
0x97: {  	s5 =	sld [smem:$0x3FFD];
	_ =	sdelay $0x3  }
0x98: {  	_ =	strace s5  }
0x99: {  	_ =	strace $0x8FFFFFFF  }
0x9a: {  	s19 =	sld [smem:$0x3FDB];
	_ =	sdelay $0x1  }
0x9b: {  	s6 =	simm.s32 $_scs_section_size  }
0x9c: {  	s7 =	simm.s32 $_size__tile_overlayer_lowered;
	s8 =	simm.s32 $_tile_overlayer_lowered  }
0x9d: {  	s22 =	simm.s32 $0x1BFF;
	s21 =	sshll.u32 s8, $0x1;
	s5 =	sadd.s32 s6, s19  }
0x9e: {  	s9 =	simm.s32 $0x0;
	s20 =	sshll.u32 s7, $0x1;
	s7 =	sadd.s32 s21, s5  }
0x9f: {  	[timem:s9], [sflag:s22] =	dma.local [hbm:s7], s20  }
0xa0: {  	_ =	swait.ge [sflag:s22], s20  }
0xa1: {  	s6 =	ssub.s32 $0x0, s20;
	[sflag:s22] =	ssyncset.done $0x0  }
0xa2: {  	[sflag:s22] =	ssyncadd.s32 s6;
	_ =	sdelay $0x1  }
0xa3: {  	s23 =	simm.s32 $0x1B8B  }
0xa4: {  	_ =	swait.ge [sflag:s23], $0x1  }
0xa5: {  	[sflag:s23] =	ssyncset.done $0x0  }
0xa6: {  	s25 =	simm.s32 $0x1B8E;
	s24 =	sld [smem:$0x3FFE];
	[sflag:s23] =	ssyncadd.s32 $0xFFFFFFFF  }
0xa7: {  	s26 =	simm.s32 $execute0_lowered;
	[smem:$0x3FD2] =	sst s25  }
0xa8: {  	s7 =	sshll.u32 s26, $0x1;
	_ =	strace $0x80000046;
	[dreg:$0x1] =	wrdreg $0xFFFFFFFF  }
0xa9: {  	s28 =	simm.s32 $_size_execute0_lowered;
	s5 =	sadd.s32 s5, s7;
	[dreg:$0x0] =	wrdreg $0x0  }
0xaa: {  	s7 =	sshll.u32 s28, $0x1;
	[dreg:$0x2] =	wrdreg s5  }
0xab: {  	[dreg:$0x3] =	wrdreg s7  }
0xac: {  	[dreg:$0x4] =	wrdreg $0xC0  }
0xad: {  	_ =	task [dreg:s9], $0x5FFFF  }
0xae: {  	[dreg:$0x1] =	wrdreg $0xFFFFFFFF  }
0xaf: {  	[dreg:$0x0] =	wrdreg $0x60  }
0xb0: {  	[dreg:$0x2] =	wrdreg s2  }
0xb1: {  	[dreg:$0x3] =	wrdreg s18  }
0xb2: {  	[dreg:$0x4] =	wrdreg s24  }
0xb3: {  	[dreg:$0x5] =	wrdreg s4  }
0xb4: {  	[dreg:$0x6] =	wrdreg $0x9  }
0xb5: {  	_ =	task.clear_ibuf [dreg:s9], $0x7FFFF;
	_ =	strace $0x90000046  }
0xb6: {  	s29 =	simm.s32 $0x9;
	_ =	strace $0x80000048  }
0xb7: {  	_ =	swait.ge [sflag:s29], $0x1  }
0xb8: {  	[sflag:s29] =	ssyncadd.s32 $0xFFFFFFFF  }
0xb9: {  	_ =	strace $0x90000048  }
0xba: {  	_ =	sfence  }
0xbb: {  	s30 =	sld [smem:$0x0];
	_ =	sdelay $0x2  }
0xbc: {  	s31 =	sshll.u32 s1, $0xD;
	s1 =	sshrl.u32 s1, $0x2  }
0xbd: {  	s3 =	sand.u32 $0x4000, s31;
	s1 =	sadd.s32 s1, s30  }
0xbe: {  	s0 =	sor.u32 s3, s0;
	s1 =	sshll.u32 s1, $0x11  }
0xbf: {  	s0 =	sor.u32 s1, s0  }
0xc0: {  	s0 =	sadd.s32 $0x8F2B, s0  }
0xc1: {  	[sflag:s0] =	ssyncadd.remote.s32 $0x1  }
0xc2: {  	_ =	sfence.sel $0xFFFF  }
0xc3: {  	[dreg:$0x0] =	wrdreg $0xFFFFFFFF;
	(pc) =	sbr.abs _section_cstart, $3  }
0xc4: {  	[dreg:$0x1] =	wrdreg $0xFFFFFFFF  }
0xc5: {  	_ =	task.clear_ibuf [dreg:s9], $0x2FFFF;
	_ =	strace $0x9FFFFFFF  }
0xc6: {  	(tm) =	ssettm $0x7FFFFFFF  }
0xc7: {  	_ =	shalt  }
tec
execute0_lowered:
.L_overlay_start_1:
0x0: {  	(tag) =	ssettag $0x1  }
0x1: {  	s0 =	rddreg [dreg:$0x0]  }
0x2: {  	s2 =	rddreg [dreg:$0x1]  }
0x3: {  	s4 =	rddreg [dreg:$0x2]  }
0x4: {  	s5 =	rddreg [dreg:$0x3];
	s1 =	simm.s32 $0x0;
	s6 =	srdreg.scid;
	v0 =	vimm.s32 $0xBA98FEDC;
	v1 =	vimm.s32 $0x32107654  }
0x5: {  	s8 =	stileid.u32;
	s15 =	simm.s32 $0x11;
	v2 =	vimm.s32 $0x76543210;
	v3 =	vimm.s32 $0xFEDCBA98;
	s21 =	simm.s32 $0x680  }
0x6: {  	vm0 =	vmmov $0x1;
	v4 =	vimm.s32 $0xDCFE98BA;
	v5 =	vimm.s32 $0x67452301;
	s22 =	simm.s32 $0xA80;
	s23 =	simm.s32 $0x700;
	s28 =	simm.s32 $0x1  }
0x7: {  	vm5 =	vcmask $0x1318;
	s29 =	simm.s32 $0x9;
	s30 =	simm.s32 $0x2;
	s31 =	simm.s32 $0xA;
	v0 =	vunpack.c.l.s4.s8 v0;
	v1 =	vunpack.c.l.s4.s8 v1  }
0x8: {  	vm6 =	vcmask $0x171C;
	vm7 =	vcmask $0x1B20;
	vm8 =	vcmask $0x1F24;
	s12 =	simm.s32 $0x5;
	s13 =	simm.s32 $0xD;
	s14 =	simm.s32 $0x6  }
0x9: {  	vm9 =	vcmask $0x2328;
	s10 =	simm.s32 $0x8;
	s11 =	simm.s32 $0x10;
	s17 =	simm.s32 $0x0;
	v0 =	vunpack.c.0.s8.s32 v0;
	v1 =	vunpack.c.0.s8.s32 v1  }
0xa: {  	vm10 =	vmmov $0x3;
	vm11 =	vcmask $0x272C;
	vm12 =	vmmov $0x7;
	[smem:$0x7FF] =	sst s1;
	s3 =	sadd.s32 $0x400, s4;
	s6 =	sand.u32 $0x1, s6  }
0xb: {  	s8 =	sshll.u32 s8, $0x7;
	s4 =	sadd.s32 $0xF42800, s4;
	v3 =	vunpack.c.l.s4.s8 v3;
	v5 =	vunpack.c.l.s4.s8 v5;
	s7 =	ssub.s32 $0x2, s6;
	v31 =	vcombine.low v1, v0  }
0xc: {  	_ =	strace $0x80000047;
	s6 =	sshll.u32 s6, $0x6;
	s9 =	sshrl.u32 s7, $0x1;
	v0 =	vunpack.c.l.s4.s8 v4;
	v1 =	vimm.s32 $0x54761032;
	v4 =	vimm.s32 $0xEFCDAB89  }
0xd: {  	vm13 =	vcmask $0x2B30;
	s6 =	sor.u32 s6, s8;
	s8 =	simm.s32 $0xC;
	s7 =	ssub.s32 s7, s9;
	v1 =	vunpack.c.l.s4.s8 v1;
	v4 =	vunpack.c.l.s4.s8 v4  }
0xe: {  	v2 =	vunpack.c.l.s4.s8 v2;
	v3 =	vunpack.c.0.s8.s32 v3;
	v5 =	vunpack.c.0.s8.s32 v5;
	s0 =	sadd.s32 s0, s6;
	s24 =	sadd.s32 s2, s6;
	s25 =	sadd.s32 s5, s6  }
.Ltmp0:
0xf: {  	s2 =	simm.s32 $0xB;
	[dreg:$0x5] =	wrdreg s0;
	v0 =	vunpack.c.0.s8.s32 v0;
	v1 =	vunpack.c.0.s8.s32 v1;
	v4 =	vunpack.c.0.s8.s32 v4;
	(pc) =	sbr.rel .LBB2_1-.Ltmp0, $4  }
0x10: {  	vm14 =	vmmov $0xf;
	vm15 =	vcmask $0x2F34;
	v6 =	vunpack.c.0.s8.s32 v2;
	s6 =	simm.s32 $0x4;
	s5 =	simm.s32 $0xE;
	[dreg:$0x6] =	wrdreg s24  }
0x11: {  	s9 =	simm.s32 $0xF;
	[dreg:$0x7] =	wrdreg s25;
	s26 =	smax.u32 s7, $0x1;
	v3 =	vand.u32 $0xF, v3;
	v1 =	vcombine.low v1, v0;
	v2 =	vcombine.low v5, v4  }
0x12: {  	vm1 =	vcmask $0x3338;
	vm2 =	vcmask $0x373C;
	s24 =	simm.s32 $0xB00;
	s25 =	simm.s32 $0x780;
	s0 =	simm.s32 $0x3;
	v3 =	vcombine.low v3, v6  }
0x13: {  	s7 =	simm.s32 $0x7;
	[dreg:$0x8] =	wrdreg s26;
	s26 =	simm.s32 $0xB80;
	v4 =	vand.u32 $0xF, v31;
	v5 =	vand.u32 $0xF, v1;
	v6 =	vand.u32 $0xF, v2  }
.LBB2_4:
0x14: {  	[tilespmem:s16+$0xC00] =	vst v0;
	s15 =	rddreg [dreg:$0x7];
	s19 =	simm.s32 $0xC00  }
0x15: {  	[hbm4b:s15+s1] =	stream.linear.scatter [tilespmem:s19], [sflag:$0x11], $0x200, $0x38;
	[tilespmem:$0xE00] =	vst v63  }
0x16: {  	s15 =	simm.s32 $0x11  }
0x17: {  	_ =	swait.ge [sflag:s15], $0x200  }
0x18: {  	s17 =	rddreg [dreg:$0x9]  }
0x19: {  	s20 =	rddreg [dreg:$0x8];
	s17 =	sadd.s32 $0x1, s17  }
0x1a: {  	p0 =	sne.s32 s17, s20  }
.Ltmp1:
0x1b: {  	_ = 	snop;
	(pc) =	sbr.rel @!p0 .LBB2_5-.Ltmp1, $3  }
0x1c: {  	_ =	sdelay $0x1  }
0x1d: {  	[sflag:s15] =	ssyncset.done $0x0  }
0x1e: {  	[sflag:s15] =	ssyncadd.s32 $0xFFFFFE00  }
.LBB2_1:
0x1f: {  	[dreg:$0x9] =	wrdreg s17  }
0x20: {  	s16 =	rddreg [dreg:$0x5]  }
0x21: {  	[tilespmem:s1], [sflag:$0x11] =	stream.linear.gather [hbm4b:s16+s1], $0x200, $0x38;
	[tilespmem:$0xE00] =	vst v63  }
0x22: {  	_ =	swait.ge [sflag:s15], $0x200  }
0x23: {  	[sflag:s15] =	ssyncset.done $0x0  }
0x24: {  	s19 =	simm.s32 $0x200;
	s20 =	rddreg [dreg:$0x6];
	[sflag:s15] =	ssyncadd.s32 $0xFFFFFE00  }
0x25: {  	[tilespmem:s19], [sflag:$0x11] =	stream.linear.gather [hbm4b:s20+s1], $0x200, $0x38;
	[tilespmem:$0xE00] =	vst v63  }
0x26: {  	_ =	swait.ge [sflag:s15], $0x200  }
0x27: {  	[sflag:s15] =	ssyncset.done $0x0  }
0x28: {  	[sflag:s15] =	ssyncadd.s32 $0xFFFFFE00  }
0x29: {  	v0 =	vld [tilespmem:$0x0];
	_ =	sdelay $0x2  }
0x2a: {  	v7 =	vld [tilespmem:$0x200];
	_ =	sdelay $0x1  }
0x2b: {  	v0 =	vnsel vm0, $0x0, v0  }
0x2c: {  	(xrf0) =	vadd.scan.msk.s32 $0xffff, v0;
	_ =	sdelay $0x1  }
0x2d: {  	v0 =	vnsel vm0, $0x0, v7  }
0x2e: {  	(xrf0) =	vadd.scan.msk.s32 $0xffff, v0;
	_ =	sdelay $0x2  }
0x2f: {  	v0, _, _ =	vpop (xrf0)  }
0x30: {  	(v2sf) =	vpush v0, $0xF;
	_ =	sdelay $0x1  }
0x31: {  	v0, _, _ =	vpop (xrf0)  }
0x32: {  	(v2sf) =	vpush v0, $0xF;
	_ =	sdelay $0xb  }
0x33: {  	s17 =	spop (v2sf)  }
0x34: {  	s15 =	sshll.u32 s17, $0x4  }
0x35: {  	s15 =	sand.u32 $0x1FFFFFF0, s15  }
0x36: {  	s18 =	simm.s32 $0x400;
	s19 =	spop (v2sf);
	s15 =	sadd.s32 s3, s15  }
0x37: {  	[tilespmem:s18], [sflag:$0x1] =	stream.linear.gather [hbm4b:s15+s1], $0x80, $0x38;
	[tilespmem:$0xE00] =	vst v63  }
0x38: {  	s15 =	sshll.u32 s19, $0x4  }
0x39: {  	s15 =	sand.u32 $0x1FFFFFF0, s15  }
0x3a: {  	s20 =	simm.s32 $0x800;
	s15 =	sadd.s32 s4, s15  }
0x3b: {  	[tilespmem:s20], [sflag:$0x9] =	stream.linear.gather [hbm4b:s15+s1], $0x80, $0x38;
	[tilespmem:$0xE00] =	vst v63  }
0x3c: {  	v0 =	vld [tilespmem:$0x0];
	_ =	sdelay $0x2  }
0x3d: {  	v7 =	vld [tilespmem:$0x200]  }
0x3e: {  	vm3 =	vcmask $0x308  }
0x3f: {  	v0 =	vsel vm3, $0x0, v0  }
0x40: {  	(xrf0) =	vadd.scan.msk.s32 $0xffff, v0;
	_ =	sdelay $0x1  }
0x41: {  	v0 =	vsel vm3, $0x0, v7  }
0x42: {  	(xrf0) =	vadd.scan.msk.s32 $0xffff, v0;
	_ =	sdelay $0x2  }
0x43: {  	v0, _, _ =	vpop (xrf0)  }
0x44: {  	(v2sf) =	vpush v0, $0xF;
	_ =	sdelay $0x1  }
0x45: {  	v0, _, _ =	vpop (xrf0)  }
0x46: {  	(v2sf) =	vpush v0, $0xF;
	_ =	sdelay $0xb  }
0x47: {  	s17 =	spop (v2sf)  }
0x48: {  	s15 =	sshll.u32 s17, $0x4  }
0x49: {  	s15 =	sand.u32 $0x1FFFFFF0, s15  }
0x4a: {  	s18 =	simm.s32 $0x480;
	s19 =	spop (v2sf);
	s15 =	sadd.s32 s3, s15  }
0x4b: {  	[tilespmem:s18], [sflag:$0x2] =	stream.linear.gather [hbm4b:s15+s1], $0x80, $0x38;
	[tilespmem:$0xE00] =	vst v63  }
0x4c: {  	s15 =	sshll.u32 s19, $0x4  }
0x4d: {  	s15 =	sand.u32 $0x1FFFFFF0, s15  }
0x4e: {  	s20 =	simm.s32 $0x880;
	s15 =	sadd.s32 s4, s15  }
0x4f: {  	[tilespmem:s20], [sflag:$0xA] =	stream.linear.gather [hbm4b:s15+s1], $0x80, $0x38;
	[tilespmem:$0xE00] =	vst v63  }
0x50: {  	v0 =	vld [tilespmem:$0x0];
	_ =	sdelay $0x2  }
0x51: {  	v7 =	vld [tilespmem:$0x200]  }
0x52: {  	vm3 =	vcmask $0x70C  }
0x53: {  	v0 =	vsel vm3, $0x0, v0  }
0x54: {  	(xrf0) =	vadd.scan.msk.s32 $0xffff, v0;
	_ =	sdelay $0x1  }
0x55: {  	v0 =	vsel vm3, $0x0, v7  }
0x56: {  	(xrf0) =	vadd.scan.msk.s32 $0xffff, v0;
	_ =	sdelay $0x2  }
0x57: {  	v0, _, _ =	vpop (xrf0)  }
0x58: {  	(v2sf) =	vpush v0, $0xF;
	_ =	sdelay $0x1  }
0x59: {  	v0, _, _ =	vpop (xrf0)  }
0x5a: {  	(v2sf) =	vpush v0, $0xF;
	_ =	sdelay $0xb  }
0x5b: {  	s17 =	spop (v2sf)  }
0x5c: {  	s15 =	sshll.u32 s17, $0x4  }
0x5d: {  	s15 =	sand.u32 $0x1FFFFFF0, s15  }
0x5e: {  	s18 =	simm.s32 $0x500;
	s19 =	spop (v2sf);
	s15 =	sadd.s32 s3, s15  }
0x5f: {  	[tilespmem:s18], [sflag:$0x3] =	stream.linear.gather [hbm4b:s15+s1], $0x80, $0x38;
	[tilespmem:$0xE00] =	vst v63  }
0x60: {  	s15 =	sshll.u32 s19, $0x4  }
0x61: {  	s15 =	sand.u32 $0x1FFFFFF0, s15  }
0x62: {  	s20 =	simm.s32 $0x900;
	s15 =	sadd.s32 s4, s15  }
0x63: {  	[tilespmem:s20], [sflag:$0xB] =	stream.linear.gather [hbm4b:s15+s1], $0x80, $0x38;
	[tilespmem:$0xE00] =	vst v63  }
0x64: {  	v0 =	vld [tilespmem:$0x0];
	_ =	sdelay $0x2  }
0x65: {  	v7 =	vld [tilespmem:$0x200]  }
0x66: {  	vm3 =	vcmask $0xB10  }
0x67: {  	v0 =	vsel vm3, $0x0, v0  }
0x68: {  	(xrf0) =	vadd.scan.msk.s32 $0xffff, v0;
	_ =	sdelay $0x1  }
0x69: {  	v0 =	vsel vm3, $0x0, v7  }
0x6a: {  	(xrf0) =	vadd.scan.msk.s32 $0xffff, v0;
	_ =	sdelay $0x2  }
0x6b: {  	v0, _, _ =	vpop (xrf0)  }
0x6c: {  	(v2sf) =	vpush v0, $0xF;
	_ =	sdelay $0x1  }
0x6d: {  	v0, _, _ =	vpop (xrf0)  }
0x6e: {  	(v2sf) =	vpush v0, $0xF;
	_ =	sdelay $0xb  }
0x6f: {  	s17 =	spop (v2sf)  }
0x70: {  	s15 =	sshll.u32 s17, $0x4  }
0x71: {  	s15 =	sand.u32 $0x1FFFFFF0, s15  }
0x72: {  	s18 =	simm.s32 $0x580;
	s19 =	spop (v2sf);
	s15 =	sadd.s32 s3, s15  }
0x73: {  	[tilespmem:s18], [sflag:$0x4] =	stream.linear.gather [hbm4b:s15+s1], $0x80, $0x38;
	[tilespmem:$0xE00] =	vst v63  }
0x74: {  	s15 =	sshll.u32 s19, $0x4  }
0x75: {  	s15 =	sand.u32 $0x1FFFFFF0, s15  }
0x76: {  	s20 =	simm.s32 $0x980;
	s15 =	sadd.s32 s4, s15  }
0x77: {  	[tilespmem:s20], [sflag:$0xC] =	stream.linear.gather [hbm4b:s15+s1], $0x80, $0x38;
	[tilespmem:$0xE00] =	vst v63  }
0x78: {  	v0 =	vld [tilespmem:$0x0];
	_ =	sdelay $0x2  }
0x79: {  	v7 =	vld [tilespmem:$0x200]  }
0x7a: {  	vm3 =	vcmask $0xF14  }
0x7b: {  	v0 =	vsel vm3, $0x0, v0  }
0x7c: {  	(xrf0) =	vadd.scan.msk.s32 $0xffff, v0;
	_ =	sdelay $0x1  }
0x7d: {  	v0 =	vsel vm3, $0x0, v7  }
0x7e: {  	(xrf0) =	vadd.scan.msk.s32 $0xffff, v0;
	_ =	sdelay $0x2  }
0x7f: {  	v0, _, _ =	vpop (xrf0)  }
0x80: {  	(v2sf) =	vpush v0, $0xF;
	_ =	sdelay $0x1  }
0x81: {  	v0, _, _ =	vpop (xrf0)  }
0x82: {  	(v2sf) =	vpush v0, $0xF;
	_ =	sdelay $0xb  }
0x83: {  	s16 =	spop (v2sf)  }
0x84: {  	s15 =	sshll.u32 s16, $0x4  }
0x85: {  	s15 =	sand.u32 $0x1FFFFFF0, s15  }
0x86: {  	s17 =	simm.s32 $0x600;
	s18 =	spop (v2sf);
	s15 =	sadd.s32 s3, s15  }
0x87: {  	[tilespmem:s17], [sflag:$0x5] =	stream.linear.gather [hbm4b:s15+s1], $0x80, $0x38;
	[tilespmem:$0xE00] =	vst v63  }
0x88: {  	s15 =	sshll.u32 s18, $0x4  }
0x89: {  	s15 =	sand.u32 $0x1FFFFFF0, s15  }
0x8a: {  	s19 =	simm.s32 $0xA00;
	s15 =	sadd.s32 s4, s15  }
0x8b: {  	[tilespmem:s19], [sflag:$0xD] =	stream.linear.gather [hbm4b:s15+s1], $0x80, $0x38;
	[tilespmem:$0xE00] =	vst v63  }
0x8c: {  	v0 =	vld [tilespmem:$0x0];
	_ =	sdelay $0x2  }
0x8d: {  	v7 =	vld [tilespmem:$0x200];
	_ =	sdelay $0x1  }
0x8e: {  	v0 =	vsel vm5, $0x0, v0  }
0x8f: {  	(xrf0) =	vadd.scan.msk.s32 $0xffff, v0;
	_ =	sdelay $0x1  }
0x90: {  	v0 =	vsel vm5, $0x0, v7  }
0x91: {  	(xrf0) =	vadd.scan.msk.s32 $0xffff, v0;
	_ =	sdelay $0x2  }
0x92: {  	v0, _, _ =	vpop (xrf0)  }
0x93: {  	(v2sf) =	vpush v0, $0xF;
	_ =	sdelay $0x1  }
0x94: {  	v0, _, _ =	vpop (xrf0)  }
0x95: {  	(v2sf) =	vpush v0, $0xF;
	_ =	sdelay $0xb  }
0x96: {  	s20 =	spop (v2sf)  }
0x97: {  	s15 =	sshll.u32 s20, $0x4  }
0x98: {  	s15 =	sand.u32 $0x1FFFFFF0, s15  }
0x99: {  	s16 =	spop (v2sf);
	s15 =	sadd.s32 s3, s15  }
0x9a: {  	[tilespmem:s21], [sflag:$0x6] =	stream.linear.gather [hbm4b:s15+s1], $0x80, $0x38;
	[tilespmem:$0xE00] =	vst v63  }
0x9b: {  	s15 =	sshll.u32 s16, $0x4  }
0x9c: {  	s15 =	sand.u32 $0x1FFFFFF0, s15  }
0x9d: {  	s15 =	sadd.s32 s4, s15  }
0x9e: {  	[tilespmem:s22], [sflag:$0xE] =	stream.linear.gather [hbm4b:s15+s1], $0x80, $0x38;
	[tilespmem:$0xE00] =	vst v63  }
0x9f: {  	v0 =	vld [tilespmem:$0x0];
	_ =	sdelay $0x2  }
0xa0: {  	v7 =	vld [tilespmem:$0x200];
	_ =	sdelay $0x1  }
0xa1: {  	v0 =	vsel vm6, $0x0, v0  }
0xa2: {  	(xrf0) =	vadd.scan.msk.s32 $0xffff, v0;
	_ =	sdelay $0x1  }
0xa3: {  	v0 =	vsel vm6, $0x0, v7  }
0xa4: {  	(xrf0) =	vadd.scan.msk.s32 $0xffff, v0;
	_ =	sdelay $0x2  }
0xa5: {  	v0, _, _ =	vpop (xrf0)  }
0xa6: {  	(v2sf) =	vpush v0, $0xF;
	_ =	sdelay $0x1  }
0xa7: {  	v0, _, _ =	vpop (xrf0)  }
0xa8: {  	(v2sf) =	vpush v0, $0xF;
	_ =	sdelay $0xb  }
0xa9: {  	s17 =	spop (v2sf)  }
0xaa: {  	s15 =	sshll.u32 s17, $0x4  }
0xab: {  	s15 =	sand.u32 $0x1FFFFFF0, s15  }
0xac: {  	s18 =	spop (v2sf);
	s15 =	sadd.s32 s3, s15  }
0xad: {  	[tilespmem:s23], [sflag:$0x7] =	stream.linear.gather [hbm4b:s15+s1], $0x80, $0x38;
	[tilespmem:$0xE00] =	vst v63  }
0xae: {  	s15 =	sshll.u32 s18, $0x4  }
0xaf: {  	s15 =	sand.u32 $0x1FFFFFF0, s15  }
0xb0: {  	s15 =	sadd.s32 s4, s15  }
0xb1: {  	[tilespmem:s24], [sflag:$0xF] =	stream.linear.gather [hbm4b:s15+s1], $0x80, $0x38;
	[tilespmem:$0xE00] =	vst v63  }
0xb2: {  	v0 =	vld [tilespmem:$0x0];
	_ =	sdelay $0x2  }
0xb3: {  	v7 =	vld [tilespmem:$0x200];
	_ =	sdelay $0x1  }
0xb4: {  	v0 =	vsel vm7, $0x0, v0  }
0xb5: {  	(xrf0) =	vadd.scan.msk.s32 $0xffff, v0;
	_ =	sdelay $0x1  }
0xb6: {  	v0 =	vsel vm7, $0x0, v7  }
0xb7: {  	(xrf0) =	vadd.scan.msk.s32 $0xffff, v0;
	_ =	sdelay $0x2  }
0xb8: {  	v0, _, _ =	vpop (xrf0)  }
0xb9: {  	(v2sf) =	vpush v0, $0xF;
	_ =	sdelay $0x1  }
0xba: {  	v0, _, _ =	vpop (xrf0)  }
0xbb: {  	(v2sf) =	vpush v0, $0xF;
	_ =	sdelay $0xb  }
0xbc: {  	s19 =	spop (v2sf)  }
0xbd: {  	s15 =	sshll.u32 s19, $0x4  }
0xbe: {  	s15 =	sand.u32 $0x1FFFFFF0, s15  }
0xbf: {  	s20 =	spop (v2sf);
	s15 =	sadd.s32 s3, s15  }
0xc0: {  	[tilespmem:s25], [sflag:$0x8] =	stream.linear.gather [hbm4b:s15+s1], $0x80, $0x38;
	[tilespmem:$0xE00] =	vst v63  }
0xc1: {  	s15 =	sshll.u32 s20, $0x4  }
0xc2: {  	s15 =	sand.u32 $0x1FFFFFF0, s15  }
0xc3: {  	s15 =	sadd.s32 s4, s15  }
0xc4: {  	[tilespmem:s26], [sflag:$0x10] =	stream.linear.gather [hbm4b:s15+s1], $0x80, $0x38;
	[tilespmem:$0xE00] =	vst v63  }
0xc5: {  	s15 =	simm.s32 $0x0  }
.LBB2_2:
0xc6: {  	_ =	swait.ge [sflag:s28], $0x80  }
0xc7: {  	[sflag:s28] =	ssyncset.done $0x0  }
0xc8: {  	[sflag:s28] =	ssyncadd.s32 $0xFFFFFF80  }
0xc9: {  	_ =	swait.ge [sflag:s29], $0x80  }
0xca: {  	[sflag:s29] =	ssyncset.done $0x0  }
0xcb: {  	s16 =	sshra.s32 s15, $0x2;
	[sflag:s29] =	ssyncadd.s32 $0xFFFFFF80  }
0xcc: {  	v0 =	vld [tilespmem:s16+$0x0];
	_ =	sdelay $0x2  }
0xcd: {  	v7 =	vld [tilespmem:s16+$0x200];
	_ =	sdelay $0x1  }
0xce: {  	v0 =	vsel vm8, $0x0, v0  }
0xcf: {  	(xrf0) =	vadd.scan.msk.s32 $0xffff, v0;
	_ =	sdelay $0x1  }
0xd0: {  	v0 =	vsel vm8, $0x0, v7  }
0xd1: {  	(xrf0) =	vadd.scan.msk.s32 $0xffff, v0;
	_ =	sdelay $0x2  }
0xd2: {  	v0, _, _ =	vpop (xrf0)  }
0xd3: {  	(v2sf) =	vpush v0, $0xF;
	_ =	sdelay $0x1  }
0xd4: {  	v0, _, _ =	vpop (xrf0)  }
0xd5: {  	(v2sf) =	vpush v0, $0xF;
	_ =	sdelay $0x8  }
0xd6: {  	v32 =	vld [tilespmem:$0x400]  }
0xd7: {  	v33 =	vld [tilespmem:$0x800]  }
0xd8: {  	v34 =	vld [tilespmem:$0x410]  }
0xd9: {  	v36 =	vld [tilespmem:$0x810];
	s17 =	spop (v2sf)  }
0xda: {  	v35 =	vld [tilespmem:$0x420];
	s17 =	sshll.u32 s17, $0x4  }
0xdb: {  	v38 =	vld [tilespmem:$0x820];
	s17 =	sand.u32 $0x1FFFFFF0, s17  }
0xdc: {  	s18 =	simm.s32 $0x400;
	v37 =	vld [tilespmem:$0x430];
	s19 =	spop (v2sf);
	s17 =	sadd.s32 s3, s17  }
0xdd: {  	v40 =	vld [tilespmem:$0x830];
	[tilespmem:s18], [sflag:$0x1] =	stream.linear.gather [hbm4b:s17+s1], $0x80, $0x38  }
0xde: {  	s17 =	sshll.u32 s19, $0x4  }
0xdf: {  	s17 =	sand.u32 $0x1FFFFFF0, s17  }
0xe0: {  	s20 =	simm.s32 $0x800;
	s17 =	sadd.s32 s4, s17  }
0xe1: {  	[tilespmem:s20], [sflag:$0x9] =	stream.linear.gather [hbm4b:s17+s1], $0x80, $0x38;
	[tilespmem:$0xE00] =	vst v63  }
0xe2: {  	_ =	swait.ge [sflag:s30], $0x80  }
0xe3: {  	[sflag:s30] =	ssyncset.done $0x0  }
0xe4: {  	[sflag:s30] =	ssyncadd.s32 $0xFFFFFF80  }
0xe5: {  	_ =	swait.ge [sflag:s31], $0x80  }
0xe6: {  	[sflag:s31] =	ssyncset.done $0x0  }
0xe7: {  	[sflag:s31] =	ssyncadd.s32 $0xFFFFFF80  }
0xe8: {  	v0 =	vld [tilespmem:s16+$0x0];
	_ =	sdelay $0x1  }
0xe9: {  	v7 =	vld [tilespmem:s16+$0x200];
	_ =	sdelay $0x2  }
0xea: {  	v0 =	vsel vm9, $0x0, v0  }
0xeb: {  	(xrf0) =	vadd.scan.msk.s32 $0xffff, v0  }
0xec: {  	v0 =	vsel vm9, $0x0, v7  }
0xed: {  	(xrf0) =	vadd.scan.msk.s32 $0xffff, v0;
	_ =	sdelay $0x3  }
0xee: {  	v0, _, _ =	vpop (xrf0)  }
0xef: {  	(v2sf) =	vpush v0, $0xF  }
0xf0: {  	v0, _, _ =	vpop (xrf0)  }
0xf1: {  	(v2sf) =	vpush v0, $0xF;
	v0 =	vld [tilespmem:$0x4A0];
	_ =	sdelay $0x4  }
0xf2: {  	[tilespmem:$0x1FCE0] =	vst v0;
	v0 =	vld [tilespmem:$0x8A0];
	_ =	sdelay $0x4  }
0xf3: {  	[tilespmem:$0x1FCF0] =	vst v0;
	v0 =	vld [tilespmem:$0x4B0];
	_ =	sdelay $0x2  }
0xf4: {  	v58 =	vld [tilespmem:$0x480];
	s19 =	spop (v2sf)  }
0xf5: {  	v60 =	vld [tilespmem:$0x880];
	s17 =	sshll.u32 s19, $0x4  }
0xf6: {  	[tilespmem:$0x1FD20] =	vst v0;
	v0 =	vld [tilespmem:$0x8B0];
	s17 =	sand.u32 $0x1FFFFFF0, s17  }
0xf7: {  	s20 =	simm.s32 $0x480;
	v61 =	vld [tilespmem:$0x490];
	s19 =	spop (v2sf);
	s17 =	sadd.s32 s3, s17  }
0xf8: {  	v62 =	vld [tilespmem:$0x890];
	[tilespmem:s20], [sflag:$0x2] =	stream.linear.gather [hbm4b:s17+s1], $0x80, $0x38  }
0xf9: {  	s17 =	sshll.u32 s19, $0x4  }
0xfa: {  	s17 =	sand.u32 $0x1FFFFFF0, s17  }
0xfb: {  	s20 =	simm.s32 $0x880;
	[tilespmem:$0x1FD30] =	vst v0;
	s17 =	sadd.s32 s4, s17  }
0xfc: {  	[tilespmem:s20], [sflag:$0xA] =	stream.linear.gather [hbm4b:s17+s1], $0x80, $0x38;
	[tilespmem:$0xE00] =	vst v63  }
0xfd: {  	_ =	swait.ge [sflag:s0], $0x80  }
0xfe: {  	[sflag:s0] =	ssyncset.done $0x0  }
0xff: {  	[sflag:s0] =	ssyncadd.s32 $0xFFFFFF80  }
0x100: {  	_ =	swait.ge [sflag:s2], $0x80  }
0x101: {  	[sflag:s2] =	ssyncset.done $0x0  }
0x102: {  	[sflag:s2] =	ssyncadd.s32 $0xFFFFFF80  }
0x103: {  	v0 =	vld [tilespmem:s16+$0x0]  }
0x104: {  	v7 =	vld [tilespmem:s16+$0x200];
	_ =	sdelay $0x3  }
0x105: {  	v0 =	vsel vm11, $0x0, v0  }
0x106: {  	(xrf0) =	vadd.scan.msk.s32 $0xffff, v0;
	v0 =	vsel vm11, $0x0, v7  }
0x107: {  	(xrf0) =	vadd.scan.msk.s32 $0xffff, v0;
	_ =	sdelay $0x4  }
0x108: {  	v0, _, _ =	vpop (xrf0)  }
0x109: {  	(v2sf) =	vpush v0, $0xF;
	v0, _, _ =	vpop (xrf0)  }
0x10a: {  	(v2sf) =	vpush v0, $0xF;
	v0 =	vld [tilespmem:$0x900];
	_ =	sdelay $0x4  }
0x10b: {  	[tilespmem:$0x1FCB0] =	vst v0;
	v0 =	vld [tilespmem:$0x510];
	_ =	sdelay $0x4  }
0x10c: {  	[tilespmem:$0x1FCC0] =	vst v0;
	v0 =	vld [tilespmem:$0x910];
	_ =	sdelay $0x4  }
0x10d: {  	[tilespmem:$0x1FCD0] =	vst v0;
	v0 =	vld [tilespmem:$0x520];
	_ =	sdelay $0x4  }
0x10e: {  	[tilespmem:$0x1FD00] =	vst v0;
	v0 =	vld [tilespmem:$0x920];
	_ =	sdelay $0x4  }
0x10f: {  	[tilespmem:$0x1FD10] =	vst v0;
	v0 =	vld [tilespmem:$0x530]  }
0x110: {  	s19 =	spop (v2sf)  }
0x111: {  	s17 =	sshll.u32 s19, $0x4  }
0x112: {  	s17 =	sand.u32 $0x1FFFFFF0, s17  }
0x113: {  	s20 =	simm.s32 $0x500;
	v63 =	vld [tilespmem:$0x500];
	s19 =	spop (v2sf);
	s17 =	sadd.s32 s3, s17  }
0x114: {  	[tilespmem:$0x1FD40] =	vst v0;
	v0 =	vld [tilespmem:$0x930];
	[tilespmem:s20], [sflag:$0x3] =	stream.linear.gather [hbm4b:s17+s1], $0x80, $0x38  }
0x115: {  	s17 =	sshll.u32 s19, $0x4  }
0x116: {  	s17 =	sand.u32 $0x1FFFFFF0, s17  }
0x117: {  	s20 =	simm.s32 $0x900;
	s17 =	sadd.s32 s4, s17  }
0x118: {  	[tilespmem:s20], [sflag:$0xB] =	stream.linear.gather [hbm4b:s17+s1], $0x80, $0x38;
	[tilespmem:$0xE00] =	vst v63  }
0x119: {  	[tilespmem:$0x1FD50] =	vst v0  }
0x11a: {  	_ =	swait.ge [sflag:s6], $0x80  }
0x11b: {  	[sflag:s6] =	ssyncset.done $0x0  }
0x11c: {  	[sflag:s6] =	ssyncadd.s32 $0xFFFFFF80  }
0x11d: {  	_ =	swait.ge [sflag:s8], $0x80  }
0x11e: {  	[sflag:s8] =	ssyncset.done $0x0  }
0x11f: {  	[sflag:s8] =	ssyncadd.s32 $0xFFFFFF80  }
0x120: {  	v0 =	vld [tilespmem:s16+$0x0]  }
0x121: {  	v7 =	vld [tilespmem:s16+$0x200];
	_ =	sdelay $0x3  }
0x122: {  	v0 =	vsel vm13, $0x0, v0  }
0x123: {  	(xrf0) =	vadd.scan.msk.s32 $0xffff, v0;
	v0 =	vsel vm13, $0x0, v7  }
0x124: {  	(xrf0) =	vadd.scan.msk.s32 $0xffff, v0;
	_ =	sdelay $0x4  }
0x125: {  	v0, _, _ =	vpop (xrf0)  }
0x126: {  	(v2sf) =	vpush v0, $0xF;
	v0, _, _ =	vpop (xrf0)  }
0x127: {  	(v2sf) =	vpush v0, $0xF;
	v0 =	vld [tilespmem:$0x580];
	_ =	sdelay $0x4  }
0x128: {  	[tilespmem:$0x1FD60] =	vst v0;
	v0 =	vld [tilespmem:$0x980];
	_ =	sdelay $0x4  }
0x129: {  	[tilespmem:$0x1FD70] =	vst v0;
	v0 =	vld [tilespmem:$0x590];
	_ =	sdelay $0x4  }
0x12a: {  	[tilespmem:$0x1FD80] =	vst v0;
	v0 =	vld [tilespmem:$0x990];
	_ =	sdelay $0x4  }
0x12b: {  	[tilespmem:$0x1FD90] =	vst v0;
	v0 =	vld [tilespmem:$0x5A0];
	_ =	sdelay $0x4  }
0x12c: {  	[tilespmem:$0x1FDA0] =	vst v0;
	v0 =	vld [tilespmem:$0x9A0];
	_ =	sdelay $0x4  }
0x12d: {  	[tilespmem:$0x1FDB0] =	vst v0;
	v0 =	vld [tilespmem:$0x5B0]  }
0x12e: {  	s19 =	spop (v2sf)  }
0x12f: {  	s17 =	sshll.u32 s19, $0x4  }
0x130: {  	s17 =	sand.u32 $0x1FFFFFF0, s17  }
0x131: {  	s20 =	simm.s32 $0x580;
	s19 =	spop (v2sf);
	s17 =	sadd.s32 s3, s17  }
0x132: {  	[tilespmem:$0x1FDC0] =	vst v0;
	v0 =	vld [tilespmem:$0x9B0];
	[tilespmem:s20], [sflag:$0x4] =	stream.linear.gather [hbm4b:s17+s1], $0x80, $0x38  }
0x133: {  	s17 =	sshll.u32 s19, $0x4  }
0x134: {  	s17 =	sand.u32 $0x1FFFFFF0, s17  }
0x135: {  	s20 =	simm.s32 $0x980;
	s17 =	sadd.s32 s4, s17  }
0x136: {  	[tilespmem:s20], [sflag:$0xC] =	stream.linear.gather [hbm4b:s17+s1], $0x80, $0x38;
	[tilespmem:$0xE00] =	vst v63  }
0x137: {  	[tilespmem:$0x1FDD0] =	vst v0  }
0x138: {  	_ =	swait.ge [sflag:s12], $0x80  }
0x139: {  	[sflag:s12] =	ssyncset.done $0x0  }
0x13a: {  	[sflag:s12] =	ssyncadd.s32 $0xFFFFFF80  }
0x13b: {  	_ =	swait.ge [sflag:s13], $0x80  }
0x13c: {  	[sflag:s13] =	ssyncset.done $0x0  }
0x13d: {  	[sflag:s13] =	ssyncadd.s32 $0xFFFFFF80  }
0x13e: {  	v0 =	vld [tilespmem:s16+$0x0]  }
0x13f: {  	v7 =	vld [tilespmem:s16+$0x200];
	_ =	sdelay $0x3  }
0x140: {  	v0 =	vsel vm15, $0x0, v0  }
0x141: {  	(xrf0) =	vadd.scan.msk.s32 $0xffff, v0;
	v0 =	vsel vm15, $0x0, v7  }
0x142: {  	(xrf0) =	vadd.scan.msk.s32 $0xffff, v0;
	_ =	sdelay $0x4  }
0x143: {  	v0, _, _ =	vpop (xrf0)  }
0x144: {  	(v2sf) =	vpush v0, $0xF;
	v0, _, _ =	vpop (xrf0)  }
0x145: {  	(v2sf) =	vpush v0, $0xF;
	v0 =	vld [tilespmem:$0x600];
	_ =	sdelay $0x4  }
0x146: {  	[tilespmem:$0x1FDE0] =	vst v0;
	v0 =	vld [tilespmem:$0xA00];
	_ =	sdelay $0x4  }
0x147: {  	[tilespmem:$0x1FDF0] =	vst v0;
	v0 =	vld [tilespmem:$0x610];
	_ =	sdelay $0x4  }
0x148: {  	[tilespmem:$0x1FE00] =	vst v0;
	v0 =	vld [tilespmem:$0xA10];
	_ =	sdelay $0x4  }
0x149: {  	[tilespmem:$0x1FE10] =	vst v0;
	v0 =	vld [tilespmem:$0x620];
	_ =	sdelay $0x4  }
0x14a: {  	[tilespmem:$0x1FE20] =	vst v0;
	v0 =	vld [tilespmem:$0xA20];
	_ =	sdelay $0x4  }
0x14b: {  	[tilespmem:$0x1FE30] =	vst v0;
	v0 =	vld [tilespmem:$0x630]  }
0x14c: {  	s19 =	spop (v2sf)  }
0x14d: {  	s17 =	sshll.u32 s19, $0x4  }
0x14e: {  	s17 =	sand.u32 $0x1FFFFFF0, s17  }
0x14f: {  	s20 =	simm.s32 $0x600;
	s19 =	spop (v2sf);
	s17 =	sadd.s32 s3, s17  }
0x150: {  	[tilespmem:$0x1FE40] =	vst v0;
	v0 =	vld [tilespmem:$0xA30];
	[tilespmem:s20], [sflag:$0x5] =	stream.linear.gather [hbm4b:s17+s1], $0x80, $0x38  }
0x151: {  	s17 =	sshll.u32 s19, $0x4  }
0x152: {  	s17 =	sand.u32 $0x1FFFFFF0, s17  }
0x153: {  	s20 =	simm.s32 $0xA00;
	s17 =	sadd.s32 s4, s17  }
0x154: {  	[tilespmem:s20], [sflag:$0xD] =	stream.linear.gather [hbm4b:s17+s1], $0x80, $0x38;
	[tilespmem:$0xE00] =	vst v63  }
0x155: {  	[tilespmem:$0x1FE50] =	vst v0  }
0x156: {  	_ =	swait.ge [sflag:s14], $0x80  }
0x157: {  	[sflag:s14] =	ssyncset.done $0x0  }
0x158: {  	[sflag:s14] =	ssyncadd.s32 $0xFFFFFF80  }
0x159: {  	_ =	swait.ge [sflag:s5], $0x80  }
0x15a: {  	[sflag:s5] =	ssyncset.done $0x0  }
0x15b: {  	[sflag:s5] =	ssyncadd.s32 $0xFFFFFF80  }
0x15c: {  	v0 =	vld [tilespmem:s16+$0x0]  }
0x15d: {  	v7 =	vld [tilespmem:s16+$0x200];
	_ =	sdelay $0x3  }
0x15e: {  	v0 =	vsel vm1, $0x0, v0  }
0x15f: {  	(xrf0) =	vadd.scan.msk.s32 $0xffff, v0;
	v0 =	vsel vm1, $0x0, v7  }
0x160: {  	(xrf0) =	vadd.scan.msk.s32 $0xffff, v0;
	_ =	sdelay $0x4  }
0x161: {  	v0, _, _ =	vpop (xrf0)  }
0x162: {  	(v2sf) =	vpush v0, $0xF;
	v0, _, _ =	vpop (xrf0)  }
0x163: {  	(v2sf) =	vpush v0, $0xF;
	v0 =	vld [tilespmem:$0x680];
	_ =	sdelay $0x4  }
0x164: {  	[tilespmem:$0x1FE60] =	vst v0;
	v0 =	vld [tilespmem:$0xA80];
	_ =	sdelay $0x4  }
0x165: {  	[tilespmem:$0x1FE70] =	vst v0;
	v0 =	vld [tilespmem:$0x690];
	_ =	sdelay $0x4  }
0x166: {  	[tilespmem:$0x1FE80] =	vst v0;
	v0 =	vld [tilespmem:$0xA90];
	_ =	sdelay $0x4  }
0x167: {  	[tilespmem:$0x1FE90] =	vst v0;
	v0 =	vld [tilespmem:$0x6A0];
	_ =	sdelay $0x4  }
0x168: {  	[tilespmem:$0x1FEA0] =	vst v0;
	v0 =	vld [tilespmem:$0xAA0];
	_ =	sdelay $0x4  }
0x169: {  	[tilespmem:$0x1FEB0] =	vst v0;
	v0 =	vld [tilespmem:$0x6B0]  }
0x16a: {  	s18 =	spop (v2sf)  }
0x16b: {  	s17 =	sshll.u32 s18, $0x4  }
0x16c: {  	s17 =	sand.u32 $0x1FFFFFF0, s17  }
0x16d: {  	s19 =	spop (v2sf);
	s17 =	sadd.s32 s3, s17  }
0x16e: {  	[tilespmem:$0x1FEC0] =	vst v0;
	v0 =	vld [tilespmem:$0xAB0];
	[tilespmem:s21], [sflag:$0x6] =	stream.linear.gather [hbm4b:s17+s1], $0x80, $0x38  }
0x16f: {  	s17 =	sshll.u32 s19, $0x4  }
0x170: {  	s17 =	sand.u32 $0x1FFFFFF0, s17  }
0x171: {  	s17 =	sadd.s32 s4, s17  }
0x172: {  	[tilespmem:s22], [sflag:$0xE] =	stream.linear.gather [hbm4b:s17+s1], $0x80, $0x38;
	[tilespmem:$0xE00] =	vst v63  }
0x173: {  	[tilespmem:$0x1FED0] =	vst v0  }
0x174: {  	_ =	swait.ge [sflag:s7], $0x80  }
0x175: {  	[sflag:s7] =	ssyncset.done $0x0  }
0x176: {  	[sflag:s7] =	ssyncadd.s32 $0xFFFFFF80  }
0x177: {  	_ =	swait.ge [sflag:s9], $0x80  }
0x178: {  	[sflag:s9] =	ssyncset.done $0x0  }
0x179: {  	[sflag:s9] =	ssyncadd.s32 $0xFFFFFF80  }
0x17a: {  	v0 =	vld [tilespmem:s16+$0x0]  }
0x17b: {  	v7 =	vld [tilespmem:s16+$0x200];
	_ =	sdelay $0x3  }
0x17c: {  	v0 =	vsel vm2, $0x0, v0  }
0x17d: {  	(xrf0) =	vadd.scan.msk.s32 $0xffff, v0;
	v0 =	vsel vm2, $0x0, v7  }
0x17e: {  	(xrf0) =	vadd.scan.msk.s32 $0xffff, v0;
	_ =	sdelay $0x4  }
0x17f: {  	v0, _, _ =	vpop (xrf0)  }
0x180: {  	(v2sf) =	vpush v0, $0xF;
	v0, _, _ =	vpop (xrf0)  }
0x181: {  	(v2sf) =	vpush v0, $0xF;
	v0 =	vld [tilespmem:$0x700];
	_ =	sdelay $0x4  }
0x182: {  	[tilespmem:$0x1FEE0] =	vst v0;
	v0 =	vld [tilespmem:$0xB00];
	_ =	sdelay $0x4  }
0x183: {  	[tilespmem:$0x1FEF0] =	vst v0;
	v0 =	vld [tilespmem:$0x710];
	_ =	sdelay $0x4  }
0x184: {  	[tilespmem:$0x1FF00] =	vst v0;
	v0 =	vld [tilespmem:$0xB10];
	_ =	sdelay $0x4  }
0x185: {  	[tilespmem:$0x1FF10] =	vst v0;
	v0 =	vld [tilespmem:$0x720];
	_ =	sdelay $0x4  }
0x186: {  	[tilespmem:$0x1FF20] =	vst v0;
	v0 =	vld [tilespmem:$0xB20];
	_ =	sdelay $0x4  }
0x187: {  	[tilespmem:$0x1FF30] =	vst v0;
	v0 =	vld [tilespmem:$0x730]  }
0x188: {  	s20 =	spop (v2sf)  }
0x189: {  	s17 =	sshll.u32 s20, $0x4  }
0x18a: {  	s17 =	sand.u32 $0x1FFFFFF0, s17  }
0x18b: {  	s18 =	spop (v2sf);
	s17 =	sadd.s32 s3, s17  }
0x18c: {  	[tilespmem:$0x1FF40] =	vst v0;
	v0 =	vld [tilespmem:$0xB30];
	[tilespmem:s23], [sflag:$0x7] =	stream.linear.gather [hbm4b:s17+s1], $0x80, $0x38  }
0x18d: {  	s17 =	sshll.u32 s18, $0x4  }
0x18e: {  	s17 =	sand.u32 $0x1FFFFFF0, s17  }
0x18f: {  	s17 =	sadd.s32 s4, s17  }
0x190: {  	[tilespmem:s24], [sflag:$0xF] =	stream.linear.gather [hbm4b:s17+s1], $0x80, $0x38;
	[tilespmem:$0xE00] =	vst v63  }
0x191: {  	[tilespmem:$0x1FF50] =	vst v0  }
0x192: {  	_ =	swait.ge [sflag:s10], $0x80  }
0x193: {  	[sflag:s10] =	ssyncset.done $0x0  }
0x194: {  	[sflag:s10] =	ssyncadd.s32 $0xFFFFFF80  }
0x195: {  	_ =	swait.ge [sflag:s11], $0x80  }
0x196: {  	[sflag:s11] =	ssyncset.done $0x0  }
0x197: {  	[sflag:s11] =	ssyncadd.s32 $0xFFFFFF80  }
0x198: {  	v0 =	vld [tilespmem:s16+$0x0]  }
0x199: {  	v7 =	vld [tilespmem:s16+$0x200];
	_ =	sdelay $0x2  }
0x19a: {  	vm3 =	vmmov $0x7fff  }
0x19b: {  	v0 =	vsel vm3, $0x0, v0  }
0x19c: {  	(xrf0) =	vadd.scan.msk.s32 $0xffff, v0;
	v0 =	vsel vm3, $0x0, v7  }
0x19d: {  	(xrf0) =	vadd.scan.msk.s32 $0xffff, v0;
	_ =	sdelay $0x4  }
0x19e: {  	v0, _, _ =	vpop (xrf0)  }
0x19f: {  	(v2sf) =	vpush v0, $0xF;
	v0, _, _ =	vpop (xrf0)  }
0x1a0: {  	(v2sf) =	vpush v0, $0xF;
	v0 =	vld [tilespmem:$0x780];
	_ =	sdelay $0x4  }
0x1a1: {  	[tilespmem:$0x1FF60] =	vst v0;
	v0 =	vld [tilespmem:$0xB80];
	_ =	sdelay $0x4  }
0x1a2: {  	[tilespmem:$0x1FF70] =	vst v0;
	v0 =	vld [tilespmem:$0x790];
	_ =	sdelay $0x4  }
0x1a3: {  	[tilespmem:$0x1FF80] =	vst v0;
	v0 =	vld [tilespmem:$0xB90];
	_ =	sdelay $0x4  }
0x1a4: {  	[tilespmem:$0x1FF90] =	vst v0;
	v0 =	vld [tilespmem:$0x7A0];
	_ =	sdelay $0x4  }
0x1a5: {  	[tilespmem:$0x1FFA0] =	vst v0;
	v0 =	vld [tilespmem:$0xBA0];
	_ =	sdelay $0x4  }
0x1a6: {  	[tilespmem:$0x1FFB0] =	vst v0;
	v0 =	vld [tilespmem:$0x7B0]  }
0x1a7: {  	s19 =	spop (v2sf)  }
0x1a8: {  	s17 =	sshll.u32 s19, $0x4  }
0x1a9: {  	s17 =	sand.u32 $0x1FFFFFF0, s17  }
0x1aa: {  	s20 =	spop (v2sf);
	s17 =	sadd.s32 s3, s17  }
0x1ab: {  	[tilespmem:$0x1FFC0] =	vst v0;
	v0 =	vld [tilespmem:$0xBB0];
	[tilespmem:s25], [sflag:$0x8] =	stream.linear.gather [hbm4b:s17+s1], $0x80, $0x38  }
0x1ac: {  	s17 =	sshll.u32 s20, $0x4  }
0x1ad: {  	s17 =	sand.u32 $0x1FFFFFF0, s17  }
0x1ae: {  	s17 =	sadd.s32 s4, s17  }
0x1af: {  	[tilespmem:s26], [sflag:$0x10] =	stream.linear.gather [hbm4b:s17+s1], $0x80, $0x38;
	[tilespmem:$0xE00] =	vst v63  }
0x1b0: {  	[tilespmem:$0x1FFD0] =	vst v0  }
0x1b1: {  	_ =	swait.ge [sflag:s28], $0x80  }
0x1b2: {  	[sflag:s28] =	ssyncset.done $0x0  }
0x1b3: {  	[sflag:s28] =	ssyncadd.s32 $0xFFFFFF80  }
0x1b4: {  	_ =	swait.ge [sflag:s29], $0x80  }
0x1b5: {  	p0 =	seq.s32 s15, $0x7C0;
	[sflag:s29] =	ssyncset.done $0x0  }
0x1b6: {  	s18 =	sshra.s32 @!p0 s15, $0x2;
	[sflag:s29] =	ssyncadd.s32 $0xFFFFFF80  }
0x1b7: {  	v0 =	vld @!p0 [tilespmem:s18+$0x10];
	_ =	sdelay $0x3  }
0x1b8: {  	vm4 =	vmmov @!p0 $0x1;
	v7 =	vld @!p0 [tilespmem:s18+$0x210]  }
0x1b9: {  	v0 =	vnsel @!p0 vm4, $0x0, v0  }
0x1ba: {  	(xrf0) =	vadd.scan.msk.s32 @!p0 $0xffff, v0;
	_ =	sdelay $0x2  }
0x1bb: {  	v0 =	vnsel @!p0 vm4, $0x0, v7;
	_ =	sdelay $0x1  }
0x1bc: {  	(xrf0) =	vadd.scan.msk.s32 @!p0 $0xffff, v0  }
0x1bd: {  	v0, _, _ =	vpop @!p0 (xrf0)  }
0x1be: {  	(v2sf) =	vpush @!p0 v0, $0xF;
	_ =	sdelay $0x3  }
0x1bf: {  	v0, _, _ =	vpop @!p0 (xrf0)  }
0x1c0: {  	(v2sf) =	vpush @!p0 v0, $0xF;
	_ =	sdelay $0x6  }
0x1c1: {  	v30 =	vld [tilespmem:$0x400]  }
0x1c2: {  	v0 =	vld [tilespmem:$0x430]  }
0x1c3: {  	v28 =	vld [tilespmem:$0x800]  }
0x1c4: {  	v29 =	vld [tilespmem:$0x410];
	s17 =	spop @!p0 (v2sf)  }
0x1c5: {  	v26 =	vld [tilespmem:$0x810];
	s17 =	sshll.u32 @!p0 s17, $0x4  }
0x1c6: {  	v27 =	vld [tilespmem:$0x420];
	s17 =	sand.u32 @!p0 $0x1FFFFFF0, s17  }
0x1c7: {  	s20 =	simm.s32 @!p0 $0x400;
	[tilespmem:$0x1FFE0] =	vst v0;
	v0 =	vld [tilespmem:$0x830];
	s19 =	sadd.s32 @!p0 s3, s17;
	s17 =	simm.s32 @!p0 $0x0  }
0x1c8: {  	v25 =	vld [tilespmem:$0x820];
	[tilespmem:s20], [sflag:$0x1] =	stream.linear.gather @!p0 [hbm4b:s19+s17], $0x80, $0x38  }
0x1c9: {  	s19 =	spop @!p0 (v2sf)  }
0x1ca: {  	s19 =	sshll.u32 @!p0 s19, $0x4  }
0x1cb: {  	s19 =	sand.u32 @!p0 $0x1FFFFFF0, s19  }
0x1cc: {  	[tilespmem:$0x1FFF0] =	vst v0;
	s20 =	simm.s32 @!p0 $0x800;
	s19 =	sadd.s32 @!p0 s4, s19  }
0x1cd: {  	[tilespmem:s20], [sflag:$0x9] =	stream.linear.gather @!p0 [hbm4b:s19+s17], $0x80, $0x38;
	[tilespmem:$0xE00] =	vst v63  }
0x1ce: {  	_ =	swait.ge [sflag:s30], $0x80  }
0x1cf: {  	[sflag:s30] =	ssyncset.done $0x0  }
0x1d0: {  	[sflag:s30] =	ssyncadd.s32 $0xFFFFFF80  }
0x1d1: {  	_ =	swait.ge [sflag:s31], $0x80  }
0x1d2: {  	[sflag:s31] =	ssyncset.done $0x0  }
0x1d3: {  	[sflag:s31] =	ssyncadd.s32 $0xFFFFFF80  }
0x1d4: {  	v0 =	vld @!p0 [tilespmem:s18+$0x10];
	_ =	sdelay $0x3  }
0x1d5: {  	vm4 =	vcmask @!p0 $0x308;
	v7 =	vld @!p0 [tilespmem:s18+$0x210]  }
0x1d6: {  	v0 =	vsel @!p0 vm4, $0x0, v0  }
0x1d7: {  	(xrf0) =	vadd.scan.msk.s32 @!p0 $0xffff, v0;
	_ =	sdelay $0x2  }
0x1d8: {  	v0 =	vsel @!p0 vm4, $0x0, v7;
	_ =	sdelay $0x1  }
0x1d9: {  	(xrf0) =	vadd.scan.msk.s32 @!p0 $0xffff, v0  }
0x1da: {  	v0, _, _ =	vpop @!p0 (xrf0)  }
0x1db: {  	(v2sf) =	vpush @!p0 v0, $0xF;
	_ =	sdelay $0x3  }
0x1dc: {  	v0, _, _ =	vpop @!p0 (xrf0)  }
0x1dd: {  	(v2sf) =	vpush @!p0 v0, $0xF;
	_ =	sdelay $0x6  }
0x1de: {  	v42 =	vld [tilespmem:$0x480]  }
0x1df: {  	v45 =	vld [tilespmem:$0x880]  }
0x1e0: {  	v41 =	vld [tilespmem:$0x490]  }
0x1e1: {  	v43 =	vld [tilespmem:$0x890];
	s19 =	spop @!p0 (v2sf)  }
0x1e2: {  	v39 =	vld [tilespmem:$0x8A0];
	s19 =	sshll.u32 @!p0 s19, $0x4  }
0x1e3: {  	v8 =	vld [tilespmem:$0x4B0];
	s19 =	sand.u32 @!p0 $0x1FFFFFF0, s19  }
0x1e4: {  	s20 =	simm.s32 @!p0 $0x480;
	v7 =	vld [tilespmem:$0x8B0];
	s19 =	sadd.s32 @!p0 s3, s19  }
0x1e5: {  	v0 =	vld [tilespmem:$0x4A0];
	[tilespmem:s20], [sflag:$0x2] =	stream.linear.gather @!p0 [hbm4b:s19+s17], $0x80, $0x38  }
0x1e6: {  	s19 =	spop @!p0 (v2sf)  }
0x1e7: {  	s19 =	sshll.u32 @!p0 s19, $0x4  }
0x1e8: {  	s19 =	sand.u32 @!p0 $0x1FFFFFF0, s19  }
0x1e9: {  	s20 =	simm.s32 @!p0 $0x880;
	s19 =	sadd.s32 @!p0 s4, s19  }
0x1ea: {  	[tilespmem:s20], [sflag:$0xA] =	stream.linear.gather @!p0 [hbm4b:s19+s17], $0x80, $0x38;
	[tilespmem:$0xE00] =	vst v63  }
0x1eb: {  	_ =	swait.ge [sflag:s0], $0x80  }
0x1ec: {  	[sflag:s0] =	ssyncset.done $0x0  }
0x1ed: {  	[sflag:s0] =	ssyncadd.s32 $0xFFFFFF80  }
0x1ee: {  	_ =	swait.ge [sflag:s2], $0x80  }
0x1ef: {  	[sflag:s2] =	ssyncset.done $0x0  }
0x1f0: {  	[sflag:s2] =	ssyncadd.s32 $0xFFFFFF80  }
0x1f1: {  	v9 =	vld @!p0 [tilespmem:s18+$0x10];
	_ =	sdelay $0x3  }
0x1f2: {  	vm4 =	vcmask @!p0 $0x70C;
	v10 =	vld @!p0 [tilespmem:s18+$0x210]  }
0x1f3: {  	v9 =	vsel @!p0 vm4, $0x0, v9  }
0x1f4: {  	(xrf0) =	vadd.scan.msk.s32 @!p0 $0xffff, v9;
	_ =	sdelay $0x2  }
0x1f5: {  	v9 =	vsel @!p0 vm4, $0x0, v10;
	_ =	sdelay $0x1  }
0x1f6: {  	(xrf0) =	vadd.scan.msk.s32 @!p0 $0xffff, v9  }
0x1f7: {  	v9, _, _ =	vpop @!p0 (xrf0)  }
0x1f8: {  	(v2sf) =	vpush @!p0 v9, $0xF;
	_ =	sdelay $0x3  }
0x1f9: {  	v9, _, _ =	vpop @!p0 (xrf0)  }
0x1fa: {  	(v2sf) =	vpush @!p0 v9, $0xF;
	_ =	sdelay $0x6  }
0x1fb: {  	v13 =	vld [tilespmem:$0x500]  }
0x1fc: {  	v16 =	vld [tilespmem:$0x510]  }
0x1fd: {  	v15 =	vld [tilespmem:$0x910]  }
0x1fe: {  	v21 =	vld [tilespmem:$0x520];
	s19 =	spop @!p0 (v2sf)  }
0x1ff: {  	v19 =	vld [tilespmem:$0x920];
	s19 =	sshll.u32 @!p0 s19, $0x4  }
0x200: {  	v24 =	vld [tilespmem:$0x530];
	s19 =	sand.u32 @!p0 $0x1FFFFFF0, s19  }
0x201: {  	s20 =	simm.s32 @!p0 $0x500;
	v22 =	vld [tilespmem:$0x930];
	s19 =	sadd.s32 @!p0 s3, s19  }
0x202: {  	v9 =	vld [tilespmem:$0x900];
	[tilespmem:s20], [sflag:$0x3] =	stream.linear.gather @!p0 [hbm4b:s19+s17], $0x80, $0x38  }
0x203: {  	s19 =	spop @!p0 (v2sf)  }
0x204: {  	s19 =	sshll.u32 @!p0 s19, $0x4  }
0x205: {  	s19 =	sand.u32 @!p0 $0x1FFFFFF0, s19  }
0x206: {  	s20 =	simm.s32 @!p0 $0x900;
	s19 =	sadd.s32 @!p0 s4, s19  }
0x207: {  	[tilespmem:s20], [sflag:$0xB] =	stream.linear.gather @!p0 [hbm4b:s19+s17], $0x80, $0x38;
	[tilespmem:$0xE00] =	vst v63  }
0x208: {  	_ =	swait.ge [sflag:s6], $0x80  }
0x209: {  	[sflag:s6] =	ssyncset.done $0x0  }
0x20a: {  	[sflag:s6] =	ssyncadd.s32 $0xFFFFFF80  }
0x20b: {  	_ =	swait.ge [sflag:s8], $0x80  }
0x20c: {  	[sflag:s8] =	ssyncset.done $0x0  }
0x20d: {  	[sflag:s8] =	ssyncadd.s32 $0xFFFFFF80  }
0x20e: {  	v10 =	vld @!p0 [tilespmem:s18+$0x10];
	_ =	sdelay $0x3  }
0x20f: {  	vm4 =	vcmask @!p0 $0xB10;
	v11 =	vld @!p0 [tilespmem:s18+$0x210]  }
0x210: {  	v10 =	vsel @!p0 vm4, $0x0, v10  }
0x211: {  	(xrf0) =	vadd.scan.msk.s32 @!p0 $0xffff, v10;
	_ =	sdelay $0x2  }
0x212: {  	v10 =	vsel @!p0 vm4, $0x0, v11;
	_ =	sdelay $0x1  }
0x213: {  	(xrf0) =	vadd.scan.msk.s32 @!p0 $0xffff, v10  }
0x214: {  	v10, _, _ =	vpop @!p0 (xrf0)  }
0x215: {  	(v2sf) =	vpush @!p0 v10, $0xF;
	_ =	sdelay $0x3  }
0x216: {  	v10, _, _ =	vpop @!p0 (xrf0)  }
0x217: {  	(v2sf) =	vpush @!p0 v10, $0xF;
	_ =	sdelay $0x6  }
0x218: {  	v14 =	vld [tilespmem:$0x580]  }
0x219: {  	v12 =	vld [tilespmem:$0x590]  }
0x21a: {  	v18 =	vld [tilespmem:$0x5A0]  }
0x21b: {  	v17 =	vld [tilespmem:$0x9A0];
	s19 =	spop @!p0 (v2sf)  }
0x21c: {  	v23 =	vld [tilespmem:$0x5B0];
	s19 =	sshll.u32 @!p0 s19, $0x4  }
0x21d: {  	v20 =	vld [tilespmem:$0x9B0];
	s19 =	sand.u32 @!p0 $0x1FFFFFF0, s19  }
0x21e: {  	s20 =	simm.s32 @!p0 $0x580;
	v11 =	vld [tilespmem:$0x980];
	s19 =	sadd.s32 @!p0 s3, s19  }
0x21f: {  	v10 =	vld [tilespmem:$0x990];
	[tilespmem:s20], [sflag:$0x4] =	stream.linear.gather @!p0 [hbm4b:s19+s17], $0x80, $0x38  }
0x220: {  	s19 =	spop @!p0 (v2sf)  }
0x221: {  	s19 =	sshll.u32 @!p0 s19, $0x4  }
0x222: {  	s19 =	sand.u32 @!p0 $0x1FFFFFF0, s19  }
0x223: {  	s20 =	simm.s32 @!p0 $0x980;
	s19 =	sadd.s32 @!p0 s4, s19  }
0x224: {  	[tilespmem:s20], [sflag:$0xC] =	stream.linear.gather @!p0 [hbm4b:s19+s17], $0x80, $0x38;
	[tilespmem:$0xE00] =	vst v63  }
0x225: {  	_ =	swait.ge [sflag:s12], $0x80  }
0x226: {  	[sflag:s12] =	ssyncset.done $0x0  }
0x227: {  	[sflag:s12] =	ssyncadd.s32 $0xFFFFFF80  }
0x228: {  	_ =	swait.ge [sflag:s13], $0x80  }
0x229: {  	[sflag:s13] =	ssyncset.done $0x0  }
0x22a: {  	[sflag:s13] =	ssyncadd.s32 $0xFFFFFF80  }
0x22b: {  	v44 =	vld @!p0 [tilespmem:s18+$0x10];
	_ =	sdelay $0x3  }
0x22c: {  	vm4 =	vcmask @!p0 $0xF14;
	v46 =	vld @!p0 [tilespmem:s18+$0x210]  }
0x22d: {  	v44 =	vsel @!p0 vm4, $0x0, v44  }
0x22e: {  	(xrf0) =	vadd.scan.msk.s32 @!p0 $0xffff, v44;
	_ =	sdelay $0x2  }
0x22f: {  	v44 =	vsel @!p0 vm4, $0x0, v46;
	_ =	sdelay $0x1  }
0x230: {  	(xrf0) =	vadd.scan.msk.s32 @!p0 $0xffff, v44  }
0x231: {  	v44, _, _ =	vpop @!p0 (xrf0)  }
0x232: {  	(v2sf) =	vpush @!p0 v44, $0xF;
	_ =	sdelay $0x3  }
0x233: {  	v44, _, _ =	vpop @!p0 (xrf0)  }
0x234: {  	(v2sf) =	vpush @!p0 v44, $0xF;
	_ =	sdelay $0x6  }
0x235: {  	v51 =	vld [tilespmem:$0x600]  }
0x236: {  	v52 =	vld [tilespmem:$0xA00]  }
0x237: {  	v49 =	vld [tilespmem:$0x610]  }
0x238: {  	v50 =	vld [tilespmem:$0xA10];
	s19 =	spop @!p0 (v2sf)  }
0x239: {  	v48 =	vld [tilespmem:$0xA20];
	s19 =	sshll.u32 @!p0 s19, $0x4  }
0x23a: {  	v47 =	vld [tilespmem:$0xA30];
	s19 =	sand.u32 @!p0 $0x1FFFFFF0, s19  }
0x23b: {  	s20 =	simm.s32 @!p0 $0x600;
	v46 =	vld [tilespmem:$0x620];
	s19 =	sadd.s32 @!p0 s3, s19  }
0x23c: {  	v44 =	vld [tilespmem:$0x630];
	[tilespmem:s20], [sflag:$0x5] =	stream.linear.gather @!p0 [hbm4b:s19+s17], $0x80, $0x38  }
0x23d: {  	s19 =	spop @!p0 (v2sf)  }
0x23e: {  	s19 =	sshll.u32 @!p0 s19, $0x4  }
0x23f: {  	s19 =	sand.u32 @!p0 $0x1FFFFFF0, s19  }
0x240: {  	s20 =	simm.s32 @!p0 $0xA00;
	s19 =	sadd.s32 @!p0 s4, s19  }
0x241: {  	[tilespmem:s20], [sflag:$0xD] =	stream.linear.gather @!p0 [hbm4b:s19+s17], $0x80, $0x38;
	[tilespmem:$0xE00] =	vst v63  }
0x242: {  	_ =	swait.ge [sflag:s14], $0x80  }
0x243: {  	[sflag:s14] =	ssyncset.done $0x0  }
0x244: {  	[sflag:s14] =	ssyncadd.s32 $0xFFFFFF80  }
0x245: {  	_ =	swait.ge [sflag:s5], $0x80  }
0x246: {  	v55 =	vmul.f32 v38, v35;
	[sflag:s5] =	ssyncset.done $0x0;
	v38 =	vld [tilespmem:$0x1FCB0]  }
0x247: {  	v57 =	vmul.f32 v40, v37;
	v40 =	vld [tilespmem:$0x1FCC0];
	[sflag:s5] =	ssyncadd.s32 $0xFFFFFF80  }
0x248: {  	v53 =	vld @!p0 [tilespmem:s18+$0x10]  }
0x249: {  	v54 =	vld @!p0 [tilespmem:s18+$0x210]  }
0x24a: {  	v34 =	vmul.f32 v36, v34;
	v36 =	vmul.f32 v60, v58;
	v58 =	vld [tilespmem:$0x1FCD0];
	_ =	sdelay $0x1  }
0x24b: {  	v33 =	vmul.f32 v33, v32;
	vm4 =	vcmask @!p0 $0x1318  }
0x24c: {  	v53 =	vsel @!p0 vm4, $0x0, v53  }
0x24d: {  	v37 =	vmul.f32 v62, v61;
	(xrf0) =	vadd.scan.msk.s32 @!p0 $0xffff, v53;
	v53 =	vsel @!p0 vm4, $0x0, v54;
	v54 =	vadd.f32 v34, v33  }
0x24e: {  	v60 =	vld [tilespmem:$0x1FCE0];
	v61 =	vmul.f32 v38, v63;
	v62 =	vmul.f32 v58, v40  }
0x24f: {  	v63 =	vadd.f32 v37, v36;
	v36 =	vld [tilespmem:$0x1FCF0];
	v56 =	vadd.f32 v55, v54  }
0x250: {  	v61 =	vadd.f32 v62, v61;
	v62 =	vld [tilespmem:$0x1FD10]  }
0x251: {  	v59 =	vadd.f32 v57, v56;
	v56 =	vld [tilespmem:$0x1FD00];
	_ =	sdelay $0x2  }
0x252: {  	(xrf0) =	vadd.scan.msk.s32 @!p0 $0xffff, v53;
	v38 =	vmul.f32 v36, v60  }
0x253: {  	v36 =	vld [tilespmem:$0x1FD30];
	v53, _, _ =	vpop @!p0 (xrf0);
	v37 =	vperm.xlane v59, v3  }
0x254: {  	v38 =	vadd.f32 v38, v63;
	v63 =	vld [tilespmem:$0x1FD20];
	(v2sf) =	vpush @!p0 v53, $0xF;
	v62 =	vmul.f32 v62, v56  }
0x255: {  	v40 =	vadd.f32 v59, v37;
	v37 =	vld [tilespmem:$0x1FD40]  }
0x256: {  	v61 =	vadd.f32 v62, v61;
	v62 =	vld [tilespmem:$0x1FD50];
	_ =	sdelay $0x1  }
0x257: {  	v53, _, _ =	vpop @!p0 (xrf0)  }
0x258: {  	(v2sf) =	vpush @!p0 v53, $0xF  }
0x259: {  	v63 =	vmul.f32 v36, v63;
	v36 =	vld [tilespmem:$0x1FD60]  }
0x25a: {  	v62 =	vmul.f32 v62, v37;
	v37 =	vld [tilespmem:$0x1FD70]  }
0x25b: {  	v58 =	vld [tilespmem:$0x6A0]  }
0x25c: {  	v54 =	vld [tilespmem:$0xA80]  }
0x25d: {  	v55 =	vld [tilespmem:$0x690]  }
0x25e: {  	v60 =	vld [tilespmem:$0xAA0]  }
0x25f: {  	v35 =	vmul.f32 v37, v36;
	v36 =	vld [tilespmem:$0x1FD80]  }
0x260: {  	v37 =	vld [tilespmem:$0x1FD90]  }
0x261: {  	v57 =	vld [tilespmem:$0xA90]  }
0x262: {  	v53 =	vld [tilespmem:$0x680];
	s19 =	spop @!p0 (v2sf)  }
0x263: {  	v59 =	vld [tilespmem:$0xAB0];
	s19 =	sshll.u32 @!p0 s19, $0x4  }
0x264: {  	v38 =	vadd.f32 v63, v38;
	v63 =	vld [tilespmem:$0x1FDB0];
	s19 =	sand.u32 @!p0 $0x1FFFFFF0, s19  }
0x265: {  	s20 =	simm.s32 @!p0 $0x680;
	s19 =	sadd.s32 @!p0 s3, s19;
	v34 =	vmul.f32 v37, v36;
	v37 =	vld [tilespmem:$0x1FDA0]  }
0x266: {  	v56 =	vld [tilespmem:$0x6B0];
	[tilespmem:s20], [sflag:$0x6] =	stream.linear.gather @!p0 [hbm4b:s19+s17], $0x80, $0x38  }
0x267: {  	s19 =	spop @!p0 (v2sf)  }
0x268: {  	s19 =	sshll.u32 @!p0 s19, $0x4  }
0x269: {  	v36 =	vld [tilespmem:$0x1FDC0];
	s19 =	sand.u32 @!p0 $0x1FFFFFF0, s19  }
0x26a: {  	s20 =	simm.s32 @!p0 $0xA80;
	v35 =	vadd.f32 v34, v35;
	s19 =	sadd.s32 @!p0 s4, s19;
	v34 =	vmul.f32 v63, v37;
	v37 =	vld [tilespmem:$0x1FDD0]  }
0x26b: {  	v61 =	vadd.f32 v62, v61;
	v62 =	vperm.xlane v40, v4;
	[tilespmem:s20], [sflag:$0xE] =	stream.linear.gather @!p0 [hbm4b:s19+s17], $0x80, $0x38;
	[tilespmem:$0xE00] =	vst v63  }
0x26c: {  	_ =	swait.ge [sflag:s7], $0x80  }
0x26d: {  	v40 =	vadd.f32 v40, v62;
	[sflag:s7] =	ssyncset.done $0x0  }
0x26e: {  	v62 =	vperm.xlane v38, v3;
	[sflag:s7] =	ssyncadd.s32 $0xFFFFFF80  }
0x26f: {  	v35 =	vadd.f32 v34, v35;
	_ =	swait.ge [sflag:s9], $0x80;
	v34 =	vmul.f32 v37, v36;
	v37 =	vperm.xlane v40, v5  }
0x270: {  	v38 =	vadd.f32 v38, v62;
	v62 =	vld [tilespmem:$0x1FDF0]  }
0x271: {  	v36 =	vadd.f32 v40, v37;
	v37 =	vld [tilespmem:$0x1FDE0];
	_ =	sdelay $0x1  }
0x272: {  	v63 =	vperm.xlane v61, v3;
	_ =	sdelay $0x1  }
0x273: {  	v61 =	vadd.f32 v61, v63;
	v63 =	vld [tilespmem:$0x1FE00]  }
0x274: {  	v62 =	vmul.f32 v62, v37;
	v37 =	vld [tilespmem:$0x1FE10];
	_ =	sdelay $0x3  }
0x275: {  	v32 =	vperm.xlane v38, v4  }
0x276: {  	v63 =	vmul.f32 v37, v63  }
0x277: {  	v38 =	vadd.f32 v38, v32;
	v32 =	vld [tilespmem:$0x1FE20];
	v35 =	vadd.f32 v34, v35  }
0x278: {  	v33 =	vperm.xlane v61, v4;
	v62 =	vadd.f32 v63, v62;
	v63 =	vld [tilespmem:$0x1FE30]  }
0x279: {  	v34 =	vperm.xlane v35, v3  }
0x27a: {  	v40 =	vadd.f32 v61, v33;
	v61 =	vperm.xlane v36, v6  }
0x27b: {  	v35 =	vadd.f32 v35, v34  }
0x27c: {  	v36 =	vadd.f32 v36, v61;
	v61 =	vperm.xlane v38, v5  }
0x27d: {  	v33 =	vperm.xlane v35, v4;
	v63 =	vmul.f32 v63, v32  }
0x27e: {  	v38 =	vadd.f32 v38, v61;
	v61 =	vld [tilespmem:$0x1FE40]  }
0x27f: {  	v33 =	vadd.f32 v35, v33;
	v35 =	vadd.f32 v63, v62;
	v62 =	vld [tilespmem:$0x1FE50];
	_ =	sdelay $0x2  }
0x280: {  	v37 =	vperm.xlane v40, v5  }
0x281: {  	v32 =	vld [tilespmem:$0x1FE60]  }
0x282: {  	v37 =	vadd.f32 v40, v37;
	v40 =	vmul.f32 v62, v61;
	v62 =	vld [tilespmem:$0x1FE70];
	_ =	sdelay $0x3  }
0x283: {  	v63 =	vld [tilespmem:$0x1FE90]  }
0x284: {  	v62 =	vmul.f32 v62, v32;
	v32 =	vld [tilespmem:$0x1FE80];
	_ =	sdelay $0x4  }
0x285: {  	v63 =	vmul.f32 v63, v32;
	_ =	sdelay $0x1  }
0x286: {  	[sflag:s9] =	ssyncset.done $0x0;
	v35 =	vadd.f32 v40, v35;
	v40 =	vadd.f32 v63, v62;
	v62 =	vld [tilespmem:$0x1FEA0]  }
0x287: {  	[sflag:s9] =	ssyncadd.s32 $0xFFFFFF80;
	v61 =	vperm.xlane v38, v6;
	v63 =	vld [tilespmem:$0x1FEB0]  }
0x288: {  	v34 =	vld @!p0 [tilespmem:s18+$0x10]  }
0x289: {  	v38 =	vadd.f32 v38, v61;
	v61 =	vperm.xlane v33, v5;
	_ =	sdelay $0x1  }
0x28a: {  	v33 =	vadd.f32 v33, v61;
	v61 =	vld [tilespmem:$0x1FED0]  }
0x28b: {  	vm4 =	vcmask @!p0 $0x171C;
	v62 =	vmul.f32 v63, v62;
	v63 =	vld [tilespmem:$0x1FEC0]  }
0x28c: {  	v34 =	vsel @!p0 vm4, $0x0, v34  }
0x28d: {  	(xrf0) =	vadd.scan.msk.s32 @!p0 $0xffff, v34;
	v34 =	vperm.xlane v37, v6;
	_ =	sdelay $0x1  }
0x28e: {  	v34 =	vadd.f32 v37, v34;
	v37 =	vadd.f32 v62, v40;
	v62 =	vld [tilespmem:$0x1FEF0]  }
0x28f: {  	v36 =	vsel vm0, v36, v38;
	v38 =	vmul.f32 v61, v63;
	v61 =	vld [tilespmem:$0x1FEE0];
	_ =	sdelay $0x3  }
0x290: {  	v63 =	vld [tilespmem:$0x1FF10]  }
0x291: {  	v61 =	vmul.f32 v62, v61;
	v62 =	vld [tilespmem:$0x1FF00];
	_ =	sdelay $0x1  }
0x292: {  	v32 =	vld @!p0 [tilespmem:s18+$0x210];
	_ =	sdelay $0x1  }
0x293: {  	v40 =	vperm.xlane v35, v3  }
0x294: {  	v62 =	vmul.f32 v63, v62  }
0x295: {  	v34 =	vsel vm10, v36, v34;
	v35 =	vadd.f32 v35, v40;
	v63 =	vld [tilespmem:$0x1FF30]  }
0x296: {  	v32 =	vsel @!p0 vm4, $0x0, v32;
	v36 =	vadd.f32 v38, v37;
	v37 =	vadd.f32 v62, v61;
	v62 =	vld [tilespmem:$0x1FF20]  }
0x297: {  	(xrf0) =	vadd.scan.msk.s32 @!p0 $0xffff, v32;
	v32 =	vperm.xlane v33, v6;
	v61 =	vperm.xlane v35, v4;
	_ =	sdelay $0x1  }
0x298: {  	v32 =	vadd.f32 v33, v32;
	v33 =	vadd.f32 v35, v61;
	v35 =	vld [tilespmem:$0x1FF60]  }
0x299: {  	v61 =	vld [tilespmem:$0x1FF70]  }
0x29a: {  	v38 =	vmul.f32 v63, v62;
	v62 =	vld [tilespmem:$0x1FF40]  }
0x29b: {  	v63 =	vld [tilespmem:$0x1FF50];
	_ =	sdelay $0x3  }
0x29c: {  	v35 =	vmul.f32 v61, v35;
	v61 =	vld [tilespmem:$0x1FF80]  }
0x29d: {  	v37 =	vadd.f32 v38, v37;
	v38 =	vmul.f32 v63, v62;
	v62 =	vld [tilespmem:$0x1FF90];
	_ =	sdelay $0x2  }
0x29e: {  	v40, _, _ =	vpop @!p0 (xrf0)  }
0x29f: {  	(v2sf) =	vpush @!p0 v40, $0xF;
	v40 =	vperm.xlane v36, v3  }
0x2a0: {  	v61 =	vmul.f32 v62, v61  }
0x2a1: {  	v32 =	vsel vm12, v34, v32;
	v34 =	vadd.f32 v36, v40;
	v40 =	vld [tilespmem:$0x1FFA0]  }
0x2a2: {  	v35 =	vadd.f32 v61, v35;
	v61 =	vld [tilespmem:$0x1FFB0];
	_ =	sdelay $0x1  }
0x2a3: {  	v28 =	vmul.f32 v28, v30;
	v26 =	vmul.f32 v26, v29;
	_ =	sdelay $0x1  }
0x2a4: {  	v26 =	vadd.f32 v26, v28;
	v28 =	vmul.f32 v45, v42;
	v63 =	vld [tilespmem:$0x1FFD0]  }
0x2a5: {  	v43 =	vmul.f32 v43, v41;
	v36 =	vadd.f32 v38, v37;
	v62 =	vld [tilespmem:$0x1FFC0];
	v37 =	vmul.f32 v61, v40;
	v40, _, _ =	vpop @!p0 (xrf0)  }
0x2a6: {  	(v2sf) =	vpush @!p0 v40, $0xF  }
0x2a7: {  	v28 =	vadd.f32 v43, v28;
	v0 =	vmul.f32 v39, v0  }
0x2a8: {  	v25 =	vmul.f32 v25, v27;
	v7 =	vmul.f32 v7, v8  }
0x2a9: {  	v0 =	vadd.f32 v0, v28;
	v15 =	vmul.f32 v15, v16;
	v9 =	vmul.f32 v9, v13  }
0x2aa: {  	v30 =	vperm.xlane v34, v4;
	v38 =	vmul.f32 v63, v62;
	v62 =	vld [tilespmem:$0x1FFF0]  }
0x2ab: {  	v25 =	vadd.f32 v25, v26;
	v0 =	vadd.f32 v7, v0;
	v45 =	vperm.xlane v36, v3;
	v61 =	vld [tilespmem:$0x1FFE0]  }
0x2ac: {  	v9 =	vadd.f32 v15, v9;
	v30 =	vadd.f32 v34, v30;
	v40 =	vperm.xlane v33, v5  }
0x2ad: {  	v8 =	vld [tilespmem:$0xB00];
	v63 =	vadd.f32 v36, v45;
	v29 =	vadd.f32 v37, v35  }
0x2ae: {  	v11 =	vmul.f32 v11, v14;
	v10 =	vmul.f32 v10, v12;
	v7 =	vld [tilespmem:$0xB10];
	v27 =	vadd.f32 v33, v40  }
0x2af: {  	v34 =	vld [tilespmem:$0x720];
	v41 =	vperm.xlane v30, v5;
	v28 =	vperm.xlane v63, v4;
	v29 =	vadd.f32 v38, v29  }
0x2b0: {  	v10 =	vadd.f32 v10, v11;
	s18 =	spop @!p0 (v2sf);
	v36 =	vld [tilespmem:$0x710];
	v26 =	vmul.f32 v62, v61;
	v43 =	vperm.xlane v27, v6  }
0x2b1: {  	v30 =	vadd.f32 v30, v41;
	s18 =	sshll.u32 @!p0 s18, $0x4;
	v28 =	vadd.f32 v63, v28;
	v38 =	vld [tilespmem:$0xB20];
	v40 =	vperm.xlane v29, v3  }
0x2b2: {  	v49 =	vmul.f32 v50, v49;
	s18 =	sand.u32 @!p0 $0x1FFFFFF0, s18;
	v25 =	vadd.f32 v26, v25;
	v26 =	vld [tilespmem:$0x700];
	v27 =	vadd.f32 v27, v43  }
0x2b3: {  	s19 =	simm.s32 @!p0 $0x700;
	s18 =	sadd.s32 @!p0 s3, s18;
	v61 =	vperm.xlane v0, v3;
	v62 =	vperm.xlane v28, v5;
	v29 =	vadd.f32 v29, v40;
	v40 =	vld [tilespmem:$0x730]  }
0x2b4: {  	vm4 =	vmmov $0x1f;
	v35 =	vperm.xlane v30, v6;
	v27 =	vsel vm14, v32, v27;
	v32 =	vld [tilespmem:$0xB30];
	[tilespmem:s19], [sflag:$0x7] =	stream.linear.gather @!p0 [hbm4b:s18+s17], $0x80, $0x38  }
0x2b5: {  	v0 =	vadd.f32 v0, v61;
	v28 =	vadd.f32 v28, v62;
	v61 =	vmul.f32 v19, v21;
	s18 =	spop @!p0 (v2sf)  }
0x2b6: {  	v7 =	vmul.f32 v7, v36;
	v30 =	vadd.f32 v30, v35;
	v42 =	vperm.xlane v25, v3;
	s18 =	sshll.u32 @!p0 s18, $0x4  }
0x2b7: {  	v43 =	vperm.xlane v28, v6;
	v9 =	vadd.f32 v61, v9;
	v61 =	vmul.f32 v48, v46;
	s18 =	sand.u32 @!p0 $0x1FFFFFF0, s18  }
0x2b8: {  	s19 =	simm.s32 @!p0 $0xB00;
	v45 =	vperm.xlane v29, v4;
	v27 =	vsel vm4, v27, v30;
	v25 =	vadd.f32 v25, v42;
	s18 =	sadd.s32 @!p0 s4, s18  }
0x2b9: {  	vm4 =	vmmov $0x3f;
	v42 =	vperm.xlane v0, v31;
	v16 =	vadd.f32 v28, v43;
	[tilespmem:s19], [sflag:$0xF] =	stream.linear.gather @!p0 [hbm4b:s18+s17], $0x80, $0x38;
	[tilespmem:$0xE00] =	vst v63  }
0x2ba: {  	v29 =	vadd.f32 v29, v45;
	v8 =	vmul.f32 v8, v26;
	v63 =	vperm.xlane v25, v4;
	_ =	swait.ge [sflag:s10], $0x80  }
0x2bb: {  	v0 =	vadd.f32 v0, v42;
	v16 =	vsel vm4, v27, v16;
	v42 =	vmul.f32 v52, v51;
	[sflag:s10] =	ssyncset.done $0x0  }
0x2bc: {  	v51 =	vmul.f32 v20, v23;
	v41 =	vperm.xlane v29, v5;
	v25 =	vadd.f32 v25, v63;
	[sflag:s10] =	ssyncadd.s32 $0xFFFFFF80  }
0x2bd: {  	v7 =	vadd.f32 v7, v8;
	v8 =	vmul.f32 v38, v34;
	v38 =	vmul.f32 v59, v56;
	_ =	swait.ge [sflag:s11], $0x80  }
0x2be: {  	vm4 =	vmmov $0x7f;
	v63 =	vperm.xlane v0, v1;
	v45 =	vperm.xlane v25, v5;
	[sflag:s11] =	ssyncset.done $0x0  }
0x2bf: {  	v14 =	vadd.f32 v49, v42;
	v29 =	vadd.f32 v29, v41;
	v41 =	vmul.f32 v17, v18;
	[sflag:s11] =	ssyncadd.s32 $0xFFFFFF80  }
0x2c0: {  	v7 =	vadd.f32 v8, v7;
	v13 =	vadd.f32 v25, v45;
	v25 =	vmul.f32 v22, v24;
	v39 =	vld [tilespmem:$0x780]  }
0x2c1: {  	v8 =	vmul.f32 v32, v40;
	v0 =	vadd.f32 v0, v63;
	v62 =	vperm.xlane v29, v6;
	v43 =	vld [tilespmem:$0xB80]  }
0x2c2: {  	v63 =	vmul.f32 v54, v53;
	v9 =	vadd.f32 v25, v9;
	v27 =	vperm.xlane v13, v6;
	v50 =	vld [tilespmem:$0x790]  }
0x2c3: {  	v10 =	vadd.f32 v41, v10;
	v33 =	vperm.xlane v0, v2;
	v19 =	vadd.f32 v29, v62;
	v52 =	vld [tilespmem:$0xB90]  }
0x2c4: {  	v24 =	vmul.f32 v57, v55;
	v13 =	vadd.f32 v13, v27;
	v35 =	vperm.xlane v9, v3;
	v62 =	vld [tilespmem:$0x7A0]  }
0x2c5: {  	v0 =	vadd.f32 v0, v33;
	v16 =	vsel vm4, v16, v19;
	vm4 =	vmmov $0xff;
	v25 =	vld [tilespmem:$0xBA0]  }
0x2c6: {  	v37 =	vsel vm4, v16, v13;
	v9 =	vadd.f32 v9, v35;
	vm4 =	vmmov $0x1ff;
	v35 =	vld [tilespmem:$0x7B0]  }
0x2c7: {  	v33 =	vmul.f32 v60, v58;
	v11 =	vadd.f32 v24, v63;
	v0 =	vsel vm4, v37, v0;
	v37 =	vld [tilespmem:$0xBB0]  }
0x2c8: {  	v14 =	vadd.f32 v61, v14;
	v13 =	vmul.f32 v43, v39;
	v12 =	vmul.f32 v52, v50  }
0x2c9: {  	v10 =	vadd.f32 v51, v10;
	v27 =	vmul.f32 v47, v44;
	v11 =	vadd.f32 v33, v11  }
0x2ca: {  	v7 =	vadd.f32 v8, v7;
	v39 =	vmul.f32 v25, v62;
	v12 =	vadd.f32 v12, v13  }
0x2cb: {  	v41 =	vperm.xlane v10, v3;
	v14 =	vadd.f32 v27, v14;
	v11 =	vadd.f32 v38, v11  }
0x2cc: {  	v45 =	vperm.xlane v9, v31;
	v42 =	vmul.f32 v37, v35;
	v12 =	vadd.f32 v39, v12  }
0x2cd: {  	v46 =	vperm.xlane v7, v3;
	v10 =	vadd.f32 v10, v41;
	v43 =	vperm.xlane v14, v3  }
0x2ce: {  	v44 =	vperm.xlane v11, v3;
	v9 =	vadd.f32 v9, v45;
	v12 =	vadd.f32 v42, v12  }
0x2cf: {  	v7 =	vadd.f32 v7, v46;
	v45 =	vperm.xlane v10, v31;
	v14 =	vadd.f32 v14, v43  }
0x2d0: {  	v47 =	vadd.f32 v11, v44;
	v8 =	vperm.xlane v9, v1;
	v48 =	vperm.xlane v12, v3  }
0x2d1: {  	vm4 =	vmmov $0x3ff;
	v10 =	vadd.f32 v10, v45;
	v49 =	vperm.xlane v14, v31  }
0x2d2: {  	v16 =	vperm.xlane v47, v31;
	v8 =	vadd.f32 v9, v8;
	v11 =	vadd.f32 v12, v48  }
0x2d3: {  	v52 =	vperm.xlane v7, v31;
	v51 =	vperm.xlane v10, v1;
	v13 =	vadd.f32 v14, v49  }
0x2d4: {  	v9 =	vadd.f32 v47, v16;
	v50 =	vperm.xlane v8, v2;
	v53 =	vperm.xlane v11, v31  }
0x2d5: {  	v7 =	vadd.f32 v7, v52;
	v10 =	vadd.f32 v10, v51;
	v54 =	vperm.xlane v13, v1  }
0x2d6: {  	v55 =	vperm.xlane v9, v1;
	v8 =	vadd.f32 v8, v50;
	v11 =	vadd.f32 v11, v53  }
0x2d7: {  	v57 =	vperm.xlane v7, v1;
	v56 =	vperm.xlane v10, v2;
	v12 =	vadd.f32 v13, v54  }
0x2d8: {  	v0 =	vsel vm4, v0, v8;
	v8 =	vadd.f32 v9, v55;
	v58 =	vperm.xlane v11, v1  }
0x2d9: {  	v7 =	vadd.f32 v7, v57;
	v10 =	vadd.f32 v10, v56;
	v59 =	vperm.xlane v12, v2  }
0x2da: {  	vm4 =	vmmov $0x7ff;
	v60 =	vperm.xlane v8, v2;
	v9 =	vadd.f32 v11, v58  }
0x2db: {  	v62 =	vperm.xlane v7, v2;
	v0 =	vsel vm4, v0, v10;
	v61 =	vadd.f32 v12, v59  }
.Ltmp2:
0x2dc: {  	vm4 =	vmmov $0xfff;
	v8 =	vadd.f32 v8, v60;
	v63 =	vperm.xlane v9, v2;
	(pc) =	sbr.rel @p0 .LBB2_4-.Ltmp2, $4  }
0x2dd: {  	v7 =	vadd.f32 v7, v62;
	v0 =	vsel vm4, v0, v61;
	vm4 =	vmmov $0x1fff  }
0x2de: {  	v0 =	vsel vm4, v0, v8;
	vm4 =	vmmov $0x3fff;
	v8 =	vadd.f32 v9, v63  }
0x2df: {  	v0 =	vsel vm4, v0, v7  }
0x2e0: {  	v0 =	vsel vm3, v0, v8  }
0x2e1: {  	v7 =	vld [tilespmem:s16+$0x10];
	_ =	sdelay $0x2  }
0x2e2: {  	v8 =	vld [tilespmem:s16+$0x210];
	_ =	sdelay $0x1  }
0x2e3: {  	v7 =	vsel vm7, $0x0, v7  }
0x2e4: {  	(xrf0) =	vadd.scan.msk.s32 $0xffff, v7;
	_ =	sdelay $0x1  }
0x2e5: {  	v7 =	vsel vm7, $0x0, v8  }
0x2e6: {  	(xrf0) =	vadd.scan.msk.s32 $0xffff, v7;
	_ =	sdelay $0x2  }
0x2e7: {  	v7, _, _ =	vpop (xrf0)  }
0x2e8: {  	(v2sf) =	vpush v7, $0xF;
	_ =	sdelay $0x1  }
0x2e9: {  	v7, _, _ =	vpop (xrf0)  }
0x2ea: {  	(v2sf) =	vpush v7, $0xF;
	_ =	sdelay $0xb  }
0x2eb: {  	s17 =	spop (v2sf)  }
0x2ec: {  	s17 =	sshll.u32 s17, $0x4  }
0x2ed: {  	s17 =	sand.u32 $0x1FFFFFF0, s17  }
0x2ee: {  	s20 =	spop (v2sf);
	s17 =	sadd.s32 s3, s17  }
0x2ef: {  	[tilespmem:s25], [sflag:$0x8] =	stream.linear.gather [hbm4b:s17+s1], $0x80, $0x38;
	[tilespmem:$0xE00] =	vst v63  }
.Ltmp3:
0x2f0: {  	s17 =	sshll.u32 s20, $0x4;
	(pc) =	sbr.rel .LBB2_2-.Ltmp3, $4  }
0x2f1: {  	s17 =	sand.u32 $0x1FFFFFF0, s17  }
0x2f2: {  	s17 =	sadd.s32 s4, s17  }
0x2f3: {  	[tilespmem:s26], [sflag:$0x10] =	stream.linear.gather [hbm4b:s17+s1], $0x80, $0x38;
	[tilespmem:$0xE00] =	vst v63  }
0x2f4: {  	s15 =	sadd.s32 $0x40, s15;
	[tilespmem:s16+$0xC00] =	vst v0  }
.LBB2_5:
0x2f5: {  	_ =	sfence.sel $0x180000  }
0x2f6: {  	[bflag:$0x0] =	sbarrier.arrive $0xFFFF  }
0x2f7: {  	_ =	strace $0x90000047  }
0x2f8: {  	s0 =	stileid.u32;
	[bflag:$0x2] =	sbarrier.arrive $0xFFFF  }
0x2f9: {  	p0 =	sne.s32 s0, $0x0;
	s0 =	rddreg [dreg:$0x4]  }
0x2fa: {  	s0 =	sadd.s32 @!p0 $0x100000, s0  }
0x2fb: {  	[sflag:s0] =	ssyncadd.tile.s32 @!p0 $0x1;
	_ =	shalt  }
.Lfunc_end2:
_tile_overlayer_lowered:
.L_overlay_start_2:
0x2fc: {  	(tag) =	ssettag $0x2  }
0x2fd: {  	s0 =	rddreg [dreg:$0x0];
	s2 =	stileid.u32  }
0x2fe: {  	s1 =	rddreg [dreg:$0x1];
	p0 =	sne.s32 s2, $0x0  }
0x2ff: {  	s3 =	rddreg [dreg:$0x2];
	[bflag:$0x3] =	sbarrier.arrive $0xFFFF;
	s2 =	simm.s32 @!p0 $0x1C11  }
0x300: {  	[timem:s3], [sflag:s2] =	dma.local @!p0 [hbm:s0], s1  }
0x301: {  	s0 =	simm.s32 @!p0 $0x11  }
0x302: {  	_ =	swait.ge @!p0 [sflag:s0], s1  }
0x303: {  	s1 =	ssub.s32 @!p0 $0x0, s1;
	[sflag:s0] =	ssyncset.done @!p0 $0x0  }
0x304: {  	[sflag:s0] =	ssyncadd.s32 @!p0 s1  }
0x305: {  	[bflag:$0x3] =	sbarrier.arrive $0xFFFF  }
0x306: {  	_ =	shalt  }

</sc_bundles>
